<compile_context>
chip_gen: v7x
topology: tpu7x:2x2x1
jax: 0.10.2.dev20260603
libtpu: 0.0.44.dev20260713+nightly
codegen_flags: <defaults>
</compile_context>

<pallas_src>
import functools

import jax
import jax.numpy as jnp
from jax import lax
from jax.experimental import pallas as pl
from jax.experimental.pallas import tpu as pltpu
from jax.experimental.pallas import tpu_sc as plsc

_I, _J = 16384, 200
_V, _D = 10000, 32
_NC, _NS = 2, 16
_NKT = _D // 8
_NE = 8
_CH = _I // _NE
_TI = _CH // 128


@functools.partial(
    pl.kernel,
    mesh=plsc.VectorSubcoreMesh(core_axis_name="c", subcore_axis_name="s"),
    compiler_params=pltpu.CompilerParams(
        use_tc_tiling_on_sc=False, needs_layout_passes=False
    ),
    out_type=jax.ShapeDtypeStruct((_J, _NKT, _I // 128, 8, 128), jnp.float32),
    scratch_types=(
        [pltpu.VMEM((_V,), jnp.float32) for _ in range(8)]
        + [
            pltpu.VMEM((2, _CH), jnp.int32),
            pltpu.VMEM((2, _TI, 8, 128), jnp.float32),
            pltpu.SemaphoreType.DMA,
            pltpu.SemaphoreType.DMA,
            pltpu.SemaphoreType.DMA,
            pltpu.SemaphoreType.DMA,
        ]
    ),
)
def _sc_lookup(tableT_hbm, idxT_hbm, out_hbm,
               t0, t1, t2, t3, t4, t5, t6, t7,
               idx_v, out_v, sem_i0, sem_i1, sem_o0, sem_o1):
    tbls = (t0, t1, t2, t3, t4, t5, t6, t7)
    sems_i = (sem_i0, sem_i1)
    sems_o = (sem_o0, sem_o1)
    w = lax.axis_index("s") * _NC + lax.axis_index("c")
    ktile = w % _NKT
    e = w // _NKT
    ibase = e * _CH

    tcopies = [
        pltpu.async_copy(tableT_hbm.at[ktile * 8 + d], tbls[d], sem_o0)
        for d in range(8)
    ]
    pltpu.async_copy(idxT_hbm.at[0, pl.ds(ibase, _CH)], idx_v.at[0], sems_i[0])
    pltpu.async_copy(idxT_hbm.at[1, pl.ds(ibase, _CH)], idx_v.at[1], sems_i[1])
    for c in tcopies:
        c.wait()

    def relu_body(i, carry):
        for d in range(8):
            tbls[d][pl.ds(i * 16, 16)] = jnp.maximum(tbls[d][pl.ds(i * 16, 16)], 0.0)
        return carry

    lax.fori_loop(0, _V // 16, relu_body, 0)

    def body(j2, carry):
        for b in range(2):
            j = j2 * 2 + b
            pltpu.make_async_copy(
                idxT_hbm.at[0, pl.ds(0, _CH)], idx_v.at[b], sems_i[b]
            ).wait()

            @pl.when(j2 > 0)
            def _drain():
                pltpu.make_async_copy(
                    out_v.at[b], out_hbm.at[0, 0, pl.ds(0, _TI)], sems_o[b]
                ).wait()

            @plsc.parallel_loop(0, _TI, 1, unroll=2)
            def ibody(r):
                base = r * 128
                for u in range(8):
                    vec = idx_v[b, pl.ds(base + u * 16, 16)]
                    for d in range(8):
                        out_v[b, r, d, pl.ds(u * 16, 16)] = plsc.load_gather(
                            tbls[d], [vec]
                        )

            pltpu.async_copy(
                out_v.at[b],
                out_hbm.at[j, ktile, pl.ds(e * _TI, _TI)],
                sems_o[b],
            )

            jn = j + 2

            @pl.when(jn < _J)
            def _prefetch():
                pltpu.async_copy(
                    idxT_hbm.at[jn, pl.ds(ibase, _CH)], idx_v.at[b], sems_i[b]
                )

        return carry

    lax.fori_loop(0, _J // 2, body, 0)

    for b in range(2):
        pltpu.make_async_copy(
            out_v.at[b], out_hbm.at[0, 0, pl.ds(0, _TI)], sems_o[b]
        ).wait()


def kernel(x, kernel):
    idxT = jnp.transpose(x.astype(jnp.int32))
    tableT = jnp.transpose(kernel)
    out5 = _sc_lookup(tableT, idxT)
    return jnp.transpose(out5, (2, 4, 0, 1, 3)).reshape(_I, _J, _D)

# --- scband reference (transcript-rebuilt; emitter-appended) ---
"""Pipeline reference for scband-lookup-embedding-29935922053171 (READ-ONLY COPY).

The authoritative reference and input builder live on the scoring server;
editing this copy changes nothing except your own understanding.
"""

import jax, jax.numpy as jnp
import numpy as np

VOCAB = 10000
OUTPUT_DIM = 32

def setup_inputs(seed: int = 0) -> dict:
    key = jax.random.key(seed)
    k1, k2 = jax.random.split(key)
    x = jax.random.randint(k1, (16384, 200), 0, VOCAB, dtype=jnp.int64)
    kernel = jax.random.uniform(k2, (VOCAB, OUTPUT_DIM), dtype=jnp.float32, minval=-1.0, maxval=1.0)
    return {"x": x, "kernel": kernel}

def reference(x, kernel):
    idx = x.astype(jnp.int32)
    embedding = jnp.take(kernel, idx, axis=0)
    return jax.nn.relu(embedding)

if __name__ == "__main__":
    import jax
    _d = setup_inputs()
    print(jax.jit(kernel)(*tuple(_d.values())))

</pallas_src>

<mosaic_0001>
#map = affine_map<(d0, d1) -> (0, 0)>
#map1 = affine_map<(d0, d1) -> (0, 0, 0, 0, 0)>
module attributes {stable_mosaic.version = 14 : i64} {
  func.func @_sc_lookup(%arg0: i32, %arg1: i32, %arg2: memref<32x10000xf32, #tpu.memory_space<hbm>>, %arg3: memref<200x16384xi32, #tpu.memory_space<hbm>>, %arg4: memref<200x4x128x8x128xf32, #tpu.memory_space<hbm>>, %arg5: memref<10000xf32, #tpu.memory_space<vmem>>, %arg6: memref<10000xf32, #tpu.memory_space<vmem>>, %arg7: memref<10000xf32, #tpu.memory_space<vmem>>, %arg8: memref<10000xf32, #tpu.memory_space<vmem>>, %arg9: memref<10000xf32, #tpu.memory_space<vmem>>, %arg10: memref<10000xf32, #tpu.memory_space<vmem>>, %arg11: memref<10000xf32, #tpu.memory_space<vmem>>, %arg12: memref<10000xf32, #tpu.memory_space<vmem>>, %arg13: memref<2x2048xi32, #tpu.memory_space<vmem>>, %arg14: memref<2x16x8x128xf32, #tpu.memory_space<vmem>>, %arg15: memref<!tpu.dma_semaphore, #tpu.memory_space<semaphore_mem>>, %arg16: memref<!tpu.dma_semaphore, #tpu.memory_space<semaphore_mem>>, %arg17: memref<!tpu.dma_semaphore, #tpu.memory_space<semaphore_mem>>, %arg18: memref<!tpu.dma_semaphore, #tpu.memory_space<semaphore_mem>>) attributes {dimension_semantics = [#tpu.dimension_semantics<core_parallel>, #tpu.dimension_semantics<subcore_parallel>], iteration_bounds = array<i64: 2, 16>, scalar_prefetch = 0 : i64, scratch_operands = 14 : i64, tpu.core_type = #tpu.core_type<sc_vector_subcore>, window_params = [{transform_indices = #map}, {transform_indices = #map}, {transform_indices = #map1}]} {
    %mul3A = arith.constant 2 : i32
    %mul3A_0 = arith.muli %arg1, %mul3A : i32
    %add3A = arith.addi %mul3A_0, %arg0 : i32
    %jit3A = arith.constant 4 : i32
    %eq3A = arith.constant 0 : i32
    %eq3A_1 = arith.cmpi eq, %jit3A, %eq3A : i32
    %jit3A_2 = arith.constant 1 : i32
    %select_n3A = arith.select %eq3A_1, %jit3A_2, %jit3A : i32
    %rem3A = arith.remsi %add3A, %select_n3A : i32
    %ne3A = arith.constant 0 : i32
    %ne3A_3 = arith.cmpi ne, %rem3A, %ne3A : i32
    %lt3A = arith.constant 0 : i32
    %lt3A_4 = arith.cmpi slt, %rem3A, %lt3A : i32
    %lt3A_5 = arith.constant 0 : i32
    %lt3A_6 = arith.cmpi slt, %select_n3A, %lt3A_5 : i32
    %ne3A_7 = arith.xori %lt3A_4, %lt3A_6 : i1
    %and3A = arith.andi %ne3A_7, %ne3A_3 : i1
    %add3A_8 = arith.addi %rem3A, %select_n3A : i32
    %select_n3A_9 = arith.select %and3A, %add3A_8, %rem3A : i32
    %jit3A_10 = arith.constant 4 : i32
    %div3A = arith.divsi %add3A, %jit3A_10 : i32
    %sign3A = arith.constant 0 : i32
    %sign3A_11 = arith.cmpi sgt, %add3A, %sign3A : i32
    %sign3A_12 = arith.extui %sign3A_11 : i1 to i32
    %sign3A_13 = arith.constant 0 : i32
    %sign3A_14 = arith.cmpi slt, %add3A, %sign3A_13 : i32
    %sign3A_15 = arith.extui %sign3A_14 : i1 to i32
    %sign3A_16 = arith.subi %sign3A_12, %sign3A_15 : i32
    %sign3A_17 = arith.constant 0 : i32
    %sign3A_18 = arith.cmpi sgt, %jit3A_10, %sign3A_17 : i32
    %sign3A_19 = arith.extui %sign3A_18 : i1 to i32
    %sign3A_20 = arith.constant 0 : i32
    %sign3A_21 = arith.cmpi slt, %jit3A_10, %sign3A_20 : i32
    %sign3A_22 = arith.extui %sign3A_21 : i1 to i32
    %sign3A_23 = arith.subi %sign3A_19, %sign3A_22 : i32
    %ne3A_24 = arith.cmpi ne, %sign3A_16, %sign3A_23 : i32
    %rem3A_25 = arith.remsi %add3A, %jit3A_10 : i32
    %ne3A_26 = arith.constant 0 : i32
    %ne3A_27 = arith.cmpi ne, %rem3A_25, %ne3A_26 : i32
    %and3A_28 = arith.andi %ne3A_24, %ne3A_27 : i1
    %sub3A = arith.constant 1 : i32
    %sub3A_29 = arith.subi %div3A, %sub3A : i32
    %select_n3A_30 = arith.select %and3A_28, %sub3A_29, %div3A : i32
    %mul3A_31 = arith.constant 2048 : i32
    %mul3A_32 = arith.muli %select_n3A_30, %mul3A_31 : i32
    %mul3A_33 = arith.constant 8 : i32
    %mul3A_34 = arith.muli %select_n3A_9, %mul3A_33 : i32
    %add3A_35 = arith.constant 0 : i32
    %add3A_36 = arith.addi %mul3A_34, %add3A_35 : i32
    %dma_start3A = arith.constant 0 : i32
    %dma_start3A_37 = tpu.memref_slice %arg2[%add3A_36, %dma_start3A] : memref<32x10000xf32, #tpu.memory_space<hbm>> -> memref<1x10000xf32, #tpu.memory_space<hbm>>
    %dma_start3A_38 = tpu.memref_squeeze %dma_start3A_37 : memref<1x10000xf32, #tpu.memory_space<hbm>> -> memref<10000xf32, #tpu.memory_space<hbm>>
    %dma_start3A_39 = arith.constant 0 : i32
    %dma_start3A_40 = tpu.memref_slice %arg2[%add3A_36, %dma_start3A_39] : memref<32x10000xf32, #tpu.memory_space<hbm>> -> memref<1x10000xf32, #tpu.memory_space<hbm>>
    %dma_start3A_41 = tpu.memref_squeeze %dma_start3A_40 : memref<1x10000xf32, #tpu.memory_space<hbm>> -> memref<10000xf32, #tpu.memory_space<hbm>>
    tpu.enqueue_dma source(%dma_start3A_41 : memref<10000xf32, #tpu.memory_space<hbm>>) target(%arg5 : memref<10000xf32, #tpu.memory_space<vmem>>) target_semaphore(%arg17 : memref<!tpu.dma_semaphore, #tpu.memory_space<semaphore_mem>>)
    %mul3A_42 = arith.constant 8 : i32
    %mul3A_43 = arith.muli %select_n3A_9, %mul3A_42 : i32
    %add3A_44 = arith.constant 1 : i32
    %add3A_45 = arith.addi %mul3A_43, %add3A_44 : i32
    %dma_start3A_46 = arith.constant 0 : i32
    %dma_start3A_47 = tpu.memref_slice %arg2[%add3A_45, %dma_start3A_46] : memref<32x10000xf32, #tpu.memory_space<hbm>> -> memref<1x10000xf32, #tpu.memory_space<hbm>>
    %dma_start3A_48 = tpu.memref_squeeze %dma_start3A_47 : memref<1x10000xf32, #tpu.memory_space<hbm>> -> memref<10000xf32, #tpu.memory_space<hbm>>
    %dma_start3A_49 = arith.constant 0 : i32
    %dma_start3A_50 = tpu.memref_slice %arg2[%add3A_45, %dma_start3A_49] : memref<32x10000xf32, #tpu.memory_space<hbm>> -> memref<1x10000xf32, #tpu.memory_space<hbm>>
    %dma_start3A_51 = tpu.memref_squeeze %dma_start3A_50 : memref<1x10000xf32, #tpu.memory_space<hbm>> -> memref<10000xf32, #tpu.memory_space<hbm>>
    tpu.enqueue_dma source(%dma_start3A_51 : memref<10000xf32, #tpu.memory_space<hbm>>) target(%arg6 : memref<10000xf32, #tpu.memory_space<vmem>>) target_semaphore(%arg17 : memref<!tpu.dma_semaphore, #tpu.memory_space<semaphore_mem>>)
    %mul3A_52 = arith.constant 8 : i32
    %mul3A_53 = arith.muli %select_n3A_9, %mul3A_52 : i32
    %add3A_54 = arith.constant 2 : i32
    %add3A_55 = arith.addi %mul3A_53, %add3A_54 : i32
    %dma_start3A_56 = arith.constant 0 : i32
    %dma_start3A_57 = tpu.memref_slice %arg2[%add3A_55, %dma_start3A_56] : memref<32x10000xf32, #tpu.memory_space<hbm>> -> memref<1x10000xf32, #tpu.memory_space<hbm>>
    %dma_start3A_58 = tpu.memref_squeeze %dma_start3A_57 : memref<1x10000xf32, #tpu.memory_space<hbm>> -> memref<10000xf32, #tpu.memory_space<hbm>>
    %dma_start3A_59 = arith.constant 0 : i32
    %dma_start3A_60 = tpu.memref_slice %arg2[%add3A_55, %dma_start3A_59] : memref<32x10000xf32, #tpu.memory_space<hbm>> -> memref<1x10000xf32, #tpu.memory_space<hbm>>
    %dma_start3A_61 = tpu.memref_squeeze %dma_start3A_60 : memref<1x10000xf32, #tpu.memory_space<hbm>> -> memref<10000xf32, #tpu.memory_space<hbm>>
    tpu.enqueue_dma source(%dma_start3A_61 : memref<10000xf32, #tpu.memory_space<hbm>>) target(%arg7 : memref<10000xf32, #tpu.memory_space<vmem>>) target_semaphore(%arg17 : memref<!tpu.dma_semaphore, #tpu.memory_space<semaphore_mem>>)
    %mul3A_62 = arith.constant 8 : i32
    %mul3A_63 = arith.muli %select_n3A_9, %mul3A_62 : i32
    %add3A_64 = arith.constant 3 : i32
    %add3A_65 = arith.addi %mul3A_63, %add3A_64 : i32
    %dma_start3A_66 = arith.constant 0 : i32
    %dma_start3A_67 = tpu.memref_slice %arg2[%add3A_65, %dma_start3A_66] : memref<32x10000xf32, #tpu.memory_space<hbm>> -> memref<1x10000xf32, #tpu.memory_space<hbm>>
    %dma_start3A_68 = tpu.memref_squeeze %dma_start3A_67 : memref<1x10000xf32, #tpu.memory_space<hbm>> -> memref<10000xf32, #tpu.memory_space<hbm>>
    %dma_start3A_69 = arith.constant 0 : i32
    %dma_start3A_70 = tpu.memref_slice %arg2[%add3A_65, %dma_start3A_69] : memref<32x10000xf32, #tpu.memory_space<hbm>> -> memref<1x10000xf32, #tpu.memory_space<hbm>>
    %dma_start3A_71 = tpu.memref_squeeze %dma_start3A_70 : memref<1x10000xf32, #tpu.memory_space<hbm>> -> memref<10000xf32, #tpu.memory_space<hbm>>
    tpu.enqueue_dma source(%dma_start3A_71 : memref<10000xf32, #tpu.memory_space<hbm>>) target(%arg8 : memref<10000xf32, #tpu.memory_space<vmem>>) target_semaphore(%arg17 : memref<!tpu.dma_semaphore, #tpu.memory_space<semaphore_mem>>)
    %mul3A_72 = arith.constant 8 : i32
    %mul3A_73 = arith.muli %select_n3A_9, %mul3A_72 : i32
    %add3A_74 = arith.constant 4 : i32
    %add3A_75 = arith.addi %mul3A_73, %add3A_74 : i32
    %dma_start3A_76 = arith.constant 0 : i32
    %dma_start3A_77 = tpu.memref_slice %arg2[%add3A_75, %dma_start3A_76] : memref<32x10000xf32, #tpu.memory_space<hbm>> -> memref<1x10000xf32, #tpu.memory_space<hbm>>
    %dma_start3A_78 = tpu.memref_squeeze %dma_start3A_77 : memref<1x10000xf32, #tpu.memory_space<hbm>> -> memref<10000xf32, #tpu.memory_space<hbm>>
    %dma_start3A_79 = arith.constant 0 : i32
    %dma_start3A_80 = tpu.memref_slice %arg2[%add3A_75, %dma_start3A_79] : memref<32x10000xf32, #tpu.memory_space<hbm>> -> memref<1x10000xf32, #tpu.memory_space<hbm>>
    %dma_start3A_81 = tpu.memref_squeeze %dma_start3A_80 : memref<1x10000xf32, #tpu.memory_space<hbm>> -> memref<10000xf32, #tpu.memory_space<hbm>>
    tpu.enqueue_dma source(%dma_start3A_81 : memref<10000xf32, #tpu.memory_space<hbm>>) target(%arg9 : memref<10000xf32, #tpu.memory_space<vmem>>) target_semaphore(%arg17 : memref<!tpu.dma_semaphore, #tpu.memory_space<semaphore_mem>>)
    %mul3A_82 = arith.constant 8 : i32
    %mul3A_83 = arith.muli %select_n3A_9, %mul3A_82 : i32
    %add3A_84 = arith.constant 5 : i32
    %add3A_85 = arith.addi %mul3A_83, %add3A_84 : i32
    %dma_start3A_86 = arith.constant 0 : i32
    %dma_start3A_87 = tpu.memref_slice %arg2[%add3A_85, %dma_start3A_86] : memref<32x10000xf32, #tpu.memory_space<hbm>> -> memref<1x10000xf32, #tpu.memory_space<hbm>>
    %dma_start3A_88 = tpu.memref_squeeze %dma_start3A_87 : memref<1x10000xf32, #tpu.memory_space<hbm>> -> memref<10000xf32, #tpu.memory_space<hbm>>
    %dma_start3A_89 = arith.constant 0 : i32
    %dma_start3A_90 = tpu.memref_slice %arg2[%add3A_85, %dma_start3A_89] : memref<32x10000xf32, #tpu.memory_space<hbm>> -> memref<1x10000xf32, #tpu.memory_space<hbm>>
    %dma_start3A_91 = tpu.memref_squeeze %dma_start3A_90 : memref<1x10000xf32, #tpu.memory_space<hbm>> -> memref<10000xf32, #tpu.memory_space<hbm>>
    tpu.enqueue_dma source(%dma_start3A_91 : memref<10000xf32, #tpu.memory_space<hbm>>) target(%arg10 : memref<10000xf32, #tpu.memory_space<vmem>>) target_semaphore(%arg17 : memref<!tpu.dma_semaphore, #tpu.memory_space<semaphore_mem>>)
    %mul3A_92 = arith.constant 8 : i32
    %mul3A_93 = arith.muli %select_n3A_9, %mul3A_92 : i32
    %add3A_94 = arith.constant 6 : i32
    %add3A_95 = arith.addi %mul3A_93, %add3A_94 : i32
    %dma_start3A_96 = arith.constant 0 : i32
    %dma_start3A_97 = tpu.memref_slice %arg2[%add3A_95, %dma_start3A_96] : memref<32x10000xf32, #tpu.memory_space<hbm>> -> memref<1x10000xf32, #tpu.memory_space<hbm>>
    %dma_start3A_98 = tpu.memref_squeeze %dma_start3A_97 : memref<1x10000xf32, #tpu.memory_space<hbm>> -> memref<10000xf32, #tpu.memory_space<hbm>>
    %dma_start3A_99 = arith.constant 0 : i32
    %dma_start3A_100 = tpu.memref_slice %arg2[%add3A_95, %dma_start3A_99] : memref<32x10000xf32, #tpu.memory_space<hbm>> -> memref<1x10000xf32, #tpu.memory_space<hbm>>
    %dma_start3A_101 = tpu.memref_squeeze %dma_start3A_100 : memref<1x10000xf32, #tpu.memory_space<hbm>> -> memref<10000xf32, #tpu.memory_space<hbm>>
    tpu.enqueue_dma source(%dma_start3A_101 : memref<10000xf32, #tpu.memory_space<hbm>>) target(%arg11 : memref<10000xf32, #tpu.memory_space<vmem>>) target_semaphore(%arg17 : memref<!tpu.dma_semaphore, #tpu.memory_space<semaphore_mem>>)
    %mul3A_102 = arith.constant 8 : i32
    %mul3A_103 = arith.muli %select_n3A_9, %mul3A_102 : i32
    %add3A_104 = arith.constant 7 : i32
    %add3A_105 = arith.addi %mul3A_103, %add3A_104 : i32
    %dma_start3A_106 = arith.constant 0 : i32
    %dma_start3A_107 = tpu.memref_slice %arg2[%add3A_105, %dma_start3A_106] : memref<32x10000xf32, #tpu.memory_space<hbm>> -> memref<1x10000xf32, #tpu.memory_space<hbm>>
    %dma_start3A_108 = tpu.memref_squeeze %dma_start3A_107 : memref<1x10000xf32, #tpu.memory_space<hbm>> -> memref<10000xf32, #tpu.memory_space<hbm>>
    %dma_start3A_109 = arith.constant 0 : i32
    %dma_start3A_110 = tpu.memref_slice %arg2[%add3A_105, %dma_start3A_109] : memref<32x10000xf32, #tpu.memory_space<hbm>> -> memref<1x10000xf32, #tpu.memory_space<hbm>>
    %dma_start3A_111 = tpu.memref_squeeze %dma_start3A_110 : memref<1x10000xf32, #tpu.memory_space<hbm>> -> memref<10000xf32, #tpu.memory_space<hbm>>
    tpu.enqueue_dma source(%dma_start3A_111 : memref<10000xf32, #tpu.memory_space<hbm>>) target(%arg12 : memref<10000xf32, #tpu.memory_space<vmem>>) target_semaphore(%arg17 : memref<!tpu.dma_semaphore, #tpu.memory_space<semaphore_mem>>)
    %dma_start3A_112 = arith.constant 0 : i32
    %dma_start3A_113 = arith.constant 0 : i32
    %dma_start3A_114 = arith.constant 0 : i32
    %dma_start3A_115 = tpu.memref_slice %arg13[%dma_start3A_113, %dma_start3A_114] : memref<2x2048xi32, #tpu.memory_space<vmem>> -> memref<1x2048xi32, #tpu.memory_space<vmem>>
    %dma_start3A_116 = tpu.memref_squeeze %dma_start3A_115 : memref<1x2048xi32, #tpu.memory_space<vmem>> -> memref<2048xi32, #tpu.memory_space<vmem>>
    %dma_start3A_117 = tpu.memref_slice %arg3[%dma_start3A_112, %mul3A_32] : memref<200x16384xi32, #tpu.memory_space<hbm>> -> memref<1x2048xi32, #tpu.memory_space<hbm>>
    %dma_start3A_118 = tpu.memref_squeeze %dma_start3A_117 : memref<1x2048xi32, #tpu.memory_space<hbm>> -> memref<2048xi32, #tpu.memory_space<hbm>>
    %dma_start3A_119 = arith.constant 0 : i32
    %dma_start3A_120 = tpu.memref_slice %arg13[%dma_start3A_113, %dma_start3A_119] : memref<2x2048xi32, #tpu.memory_space<vmem>> -> memref<1x2048xi32, #tpu.memory_space<vmem>>
    %dma_start3A_121 = tpu.memref_squeeze %dma_start3A_120 : memref<1x2048xi32, #tpu.memory_space<vmem>> -> memref<2048xi32, #tpu.memory_space<vmem>>
    %dma_start3A_122 = tpu.memref_slice %arg3[%dma_start3A_112, %mul3A_32] : memref<200x16384xi32, #tpu.memory_space<hbm>> -> memref<1x2048xi32, #tpu.memory_space<hbm>>
    %dma_start3A_123 = tpu.memref_squeeze %dma_start3A_122 : memref<1x2048xi32, #tpu.memory_space<hbm>> -> memref<2048xi32, #tpu.memory_space<hbm>>
    tpu.enqueue_dma source(%dma_start3A_123 : memref<2048xi32, #tpu.memory_space<hbm>>) target(%dma_start3A_121 : memref<2048xi32, #tpu.memory_space<vmem>>) target_semaphore(%arg15 : memref<!tpu.dma_semaphore, #tpu.memory_space<semaphore_mem>>)
    %dma_start3A_124 = arith.constant 1 : i32
    %dma_start3A_125 = arith.constant 1 : i32
    %dma_start3A_126 = arith.constant 0 : i32
    %dma_start3A_127 = tpu.memref_slice %arg13[%dma_start3A_125, %dma_start3A_126] : memref<2x2048xi32, #tpu.memory_space<vmem>> -> memref<1x2048xi32, #tpu.memory_space<vmem>>
    %dma_start3A_128 = tpu.memref_squeeze %dma_start3A_127 : memref<1x2048xi32, #tpu.memory_space<vmem>> -> memref<2048xi32, #tpu.memory_space<vmem>>
    %dma_start3A_129 = tpu.memref_slice %arg3[%dma_start3A_124, %mul3A_32] : memref<200x16384xi32, #tpu.memory_space<hbm>> -> memref<1x2048xi32, #tpu.memory_space<hbm>>
    %dma_start3A_130 = tpu.memref_squeeze %dma_start3A_129 : memref<1x2048xi32, #tpu.memory_space<hbm>> -> memref<2048xi32, #tpu.memory_space<hbm>>
    %dma_start3A_131 = arith.constant 0 : i32
    %dma_start3A_132 = tpu.memref_slice %arg13[%dma_start3A_125, %dma_start3A_131] : memref<2x2048xi32, #tpu.memory_space<vmem>> -> memref<1x2048xi32, #tpu.memory_space<vmem>>
    %dma_start3A_133 = tpu.memref_squeeze %dma_start3A_132 : memref<1x2048xi32, #tpu.memory_space<vmem>> -> memref<2048xi32, #tpu.memory_space<vmem>>
    %dma_start3A_134 = tpu.memref_slice %arg3[%dma_start3A_124, %mul3A_32] : memref<200x16384xi32, #tpu.memory_space<hbm>> -> memref<1x2048xi32, #tpu.memory_space<hbm>>
    %dma_start3A_135 = tpu.memref_squeeze %dma_start3A_134 : memref<1x2048xi32, #tpu.memory_space<hbm>> -> memref<2048xi32, #tpu.memory_space<hbm>>
    tpu.enqueue_dma source(%dma_start3A_135 : memref<2048xi32, #tpu.memory_space<hbm>>) target(%dma_start3A_133 : memref<2048xi32, #tpu.memory_space<vmem>>) target_semaphore(%arg16 : memref<!tpu.dma_semaphore, #tpu.memory_space<semaphore_mem>>)
    %dma_wait3A = arith.constant 0 : i32
    %dma_wait3A_136 = tpu.memref_slice %arg2[%add3A_36, %dma_wait3A] : memref<32x10000xf32, #tpu.memory_space<hbm>> -> memref<1x10000xf32, #tpu.memory_space<hbm>>
    %dma_wait3A_137 = tpu.memref_squeeze %dma_wait3A_136 : memref<1x10000xf32, #tpu.memory_space<hbm>> -> memref<10000xf32, #tpu.memory_space<hbm>>
    %dma_wait3A_138 = arith.constant 0 : i32
    %dma_wait3A_139 = tpu.memref_slice %arg2[%add3A_36, %dma_wait3A_138] : memref<32x10000xf32, #tpu.memory_space<hbm>> -> memref<1x10000xf32, #tpu.memory_space<hbm>>
    %dma_wait3A_140 = tpu.memref_squeeze %dma_wait3A_139 : memref<1x10000xf32, #tpu.memory_space<hbm>> -> memref<10000xf32, #tpu.memory_space<hbm>>
    tpu.wait_dma2 semaphore(%arg17 : memref<!tpu.dma_semaphore, #tpu.memory_space<semaphore_mem>>) src(%dma_wait3A_140 : memref<10000xf32, #tpu.memory_space<hbm>>) dst(%arg5 : memref<10000xf32, #tpu.memory_space<vmem>>)
    %dma_wait3A_141 = arith.constant 0 : i32
    %dma_wait3A_142 = tpu.memref_slice %arg2[%add3A_45, %dma_wait3A_141] : memref<32x10000xf32, #tpu.memory_space<hbm>> -> memref<1x10000xf32, #tpu.memory_space<hbm>>
    %dma_wait3A_143 = tpu.memref_squeeze %dma_wait3A_142 : memref<1x10000xf32, #tpu.memory_space<hbm>> -> memref<10000xf32, #tpu.memory_space<hbm>>
    %dma_wait3A_144 = arith.constant 0 : i32
    %dma_wait3A_145 = tpu.memref_slice %arg2[%add3A_45, %dma_wait3A_144] : memref<32x10000xf32, #tpu.memory_space<hbm>> -> memref<1x10000xf32, #tpu.memory_space<hbm>>
    %dma_wait3A_146 = tpu.memref_squeeze %dma_wait3A_145 : memref<1x10000xf32, #tpu.memory_space<hbm>> -> memref<10000xf32, #tpu.memory_space<hbm>>
    tpu.wait_dma2 semaphore(%arg17 : memref<!tpu.dma_semaphore, #tpu.memory_space<semaphore_mem>>) src(%dma_wait3A_146 : memref<10000xf32, #tpu.memory_space<hbm>>) dst(%arg6 : memref<10000xf32, #tpu.memory_space<vmem>>)
    %dma_wait3A_147 = arith.constant 0 : i32
    %dma_wait3A_148 = tpu.memref_slice %arg2[%add3A_55, %dma_wait3A_147] : memref<32x10000xf32, #tpu.memory_space<hbm>> -> memref<1x10000xf32, #tpu.memory_space<hbm>>
    %dma_wait3A_149 = tpu.memref_squeeze %dma_wait3A_148 : memref<1x10000xf32, #tpu.memory_space<hbm>> -> memref<10000xf32, #tpu.memory_space<hbm>>
    %dma_wait3A_150 = arith.constant 0 : i32
    %dma_wait3A_151 = tpu.memref_slice %arg2[%add3A_55, %dma_wait3A_150] : memref<32x10000xf32, #tpu.memory_space<hbm>> -> memref<1x10000xf32, #tpu.memory_space<hbm>>
    %dma_wait3A_152 = tpu.memref_squeeze %dma_wait3A_151 : memref<1x10000xf32, #tpu.memory_space<hbm>> -> memref<10000xf32, #tpu.memory_space<hbm>>
    tpu.wait_dma2 semaphore(%arg17 : memref<!tpu.dma_semaphore, #tpu.memory_space<semaphore_mem>>) src(%dma_wait3A_152 : memref<10000xf32, #tpu.memory_space<hbm>>) dst(%arg7 : memref<10000xf32, #tpu.memory_space<vmem>>)
    %dma_wait3A_153 = arith.constant 0 : i32
    %dma_wait3A_154 = tpu.memref_slice %arg2[%add3A_65, %dma_wait3A_153] : memref<32x10000xf32, #tpu.memory_space<hbm>> -> memref<1x10000xf32, #tpu.memory_space<hbm>>
    %dma_wait3A_155 = tpu.memref_squeeze %dma_wait3A_154 : memref<1x10000xf32, #tpu.memory_space<hbm>> -> memref<10000xf32, #tpu.memory_space<hbm>>
    %dma_wait3A_156 = arith.constant 0 : i32
    %dma_wait3A_157 = tpu.memref_slice %arg2[%add3A_65, %dma_wait3A_156] : memref<32x10000xf32, #tpu.memory_space<hbm>> -> memref<1x10000xf32, #tpu.memory_space<hbm>>
    %dma_wait3A_158 = tpu.memref_squeeze %dma_wait3A_157 : memref<1x10000xf32, #tpu.memory_space<hbm>> -> memref<10000xf32, #tpu.memory_space<hbm>>
    tpu.wait_dma2 semaphore(%arg17 : memref<!tpu.dma_semaphore, #tpu.memory_space<semaphore_mem>>) src(%dma_wait3A_158 : memref<10000xf32, #tpu.memory_space<hbm>>) dst(%arg8 : memref<10000xf32, #tpu.memory_space<vmem>>)
    %dma_wait3A_159 = arith.constant 0 : i32
    %dma_wait3A_160 = tpu.memref_slice %arg2[%add3A_75, %dma_wait3A_159] : memref<32x10000xf32, #tpu.memory_space<hbm>> -> memref<1x10000xf32, #tpu.memory_space<hbm>>
    %dma_wait3A_161 = tpu.memref_squeeze %dma_wait3A_160 : memref<1x10000xf32, #tpu.memory_space<hbm>> -> memref<10000xf32, #tpu.memory_space<hbm>>
    %dma_wait3A_162 = arith.constant 0 : i32
    %dma_wait3A_163 = tpu.memref_slice %arg2[%add3A_75, %dma_wait3A_162] : memref<32x10000xf32, #tpu.memory_space<hbm>> -> memref<1x10000xf32, #tpu.memory_space<hbm>>
    %dma_wait3A_164 = tpu.memref_squeeze %dma_wait3A_163 : memref<1x10000xf32, #tpu.memory_space<hbm>> -> memref<10000xf32, #tpu.memory_space<hbm>>
    tpu.wait_dma2 semaphore(%arg17 : memref<!tpu.dma_semaphore, #tpu.memory_space<semaphore_mem>>) src(%dma_wait3A_164 : memref<10000xf32, #tpu.memory_space<hbm>>) dst(%arg9 : memref<10000xf32, #tpu.memory_space<vmem>>)
    %dma_wait3A_165 = arith.constant 0 : i32
    %dma_wait3A_166 = tpu.memref_slice %arg2[%add3A_85, %dma_wait3A_165] : memref<32x10000xf32, #tpu.memory_space<hbm>> -> memref<1x10000xf32, #tpu.memory_space<hbm>>
    %dma_wait3A_167 = tpu.memref_squeeze %dma_wait3A_166 : memref<1x10000xf32, #tpu.memory_space<hbm>> -> memref<10000xf32, #tpu.memory_space<hbm>>
    %dma_wait3A_168 = arith.constant 0 : i32
    %dma_wait3A_169 = tpu.memref_slice %arg2[%add3A_85, %dma_wait3A_168] : memref<32x10000xf32, #tpu.memory_space<hbm>> -> memref<1x10000xf32, #tpu.memory_space<hbm>>
    %dma_wait3A_170 = tpu.memref_squeeze %dma_wait3A_169 : memref<1x10000xf32, #tpu.memory_space<hbm>> -> memref<10000xf32, #tpu.memory_space<hbm>>
    tpu.wait_dma2 semaphore(%arg17 : memref<!tpu.dma_semaphore, #tpu.memory_space<semaphore_mem>>) src(%dma_wait3A_170 : memref<10000xf32, #tpu.memory_space<hbm>>) dst(%arg10 : memref<10000xf32, #tpu.memory_space<vmem>>)
    %dma_wait3A_171 = arith.constant 0 : i32
    %dma_wait3A_172 = tpu.memref_slice %arg2[%add3A_95, %dma_wait3A_171] : memref<32x10000xf32, #tpu.memory_space<hbm>> -> memref<1x10000xf32, #tpu.memory_space<hbm>>
    %dma_wait3A_173 = tpu.memref_squeeze %dma_wait3A_172 : memref<1x10000xf32, #tpu.memory_space<hbm>> -> memref<10000xf32, #tpu.memory_space<hbm>>
    %dma_wait3A_174 = arith.constant 0 : i32
    %dma_wait3A_175 = tpu.memref_slice %arg2[%add3A_95, %dma_wait3A_174] : memref<32x10000xf32, #tpu.memory_space<hbm>> -> memref<1x10000xf32, #tpu.memory_space<hbm>>
    %dma_wait3A_176 = tpu.memref_squeeze %dma_wait3A_175 : memref<1x10000xf32, #tpu.memory_space<hbm>> -> memref<10000xf32, #tpu.memory_space<hbm>>
    tpu.wait_dma2 semaphore(%arg17 : memref<!tpu.dma_semaphore, #tpu.memory_space<semaphore_mem>>) src(%dma_wait3A_176 : memref<10000xf32, #tpu.memory_space<hbm>>) dst(%arg11 : memref<10000xf32, #tpu.memory_space<vmem>>)
    %dma_wait3A_177 = arith.constant 0 : i32
    %dma_wait3A_178 = tpu.memref_slice %arg2[%add3A_105, %dma_wait3A_177] : memref<32x10000xf32, #tpu.memory_space<hbm>> -> memref<1x10000xf32, #tpu.memory_space<hbm>>
    %dma_wait3A_179 = tpu.memref_squeeze %dma_wait3A_178 : memref<1x10000xf32, #tpu.memory_space<hbm>> -> memref<10000xf32, #tpu.memory_space<hbm>>
    %dma_wait3A_180 = arith.constant 0 : i32
    %dma_wait3A_181 = tpu.memref_slice %arg2[%add3A_105, %dma_wait3A_180] : memref<32x10000xf32, #tpu.memory_space<hbm>> -> memref<1x10000xf32, #tpu.memory_space<hbm>>
    %dma_wait3A_182 = tpu.memref_squeeze %dma_wait3A_181 : memref<1x10000xf32, #tpu.memory_space<hbm>> -> memref<10000xf32, #tpu.memory_space<hbm>>
    tpu.wait_dma2 semaphore(%arg17 : memref<!tpu.dma_semaphore, #tpu.memory_space<semaphore_mem>>) src(%dma_wait3A_182 : memref<10000xf32, #tpu.memory_space<hbm>>) dst(%arg12 : memref<10000xf32, #tpu.memory_space<vmem>>)
    %scan3A = arith.constant 0 : i32
    %scan3A_183 = arith.constant 0 : i32
    %scan3A_184 = arith.constant 625 : i32
    %scan3A_185 = arith.addi %scan3A_183, %scan3A_184 : i32
    %scan3A_186 = arith.constant 1 : i32
    scf.for %scan3A_240 = %scan3A_183 to %scan3A_185 step %scan3A_186  : i32 {
      %mul3A_241 = arith.constant 16 : i32
      %mul3A_242 = arith.muli %scan3A_240, %mul3A_241 : i32
      %get3A = arith.index_cast %mul3A_242 : i32 to index
      %get3A_243 = tpu.vector_load %arg5[%get3A] {strides = array<i32>} : memref<10000xf32, #tpu.memory_space<vmem>>, vector<16xf32>,
      %max3A = arith.constant 0.000000e+00 : f32
      %max3A_244 = vector.broadcast %max3A : f32 to vector<16xf32>
      %max3A_245 = arith.maximumf %get3A_243, %max3A_244 : vector<16xf32>
      %mul3A_246 = arith.constant 16 : i32
      %mul3A_247 = arith.muli %scan3A_240, %mul3A_246 : i32
      %swap3A = arith.index_cast %mul3A_247 : i32 to index
      %swap3A_248 = tpu.vector_load %arg5[%swap3A] {strides = array<i32>} : memref<10000xf32, #tpu.memory_space<vmem>>, vector<16xf32>,
      tpu.vector_store %arg5[%swap3A], %max3A_245 {strides = array<i32>} : memref<10000xf32, #tpu.memory_space<vmem>>, vector<16xf32>,
      %mul3A_249 = arith.constant 16 : i32
      %mul3A_250 = arith.muli %scan3A_240, %mul3A_249 : i32
      %get3A_251 = arith.index_cast %mul3A_250 : i32 to index
      %get3A_252 = tpu.vector_load %arg6[%get3A_251] {strides = array<i32>} : memref<10000xf32, #tpu.memory_space<vmem>>, vector<16xf32>,
      %max3A_253 = arith.constant 0.000000e+00 : f32
      %max3A_254 = vector.broadcast %max3A_253 : f32 to vector<16xf32>
      %max3A_255 = arith.maximumf %get3A_252, %max3A_254 : vector<16xf32>
      %mul3A_256 = arith.constant 16 : i32
      %mul3A_257 = arith.muli %scan3A_240, %mul3A_256 : i32
      %swap3A_258 = arith.index_cast %mul3A_257 : i32 to index
      %swap3A_259 = tpu.vector_load %arg6[%swap3A_258] {strides = array<i32>} : memref<10000xf32, #tpu.memory_space<vmem>>, vector<16xf32>,
      tpu.vector_store %arg6[%swap3A_258], %max3A_255 {strides = array<i32>} : memref<10000xf32, #tpu.memory_space<vmem>>, vector<16xf32>,
      %mul3A_260 = arith.constant 16 : i32
      %mul3A_261 = arith.muli %scan3A_240, %mul3A_260 : i32
      %get3A_262 = arith.index_cast %mul3A_261 : i32 to index
      %get3A_263 = tpu.vector_load %arg7[%get3A_262] {strides = array<i32>} : memref<10000xf32, #tpu.memory_space<vmem>>, vector<16xf32>,
      %max3A_264 = arith.constant 0.000000e+00 : f32
      %max3A_265 = vector.broadcast %max3A_264 : f32 to vector<16xf32>
      %max3A_266 = arith.maximumf %get3A_263, %max3A_265 : vector<16xf32>
      %mul3A_267 = arith.constant 16 : i32
      %mul3A_268 = arith.muli %scan3A_240, %mul3A_267 : i32
      %swap3A_269 = arith.index_cast %mul3A_268 : i32 to index
      %swap3A_270 = tpu.vector_load %arg7[%swap3A_269] {strides = array<i32>} : memref<10000xf32, #tpu.memory_space<vmem>>, vector<16xf32>,
      tpu.vector_store %arg7[%swap3A_269], %max3A_266 {strides = array<i32>} : memref<10000xf32, #tpu.memory_space<vmem>>, vector<16xf32>,
      %mul3A_271 = arith.constant 16 : i32
      %mul3A_272 = arith.muli %scan3A_240, %mul3A_271 : i32
      %get3A_273 = arith.index_cast %mul3A_272 : i32 to index
      %get3A_274 = tpu.vector_load %arg8[%get3A_273] {strides = array<i32>} : memref<10000xf32, #tpu.memory_space<vmem>>, vector<16xf32>,
      %max3A_275 = arith.constant 0.000000e+00 : f32
      %max3A_276 = vector.broadcast %max3A_275 : f32 to vector<16xf32>
      %max3A_277 = arith.maximumf %get3A_274, %max3A_276 : vector<16xf32>
      %mul3A_278 = arith.constant 16 : i32
      %mul3A_279 = arith.muli %scan3A_240, %mul3A_278 : i32
      %swap3A_280 = arith.index_cast %mul3A_279 : i32 to index
      %swap3A_281 = tpu.vector_load %arg8[%swap3A_280] {strides = array<i32>} : memref<10000xf32, #tpu.memory_space<vmem>>, vector<16xf32>,
      tpu.vector_store %arg8[%swap3A_280], %max3A_277 {strides = array<i32>} : memref<10000xf32, #tpu.memory_space<vmem>>, vector<16xf32>,
      %mul3A_282 = arith.constant 16 : i32
      %mul3A_283 = arith.muli %scan3A_240, %mul3A_282 : i32
      %get3A_284 = arith.index_cast %mul3A_283 : i32 to index
      %get3A_285 = tpu.vector_load %arg9[%get3A_284] {strides = array<i32>} : memref<10000xf32, #tpu.memory_space<vmem>>, vector<16xf32>,
      %max3A_286 = arith.constant 0.000000e+00 : f32
      %max3A_287 = vector.broadcast %max3A_286 : f32 to vector<16xf32>
      %max3A_288 = arith.maximumf %get3A_285, %max3A_287 : vector<16xf32>
      %mul3A_289 = arith.constant 16 : i32
      %mul3A_290 = arith.muli %scan3A_240, %mul3A_289 : i32
      %swap3A_291 = arith.index_cast %mul3A_290 : i32 to index
      %swap3A_292 = tpu.vector_load %arg9[%swap3A_291] {strides = array<i32>} : memref<10000xf32, #tpu.memory_space<vmem>>, vector<16xf32>,
      tpu.vector_store %arg9[%swap3A_291], %max3A_288 {strides = array<i32>} : memref<10000xf32, #tpu.memory_space<vmem>>, vector<16xf32>,
      %mul3A_293 = arith.constant 16 : i32
      %mul3A_294 = arith.muli %scan3A_240, %mul3A_293 : i32
      %get3A_295 = arith.index_cast %mul3A_294 : i32 to index
      %get3A_296 = tpu.vector_load %arg10[%get3A_295] {strides = array<i32>} : memref<10000xf32, #tpu.memory_space<vmem>>, vector<16xf32>,
      %max3A_297 = arith.constant 0.000000e+00 : f32
      %max3A_298 = vector.broadcast %max3A_297 : f32 to vector<16xf32>
      %max3A_299 = arith.maximumf %get3A_296, %max3A_298 : vector<16xf32>
      %mul3A_300 = arith.constant 16 : i32
      %mul3A_301 = arith.muli %scan3A_240, %mul3A_300 : i32
      %swap3A_302 = arith.index_cast %mul3A_301 : i32 to index
      %swap3A_303 = tpu.vector_load %arg10[%swap3A_302] {strides = array<i32>} : memref<10000xf32, #tpu.memory_space<vmem>>, vector<16xf32>,
      tpu.vector_store %arg10[%swap3A_302], %max3A_299 {strides = array<i32>} : memref<10000xf32, #tpu.memory_space<vmem>>, vector<16xf32>,
      %mul3A_304 = arith.constant 16 : i32
      %mul3A_305 = arith.muli %scan3A_240, %mul3A_304 : i32
      %get3A_306 = arith.index_cast %mul3A_305 : i32 to index
      %get3A_307 = tpu.vector_load %arg11[%get3A_306] {strides = array<i32>} : memref<10000xf32, #tpu.memory_space<vmem>>, vector<16xf32>,
      %max3A_308 = arith.constant 0.000000e+00 : f32
      %max3A_309 = vector.broadcast %max3A_308 : f32 to vector<16xf32>
      %max3A_310 = arith.maximumf %get3A_307, %max3A_309 : vector<16xf32>
      %mul3A_311 = arith.constant 16 : i32
      %mul3A_312 = arith.muli %scan3A_240, %mul3A_311 : i32
      %swap3A_313 = arith.index_cast %mul3A_312 : i32 to index
      %swap3A_314 = tpu.vector_load %arg11[%swap3A_313] {strides = array<i32>} : memref<10000xf32, #tpu.memory_space<vmem>>, vector<16xf32>,
      tpu.vector_store %arg11[%swap3A_313], %max3A_310 {strides = array<i32>} : memref<10000xf32, #tpu.memory_space<vmem>>, vector<16xf32>,
      %mul3A_315 = arith.constant 16 : i32
      %mul3A_316 = arith.muli %scan3A_240, %mul3A_315 : i32
      %get3A_317 = arith.index_cast %mul3A_316 : i32 to index
      %get3A_318 = tpu.vector_load %arg12[%get3A_317] {strides = array<i32>} : memref<10000xf32, #tpu.memory_space<vmem>>, vector<16xf32>,
      %max3A_319 = arith.constant 0.000000e+00 : f32
      %max3A_320 = vector.broadcast %max3A_319 : f32 to vector<16xf32>
      %max3A_321 = arith.maximumf %get3A_318, %max3A_320 : vector<16xf32>
      %mul3A_322 = arith.constant 16 : i32
      %mul3A_323 = arith.muli %scan3A_240, %mul3A_322 : i32
      %swap3A_324 = arith.index_cast %mul3A_323 : i32 to index
      %swap3A_325 = tpu.vector_load %arg12[%swap3A_324] {strides = array<i32>} : memref<10000xf32, #tpu.memory_space<vmem>>, vector<16xf32>,
      tpu.vector_store %arg12[%swap3A_324], %max3A_321 {strides = array<i32>} : memref<10000xf32, #tpu.memory_space<vmem>>, vector<16xf32>,
    }
    %scan3A_187 = arith.constant 625 : i32
    %scan3A_188 = arith.constant 0 : i32
    %scan3A_189 = arith.constant 0 : i32
    %scan3A_190 = arith.constant 100 : i32
    %scan3A_191 = arith.addi %scan3A_189, %scan3A_190 : i32
    %scan3A_192 = arith.constant 1 : i32
    scf.for %scan3A_240 = %scan3A_189 to %scan3A_191 step %scan3A_192  : i32 {
      %mul3A_241 = arith.constant 2 : i32
      %mul3A_242 = arith.muli %scan3A_240, %mul3A_241 : i32
      %add3A_243 = arith.constant 0 : i32
      %add3A_244 = arith.addi %mul3A_242, %add3A_243 : i32
      %dma_wait3A_245 = arith.constant 0 : i32
      %dma_wait3A_246 = arith.constant 0 : i32
      %dma_wait3A_247 = arith.constant 0 : i32
      %dma_wait3A_248 = tpu.memref_slice %arg13[%dma_wait3A_246, %dma_wait3A_247] : memref<2x2048xi32, #tpu.memory_space<vmem>> -> memref<1x2048xi32, #tpu.memory_space<vmem>>
      %dma_wait3A_249 = tpu.memref_squeeze %dma_wait3A_248 : memref<1x2048xi32, #tpu.memory_space<vmem>> -> memref<2048xi32, #tpu.memory_space<vmem>>
      %dma_wait3A_250 = arith.constant 0 : i32
      %dma_wait3A_251 = tpu.memref_slice %arg3[%dma_wait3A_245, %dma_wait3A_250] : memref<200x16384xi32, #tpu.memory_space<hbm>> -> memref<1x2048xi32, #tpu.memory_space<hbm>>
      %dma_wait3A_252 = tpu.memref_squeeze %dma_wait3A_251 : memref<1x2048xi32, #tpu.memory_space<hbm>> -> memref<2048xi32, #tpu.memory_space<hbm>>
      %dma_wait3A_253 = arith.constant 0 : i32
      %dma_wait3A_254 = tpu.memref_slice %arg13[%dma_wait3A_246, %dma_wait3A_253] : memref<2x2048xi32, #tpu.memory_space<vmem>> -> memref<1x2048xi32, #tpu.memory_space<vmem>>
      %dma_wait3A_255 = tpu.memref_squeeze %dma_wait3A_254 : memref<1x2048xi32, #tpu.memory_space<vmem>> -> memref<2048xi32, #tpu.memory_space<vmem>>
      %dma_wait3A_256 = arith.constant 0 : i32
      %dma_wait3A_257 = tpu.memref_slice %arg3[%dma_wait3A_245, %dma_wait3A_256] : memref<200x16384xi32, #tpu.memory_space<hbm>> -> memref<1x2048xi32, #tpu.memory_space<hbm>>
      %dma_wait3A_258 = tpu.memref_squeeze %dma_wait3A_257 : memref<1x2048xi32, #tpu.memory_space<hbm>> -> memref<2048xi32, #tpu.memory_space<hbm>>
      tpu.wait_dma2 semaphore(%arg15 : memref<!tpu.dma_semaphore, #tpu.memory_space<semaphore_mem>>) src(%dma_wait3A_258 : memref<2048xi32, #tpu.memory_space<hbm>>) dst(%dma_wait3A_255 : memref<2048xi32, #tpu.memory_space<vmem>>)
      %gt3A = arith.constant 0 : i32
      %gt3A_259 = arith.cmpi sgt, %scan3A_240, %gt3A : i32
      %convert_element_type3A = arith.extui %gt3A_259 : i1 to i32
      %cond3A = arith.constant 0 : i32
      %cond3A_260 = arith.cmpi ne, %convert_element_type3A, %cond3A : i32
      scf.if %cond3A_260 {
        %dma_wait3A_345 = arith.constant 0 : i32
        %dma_wait3A_346 = arith.constant 0 : i32
        %dma_wait3A_347 = arith.constant 0 : i32
        %dma_wait3A_348 = arith.constant 0 : i32
        %dma_wait3A_349 = arith.constant 0 : i32
        %dma_wait3A_350 = arith.constant 0 : i32
        %dma_wait3A_351 = tpu.memref_slice %arg14[%dma_wait3A_345, %dma_wait3A_348, %dma_wait3A_349, %dma_wait3A_350] : memref<2x16x8x128xf32, #tpu.memory_space<vmem>> -> memref<1x16x8x128xf32, #tpu.memory_space<vmem>>
        %dma_wait3A_352 = tpu.memref_squeeze %dma_wait3A_351 : memref<1x16x8x128xf32, #tpu.memory_space<vmem>> -> memref<16x8x128xf32, #tpu.memory_space<vmem>>
        %dma_wait3A_353 = arith.constant 0 : i32
        %dma_wait3A_354 = arith.constant 0 : i32
        %dma_wait3A_355 = arith.constant 0 : i32
        %dma_wait3A_356 = tpu.memref_slice %arg4[%dma_wait3A_346, %dma_wait3A_347, %dma_wait3A_353, %dma_wait3A_354, %dma_wait3A_355] : memref<200x4x128x8x128xf32, #tpu.memory_space<hbm>> -> memref<1x1x16x8x128xf32, #tpu.memory_space<hbm>>
        %dma_wait3A_357 = tpu.memref_squeeze %dma_wait3A_356 : memref<1x1x16x8x128xf32, #tpu.memory_space<hbm>> -> memref<16x8x128xf32, #tpu.memory_space<hbm>>
        %dma_wait3A_358 = arith.constant 0 : i32
        %dma_wait3A_359 = arith.constant 0 : i32
        %dma_wait3A_360 = arith.constant 0 : i32
        %dma_wait3A_361 = tpu.memref_slice %arg4[%dma_wait3A_346, %dma_wait3A_347, %dma_wait3A_358, %dma_wait3A_359, %dma_wait3A_360] : memref<200x4x128x8x128xf32, #tpu.memory_space<hbm>> -> memref<1x1x16x8x128xf32, #tpu.memory_space<hbm>>
        %dma_wait3A_362 = tpu.memref_squeeze %dma_wait3A_361 : memref<1x1x16x8x128xf32, #tpu.memory_space<hbm>> -> memref<16x8x128xf32, #tpu.memory_space<hbm>>
        %dma_wait3A_363 = arith.constant 0 : i32
        %dma_wait3A_364 = arith.constant 0 : i32
        %dma_wait3A_365 = arith.constant 0 : i32
        %dma_wait3A_366 = tpu.memref_slice %arg14[%dma_wait3A_345, %dma_wait3A_363, %dma_wait3A_364, %dma_wait3A_365] : memref<2x16x8x128xf32, #tpu.memory_space<vmem>> -> memref<1x16x8x128xf32, #tpu.memory_space<vmem>>
        %dma_wait3A_367 = tpu.memref_squeeze %dma_wait3A_366 : memref<1x16x8x128xf32, #tpu.memory_space<vmem>> -> memref<16x8x128xf32, #tpu.memory_space<vmem>>
        tpu.wait_dma2 semaphore(%arg17 : memref<!tpu.dma_semaphore, #tpu.memory_space<semaphore_mem>>) src(%dma_wait3A_367 : memref<16x8x128xf32, #tpu.memory_space<vmem>>) dst(%dma_wait3A_362 : memref<16x8x128xf32, #tpu.memory_space<hbm>>)
      } else {
      }
      %parallel_loop3A = arith.constant 0 : i32
      %parallel_loop3A_261 = arith.constant 16 : i32
      %parallel_loop3A_262 = arith.constant 1 : i32
      scf.for %parallel_loop3A_345 = %parallel_loop3A to %parallel_loop3A_261 step %parallel_loop3A_262  : i32 {
        %parallel_loop3A_346 = arith.constant 128 : i32
        %parallel_loop3A_347 = arith.muli %parallel_loop3A_345, %parallel_loop3A_346 : i32
        %parallel_loop3A_348 = arith.constant 0 : i32
        %parallel_loop3A_349 = arith.addi %parallel_loop3A_347, %parallel_loop3A_348 : i32
        %parallel_loop3A_350 = arith.constant 0 : i32
        %parallel_loop3A_351 = arith.index_cast %parallel_loop3A_350 : i32 to index
        %parallel_loop3A_352 = arith.index_cast %parallel_loop3A_349 : i32 to index
        %parallel_loop3A_353 = tpu.vector_load %arg13[%parallel_loop3A_351, %parallel_loop3A_352] {strides = array<i32>} : memref<2x2048xi32, #tpu.memory_space<vmem>>, vector<16xi32>,
        %parallel_loop3A_354 = tpu.vector_load_idx %arg5[%parallel_loop3A_353] : memref<10000xf32, #tpu.memory_space<vmem>>[vector<16xi32>], vector<16xf32>,
        %parallel_loop3A_355 = arith.constant 0 : i32
        %parallel_loop3A_356 = arith.constant 0 : i32
        %parallel_loop3A_357 = arith.index_cast %parallel_loop3A_355 : i32 to index
        %parallel_loop3A_358 = arith.index_cast %parallel_loop3A_345 : i32 to index
        %parallel_loop3A_359 = arith.index_cast %parallel_loop3A_356 : i32 to index
        %parallel_loop3A_360 = arith.constant 0 : index
        %parallel_loop3A_361 = tpu.vector_load %arg14[%parallel_loop3A_357, %parallel_loop3A_358, %parallel_loop3A_359, %parallel_loop3A_360] {strides = array<i32>} : memref<2x16x8x128xf32, #tpu.memory_space<vmem>>, vector<16xf32>,
        tpu.vector_store %arg14[%parallel_loop3A_357, %parallel_loop3A_358, %parallel_loop3A_359, %parallel_loop3A_360], %parallel_loop3A_354 {strides = array<i32>} : memref<2x16x8x128xf32, #tpu.memory_space<vmem>>, vector<16xf32>,
        %parallel_loop3A_362 = tpu.vector_load_idx %arg6[%parallel_loop3A_353] : memref<10000xf32, #tpu.memory_space<vmem>>[vector<16xi32>], vector<16xf32>,
        %parallel_loop3A_363 = arith.constant 0 : i32
        %parallel_loop3A_364 = arith.constant 1 : i32
        %parallel_loop3A_365 = arith.index_cast %parallel_loop3A_363 : i32 to index
        %parallel_loop3A_366 = arith.index_cast %parallel_loop3A_345 : i32 to index
        %parallel_loop3A_367 = arith.index_cast %parallel_loop3A_364 : i32 to index
        %parallel_loop3A_368 = arith.constant 0 : index
        %parallel_loop3A_369 = tpu.vector_load %arg14[%parallel_loop3A_365, %parallel_loop3A_366, %parallel_loop3A_367, %parallel_loop3A_368] {strides = array<i32>} : memref<2x16x8x128xf32, #tpu.memory_space<vmem>>, vector<16xf32>,
        tpu.vector_store %arg14[%parallel_loop3A_365, %parallel_loop3A_366, %parallel_loop3A_367, %parallel_loop3A_368], %parallel_loop3A_362 {strides = array<i32>} : memref<2x16x8x128xf32, #tpu.memory_space<vmem>>, vector<16xf32>,
        %parallel_loop3A_370 = tpu.vector_load_idx %arg7[%parallel_loop3A_353] : memref<10000xf32, #tpu.memory_space<vmem>>[vector<16xi32>], vector<16xf32>,
        %parallel_loop3A_371 = arith.constant 0 : i32
        %parallel_loop3A_372 = arith.constant 2 : i32
        %parallel_loop3A_373 = arith.index_cast %parallel_loop3A_371 : i32 to index
        %parallel_loop3A_374 = arith.index_cast %parallel_loop3A_345 : i32 to index
        %parallel_loop3A_375 = arith.index_cast %parallel_loop3A_372 : i32 to index
        %parallel_loop3A_376 = arith.constant 0 : index
        %parallel_loop3A_377 = tpu.vector_load %arg14[%parallel_loop3A_373, %parallel_loop3A_374, %parallel_loop3A_375, %parallel_loop3A_376] {strides = array<i32>} : memref<2x16x8x128xf32, #tpu.memory_space<vmem>>, vector<16xf32>,
        tpu.vector_store %arg14[%parallel_loop3A_373, %parallel_loop3A_374, %parallel_loop3A_375, %parallel_loop3A_376], %parallel_loop3A_370 {strides = array<i32>} : memref<2x16x8x128xf32, #tpu.memory_space<vmem>>, vector<16xf32>,
        %parallel_loop3A_378 = tpu.vector_load_idx %arg8[%parallel_loop3A_353] : memref<10000xf32, #tpu.memory_space<vmem>>[vector<16xi32>], vector<16xf32>,
        %parallel_loop3A_379 = arith.constant 0 : i32
        %parallel_loop3A_380 = arith.constant 3 : i32
        %parallel_loop3A_381 = arith.index_cast %parallel_loop3A_379 : i32 to index
        %parallel_loop3A_382 = arith.index_cast %parallel_loop3A_345 : i32 to index
        %parallel_loop3A_383 = arith.index_cast %parallel_loop3A_380 : i32 to index
        %parallel_loop3A_384 = arith.constant 0 : index
        %parallel_loop3A_385 = tpu.vector_load %arg14[%parallel_loop3A_381, %parallel_loop3A_382, %parallel_loop3A_383, %parallel_loop3A_384] {strides = array<i32>} : memref<2x16x8x128xf32, #tpu.memory_space<vmem>>, vector<16xf32>,
        tpu.vector_store %arg14[%parallel_loop3A_381, %parallel_loop3A_382, %parallel_loop3A_383, %parallel_loop3A_384], %parallel_loop3A_378 {strides = array<i32>} : memref<2x16x8x128xf32, #tpu.memory_space<vmem>>, vector<16xf32>,
        %parallel_loop3A_386 = tpu.vector_load_idx %arg9[%parallel_loop3A_353] : memref<10000xf32, #tpu.memory_space<vmem>>[vector<16xi32>], vector<16xf32>,
        %parallel_loop3A_387 = arith.constant 0 : i32
        %parallel_loop3A_388 = arith.constant 4 : i32
        %parallel_loop3A_389 = arith.index_cast %parallel_loop3A_387 : i32 to index
        %parallel_loop3A_390 = arith.index_cast %parallel_loop3A_345 : i32 to index
        %parallel_loop3A_391 = arith.index_cast %parallel_loop3A_388 : i32 to index
        %parallel_loop3A_392 = arith.constant 0 : index
        %parallel_loop3A_393 = tpu.vector_load %arg14[%parallel_loop3A_389, %parallel_loop3A_390, %parallel_loop3A_391, %parallel_loop3A_392] {strides = array<i32>} : memref<2x16x8x128xf32, #tpu.memory_space<vmem>>, vector<16xf32>,
        tpu.vector_store %arg14[%parallel_loop3A_389, %parallel_loop3A_390, %parallel_loop3A_391, %parallel_loop3A_392], %parallel_loop3A_386 {strides = array<i32>} : memref<2x16x8x128xf32, #tpu.memory_space<vmem>>, vector<16xf32>,
        %parallel_loop3A_394 = tpu.vector_load_idx %arg10[%parallel_loop3A_353] : memref<10000xf32, #tpu.memory_space<vmem>>[vector<16xi32>], vector<16xf32>,
        %parallel_loop3A_395 = arith.constant 0 : i32
        %parallel_loop3A_396 = arith.constant 5 : i32
        %parallel_loop3A_397 = arith.index_cast %parallel_loop3A_395 : i32 to index
        %parallel_loop3A_398 = arith.index_cast %parallel_loop3A_345 : i32 to index
        %parallel_loop3A_399 = arith.index_cast %parallel_loop3A_396 : i32 to index
        %parallel_loop3A_400 = arith.constant 0 : index
        %parallel_loop3A_401 = tpu.vector_load %arg14[%parallel_loop3A_397, %parallel_loop3A_398, %parallel_loop3A_399, %parallel_loop3A_400] {strides = array<i32>} : memref<2x16x8x128xf32, #tpu.memory_space<vmem>>, vector<16xf32>,
        tpu.vector_store %arg14[%parallel_loop3A_397, %parallel_loop3A_398, %parallel_loop3A_399, %parallel_loop3A_400], %parallel_loop3A_394 {strides = array<i32>} : memref<2x16x8x128xf32, #tpu.memory_space<vmem>>, vector<16xf32>,
        %parallel_loop3A_402 = tpu.vector_load_idx %arg11[%parallel_loop3A_353] : memref<10000xf32, #tpu.memory_space<vmem>>[vector<16xi32>], vector<16xf32>,
        %parallel_loop3A_403 = arith.constant 0 : i32
        %parallel_loop3A_404 = arith.constant 6 : i32
        %parallel_loop3A_405 = arith.index_cast %parallel_loop3A_403 : i32 to index
        %parallel_loop3A_406 = arith.index_cast %parallel_loop3A_345 : i32 to index
        %parallel_loop3A_407 = arith.index_cast %parallel_loop3A_404 : i32 to index
        %parallel_loop3A_408 = arith.constant 0 : index
        %parallel_loop3A_409 = tpu.vector_load %arg14[%parallel_loop3A_405, %parallel_loop3A_406, %parallel_loop3A_407, %parallel_loop3A_408] {strides = array<i32>} : memref<2x16x8x128xf32, #tpu.memory_space<vmem>>, vector<16xf32>,
        tpu.vector_store %arg14[%parallel_loop3A_405, %parallel_loop3A_406, %parallel_loop3A_407, %parallel_loop3A_408], %parallel_loop3A_402 {strides = array<i32>} : memref<2x16x8x128xf32, #tpu.memory_space<vmem>>, vector<16xf32>,
        %parallel_loop3A_410 = tpu.vector_load_idx %arg12[%parallel_loop3A_353] : memref<10000xf32, #tpu.memory_space<vmem>>[vector<16xi32>], vector<16xf32>,
        %parallel_loop3A_411 = arith.constant 0 : i32
        %parallel_loop3A_412 = arith.constant 7 : i32
        %parallel_loop3A_413 = arith.index_cast %parallel_loop3A_411 : i32 to index
        %parallel_loop3A_414 = arith.index_cast %parallel_loop3A_345 : i32 to index
        %parallel_loop3A_415 = arith.index_cast %parallel_loop3A_412 : i32 to index
        %parallel_loop3A_416 = arith.constant 0 : index
        %parallel_loop3A_417 = tpu.vector_load %arg14[%parallel_loop3A_413, %parallel_loop3A_414, %parallel_loop3A_415, %parallel_loop3A_416] {strides = array<i32>} : memref<2x16x8x128xf32, #tpu.memory_space<vmem>>, vector<16xf32>,
        tpu.vector_store %arg14[%parallel_loop3A_413, %parallel_loop3A_414, %parallel_loop3A_415, %parallel_loop3A_416], %parallel_loop3A_410 {strides = array<i32>} : memref<2x16x8x128xf32, #tpu.memory_space<vmem>>, vector<16xf32>,
        %parallel_loop3A_418 = arith.constant 16 : i32
        %parallel_loop3A_419 = arith.addi %parallel_loop3A_347, %parallel_loop3A_418 : i32
        %parallel_loop3A_420 = arith.constant 0 : i32
        %parallel_loop3A_421 = arith.index_cast %parallel_loop3A_420 : i32 to index
        %parallel_loop3A_422 = arith.index_cast %parallel_loop3A_419 : i32 to index
        %parallel_loop3A_423 = tpu.vector_load %arg13[%parallel_loop3A_421, %parallel_loop3A_422] {strides = array<i32>} : memref<2x2048xi32, #tpu.memory_space<vmem>>, vector<16xi32>,
        %parallel_loop3A_424 = tpu.vector_load_idx %arg5[%parallel_loop3A_423] : memref<10000xf32, #tpu.memory_space<vmem>>[vector<16xi32>], vector<16xf32>,
        %parallel_loop3A_425 = arith.constant 0 : i32
        %parallel_loop3A_426 = arith.constant 0 : i32
        %parallel_loop3A_427 = arith.index_cast %parallel_loop3A_425 : i32 to index
        %parallel_loop3A_428 = arith.index_cast %parallel_loop3A_345 : i32 to index
        %parallel_loop3A_429 = arith.index_cast %parallel_loop3A_426 : i32 to index
        %parallel_loop3A_430 = arith.constant 16 : index
        %parallel_loop3A_431 = tpu.vector_load %arg14[%parallel_loop3A_427, %parallel_loop3A_428, %parallel_loop3A_429, %parallel_loop3A_430] {strides = array<i32>} : memref<2x16x8x128xf32, #tpu.memory_space<vmem>>, vector<16xf32>,
        tpu.vector_store %arg14[%parallel_loop3A_427, %parallel_loop3A_428, %parallel_loop3A_429, %parallel_loop3A_430], %parallel_loop3A_424 {strides = array<i32>} : memref<2x16x8x128xf32, #tpu.memory_space<vmem>>, vector<16xf32>,
        %parallel_loop3A_432 = tpu.vector_load_idx %arg6[%parallel_loop3A_423] : memref<10000xf32, #tpu.memory_space<vmem>>[vector<16xi32>], vector<16xf32>,
        %parallel_loop3A_433 = arith.constant 0 : i32
        %parallel_loop3A_434 = arith.constant 1 : i32
        %parallel_loop3A_435 = arith.index_cast %parallel_loop3A_433 : i32 to index
        %parallel_loop3A_436 = arith.index_cast %parallel_loop3A_345 : i32 to index
        %parallel_loop3A_437 = arith.index_cast %parallel_loop3A_434 : i32 to index
        %parallel_loop3A_438 = arith.constant 16 : index
        %parallel_loop3A_439 = tpu.vector_load %arg14[%parallel_loop3A_435, %parallel_loop3A_436, %parallel_loop3A_437, %parallel_loop3A_438] {strides = array<i32>} : memref<2x16x8x128xf32, #tpu.memory_space<vmem>>, vector<16xf32>,
        tpu.vector_store %arg14[%parallel_loop3A_435, %parallel_loop3A_436, %parallel_loop3A_437, %parallel_loop3A_438], %parallel_loop3A_432 {strides = array<i32>} : memref<2x16x8x128xf32, #tpu.memory_space<vmem>>, vector<16xf32>,
        %parallel_loop3A_440 = tpu.vector_load_idx %arg7[%parallel_loop3A_423] : memref<10000xf32, #tpu.memory_space<vmem>>[vector<16xi32>], vector<16xf32>,
        %parallel_loop3A_441 = arith.constant 0 : i32
        %parallel_loop3A_442 = arith.constant 2 : i32
        %parallel_loop3A_443 = arith.index_cast %parallel_loop3A_441 : i32 to index
        %parallel_loop3A_444 = arith.index_cast %parallel_loop3A_345 : i32 to index
        %parallel_loop3A_445 = arith.index_cast %parallel_loop3A_442 : i32 to index
        %parallel_loop3A_446 = arith.constant 16 : index
        %parallel_loop3A_447 = tpu.vector_load %arg14[%parallel_loop3A_443, %parallel_loop3A_444, %parallel_loop3A_445, %parallel_loop3A_446] {strides = array<i32>} : memref<2x16x8x128xf32, #tpu.memory_space<vmem>>, vector<16xf32>,
        tpu.vector_store %arg14[%parallel_loop3A_443, %parallel_loop3A_444, %parallel_loop3A_445, %parallel_loop3A_446], %parallel_loop3A_440 {strides = array<i32>} : memref<2x16x8x128xf32, #tpu.memory_space<vmem>>, vector<16xf32>,
        %parallel_loop3A_448 = tpu.vector_load_idx %arg8[%parallel_loop3A_423] : memref<10000xf32, #tpu.memory_space<vmem>>[vector<16xi32>], vector<16xf32>,
        %parallel_loop3A_449 = arith.constant 0 : i32
        %parallel_loop3A_450 = arith.constant 3 : i32
        %parallel_loop3A_451 = arith.index_cast %parallel_loop3A_449 : i32 to index
        %parallel_loop3A_452 = arith.index_cast %parallel_loop3A_345 : i32 to index
        %parallel_loop3A_453 = arith.index_cast %parallel_loop3A_450 : i32 to index
        %parallel_loop3A_454 = arith.constant 16 : index
        %parallel_loop3A_455 = tpu.vector_load %arg14[%parallel_loop3A_451, %parallel_loop3A_452, %parallel_loop3A_453, %parallel_loop3A_454] {strides = array<i32>} : memref<2x16x8x128xf32, #tpu.memory_space<vmem>>, vector<16xf32>,
        tpu.vector_store %arg14[%parallel_loop3A_451, %parallel_loop3A_452, %parallel_loop3A_453, %parallel_loop3A_454], %parallel_loop3A_448 {strides = array<i32>} : memref<2x16x8x128xf32, #tpu.memory_space<vmem>>, vector<16xf32>,
        %parallel_loop3A_456 = tpu.vector_load_idx %arg9[%parallel_loop3A_423] : memref<10000xf32, #tpu.memory_space<vmem>>[vector<16xi32>], vector<16xf32>,
        %parallel_loop3A_457 = arith.constant 0 : i32
        %parallel_loop3A_458 = arith.constant 4 : i32
        %parallel_loop3A_459 = arith.index_cast %parallel_loop3A_457 : i32 to index
        %parallel_loop3A_460 = arith.index_cast %parallel_loop3A_345 : i32 to index
        %parallel_loop3A_461 = arith.index_cast %parallel_loop3A_458 : i32 to index
        %parallel_loop3A_462 = arith.constant 16 : index
        %parallel_loop3A_463 = tpu.vector_load %arg14[%parallel_loop3A_459, %parallel_loop3A_460, %parallel_loop3A_461, %parallel_loop3A_462] {strides = array<i32>} : memref<2x16x8x128xf32, #tpu.memory_space<vmem>>, vector<16xf32>,
        tpu.vector_store %arg14[%parallel_loop3A_459, %parallel_loop3A_460, %parallel_loop3A_461, %parallel_loop3A_462], %parallel_loop3A_456 {strides = array<i32>} : memref<2x16x8x128xf32, #tpu.memory_space<vmem>>, vector<16xf32>,
        %parallel_loop3A_464 = tpu.vector_load_idx %arg10[%parallel_loop3A_423] : memref<10000xf32, #tpu.memory_space<vmem>>[vector<16xi32>], vector<16xf32>,
        %parallel_loop3A_465 = arith.constant 0 : i32
        %parallel_loop3A_466 = arith.constant 5 : i32
        %parallel_loop3A_467 = arith.index_cast %parallel_loop3A_465 : i32 to index
        %parallel_loop3A_468 = arith.index_cast %parallel_loop3A_345 : i32 to index
        %parallel_loop3A_469 = arith.index_cast %parallel_loop3A_466 : i32 to index
        %parallel_loop3A_470 = arith.constant 16 : index
        %parallel_loop3A_471 = tpu.vector_load %arg14[%parallel_loop3A_467, %parallel_loop3A_468, %parallel_loop3A_469, %parallel_loop3A_470] {strides = array<i32>} : memref<2x16x8x128xf32, #tpu.memory_space<vmem>>, vector<16xf32>,
        tpu.vector_store %arg14[%parallel_loop3A_467, %parallel_loop3A_468, %parallel_loop3A_469, %parallel_loop3A_470], %parallel_loop3A_464 {strides = array<i32>} : memref<2x16x8x128xf32, #tpu.memory_space<vmem>>, vector<16xf32>,
        %parallel_loop3A_472 = tpu.vector_load_idx %arg11[%parallel_loop3A_423] : memref<10000xf32, #tpu.memory_space<vmem>>[vector<16xi32>], vector<16xf32>,
        %parallel_loop3A_473 = arith.constant 0 : i32
        %parallel_loop3A_474 = arith.constant 6 : i32
        %parallel_loop3A_475 = arith.index_cast %parallel_loop3A_473 : i32 to index
        %parallel_loop3A_476 = arith.index_cast %parallel_loop3A_345 : i32 to index
        %parallel_loop3A_477 = arith.index_cast %parallel_loop3A_474 : i32 to index
        %parallel_loop3A_478 = arith.constant 16 : index
        %parallel_loop3A_479 = tpu.vector_load %arg14[%parallel_loop3A_475, %parallel_loop3A_476, %parallel_loop3A_477, %parallel_loop3A_478] {strides = array<i32>} : memref<2x16x8x128xf32, #tpu.memory_space<vmem>>, vector<16xf32>,
        tpu.vector_store %arg14[%parallel_loop3A_475, %parallel_loop3A_476, %parallel_loop3A_477, %parallel_loop3A_478], %parallel_loop3A_472 {strides = array<i32>} : memref<2x16x8x128xf32, #tpu.memory_space<vmem>>, vector<16xf32>,
        %parallel_loop3A_480 = tpu.vector_load_idx %arg12[%parallel_loop3A_423] : memref<10000xf32, #tpu.memory_space<vmem>>[vector<16xi32>], vector<16xf32>,
        %parallel_loop3A_481 = arith.constant 0 : i32
        %parallel_loop3A_482 = arith.constant 7 : i32
        %parallel_loop3A_483 = arith.index_cast %parallel_loop3A_481 : i32 to index
        %parallel_loop3A_484 = arith.index_cast %parallel_loop3A_345 : i32 to index
        %parallel_loop3A_485 = arith.index_cast %parallel_loop3A_482 : i32 to index
        %parallel_loop3A_486 = arith.constant 16 : index
        %parallel_loop3A_487 = tpu.vector_load %arg14[%parallel_loop3A_483, %parallel_loop3A_484, %parallel_loop3A_485, %parallel_loop3A_486] {strides = array<i32>} : memref<2x16x8x128xf32, #tpu.memory_space<vmem>>, vector<16xf32>,
        tpu.vector_store %arg14[%parallel_loop3A_483, %parallel_loop3A_484, %parallel_loop3A_485, %parallel_loop3A_486], %parallel_loop3A_480 {strides = array<i32>} : memref<2x16x8x128xf32, #tpu.memory_space<vmem>>, vector<16xf32>,
        %parallel_loop3A_488 = arith.constant 32 : i32
        %parallel_loop3A_489 = arith.addi %parallel_loop3A_347, %parallel_loop3A_488 : i32
        %parallel_loop3A_490 = arith.constant 0 : i32
        %parallel_loop3A_491 = arith.index_cast %parallel_loop3A_490 : i32 to index
        %parallel_loop3A_492 = arith.index_cast %parallel_loop3A_489 : i32 to index
        %parallel_loop3A_493 = tpu.vector_load %arg13[%parallel_loop3A_491, %parallel_loop3A_492] {strides = array<i32>} : memref<2x2048xi32, #tpu.memory_space<vmem>>, vector<16xi32>,
        %parallel_loop3A_494 = tpu.vector_load_idx %arg5[%parallel_loop3A_493] : memref<10000xf32, #tpu.memory_space<vmem>>[vector<16xi32>], vector<16xf32>,
        %parallel_loop3A_495 = arith.constant 0 : i32
        %parallel_loop3A_496 = arith.constant 0 : i32
        %parallel_loop3A_497 = arith.index_cast %parallel_loop3A_495 : i32 to index
        %parallel_loop3A_498 = arith.index_cast %parallel_loop3A_345 : i32 to index
        %parallel_loop3A_499 = arith.index_cast %parallel_loop3A_496 : i32 to index
        %parallel_loop3A_500 = arith.constant 32 : index
        %parallel_loop3A_501 = tpu.vector_load %arg14[%parallel_loop3A_497, %parallel_loop3A_498, %parallel_loop3A_499, %parallel_loop3A_500] {strides = array<i32>} : memref<2x16x8x128xf32, #tpu.memory_space<vmem>>, vector<16xf32>,
        tpu.vector_store %arg14[%parallel_loop3A_497, %parallel_loop3A_498, %parallel_loop3A_499, %parallel_loop3A_500], %parallel_loop3A_494 {strides = array<i32>} : memref<2x16x8x128xf32, #tpu.memory_space<vmem>>, vector<16xf32>,
        %parallel_loop3A_502 = tpu.vector_load_idx %arg6[%parallel_loop3A_493] : memref<10000xf32, #tpu.memory_space<vmem>>[vector<16xi32>], vector<16xf32>,
        %parallel_loop3A_503 = arith.constant 0 : i32
        %parallel_loop3A_504 = arith.constant 1 : i32
        %parallel_loop3A_505 = arith.index_cast %parallel_loop3A_503 : i32 to index
        %parallel_loop3A_506 = arith.index_cast %parallel_loop3A_345 : i32 to index
        %parallel_loop3A_507 = arith.index_cast %parallel_loop3A_504 : i32 to index
        %parallel_loop3A_508 = arith.constant 32 : index
        %parallel_loop3A_509 = tpu.vector_load %arg14[%parallel_loop3A_505, %parallel_loop3A_506, %parallel_loop3A_507, %parallel_loop3A_508] {strides = array<i32>} : memref<2x16x8x128xf32, #tpu.memory_space<vmem>>, vector<16xf32>,
        tpu.vector_store %arg14[%parallel_loop3A_505, %parallel_loop3A_506, %parallel_loop3A_507, %parallel_loop3A_508], %parallel_loop3A_502 {strides = array<i32>} : memref<2x16x8x128xf32, #tpu.memory_space<vmem>>, vector<16xf32>,
        %parallel_loop3A_510 = tpu.vector_load_idx %arg7[%parallel_loop3A_493] : memref<10000xf32, #tpu.memory_space<vmem>>[vector<16xi32>], vector<16xf32>,
        %parallel_loop3A_511 = arith.constant 0 : i32
        %parallel_loop3A_512 = arith.constant 2 : i32
        %parallel_loop3A_513 = arith.index_cast %parallel_loop3A_511 : i32 to index
        %parallel_loop3A_514 = arith.index_cast %parallel_loop3A_345 : i32 to index
        %parallel_loop3A_515 = arith.index_cast %parallel_loop3A_512 : i32 to index
        %parallel_loop3A_516 = arith.constant 32 : index
        %parallel_loop3A_517 = tpu.vector_load %arg14[%parallel_loop3A_513, %parallel_loop3A_514, %parallel_loop3A_515, %parallel_loop3A_516] {strides = array<i32>} : memref<2x16x8x128xf32, #tpu.memory_space<vmem>>, vector<16xf32>,
        tpu.vector_store %arg14[%parallel_loop3A_513, %parallel_loop3A_514, %parallel_loop3A_515, %parallel_loop3A_516], %parallel_loop3A_510 {strides = array<i32>} : memref<2x16x8x128xf32, #tpu.memory_space<vmem>>, vector<16xf32>,
        %parallel_loop3A_518 = tpu.vector_load_idx %arg8[%parallel_loop3A_493] : memref<10000xf32, #tpu.memory_space<vmem>>[vector<16xi32>], vector<16xf32>,
        %parallel_loop3A_519 = arith.constant 0 : i32
        %parallel_loop3A_520 = arith.constant 3 : i32
        %parallel_loop3A_521 = arith.index_cast %parallel_loop3A_519 : i32 to index
        %parallel_loop3A_522 = arith.index_cast %parallel_loop3A_345 : i32 to index
        %parallel_loop3A_523 = arith.index_cast %parallel_loop3A_520 : i32 to index
        %parallel_loop3A_524 = arith.constant 32 : index
        %parallel_loop3A_525 = tpu.vector_load %arg14[%parallel_loop3A_521, %parallel_loop3A_522, %parallel_loop3A_523, %parallel_loop3A_524] {strides = array<i32>} : memref<2x16x8x128xf32, #tpu.memory_space<vmem>>, vector<16xf32>,
        tpu.vector_store %arg14[%parallel_loop3A_521, %parallel_loop3A_522, %parallel_loop3A_523, %parallel_loop3A_524], %parallel_loop3A_518 {strides = array<i32>} : memref<2x16x8x128xf32, #tpu.memory_space<vmem>>, vector<16xf32>,
        %parallel_loop3A_526 = tpu.vector_load_idx %arg9[%parallel_loop3A_493] : memref<10000xf32, #tpu.memory_space<vmem>>[vector<16xi32>], vector<16xf32>,
        %parallel_loop3A_527 = arith.constant 0 : i32
        %parallel_loop3A_528 = arith.constant 4 : i32
        %parallel_loop3A_529 = arith.index_cast %parallel_loop3A_527 : i32 to index
        %parallel_loop3A_530 = arith.index_cast %parallel_loop3A_345 : i32 to index
        %parallel_loop3A_531 = arith.index_cast %parallel_loop3A_528 : i32 to index
        %parallel_loop3A_532 = arith.constant 32 : index
        %parallel_loop3A_533 = tpu.vector_load %arg14[%parallel_loop3A_529, %parallel_loop3A_530, %parallel_loop3A_531, %parallel_loop3A_532] {strides = array<i32>} : memref<2x16x8x128xf32, #tpu.memory_space<vmem>>, vector<16xf32>,
        tpu.vector_store %arg14[%parallel_loop3A_529, %parallel_loop3A_530, %parallel_loop3A_531, %parallel_loop3A_532], %parallel_loop3A_526 {strides = array<i32>} : memref<2x16x8x128xf32, #tpu.memory_space<vmem>>, vector<16xf32>,
        %parallel_loop3A_534 = tpu.vector_load_idx %arg10[%parallel_loop3A_493] : memref<10000xf32, #tpu.memory_space<vmem>>[vector<16xi32>], vector<16xf32>,
        %parallel_loop3A_535 = arith.constant 0 : i32
        %parallel_loop3A_536 = arith.constant 5 : i32
        %parallel_loop3A_537 = arith.index_cast %parallel_loop3A_535 : i32 to index
        %parallel_loop3A_538 = arith.index_cast %parallel_loop3A_345 : i32 to index
        %parallel_loop3A_539 = arith.index_cast %parallel_loop3A_536 : i32 to index
        %parallel_loop3A_540 = arith.constant 32 : index
        %parallel_loop3A_541 = tpu.vector_load %arg14[%parallel_loop3A_537, %parallel_loop3A_538, %parallel_loop3A_539, %parallel_loop3A_540] {strides = array<i32>} : memref<2x16x8x128xf32, #tpu.memory_space<vmem>>, vector<16xf32>,
        tpu.vector_store %arg14[%parallel_loop3A_537, %parallel_loop3A_538, %parallel_loop3A_539, %parallel_loop3A_540], %parallel_loop3A_534 {strides = array<i32>} : memref<2x16x8x128xf32, #tpu.memory_space<vmem>>, vector<16xf32>,
        %parallel_loop3A_542 = tpu.vector_load_idx %arg11[%parallel_loop3A_493] : memref<10000xf32, #tpu.memory_space<vmem>>[vector<16xi32>], vector<16xf32>,
        %parallel_loop3A_543 = arith.constant 0 : i32
        %parallel_loop3A_544 = arith.constant 6 : i32
        %parallel_loop3A_545 = arith.index_cast %parallel_loop3A_543 : i32 to index
        %parallel_loop3A_546 = arith.index_cast %parallel_loop3A_345 : i32 to index
        %parallel_loop3A_547 = arith.index_cast %parallel_loop3A_544 : i32 to index
        %parallel_loop3A_548 = arith.constant 32 : index
        %parallel_loop3A_549 = tpu.vector_load %arg14[%parallel_loop3A_545, %parallel_loop3A_546, %parallel_loop3A_547, %parallel_loop3A_548] {strides = array<i32>} : memref<2x16x8x128xf32, #tpu.memory_space<vmem>>, vector<16xf32>,
        tpu.vector_store %arg14[%parallel_loop3A_545, %parallel_loop3A_546, %parallel_loop3A_547, %parallel_loop3A_548], %parallel_loop3A_542 {strides = array<i32>} : memref<2x16x8x128xf32, #tpu.memory_space<vmem>>, vector<16xf32>,
        %parallel_loop3A_550 = tpu.vector_load_idx %arg12[%parallel_loop3A_493] : memref<10000xf32, #tpu.memory_space<vmem>>[vector<16xi32>], vector<16xf32>,
        %parallel_loop3A_551 = arith.constant 0 : i32
        %parallel_loop3A_552 = arith.constant 7 : i32
        %parallel_loop3A_553 = arith.index_cast %parallel_loop3A_551 : i32 to index
        %parallel_loop3A_554 = arith.index_cast %parallel_loop3A_345 : i32 to index
        %parallel_loop3A_555 = arith.index_cast %parallel_loop3A_552 : i32 to index
        %parallel_loop3A_556 = arith.constant 32 : index
        %parallel_loop3A_557 = tpu.vector_load %arg14[%parallel_loop3A_553, %parallel_loop3A_554, %parallel_loop3A_555, %parallel_loop3A_556] {strides = array<i32>} : memref<2x16x8x128xf32, #tpu.memory_space<vmem>>, vector<16xf32>,
        tpu.vector_store %arg14[%parallel_loop3A_553, %parallel_loop3A_554, %parallel_loop3A_555, %parallel_loop3A_556], %parallel_loop3A_550 {strides = array<i32>} : memref<2x16x8x128xf32, #tpu.memory_space<vmem>>, vector<16xf32>,
        %parallel_loop3A_558 = arith.constant 48 : i32
        %parallel_loop3A_559 = arith.addi %parallel_loop3A_347, %parallel_loop3A_558 : i32
        %parallel_loop3A_560 = arith.constant 0 : i32
        %parallel_loop3A_561 = arith.index_cast %parallel_loop3A_560 : i32 to index
        %parallel_loop3A_562 = arith.index_cast %parallel_loop3A_559 : i32 to index
        %parallel_loop3A_563 = tpu.vector_load %arg13[%parallel_loop3A_561, %parallel_loop3A_562] {strides = array<i32>} : memref<2x2048xi32, #tpu.memory_space<vmem>>, vector<16xi32>,
        %parallel_loop3A_564 = tpu.vector_load_idx %arg5[%parallel_loop3A_563] : memref<10000xf32, #tpu.memory_space<vmem>>[vector<16xi32>], vector<16xf32>,
        %parallel_loop3A_565 = arith.constant 0 : i32
        %parallel_loop3A_566 = arith.constant 0 : i32
        %parallel_loop3A_567 = arith.index_cast %parallel_loop3A_565 : i32 to index
        %parallel_loop3A_568 = arith.index_cast %parallel_loop3A_345 : i32 to index
        %parallel_loop3A_569 = arith.index_cast %parallel_loop3A_566 : i32 to index
        %parallel_loop3A_570 = arith.constant 48 : index
        %parallel_loop3A_571 = tpu.vector_load %arg14[%parallel_loop3A_567, %parallel_loop3A_568, %parallel_loop3A_569, %parallel_loop3A_570] {strides = array<i32>} : memref<2x16x8x128xf32, #tpu.memory_space<vmem>>, vector<16xf32>,
        tpu.vector_store %arg14[%parallel_loop3A_567, %parallel_loop3A_568, %parallel_loop3A_569, %parallel_loop3A_570], %parallel_loop3A_564 {strides = array<i32>} : memref<2x16x8x128xf32, #tpu.memory_space<vmem>>, vector<16xf32>,
        %parallel_loop3A_572 = tpu.vector_load_idx %arg6[%parallel_loop3A_563] : memref<10000xf32, #tpu.memory_space<vmem>>[vector<16xi32>], vector<16xf32>,
        %parallel_loop3A_573 = arith.constant 0 : i32
        %parallel_loop3A_574 = arith.constant 1 : i32
        %parallel_loop3A_575 = arith.index_cast %parallel_loop3A_573 : i32 to index
        %parallel_loop3A_576 = arith.index_cast %parallel_loop3A_345 : i32 to index
        %parallel_loop3A_577 = arith.index_cast %parallel_loop3A_574 : i32 to index
        %parallel_loop3A_578 = arith.constant 48 : index
        %parallel_loop3A_579 = tpu.vector_load %arg14[%parallel_loop3A_575, %parallel_loop3A_576, %parallel_loop3A_577, %parallel_loop3A_578] {strides = array<i32>} : memref<2x16x8x128xf32, #tpu.memory_space<vmem>>, vector<16xf32>,
        tpu.vector_store %arg14[%parallel_loop3A_575, %parallel_loop3A_576, %parallel_loop3A_577, %parallel_loop3A_578], %parallel_loop3A_572 {strides = array<i32>} : memref<2x16x8x128xf32, #tpu.memory_space<vmem>>, vector<16xf32>,
        %parallel_loop3A_580 = tpu.vector_load_idx %arg7[%parallel_loop3A_563] : memref<10000xf32, #tpu.memory_space<vmem>>[vector<16xi32>], vector<16xf32>,
        %parallel_loop3A_581 = arith.constant 0 : i32
        %parallel_loop3A_582 = arith.constant 2 : i32
        %parallel_loop3A_583 = arith.index_cast %parallel_loop3A_581 : i32 to index
        %parallel_loop3A_584 = arith.index_cast %parallel_loop3A_345 : i32 to index
        %parallel_loop3A_585 = arith.index_cast %parallel_loop3A_582 : i32 to index
        %parallel_loop3A_586 = arith.constant 48 : index
        %parallel_loop3A_587 = tpu.vector_load %arg14[%parallel_loop3A_583, %parallel_loop3A_584, %parallel_loop3A_585, %parallel_loop3A_586] {strides = array<i32>} : memref<2x16x8x128xf32, #tpu.memory_space<vmem>>, vector<16xf32>,
        tpu.vector_store %arg14[%parallel_loop3A_583, %parallel_loop3A_584, %parallel_loop3A_585, %parallel_loop3A_586], %parallel_loop3A_580 {strides = array<i32>} : memref<2x16x8x128xf32, #tpu.memory_space<vmem>>, vector<16xf32>,
        %parallel_loop3A_588 = tpu.vector_load_idx %arg8[%parallel_loop3A_563] : memref<10000xf32, #tpu.memory_space<vmem>>[vector<16xi32>], vector<16xf32>,
        %parallel_loop3A_589 = arith.constant 0 : i32
        %parallel_loop3A_590 = arith.constant 3 : i32
        %parallel_loop3A_591 = arith.index_cast %parallel_loop3A_589 : i32 to index
        %parallel_loop3A_592 = arith.index_cast %parallel_loop3A_345 : i32 to index
        %parallel_loop3A_593 = arith.index_cast %parallel_loop3A_590 : i32 to index
        %parallel_loop3A_594 = arith.constant 48 : index
        %parallel_loop3A_595 = tpu.vector_load %arg14[%parallel_loop3A_591, %parallel_loop3A_592, %parallel_loop3A_593, %parallel_loop3A_594] {strides = array<i32>} : memref<2x16x8x128xf32, #tpu.memory_space<vmem>>, vector<16xf32>,
        tpu.vector_store %arg14[%parallel_loop3A_591, %parallel_loop3A_592, %parallel_loop3A_593, %parallel_loop3A_594], %parallel_loop3A_588 {strides = array<i32>} : memref<2x16x8x128xf32, #tpu.memory_space<vmem>>, vector<16xf32>,
        %parallel_loop3A_596 = tpu.vector_load_idx %arg9[%parallel_loop3A_563] : memref<10000xf32, #tpu.memory_space<vmem>>[vector<16xi32>], vector<16xf32>,
        %parallel_loop3A_597 = arith.constant 0 : i32
        %parallel_loop3A_598 = arith.constant 4 : i32
        %parallel_loop3A_599 = arith.index_cast %parallel_loop3A_597 : i32 to index
        %parallel_loop3A_600 = arith.index_cast %parallel_loop3A_345 : i32 to index
        %parallel_loop3A_601 = arith.index_cast %parallel_loop3A_598 : i32 to index
        %parallel_loop3A_602 = arith.constant 48 : index
        %parallel_loop3A_603 = tpu.vector_load %arg14[%parallel_loop3A_599, %parallel_loop3A_600, %parallel_loop3A_601, %parallel_loop3A_602] {strides = array<i32>} : memref<2x16x8x128xf32, #tpu.memory_space<vmem>>, vector<16xf32>,
        tpu.vector_store %arg14[%parallel_loop3A_599, %parallel_loop3A_600, %parallel_loop3A_601, %parallel_loop3A_602], %parallel_loop3A_596 {strides = array<i32>} : memref<2x16x8x128xf32, #tpu.memory_space<vmem>>, vector<16xf32>,
        %parallel_loop3A_604 = tpu.vector_load_idx %arg10[%parallel_loop3A_563] : memref<10000xf32, #tpu.memory_space<vmem>>[vector<16xi32>], vector<16xf32>,
        %parallel_loop3A_605 = arith.constant 0 : i32
        %parallel_loop3A_606 = arith.constant 5 : i32
        %parallel_loop3A_607 = arith.index_cast %parallel_loop3A_605 : i32 to index
        %parallel_loop3A_608 = arith.index_cast %parallel_loop3A_345 : i32 to index
        %parallel_loop3A_609 = arith.index_cast %parallel_loop3A_606 : i32 to index
        %parallel_loop3A_610 = arith.constant 48 : index
        %parallel_loop3A_611 = tpu.vector_load %arg14[%parallel_loop3A_607, %parallel_loop3A_608, %parallel_loop3A_609, %parallel_loop3A_610] {strides = array<i32>} : memref<2x16x8x128xf32, #tpu.memory_space<vmem>>, vector<16xf32>,
        tpu.vector_store %arg14[%parallel_loop3A_607, %parallel_loop3A_608, %parallel_loop3A_609, %parallel_loop3A_610], %parallel_loop3A_604 {strides = array<i32>} : memref<2x16x8x128xf32, #tpu.memory_space<vmem>>, vector<16xf32>,
        %parallel_loop3A_612 = tpu.vector_load_idx %arg11[%parallel_loop3A_563] : memref<10000xf32, #tpu.memory_space<vmem>>[vector<16xi32>], vector<16xf32>,
        %parallel_loop3A_613 = arith.constant 0 : i32
        %parallel_loop3A_614 = arith.constant 6 : i32
        %parallel_loop3A_615 = arith.index_cast %parallel_loop3A_613 : i32 to index
        %parallel_loop3A_616 = arith.index_cast %parallel_loop3A_345 : i32 to index
        %parallel_loop3A_617 = arith.index_cast %parallel_loop3A_614 : i32 to index
        %parallel_loop3A_618 = arith.constant 48 : index
        %parallel_loop3A_619 = tpu.vector_load %arg14[%parallel_loop3A_615, %parallel_loop3A_616, %parallel_loop3A_617, %parallel_loop3A_618] {strides = array<i32>} : memref<2x16x8x128xf32, #tpu.memory_space<vmem>>, vector<16xf32>,
        tpu.vector_store %arg14[%parallel_loop3A_615, %parallel_loop3A_616, %parallel_loop3A_617, %parallel_loop3A_618], %parallel_loop3A_612 {strides = array<i32>} : memref<2x16x8x128xf32, #tpu.memory_space<vmem>>, vector<16xf32>,
        %parallel_loop3A_620 = tpu.vector_load_idx %arg12[%parallel_loop3A_563] : memref<10000xf32, #tpu.memory_space<vmem>>[vector<16xi32>], vector<16xf32>,
        %parallel_loop3A_621 = arith.constant 0 : i32
        %parallel_loop3A_622 = arith.constant 7 : i32
        %parallel_loop3A_623 = arith.index_cast %parallel_loop3A_621 : i32 to index
        %parallel_loop3A_624 = arith.index_cast %parallel_loop3A_345 : i32 to index
        %parallel_loop3A_625 = arith.index_cast %parallel_loop3A_622 : i32 to index
        %parallel_loop3A_626 = arith.constant 48 : index
        %parallel_loop3A_627 = tpu.vector_load %arg14[%parallel_loop3A_623, %parallel_loop3A_624, %parallel_loop3A_625, %parallel_loop3A_626] {strides = array<i32>} : memref<2x16x8x128xf32, #tpu.memory_space<vmem>>, vector<16xf32>,
        tpu.vector_store %arg14[%parallel_loop3A_623, %parallel_loop3A_624, %parallel_loop3A_625, %parallel_loop3A_626], %parallel_loop3A_620 {strides = array<i32>} : memref<2x16x8x128xf32, #tpu.memory_space<vmem>>, vector<16xf32>,
        %parallel_loop3A_628 = arith.constant 64 : i32
        %parallel_loop3A_629 = arith.addi %parallel_loop3A_347, %parallel_loop3A_628 : i32
        %parallel_loop3A_630 = arith.constant 0 : i32
        %parallel_loop3A_631 = arith.index_cast %parallel_loop3A_630 : i32 to index
        %parallel_loop3A_632 = arith.index_cast %parallel_loop3A_629 : i32 to index
        %parallel_loop3A_633 = tpu.vector_load %arg13[%parallel_loop3A_631, %parallel_loop3A_632] {strides = array<i32>} : memref<2x2048xi32, #tpu.memory_space<vmem>>, vector<16xi32>,
        %parallel_loop3A_634 = tpu.vector_load_idx %arg5[%parallel_loop3A_633] : memref<10000xf32, #tpu.memory_space<vmem>>[vector<16xi32>], vector<16xf32>,
        %parallel_loop3A_635 = arith.constant 0 : i32
        %parallel_loop3A_636 = arith.constant 0 : i32
        %parallel_loop3A_637 = arith.index_cast %parallel_loop3A_635 : i32 to index
        %parallel_loop3A_638 = arith.index_cast %parallel_loop3A_345 : i32 to index
        %parallel_loop3A_639 = arith.index_cast %parallel_loop3A_636 : i32 to index
        %parallel_loop3A_640 = arith.constant 64 : index
        %parallel_loop3A_641 = tpu.vector_load %arg14[%parallel_loop3A_637, %parallel_loop3A_638, %parallel_loop3A_639, %parallel_loop3A_640] {strides = array<i32>} : memref<2x16x8x128xf32, #tpu.memory_space<vmem>>, vector<16xf32>,
        tpu.vector_store %arg14[%parallel_loop3A_637, %parallel_loop3A_638, %parallel_loop3A_639, %parallel_loop3A_640], %parallel_loop3A_634 {strides = array<i32>} : memref<2x16x8x128xf32, #tpu.memory_space<vmem>>, vector<16xf32>,
        %parallel_loop3A_642 = tpu.vector_load_idx %arg6[%parallel_loop3A_633] : memref<10000xf32, #tpu.memory_space<vmem>>[vector<16xi32>], vector<16xf32>,
        %parallel_loop3A_643 = arith.constant 0 : i32
        %parallel_loop3A_644 = arith.constant 1 : i32
        %parallel_loop3A_645 = arith.index_cast %parallel_loop3A_643 : i32 to index
        %parallel_loop3A_646 = arith.index_cast %parallel_loop3A_345 : i32 to index
        %parallel_loop3A_647 = arith.index_cast %parallel_loop3A_644 : i32 to index
        %parallel_loop3A_648 = arith.constant 64 : index
        %parallel_loop3A_649 = tpu.vector_load %arg14[%parallel_loop3A_645, %parallel_loop3A_646, %parallel_loop3A_647, %parallel_loop3A_648] {strides = array<i32>} : memref<2x16x8x128xf32, #tpu.memory_space<vmem>>, vector<16xf32>,
        tpu.vector_store %arg14[%parallel_loop3A_645, %parallel_loop3A_646, %parallel_loop3A_647, %parallel_loop3A_648], %parallel_loop3A_642 {strides = array<i32>} : memref<2x16x8x128xf32, #tpu.memory_space<vmem>>, vector<16xf32>,
        %parallel_loop3A_650 = tpu.vector_load_idx %arg7[%parallel_loop3A_633] : memref<10000xf32, #tpu.memory_space<vmem>>[vector<16xi32>], vector<16xf32>,
        %parallel_loop3A_651 = arith.constant 0 : i32
        %parallel_loop3A_652 = arith.constant 2 : i32
        %parallel_loop3A_653 = arith.index_cast %parallel_loop3A_651 : i32 to index
        %parallel_loop3A_654 = arith.index_cast %parallel_loop3A_345 : i32 to index
        %parallel_loop3A_655 = arith.index_cast %parallel_loop3A_652 : i32 to index
        %parallel_loop3A_656 = arith.constant 64 : index
        %parallel_loop3A_657 = tpu.vector_load %arg14[%parallel_loop3A_653, %parallel_loop3A_654, %parallel_loop3A_655, %parallel_loop3A_656] {strides = array<i32>} : memref<2x16x8x128xf32, #tpu.memory_space<vmem>>, vector<16xf32>,
        tpu.vector_store %arg14[%parallel_loop3A_653, %parallel_loop3A_654, %parallel_loop3A_655, %parallel_loop3A_656], %parallel_loop3A_650 {strides = array<i32>} : memref<2x16x8x128xf32, #tpu.memory_space<vmem>>, vector<16xf32>,
        %parallel_loop3A_658 = tpu.vector_load_idx %arg8[%parallel_loop3A_633] : memref<10000xf32, #tpu.memory_space<vmem>>[vector<16xi32>], vector<16xf32>,
        %parallel_loop3A_659 = arith.constant 0 : i32
        %parallel_loop3A_660 = arith.constant 3 : i32
        %parallel_loop3A_661 = arith.index_cast %parallel_loop3A_659 : i32 to index
        %parallel_loop3A_662 = arith.index_cast %parallel_loop3A_345 : i32 to index
        %parallel_loop3A_663 = arith.index_cast %parallel_loop3A_660 : i32 to index
        %parallel_loop3A_664 = arith.constant 64 : index
        %parallel_loop3A_665 = tpu.vector_load %arg14[%parallel_loop3A_661, %parallel_loop3A_662, %parallel_loop3A_663, %parallel_loop3A_664] {strides = array<i32>} : memref<2x16x8x128xf32, #tpu.memory_space<vmem>>, vector<16xf32>,
        tpu.vector_store %arg14[%parallel_loop3A_661, %parallel_loop3A_662, %parallel_loop3A_663, %parallel_loop3A_664], %parallel_loop3A_658 {strides = array<i32>} : memref<2x16x8x128xf32, #tpu.memory_space<vmem>>, vector<16xf32>,
        %parallel_loop3A_666 = tpu.vector_load_idx %arg9[%parallel_loop3A_633] : memref<10000xf32, #tpu.memory_space<vmem>>[vector<16xi32>], vector<16xf32>,
        %parallel_loop3A_667 = arith.constant 0 : i32
        %parallel_loop3A_668 = arith.constant 4 : i32
        %parallel_loop3A_669 = arith.index_cast %parallel_loop3A_667 : i32 to index
        %parallel_loop3A_670 = arith.index_cast %parallel_loop3A_345 : i32 to index
        %parallel_loop3A_671 = arith.index_cast %parallel_loop3A_668 : i32 to index
        %parallel_loop3A_672 = arith.constant 64 : index
        %parallel_loop3A_673 = tpu.vector_load %arg14[%parallel_loop3A_669, %parallel_loop3A_670, %parallel_loop3A_671, %parallel_loop3A_672] {strides = array<i32>} : memref<2x16x8x128xf32, #tpu.memory_space<vmem>>, vector<16xf32>,
        tpu.vector_store %arg14[%parallel_loop3A_669, %parallel_loop3A_670, %parallel_loop3A_671, %parallel_loop3A_672], %parallel_loop3A_666 {strides = array<i32>} : memref<2x16x8x128xf32, #tpu.memory_space<vmem>>, vector<16xf32>,
        %parallel_loop3A_674 = tpu.vector_load_idx %arg10[%parallel_loop3A_633] : memref<10000xf32, #tpu.memory_space<vmem>>[vector<16xi32>], vector<16xf32>,
        %parallel_loop3A_675 = arith.constant 0 : i32
        %parallel_loop3A_676 = arith.constant 5 : i32
        %parallel_loop3A_677 = arith.index_cast %parallel_loop3A_675 : i32 to index
        %parallel_loop3A_678 = arith.index_cast %parallel_loop3A_345 : i32 to index
        %parallel_loop3A_679 = arith.index_cast %parallel_loop3A_676 : i32 to index
        %parallel_loop3A_680 = arith.constant 64 : index
        %parallel_loop3A_681 = tpu.vector_load %arg14[%parallel_loop3A_677, %parallel_loop3A_678, %parallel_loop3A_679, %parallel_loop3A_680] {strides = array<i32>} : memref<2x16x8x128xf32, #tpu.memory_space<vmem>>, vector<16xf32>,
        tpu.vector_store %arg14[%parallel_loop3A_677, %parallel_loop3A_678, %parallel_loop3A_679, %parallel_loop3A_680], %parallel_loop3A_674 {strides = array<i32>} : memref<2x16x8x128xf32, #tpu.memory_space<vmem>>, vector<16xf32>,
        %parallel_loop3A_682 = tpu.vector_load_idx %arg11[%parallel_loop3A_633] : memref<10000xf32, #tpu.memory_space<vmem>>[vector<16xi32>], vector<16xf32>,
        %parallel_loop3A_683 = arith.constant 0 : i32
        %parallel_loop3A_684 = arith.constant 6 : i32
        %parallel_loop3A_685 = arith.index_cast %parallel_loop3A_683 : i32 to index
        %parallel_loop3A_686 = arith.index_cast %parallel_loop3A_345 : i32 to index
        %parallel_loop3A_687 = arith.index_cast %parallel_loop3A_684 : i32 to index
        %parallel_loop3A_688 = arith.constant 64 : index
        %parallel_loop3A_689 = tpu.vector_load %arg14[%parallel_loop3A_685, %parallel_loop3A_686, %parallel_loop3A_687, %parallel_loop3A_688] {strides = array<i32>} : memref<2x16x8x128xf32, #tpu.memory_space<vmem>>, vector<16xf32>,
        tpu.vector_store %arg14[%parallel_loop3A_685, %parallel_loop3A_686, %parallel_loop3A_687, %parallel_loop3A_688], %parallel_loop3A_682 {strides = array<i32>} : memref<2x16x8x128xf32, #tpu.memory_space<vmem>>, vector<16xf32>,
        %parallel_loop3A_690 = tpu.vector_load_idx %arg12[%parallel_loop3A_633] : memref<10000xf32, #tpu.memory_space<vmem>>[vector<16xi32>], vector<16xf32>,
        %parallel_loop3A_691 = arith.constant 0 : i32
        %parallel_loop3A_692 = arith.constant 7 : i32
        %parallel_loop3A_693 = arith.index_cast %parallel_loop3A_691 : i32 to index
        %parallel_loop3A_694 = arith.index_cast %parallel_loop3A_345 : i32 to index
        %parallel_loop3A_695 = arith.index_cast %parallel_loop3A_692 : i32 to index
        %parallel_loop3A_696 = arith.constant 64 : index
        %parallel_loop3A_697 = tpu.vector_load %arg14[%parallel_loop3A_693, %parallel_loop3A_694, %parallel_loop3A_695, %parallel_loop3A_696] {strides = array<i32>} : memref<2x16x8x128xf32, #tpu.memory_space<vmem>>, vector<16xf32>,
        tpu.vector_store %arg14[%parallel_loop3A_693, %parallel_loop3A_694, %parallel_loop3A_695, %parallel_loop3A_696], %parallel_loop3A_690 {strides = array<i32>} : memref<2x16x8x128xf32, #tpu.memory_space<vmem>>, vector<16xf32>,
        %parallel_loop3A_698 = arith.constant 80 : i32
        %parallel_loop3A_699 = arith.addi %parallel_loop3A_347, %parallel_loop3A_698 : i32
        %parallel_loop3A_700 = arith.constant 0 : i32
        %parallel_loop3A_701 = arith.index_cast %parallel_loop3A_700 : i32 to index
        %parallel_loop3A_702 = arith.index_cast %parallel_loop3A_699 : i32 to index
        %parallel_loop3A_703 = tpu.vector_load %arg13[%parallel_loop3A_701, %parallel_loop3A_702] {strides = array<i32>} : memref<2x2048xi32, #tpu.memory_space<vmem>>, vector<16xi32>,
        %parallel_loop3A_704 = tpu.vector_load_idx %arg5[%parallel_loop3A_703] : memref<10000xf32, #tpu.memory_space<vmem>>[vector<16xi32>], vector<16xf32>,
        %parallel_loop3A_705 = arith.constant 0 : i32
        %parallel_loop3A_706 = arith.constant 0 : i32
        %parallel_loop3A_707 = arith.index_cast %parallel_loop3A_705 : i32 to index
        %parallel_loop3A_708 = arith.index_cast %parallel_loop3A_345 : i32 to index
        %parallel_loop3A_709 = arith.index_cast %parallel_loop3A_706 : i32 to index
        %parallel_loop3A_710 = arith.constant 80 : index
        %parallel_loop3A_711 = tpu.vector_load %arg14[%parallel_loop3A_707, %parallel_loop3A_708, %parallel_loop3A_709, %parallel_loop3A_710] {strides = array<i32>} : memref<2x16x8x128xf32, #tpu.memory_space<vmem>>, vector<16xf32>,
        tpu.vector_store %arg14[%parallel_loop3A_707, %parallel_loop3A_708, %parallel_loop3A_709, %parallel_loop3A_710], %parallel_loop3A_704 {strides = array<i32>} : memref<2x16x8x128xf32, #tpu.memory_space<vmem>>, vector<16xf32>,
        %parallel_loop3A_712 = tpu.vector_load_idx %arg6[%parallel_loop3A_703] : memref<10000xf32, #tpu.memory_space<vmem>>[vector<16xi32>], vector<16xf32>,
        %parallel_loop3A_713 = arith.constant 0 : i32
        %parallel_loop3A_714 = arith.constant 1 : i32
        %parallel_loop3A_715 = arith.index_cast %parallel_loop3A_713 : i32 to index
        %parallel_loop3A_716 = arith.index_cast %parallel_loop3A_345 : i32 to index
        %parallel_loop3A_717 = arith.index_cast %parallel_loop3A_714 : i32 to index
        %parallel_loop3A_718 = arith.constant 80 : index
        %parallel_loop3A_719 = tpu.vector_load %arg14[%parallel_loop3A_715, %parallel_loop3A_716, %parallel_loop3A_717, %parallel_loop3A_718] {strides = array<i32>} : memref<2x16x8x128xf32, #tpu.memory_space<vmem>>, vector<16xf32>,
        tpu.vector_store %arg14[%parallel_loop3A_715, %parallel_loop3A_716, %parallel_loop3A_717, %parallel_loop3A_718], %parallel_loop3A_712 {strides = array<i32>} : memref<2x16x8x128xf32, #tpu.memory_space<vmem>>, vector<16xf32>,
        %parallel_loop3A_720 = tpu.vector_load_idx %arg7[%parallel_loop3A_703] : memref<10000xf32, #tpu.memory_space<vmem>>[vector<16xi32>], vector<16xf32>,
        %parallel_loop3A_721 = arith.constant 0 : i32
        %parallel_loop3A_722 = arith.constant 2 : i32
        %parallel_loop3A_723 = arith.index_cast %parallel_loop3A_721 : i32 to index
        %parallel_loop3A_724 = arith.index_cast %parallel_loop3A_345 : i32 to index
        %parallel_loop3A_725 = arith.index_cast %parallel_loop3A_722 : i32 to index
        %parallel_loop3A_726 = arith.constant 80 : index
        %parallel_loop3A_727 = tpu.vector_load %arg14[%parallel_loop3A_723, %parallel_loop3A_724, %parallel_loop3A_725, %parallel_loop3A_726] {strides = array<i32>} : memref<2x16x8x128xf32, #tpu.memory_space<vmem>>, vector<16xf32>,
        tpu.vector_store %arg14[%parallel_loop3A_723, %parallel_loop3A_724, %parallel_loop3A_725, %parallel_loop3A_726], %parallel_loop3A_720 {strides = array<i32>} : memref<2x16x8x128xf32, #tpu.memory_space<vmem>>, vector<16xf32>,
        %parallel_loop3A_728 = tpu.vector_load_idx %arg8[%parallel_loop3A_703] : memref<10000xf32, #tpu.memory_space<vmem>>[vector<16xi32>], vector<16xf32>,
        %parallel_loop3A_729 = arith.constant 0 : i32
        %parallel_loop3A_730 = arith.constant 3 : i32
        %parallel_loop3A_731 = arith.index_cast %parallel_loop3A_729 : i32 to index
        %parallel_loop3A_732 = arith.index_cast %parallel_loop3A_345 : i32 to index
        %parallel_loop3A_733 = arith.index_cast %parallel_loop3A_730 : i32 to index
        %parallel_loop3A_734 = arith.constant 80 : index
        %parallel_loop3A_735 = tpu.vector_load %arg14[%parallel_loop3A_731, %parallel_loop3A_732, %parallel_loop3A_733, %parallel_loop3A_734] {strides = array<i32>} : memref<2x16x8x128xf32, #tpu.memory_space<vmem>>, vector<16xf32>,
        tpu.vector_store %arg14[%parallel_loop3A_731, %parallel_loop3A_732, %parallel_loop3A_733, %parallel_loop3A_734], %parallel_loop3A_728 {strides = array<i32>} : memref<2x16x8x128xf32, #tpu.memory_space<vmem>>, vector<16xf32>,
        %parallel_loop3A_736 = tpu.vector_load_idx %arg9[%parallel_loop3A_703] : memref<10000xf32, #tpu.memory_space<vmem>>[vector<16xi32>], vector<16xf32>,
        %parallel_loop3A_737 = arith.constant 0 : i32
        %parallel_loop3A_738 = arith.constant 4 : i32
        %parallel_loop3A_739 = arith.index_cast %parallel_loop3A_737 : i32 to index
        %parallel_loop3A_740 = arith.index_cast %parallel_loop3A_345 : i32 to index
        %parallel_loop3A_741 = arith.index_cast %parallel_loop3A_738 : i32 to index
        %parallel_loop3A_742 = arith.constant 80 : index
        %parallel_loop3A_743 = tpu.vector_load %arg14[%parallel_loop3A_739, %parallel_loop3A_740, %parallel_loop3A_741, %parallel_loop3A_742] {strides = array<i32>} : memref<2x16x8x128xf32, #tpu.memory_space<vmem>>, vector<16xf32>,
        tpu.vector_store %arg14[%parallel_loop3A_739, %parallel_loop3A_740, %parallel_loop3A_741, %parallel_loop3A_742], %parallel_loop3A_736 {strides = array<i32>} : memref<2x16x8x128xf32, #tpu.memory_space<vmem>>, vector<16xf32>,
        %parallel_loop3A_744 = tpu.vector_load_idx %arg10[%parallel_loop3A_703] : memref<10000xf32, #tpu.memory_space<vmem>>[vector<16xi32>], vector<16xf32>,
        %parallel_loop3A_745 = arith.constant 0 : i32
        %parallel_loop3A_746 = arith.constant 5 : i32
        %parallel_loop3A_747 = arith.index_cast %parallel_loop3A_745 : i32 to index
        %parallel_loop3A_748 = arith.index_cast %parallel_loop3A_345 : i32 to index
        %parallel_loop3A_749 = arith.index_cast %parallel_loop3A_746 : i32 to index
        %parallel_loop3A_750 = arith.constant 80 : index
        %parallel_loop3A_751 = tpu.vector_load %arg14[%parallel_loop3A_747, %parallel_loop3A_748, %parallel_loop3A_749, %parallel_loop3A_750] {strides = array<i32>} : memref<2x16x8x128xf32, #tpu.memory_space<vmem>>, vector<16xf32>,
        tpu.vector_store %arg14[%parallel_loop3A_747, %parallel_loop3A_748, %parallel_loop3A_749, %parallel_loop3A_750], %parallel_loop3A_744 {strides = array<i32>} : memref<2x16x8x128xf32, #tpu.memory_space<vmem>>, vector<16xf32>,
        %parallel_loop3A_752 = tpu.vector_load_idx %arg11[%parallel_loop3A_703] : memref<10000xf32, #tpu.memory_space<vmem>>[vector<16xi32>], vector<16xf32>,
        %parallel_loop3A_753 = arith.constant 0 : i32
        %parallel_loop3A_754 = arith.constant 6 : i32
        %parallel_loop3A_755 = arith.index_cast %parallel_loop3A_753 : i32 to index
        %parallel_loop3A_756 = arith.index_cast %parallel_loop3A_345 : i32 to index
        %parallel_loop3A_757 = arith.index_cast %parallel_loop3A_754 : i32 to index
        %parallel_loop3A_758 = arith.constant 80 : index
        %parallel_loop3A_759 = tpu.vector_load %arg14[%parallel_loop3A_755, %parallel_loop3A_756, %parallel_loop3A_757, %parallel_loop3A_758] {strides = array<i32>} : memref<2x16x8x128xf32, #tpu.memory_space<vmem>>, vector<16xf32>,
        tpu.vector_store %arg14[%parallel_loop3A_755, %parallel_loop3A_756, %parallel_loop3A_757, %parallel_loop3A_758], %parallel_loop3A_752 {strides = array<i32>} : memref<2x16x8x128xf32, #tpu.memory_space<vmem>>, vector<16xf32>,
        %parallel_loop3A_760 = tpu.vector_load_idx %arg12[%parallel_loop3A_703] : memref<10000xf32, #tpu.memory_space<vmem>>[vector<16xi32>], vector<16xf32>,
        %parallel_loop3A_761 = arith.constant 0 : i32
        %parallel_loop3A_762 = arith.constant 7 : i32
        %parallel_loop3A_763 = arith.index_cast %parallel_loop3A_761 : i32 to index
        %parallel_loop3A_764 = arith.index_cast %parallel_loop3A_345 : i32 to index
        %parallel_loop3A_765 = arith.index_cast %parallel_loop3A_762 : i32 to index
        %parallel_loop3A_766 = arith.constant 80 : index
        %parallel_loop3A_767 = tpu.vector_load %arg14[%parallel_loop3A_763, %parallel_loop3A_764, %parallel_loop3A_765, %parallel_loop3A_766] {strides = array<i32>} : memref<2x16x8x128xf32, #tpu.memory_space<vmem>>, vector<16xf32>,
        tpu.vector_store %arg14[%parallel_loop3A_763, %parallel_loop3A_764, %parallel_loop3A_765, %parallel_loop3A_766], %parallel_loop3A_760 {strides = array<i32>} : memref<2x16x8x128xf32, #tpu.memory_space<vmem>>, vector<16xf32>,
        %parallel_loop3A_768 = arith.constant 96 : i32
        %parallel_loop3A_769 = arith.addi %parallel_loop3A_347, %parallel_loop3A_768 : i32
        %parallel_loop3A_770 = arith.constant 0 : i32
        %parallel_loop3A_771 = arith.index_cast %parallel_loop3A_770 : i32 to index
        %parallel_loop3A_772 = arith.index_cast %parallel_loop3A_769 : i32 to index
        %parallel_loop3A_773 = tpu.vector_load %arg13[%parallel_loop3A_771, %parallel_loop3A_772] {strides = array<i32>} : memref<2x2048xi32, #tpu.memory_space<vmem>>, vector<16xi32>,
        %parallel_loop3A_774 = tpu.vector_load_idx %arg5[%parallel_loop3A_773] : memref<10000xf32, #tpu.memory_space<vmem>>[vector<16xi32>], vector<16xf32>,
        %parallel_loop3A_775 = arith.constant 0 : i32
        %parallel_loop3A_776 = arith.constant 0 : i32
        %parallel_loop3A_777 = arith.index_cast %parallel_loop3A_775 : i32 to index
        %parallel_loop3A_778 = arith.index_cast %parallel_loop3A_345 : i32 to index
        %parallel_loop3A_779 = arith.index_cast %parallel_loop3A_776 : i32 to index
        %parallel_loop3A_780 = arith.constant 96 : index
        %parallel_loop3A_781 = tpu.vector_load %arg14[%parallel_loop3A_777, %parallel_loop3A_778, %parallel_loop3A_779, %parallel_loop3A_780] {strides = array<i32>} : memref<2x16x8x128xf32, #tpu.memory_space<vmem>>, vector<16xf32>,
        tpu.vector_store %arg14[%parallel_loop3A_777, %parallel_loop3A_778, %parallel_loop3A_779, %parallel_loop3A_780], %parallel_loop3A_774 {strides = array<i32>} : memref<2x16x8x128xf32, #tpu.memory_space<vmem>>, vector<16xf32>,
        %parallel_loop3A_782 = tpu.vector_load_idx %arg6[%parallel_loop3A_773] : memref<10000xf32, #tpu.memory_space<vmem>>[vector<16xi32>], vector<16xf32>,
        %parallel_loop3A_783 = arith.constant 0 : i32
        %parallel_loop3A_784 = arith.constant 1 : i32
        %parallel_loop3A_785 = arith.index_cast %parallel_loop3A_783 : i32 to index
        %parallel_loop3A_786 = arith.index_cast %parallel_loop3A_345 : i32 to index
        %parallel_loop3A_787 = arith.index_cast %parallel_loop3A_784 : i32 to index
        %parallel_loop3A_788 = arith.constant 96 : index
        %parallel_loop3A_789 = tpu.vector_load %arg14[%parallel_loop3A_785, %parallel_loop3A_786, %parallel_loop3A_787, %parallel_loop3A_788] {strides = array<i32>} : memref<2x16x8x128xf32, #tpu.memory_space<vmem>>, vector<16xf32>,
        tpu.vector_store %arg14[%parallel_loop3A_785, %parallel_loop3A_786, %parallel_loop3A_787, %parallel_loop3A_788], %parallel_loop3A_782 {strides = array<i32>} : memref<2x16x8x128xf32, #tpu.memory_space<vmem>>, vector<16xf32>,
        %parallel_loop3A_790 = tpu.vector_load_idx %arg7[%parallel_loop3A_773] : memref<10000xf32, #tpu.memory_space<vmem>>[vector<16xi32>], vector<16xf32>,
        %parallel_loop3A_791 = arith.constant 0 : i32
        %parallel_loop3A_792 = arith.constant 2 : i32
        %parallel_loop3A_793 = arith.index_cast %parallel_loop3A_791 : i32 to index
        %parallel_loop3A_794 = arith.index_cast %parallel_loop3A_345 : i32 to index
        %parallel_loop3A_795 = arith.index_cast %parallel_loop3A_792 : i32 to index
        %parallel_loop3A_796 = arith.constant 96 : index
        %parallel_loop3A_797 = tpu.vector_load %arg14[%parallel_loop3A_793, %parallel_loop3A_794, %parallel_loop3A_795, %parallel_loop3A_796] {strides = array<i32>} : memref<2x16x8x128xf32, #tpu.memory_space<vmem>>, vector<16xf32>,
        tpu.vector_store %arg14[%parallel_loop3A_793, %parallel_loop3A_794, %parallel_loop3A_795, %parallel_loop3A_796], %parallel_loop3A_790 {strides = array<i32>} : memref<2x16x8x128xf32, #tpu.memory_space<vmem>>, vector<16xf32>,
        %parallel_loop3A_798 = tpu.vector_load_idx %arg8[%parallel_loop3A_773] : memref<10000xf32, #tpu.memory_space<vmem>>[vector<16xi32>], vector<16xf32>,
        %parallel_loop3A_799 = arith.constant 0 : i32
        %parallel_loop3A_800 = arith.constant 3 : i32
        %parallel_loop3A_801 = arith.index_cast %parallel_loop3A_799 : i32 to index
        %parallel_loop3A_802 = arith.index_cast %parallel_loop3A_345 : i32 to index
        %parallel_loop3A_803 = arith.index_cast %parallel_loop3A_800 : i32 to index
        %parallel_loop3A_804 = arith.constant 96 : index
        %parallel_loop3A_805 = tpu.vector_load %arg14[%parallel_loop3A_801, %parallel_loop3A_802, %parallel_loop3A_803, %parallel_loop3A_804] {strides = array<i32>} : memref<2x16x8x128xf32, #tpu.memory_space<vmem>>, vector<16xf32>,
        tpu.vector_store %arg14[%parallel_loop3A_801, %parallel_loop3A_802, %parallel_loop3A_803, %parallel_loop3A_804], %parallel_loop3A_798 {strides = array<i32>} : memref<2x16x8x128xf32, #tpu.memory_space<vmem>>, vector<16xf32>,
        %parallel_loop3A_806 = tpu.vector_load_idx %arg9[%parallel_loop3A_773] : memref<10000xf32, #tpu.memory_space<vmem>>[vector<16xi32>], vector<16xf32>,
        %parallel_loop3A_807 = arith.constant 0 : i32
        %parallel_loop3A_808 = arith.constant 4 : i32
        %parallel_loop3A_809 = arith.index_cast %parallel_loop3A_807 : i32 to index
        %parallel_loop3A_810 = arith.index_cast %parallel_loop3A_345 : i32 to index
        %parallel_loop3A_811 = arith.index_cast %parallel_loop3A_808 : i32 to index
        %parallel_loop3A_812 = arith.constant 96 : index
        %parallel_loop3A_813 = tpu.vector_load %arg14[%parallel_loop3A_809, %parallel_loop3A_810, %parallel_loop3A_811, %parallel_loop3A_812] {strides = array<i32>} : memref<2x16x8x128xf32, #tpu.memory_space<vmem>>, vector<16xf32>,
        tpu.vector_store %arg14[%parallel_loop3A_809, %parallel_loop3A_810, %parallel_loop3A_811, %parallel_loop3A_812], %parallel_loop3A_806 {strides = array<i32>} : memref<2x16x8x128xf32, #tpu.memory_space<vmem>>, vector<16xf32>,
        %parallel_loop3A_814 = tpu.vector_load_idx %arg10[%parallel_loop3A_773] : memref<10000xf32, #tpu.memory_space<vmem>>[vector<16xi32>], vector<16xf32>,
        %parallel_loop3A_815 = arith.constant 0 : i32
        %parallel_loop3A_816 = arith.constant 5 : i32
        %parallel_loop3A_817 = arith.index_cast %parallel_loop3A_815 : i32 to index
        %parallel_loop3A_818 = arith.index_cast %parallel_loop3A_345 : i32 to index
        %parallel_loop3A_819 = arith.index_cast %parallel_loop3A_816 : i32 to index
        %parallel_loop3A_820 = arith.constant 96 : index
        %parallel_loop3A_821 = tpu.vector_load %arg14[%parallel_loop3A_817, %parallel_loop3A_818, %parallel_loop3A_819, %parallel_loop3A_820] {strides = array<i32>} : memref<2x16x8x128xf32, #tpu.memory_space<vmem>>, vector<16xf32>,
        tpu.vector_store %arg14[%parallel_loop3A_817, %parallel_loop3A_818, %parallel_loop3A_819, %parallel_loop3A_820], %parallel_loop3A_814 {strides = array<i32>} : memref<2x16x8x128xf32, #tpu.memory_space<vmem>>, vector<16xf32>,
        %parallel_loop3A_822 = tpu.vector_load_idx %arg11[%parallel_loop3A_773] : memref<10000xf32, #tpu.memory_space<vmem>>[vector<16xi32>], vector<16xf32>,
        %parallel_loop3A_823 = arith.constant 0 : i32
        %parallel_loop3A_824 = arith.constant 6 : i32
        %parallel_loop3A_825 = arith.index_cast %parallel_loop3A_823 : i32 to index
        %parallel_loop3A_826 = arith.index_cast %parallel_loop3A_345 : i32 to index
        %parallel_loop3A_827 = arith.index_cast %parallel_loop3A_824 : i32 to index
        %parallel_loop3A_828 = arith.constant 96 : index
        %parallel_loop3A_829 = tpu.vector_load %arg14[%parallel_loop3A_825, %parallel_loop3A_826, %parallel_loop3A_827, %parallel_loop3A_828] {strides = array<i32>} : memref<2x16x8x128xf32, #tpu.memory_space<vmem>>, vector<16xf32>,
        tpu.vector_store %arg14[%parallel_loop3A_825, %parallel_loop3A_826, %parallel_loop3A_827, %parallel_loop3A_828], %parallel_loop3A_822 {strides = array<i32>} : memref<2x16x8x128xf32, #tpu.memory_space<vmem>>, vector<16xf32>,
        %parallel_loop3A_830 = tpu.vector_load_idx %arg12[%parallel_loop3A_773] : memref<10000xf32, #tpu.memory_space<vmem>>[vector<16xi32>], vector<16xf32>,
        %parallel_loop3A_831 = arith.constant 0 : i32
        %parallel_loop3A_832 = arith.constant 7 : i32
        %parallel_loop3A_833 = arith.index_cast %parallel_loop3A_831 : i32 to index
        %parallel_loop3A_834 = arith.index_cast %parallel_loop3A_345 : i32 to index
        %parallel_loop3A_835 = arith.index_cast %parallel_loop3A_832 : i32 to index
        %parallel_loop3A_836 = arith.constant 96 : index
        %parallel_loop3A_837 = tpu.vector_load %arg14[%parallel_loop3A_833, %parallel_loop3A_834, %parallel_loop3A_835, %parallel_loop3A_836] {strides = array<i32>} : memref<2x16x8x128xf32, #tpu.memory_space<vmem>>, vector<16xf32>,
        tpu.vector_store %arg14[%parallel_loop3A_833, %parallel_loop3A_834, %parallel_loop3A_835, %parallel_loop3A_836], %parallel_loop3A_830 {strides = array<i32>} : memref<2x16x8x128xf32, #tpu.memory_space<vmem>>, vector<16xf32>,
        %parallel_loop3A_838 = arith.constant 112 : i32
        %parallel_loop3A_839 = arith.addi %parallel_loop3A_347, %parallel_loop3A_838 : i32
        %parallel_loop3A_840 = arith.constant 0 : i32
        %parallel_loop3A_841 = arith.index_cast %parallel_loop3A_840 : i32 to index
        %parallel_loop3A_842 = arith.index_cast %parallel_loop3A_839 : i32 to index
        %parallel_loop3A_843 = tpu.vector_load %arg13[%parallel_loop3A_841, %parallel_loop3A_842] {strides = array<i32>} : memref<2x2048xi32, #tpu.memory_space<vmem>>, vector<16xi32>,
        %parallel_loop3A_844 = tpu.vector_load_idx %arg5[%parallel_loop3A_843] : memref<10000xf32, #tpu.memory_space<vmem>>[vector<16xi32>], vector<16xf32>,
        %parallel_loop3A_845 = arith.constant 0 : i32
        %parallel_loop3A_846 = arith.constant 0 : i32
        %parallel_loop3A_847 = arith.index_cast %parallel_loop3A_845 : i32 to index
        %parallel_loop3A_848 = arith.index_cast %parallel_loop3A_345 : i32 to index
        %parallel_loop3A_849 = arith.index_cast %parallel_loop3A_846 : i32 to index
        %parallel_loop3A_850 = arith.constant 112 : index
        %parallel_loop3A_851 = tpu.vector_load %arg14[%parallel_loop3A_847, %parallel_loop3A_848, %parallel_loop3A_849, %parallel_loop3A_850] {strides = array<i32>} : memref<2x16x8x128xf32, #tpu.memory_space<vmem>>, vector<16xf32>,
        tpu.vector_store %arg14[%parallel_loop3A_847, %parallel_loop3A_848, %parallel_loop3A_849, %parallel_loop3A_850], %parallel_loop3A_844 {strides = array<i32>} : memref<2x16x8x128xf32, #tpu.memory_space<vmem>>, vector<16xf32>,
        %parallel_loop3A_852 = tpu.vector_load_idx %arg6[%parallel_loop3A_843] : memref<10000xf32, #tpu.memory_space<vmem>>[vector<16xi32>], vector<16xf32>,
        %parallel_loop3A_853 = arith.constant 0 : i32
        %parallel_loop3A_854 = arith.constant 1 : i32
        %parallel_loop3A_855 = arith.index_cast %parallel_loop3A_853 : i32 to index
        %parallel_loop3A_856 = arith.index_cast %parallel_loop3A_345 : i32 to index
        %parallel_loop3A_857 = arith.index_cast %parallel_loop3A_854 : i32 to index
        %parallel_loop3A_858 = arith.constant 112 : index
        %parallel_loop3A_859 = tpu.vector_load %arg14[%parallel_loop3A_855, %parallel_loop3A_856, %parallel_loop3A_857, %parallel_loop3A_858] {strides = array<i32>} : memref<2x16x8x128xf32, #tpu.memory_space<vmem>>, vector<16xf32>,
        tpu.vector_store %arg14[%parallel_loop3A_855, %parallel_loop3A_856, %parallel_loop3A_857, %parallel_loop3A_858], %parallel_loop3A_852 {strides = array<i32>} : memref<2x16x8x128xf32, #tpu.memory_space<vmem>>, vector<16xf32>,
        %parallel_loop3A_860 = tpu.vector_load_idx %arg7[%parallel_loop3A_843] : memref<10000xf32, #tpu.memory_space<vmem>>[vector<16xi32>], vector<16xf32>,
        %parallel_loop3A_861 = arith.constant 0 : i32
        %parallel_loop3A_862 = arith.constant 2 : i32
        %parallel_loop3A_863 = arith.index_cast %parallel_loop3A_861 : i32 to index
        %parallel_loop3A_864 = arith.index_cast %parallel_loop3A_345 : i32 to index
        %parallel_loop3A_865 = arith.index_cast %parallel_loop3A_862 : i32 to index
        %parallel_loop3A_866 = arith.constant 112 : index
        %parallel_loop3A_867 = tpu.vector_load %arg14[%parallel_loop3A_863, %parallel_loop3A_864, %parallel_loop3A_865, %parallel_loop3A_866] {strides = array<i32>} : memref<2x16x8x128xf32, #tpu.memory_space<vmem>>, vector<16xf32>,
        tpu.vector_store %arg14[%parallel_loop3A_863, %parallel_loop3A_864, %parallel_loop3A_865, %parallel_loop3A_866], %parallel_loop3A_860 {strides = array<i32>} : memref<2x16x8x128xf32, #tpu.memory_space<vmem>>, vector<16xf32>,
        %parallel_loop3A_868 = tpu.vector_load_idx %arg8[%parallel_loop3A_843] : memref<10000xf32, #tpu.memory_space<vmem>>[vector<16xi32>], vector<16xf32>,
        %parallel_loop3A_869 = arith.constant 0 : i32
        %parallel_loop3A_870 = arith.constant 3 : i32
        %parallel_loop3A_871 = arith.index_cast %parallel_loop3A_869 : i32 to index
        %parallel_loop3A_872 = arith.index_cast %parallel_loop3A_345 : i32 to index
        %parallel_loop3A_873 = arith.index_cast %parallel_loop3A_870 : i32 to index
        %parallel_loop3A_874 = arith.constant 112 : index
        %parallel_loop3A_875 = tpu.vector_load %arg14[%parallel_loop3A_871, %parallel_loop3A_872, %parallel_loop3A_873, %parallel_loop3A_874] {strides = array<i32>} : memref<2x16x8x128xf32, #tpu.memory_space<vmem>>, vector<16xf32>,
        tpu.vector_store %arg14[%parallel_loop3A_871, %parallel_loop3A_872, %parallel_loop3A_873, %parallel_loop3A_874], %parallel_loop3A_868 {strides = array<i32>} : memref<2x16x8x128xf32, #tpu.memory_space<vmem>>, vector<16xf32>,
        %parallel_loop3A_876 = tpu.vector_load_idx %arg9[%parallel_loop3A_843] : memref<10000xf32, #tpu.memory_space<vmem>>[vector<16xi32>], vector<16xf32>,
        %parallel_loop3A_877 = arith.constant 0 : i32
        %parallel_loop3A_878 = arith.constant 4 : i32
        %parallel_loop3A_879 = arith.index_cast %parallel_loop3A_877 : i32 to index
        %parallel_loop3A_880 = arith.index_cast %parallel_loop3A_345 : i32 to index
        %parallel_loop3A_881 = arith.index_cast %parallel_loop3A_878 : i32 to index
        %parallel_loop3A_882 = arith.constant 112 : index
        %parallel_loop3A_883 = tpu.vector_load %arg14[%parallel_loop3A_879, %parallel_loop3A_880, %parallel_loop3A_881, %parallel_loop3A_882] {strides = array<i32>} : memref<2x16x8x128xf32, #tpu.memory_space<vmem>>, vector<16xf32>,
        tpu.vector_store %arg14[%parallel_loop3A_879, %parallel_loop3A_880, %parallel_loop3A_881, %parallel_loop3A_882], %parallel_loop3A_876 {strides = array<i32>} : memref<2x16x8x128xf32, #tpu.memory_space<vmem>>, vector<16xf32>,
        %parallel_loop3A_884 = tpu.vector_load_idx %arg10[%parallel_loop3A_843] : memref<10000xf32, #tpu.memory_space<vmem>>[vector<16xi32>], vector<16xf32>,
        %parallel_loop3A_885 = arith.constant 0 : i32
        %parallel_loop3A_886 = arith.constant 5 : i32
        %parallel_loop3A_887 = arith.index_cast %parallel_loop3A_885 : i32 to index
        %parallel_loop3A_888 = arith.index_cast %parallel_loop3A_345 : i32 to index
        %parallel_loop3A_889 = arith.index_cast %parallel_loop3A_886 : i32 to index
        %parallel_loop3A_890 = arith.constant 112 : index
        %parallel_loop3A_891 = tpu.vector_load %arg14[%parallel_loop3A_887, %parallel_loop3A_888, %parallel_loop3A_889, %parallel_loop3A_890] {strides = array<i32>} : memref<2x16x8x128xf32, #tpu.memory_space<vmem>>, vector<16xf32>,
        tpu.vector_store %arg14[%parallel_loop3A_887, %parallel_loop3A_888, %parallel_loop3A_889, %parallel_loop3A_890], %parallel_loop3A_884 {strides = array<i32>} : memref<2x16x8x128xf32, #tpu.memory_space<vmem>>, vector<16xf32>,
        %parallel_loop3A_892 = tpu.vector_load_idx %arg11[%parallel_loop3A_843] : memref<10000xf32, #tpu.memory_space<vmem>>[vector<16xi32>], vector<16xf32>,
        %parallel_loop3A_893 = arith.constant 0 : i32
        %parallel_loop3A_894 = arith.constant 6 : i32
        %parallel_loop3A_895 = arith.index_cast %parallel_loop3A_893 : i32 to index
        %parallel_loop3A_896 = arith.index_cast %parallel_loop3A_345 : i32 to index
        %parallel_loop3A_897 = arith.index_cast %parallel_loop3A_894 : i32 to index
        %parallel_loop3A_898 = arith.constant 112 : index
        %parallel_loop3A_899 = tpu.vector_load %arg14[%parallel_loop3A_895, %parallel_loop3A_896, %parallel_loop3A_897, %parallel_loop3A_898] {strides = array<i32>} : memref<2x16x8x128xf32, #tpu.memory_space<vmem>>, vector<16xf32>,
        tpu.vector_store %arg14[%parallel_loop3A_895, %parallel_loop3A_896, %parallel_loop3A_897, %parallel_loop3A_898], %parallel_loop3A_892 {strides = array<i32>} : memref<2x16x8x128xf32, #tpu.memory_space<vmem>>, vector<16xf32>,
        %parallel_loop3A_900 = tpu.vector_load_idx %arg12[%parallel_loop3A_843] : memref<10000xf32, #tpu.memory_space<vmem>>[vector<16xi32>], vector<16xf32>,
        %parallel_loop3A_901 = arith.constant 0 : i32
        %parallel_loop3A_902 = arith.constant 7 : i32
        %parallel_loop3A_903 = arith.index_cast %parallel_loop3A_901 : i32 to index
        %parallel_loop3A_904 = arith.index_cast %parallel_loop3A_345 : i32 to index
        %parallel_loop3A_905 = arith.index_cast %parallel_loop3A_902 : i32 to index
        %parallel_loop3A_906 = arith.constant 112 : index
        %parallel_loop3A_907 = tpu.vector_load %arg14[%parallel_loop3A_903, %parallel_loop3A_904, %parallel_loop3A_905, %parallel_loop3A_906] {strides = array<i32>} : memref<2x16x8x128xf32, #tpu.memory_space<vmem>>, vector<16xf32>,
        tpu.vector_store %arg14[%parallel_loop3A_903, %parallel_loop3A_904, %parallel_loop3A_905, %parallel_loop3A_906], %parallel_loop3A_900 {strides = array<i32>} : memref<2x16x8x128xf32, #tpu.memory_space<vmem>>, vector<16xf32>,
      } {sc.loop_unroll_factor = 2 : i64, sc.parallel_access}
      %mul3A_263 = arith.constant 16 : i32
      %mul3A_264 = arith.muli %select_n3A_30, %mul3A_263 : i32
      %dma_start3A_265 = arith.constant 0 : i32
      %dma_start3A_266 = arith.constant 0 : i32
      %dma_start3A_267 = arith.constant 0 : i32
      %dma_start3A_268 = arith.constant 0 : i32
      %dma_start3A_269 = tpu.memref_slice %arg14[%dma_start3A_265, %dma_start3A_266, %dma_start3A_267, %dma_start3A_268] : memref<2x16x8x128xf32, #tpu.memory_space<vmem>> -> memref<1x16x8x128xf32, #tpu.memory_space<vmem>>
      %dma_start3A_270 = tpu.memref_squeeze %dma_start3A_269 : memref<1x16x8x128xf32, #tpu.memory_space<vmem>> -> memref<16x8x128xf32, #tpu.memory_space<vmem>>
      %dma_start3A_271 = arith.constant 0 : i32
      %dma_start3A_272 = arith.constant 0 : i32
      %dma_start3A_273 = tpu.memref_slice %arg4[%add3A_244, %select_n3A_9, %mul3A_264, %dma_start3A_271, %dma_start3A_272] : memref<200x4x128x8x128xf32, #tpu.memory_space<hbm>> -> memref<1x1x16x8x128xf32, #tpu.memory_space<hbm>>
      %dma_start3A_274 = tpu.memref_squeeze %dma_start3A_273 : memref<1x1x16x8x128xf32, #tpu.memory_space<hbm>> -> memref<16x8x128xf32, #tpu.memory_space<hbm>>
      %dma_start3A_275 = arith.constant 0 : i32
      %dma_start3A_276 = arith.constant 0 : i32
      %dma_start3A_277 = tpu.memref_slice %arg4[%add3A_244, %select_n3A_9, %mul3A_264, %dma_start3A_275, %dma_start3A_276] : memref<200x4x128x8x128xf32, #tpu.memory_space<hbm>> -> memref<1x1x16x8x128xf32, #tpu.memory_space<hbm>>
      %dma_start3A_278 = tpu.memref_squeeze %dma_start3A_277 : memref<1x1x16x8x128xf32, #tpu.memory_space<hbm>> -> memref<16x8x128xf32, #tpu.memory_space<hbm>>
      %dma_start3A_279 = arith.constant 0 : i32
      %dma_start3A_280 = arith.constant 0 : i32
      %dma_start3A_281 = arith.constant 0 : i32
      %dma_start3A_282 = tpu.memref_slice %arg14[%dma_start3A_265, %dma_start3A_279, %dma_start3A_280, %dma_start3A_281] : memref<2x16x8x128xf32, #tpu.memory_space<vmem>> -> memref<1x16x8x128xf32, #tpu.memory_space<vmem>>
      %dma_start3A_283 = tpu.memref_squeeze %dma_start3A_282 : memref<1x16x8x128xf32, #tpu.memory_space<vmem>> -> memref<16x8x128xf32, #tpu.memory_space<vmem>>
      tpu.enqueue_dma source(%dma_start3A_283 : memref<16x8x128xf32, #tpu.memory_space<vmem>>) target(%dma_start3A_278 : memref<16x8x128xf32, #tpu.memory_space<hbm>>) target_semaphore(%arg17 : memref<!tpu.dma_semaphore, #tpu.memory_space<semaphore_mem>>)
      %add3A_284 = arith.constant 2 : i32
      %add3A_285 = arith.addi %add3A_244, %add3A_284 : i32
      %lt3A_286 = arith.constant 200 : i32
      %lt3A_287 = arith.cmpi slt, %add3A_285, %lt3A_286 : i32
      %convert_element_type3A_288 = arith.extui %lt3A_287 : i1 to i32
      %cond3A_289 = arith.constant 0 : i32
      %cond3A_290 = arith.cmpi ne, %convert_element_type3A_288, %cond3A_289 : i32
      scf.if %cond3A_290 {
        %dma_start3A_345 = arith.constant 0 : i32
        %dma_start3A_346 = arith.constant 0 : i32
        %dma_start3A_347 = tpu.memref_slice %arg13[%dma_start3A_345, %dma_start3A_346] : memref<2x2048xi32, #tpu.memory_space<vmem>> -> memref<1x2048xi32, #tpu.memory_space<vmem>>
        %dma_start3A_348 = tpu.memref_squeeze %dma_start3A_347 : memref<1x2048xi32, #tpu.memory_space<vmem>> -> memref<2048xi32, #tpu.memory_space<vmem>>
        %dma_start3A_349 = tpu.memref_slice %arg3[%add3A_285, %mul3A_32] : memref<200x16384xi32, #tpu.memory_space<hbm>> -> memref<1x2048xi32, #tpu.memory_space<hbm>>
        %dma_start3A_350 = tpu.memref_squeeze %dma_start3A_349 : memref<1x2048xi32, #tpu.memory_space<hbm>> -> memref<2048xi32, #tpu.memory_space<hbm>>
        %dma_start3A_351 = arith.constant 0 : i32
        %dma_start3A_352 = tpu.memref_slice %arg13[%dma_start3A_345, %dma_start3A_351] : memref<2x2048xi32, #tpu.memory_space<vmem>> -> memref<1x2048xi32, #tpu.memory_space<vmem>>
        %dma_start3A_353 = tpu.memref_squeeze %dma_start3A_352 : memref<1x2048xi32, #tpu.memory_space<vmem>> -> memref<2048xi32, #tpu.memory_space<vmem>>
        %dma_start3A_354 = tpu.memref_slice %arg3[%add3A_285, %mul3A_32] : memref<200x16384xi32, #tpu.memory_space<hbm>> -> memref<1x2048xi32, #tpu.memory_space<hbm>>
        %dma_start3A_355 = tpu.memref_squeeze %dma_start3A_354 : memref<1x2048xi32, #tpu.memory_space<hbm>> -> memref<2048xi32, #tpu.memory_space<hbm>>
        tpu.enqueue_dma source(%dma_start3A_355 : memref<2048xi32, #tpu.memory_space<hbm>>) target(%dma_start3A_353 : memref<2048xi32, #tpu.memory_space<vmem>>) target_semaphore(%arg15 : memref<!tpu.dma_semaphore, #tpu.memory_space<semaphore_mem>>)
      } else {
      }
      %mul3A_291 = arith.constant 2 : i32
      %mul3A_292 = arith.muli %scan3A_240, %mul3A_291 : i32
      %add3A_293 = arith.constant 1 : i32
      %add3A_294 = arith.addi %mul3A_292, %add3A_293 : i32
      %dma_wait3A_295 = arith.constant 0 : i32
      %dma_wait3A_296 = arith.constant 1 : i32
      %dma_wait3A_297 = arith.constant 0 : i32
      %dma_wait3A_298 = tpu.memref_slice %arg13[%dma_wait3A_296, %dma_wait3A_297] : memref<2x2048xi32, #tpu.memory_space<vmem>> -> memref<1x2048xi32, #tpu.memory_space<vmem>>
      %dma_wait3A_299 = tpu.memref_squeeze %dma_wait3A_298 : memref<1x2048xi32, #tpu.memory_space<vmem>> -> memref<2048xi32, #tpu.memory_space<vmem>>
      %dma_wait3A_300 = arith.constant 0 : i32
      %dma_wait3A_301 = tpu.memref_slice %arg3[%dma_wait3A_295, %dma_wait3A_300] : memref<200x16384xi32, #tpu.memory_space<hbm>> -> memref<1x2048xi32, #tpu.memory_space<hbm>>
      %dma_wait3A_302 = tpu.memref_squeeze %dma_wait3A_301 : memref<1x2048xi32, #tpu.memory_space<hbm>> -> memref<2048xi32, #tpu.memory_space<hbm>>
      %dma_wait3A_303 = arith.constant 0 : i32
      %dma_wait3A_304 = tpu.memref_slice %arg13[%dma_wait3A_296, %dma_wait3A_303] : memref<2x2048xi32, #tpu.memory_space<vmem>> -> memref<1x2048xi32, #tpu.memory_space<vmem>>
      %dma_wait3A_305 = tpu.memref_squeeze %dma_wait3A_304 : memref<1x2048xi32, #tpu.memory_space<vmem>> -> memref<2048xi32, #tpu.memory_space<vmem>>
      %dma_wait3A_306 = arith.constant 0 : i32
      %dma_wait3A_307 = tpu.memref_slice %arg3[%dma_wait3A_295, %dma_wait3A_306] : memref<200x16384xi32, #tpu.memory_space<hbm>> -> memref<1x2048xi32, #tpu.memory_space<hbm>>
      %dma_wait3A_308 = tpu.memref_squeeze %dma_wait3A_307 : memref<1x2048xi32, #tpu.memory_space<hbm>> -> memref<2048xi32, #tpu.memory_space<hbm>>
      tpu.wait_dma2 semaphore(%arg16 : memref<!tpu.dma_semaphore, #tpu.memory_space<semaphore_mem>>) src(%dma_wait3A_308 : memref<2048xi32, #tpu.memory_space<hbm>>) dst(%dma_wait3A_305 : memref<2048xi32, #tpu.memory_space<vmem>>)
      %gt3A_309 = arith.constant 0 : i32
      %gt3A_310 = arith.cmpi sgt, %scan3A_240, %gt3A_309 : i32
      %convert_element_type3A_311 = arith.extui %gt3A_310 : i1 to i32
      %cond3A_312 = arith.constant 0 : i32
      %cond3A_313 = arith.cmpi ne, %convert_element_type3A_311, %cond3A_312 : i32
      scf.if %cond3A_313 {
        %dma_wait3A_345 = arith.constant 1 : i32
        %dma_wait3A_346 = arith.constant 0 : i32
        %dma_wait3A_347 = arith.constant 0 : i32
        %dma_wait3A_348 = arith.constant 0 : i32
        %dma_wait3A_349 = arith.constant 0 : i32
        %dma_wait3A_350 = arith.constant 0 : i32
        %dma_wait3A_351 = tpu.memref_slice %arg14[%dma_wait3A_345, %dma_wait3A_348, %dma_wait3A_349, %dma_wait3A_350] : memref<2x16x8x128xf32, #tpu.memory_space<vmem>> -> memref<1x16x8x128xf32, #tpu.memory_space<vmem>>
        %dma_wait3A_352 = tpu.memref_squeeze %dma_wait3A_351 : memref<1x16x8x128xf32, #tpu.memory_space<vmem>> -> memref<16x8x128xf32, #tpu.memory_space<vmem>>
        %dma_wait3A_353 = arith.constant 0 : i32
        %dma_wait3A_354 = arith.constant 0 : i32
        %dma_wait3A_355 = arith.constant 0 : i32
        %dma_wait3A_356 = tpu.memref_slice %arg4[%dma_wait3A_346, %dma_wait3A_347, %dma_wait3A_353, %dma_wait3A_354, %dma_wait3A_355] : memref<200x4x128x8x128xf32, #tpu.memory_space<hbm>> -> memref<1x1x16x8x128xf32, #tpu.memory_space<hbm>>
        %dma_wait3A_357 = tpu.memref_squeeze %dma_wait3A_356 : memref<1x1x16x8x128xf32, #tpu.memory_space<hbm>> -> memref<16x8x128xf32, #tpu.memory_space<hbm>>
        %dma_wait3A_358 = arith.constant 0 : i32
        %dma_wait3A_359 = arith.constant 0 : i32
        %dma_wait3A_360 = arith.constant 0 : i32
        %dma_wait3A_361 = tpu.memref_slice %arg4[%dma_wait3A_346, %dma_wait3A_347, %dma_wait3A_358, %dma_wait3A_359, %dma_wait3A_360] : memref<200x4x128x8x128xf32, #tpu.memory_space<hbm>> -> memref<1x1x16x8x128xf32, #tpu.memory_space<hbm>>
        %dma_wait3A_362 = tpu.memref_squeeze %dma_wait3A_361 : memref<1x1x16x8x128xf32, #tpu.memory_space<hbm>> -> memref<16x8x128xf32, #tpu.memory_space<hbm>>
        %dma_wait3A_363 = arith.constant 0 : i32
        %dma_wait3A_364 = arith.constant 0 : i32
        %dma_wait3A_365 = arith.constant 0 : i32
        %dma_wait3A_366 = tpu.memref_slice %arg14[%dma_wait3A_345, %dma_wait3A_363, %dma_wait3A_364, %dma_wait3A_365] : memref<2x16x8x128xf32, #tpu.memory_space<vmem>> -> memref<1x16x8x128xf32, #tpu.memory_space<vmem>>
        %dma_wait3A_367 = tpu.memref_squeeze %dma_wait3A_366 : memref<1x16x8x128xf32, #tpu.memory_space<vmem>> -> memref<16x8x128xf32, #tpu.memory_space<vmem>>
        tpu.wait_dma2 semaphore(%arg18 : memref<!tpu.dma_semaphore, #tpu.memory_space<semaphore_mem>>) src(%dma_wait3A_367 : memref<16x8x128xf32, #tpu.memory_space<vmem>>) dst(%dma_wait3A_362 : memref<16x8x128xf32, #tpu.memory_space<hbm>>)
      } else {
      }
      %parallel_loop3A_314 = arith.constant 0 : i32
      %parallel_loop3A_315 = arith.constant 16 : i32
      %parallel_loop3A_316 = arith.constant 1 : i32
      scf.for %parallel_loop3A_345 = %parallel_loop3A_314 to %parallel_loop3A_315 step %parallel_loop3A_316  : i32 {
        %parallel_loop3A_346 = arith.constant 128 : i32
        %parallel_loop3A_347 = arith.muli %parallel_loop3A_345, %parallel_loop3A_346 : i32
        %parallel_loop3A_348 = arith.constant 0 : i32
        %parallel_loop3A_349 = arith.addi %parallel_loop3A_347, %parallel_loop3A_348 : i32
        %parallel_loop3A_350 = arith.constant 1 : i32
        %parallel_loop3A_351 = arith.index_cast %parallel_loop3A_350 : i32 to index
        %parallel_loop3A_352 = arith.index_cast %parallel_loop3A_349 : i32 to index
        %parallel_loop3A_353 = tpu.vector_load %arg13[%parallel_loop3A_351, %parallel_loop3A_352] {strides = array<i32>} : memref<2x2048xi32, #tpu.memory_space<vmem>>, vector<16xi32>,
        %parallel_loop3A_354 = tpu.vector_load_idx %arg5[%parallel_loop3A_353] : memref<10000xf32, #tpu.memory_space<vmem>>[vector<16xi32>], vector<16xf32>,
        %parallel_loop3A_355 = arith.constant 1 : i32
        %parallel_loop3A_356 = arith.constant 0 : i32
        %parallel_loop3A_357 = arith.index_cast %parallel_loop3A_355 : i32 to index
        %parallel_loop3A_358 = arith.index_cast %parallel_loop3A_345 : i32 to index
        %parallel_loop3A_359 = arith.index_cast %parallel_loop3A_356 : i32 to index
        %parallel_loop3A_360 = arith.constant 0 : index
        %parallel_loop3A_361 = tpu.vector_load %arg14[%parallel_loop3A_357, %parallel_loop3A_358, %parallel_loop3A_359, %parallel_loop3A_360] {strides = array<i32>} : memref<2x16x8x128xf32, #tpu.memory_space<vmem>>, vector<16xf32>,
        tpu.vector_store %arg14[%parallel_loop3A_357, %parallel_loop3A_358, %parallel_loop3A_359, %parallel_loop3A_360], %parallel_loop3A_354 {strides = array<i32>} : memref<2x16x8x128xf32, #tpu.memory_space<vmem>>, vector<16xf32>,
        %parallel_loop3A_362 = tpu.vector_load_idx %arg6[%parallel_loop3A_353] : memref<10000xf32, #tpu.memory_space<vmem>>[vector<16xi32>], vector<16xf32>,
        %parallel_loop3A_363 = arith.constant 1 : i32
        %parallel_loop3A_364 = arith.constant 1 : i32
        %parallel_loop3A_365 = arith.index_cast %parallel_loop3A_363 : i32 to index
        %parallel_loop3A_366 = arith.index_cast %parallel_loop3A_345 : i32 to index
        %parallel_loop3A_367 = arith.index_cast %parallel_loop3A_364 : i32 to index
        %parallel_loop3A_368 = arith.constant 0 : index
        %parallel_loop3A_369 = tpu.vector_load %arg14[%parallel_loop3A_365, %parallel_loop3A_366, %parallel_loop3A_367, %parallel_loop3A_368] {strides = array<i32>} : memref<2x16x8x128xf32, #tpu.memory_space<vmem>>, vector<16xf32>,
        tpu.vector_store %arg14[%parallel_loop3A_365, %parallel_loop3A_366, %parallel_loop3A_367, %parallel_loop3A_368], %parallel_loop3A_362 {strides = array<i32>} : memref<2x16x8x128xf32, #tpu.memory_space<vmem>>, vector<16xf32>,
        %parallel_loop3A_370 = tpu.vector_load_idx %arg7[%parallel_loop3A_353] : memref<10000xf32, #tpu.memory_space<vmem>>[vector<16xi32>], vector<16xf32>,
        %parallel_loop3A_371 = arith.constant 1 : i32
        %parallel_loop3A_372 = arith.constant 2 : i32
        %parallel_loop3A_373 = arith.index_cast %parallel_loop3A_371 : i32 to index
        %parallel_loop3A_374 = arith.index_cast %parallel_loop3A_345 : i32 to index
        %parallel_loop3A_375 = arith.index_cast %parallel_loop3A_372 : i32 to index
        %parallel_loop3A_376 = arith.constant 0 : index
        %parallel_loop3A_377 = tpu.vector_load %arg14[%parallel_loop3A_373, %parallel_loop3A_374, %parallel_loop3A_375, %parallel_loop3A_376] {strides = array<i32>} : memref<2x16x8x128xf32, #tpu.memory_space<vmem>>, vector<16xf32>,
        tpu.vector_store %arg14[%parallel_loop3A_373, %parallel_loop3A_374, %parallel_loop3A_375, %parallel_loop3A_376], %parallel_loop3A_370 {strides = array<i32>} : memref<2x16x8x128xf32, #tpu.memory_space<vmem>>, vector<16xf32>,
        %parallel_loop3A_378 = tpu.vector_load_idx %arg8[%parallel_loop3A_353] : memref<10000xf32, #tpu.memory_space<vmem>>[vector<16xi32>], vector<16xf32>,
        %parallel_loop3A_379 = arith.constant 1 : i32
        %parallel_loop3A_380 = arith.constant 3 : i32
        %parallel_loop3A_381 = arith.index_cast %parallel_loop3A_379 : i32 to index
        %parallel_loop3A_382 = arith.index_cast %parallel_loop3A_345 : i32 to index
        %parallel_loop3A_383 = arith.index_cast %parallel_loop3A_380 : i32 to index
        %parallel_loop3A_384 = arith.constant 0 : index
        %parallel_loop3A_385 = tpu.vector_load %arg14[%parallel_loop3A_381, %parallel_loop3A_382, %parallel_loop3A_383, %parallel_loop3A_384] {strides = array<i32>} : memref<2x16x8x128xf32, #tpu.memory_space<vmem>>, vector<16xf32>,
        tpu.vector_store %arg14[%parallel_loop3A_381, %parallel_loop3A_382, %parallel_loop3A_383, %parallel_loop3A_384], %parallel_loop3A_378 {strides = array<i32>} : memref<2x16x8x128xf32, #tpu.memory_space<vmem>>, vector<16xf32>,
        %parallel_loop3A_386 = tpu.vector_load_idx %arg9[%parallel_loop3A_353] : memref<10000xf32, #tpu.memory_space<vmem>>[vector<16xi32>], vector<16xf32>,
        %parallel_loop3A_387 = arith.constant 1 : i32
        %parallel_loop3A_388 = arith.constant 4 : i32
        %parallel_loop3A_389 = arith.index_cast %parallel_loop3A_387 : i32 to index
        %parallel_loop3A_390 = arith.index_cast %parallel_loop3A_345 : i32 to index
        %parallel_loop3A_391 = arith.index_cast %parallel_loop3A_388 : i32 to index
        %parallel_loop3A_392 = arith.constant 0 : index
        %parallel_loop3A_393 = tpu.vector_load %arg14[%parallel_loop3A_389, %parallel_loop3A_390, %parallel_loop3A_391, %parallel_loop3A_392] {strides = array<i32>} : memref<2x16x8x128xf32, #tpu.memory_space<vmem>>, vector<16xf32>,
        tpu.vector_store %arg14[%parallel_loop3A_389, %parallel_loop3A_390, %parallel_loop3A_391, %parallel_loop3A_392], %parallel_loop3A_386 {strides = array<i32>} : memref<2x16x8x128xf32, #tpu.memory_space<vmem>>, vector<16xf32>,
        %parallel_loop3A_394 = tpu.vector_load_idx %arg10[%parallel_loop3A_353] : memref<10000xf32, #tpu.memory_space<vmem>>[vector<16xi32>], vector<16xf32>,
        %parallel_loop3A_395 = arith.constant 1 : i32
        %parallel_loop3A_396 = arith.constant 5 : i32
        %parallel_loop3A_397 = arith.index_cast %parallel_loop3A_395 : i32 to index
        %parallel_loop3A_398 = arith.index_cast %parallel_loop3A_345 : i32 to index
        %parallel_loop3A_399 = arith.index_cast %parallel_loop3A_396 : i32 to index
        %parallel_loop3A_400 = arith.constant 0 : index
        %parallel_loop3A_401 = tpu.vector_load %arg14[%parallel_loop3A_397, %parallel_loop3A_398, %parallel_loop3A_399, %parallel_loop3A_400] {strides = array<i32>} : memref<2x16x8x128xf32, #tpu.memory_space<vmem>>, vector<16xf32>,
        tpu.vector_store %arg14[%parallel_loop3A_397, %parallel_loop3A_398, %parallel_loop3A_399, %parallel_loop3A_400], %parallel_loop3A_394 {strides = array<i32>} : memref<2x16x8x128xf32, #tpu.memory_space<vmem>>, vector<16xf32>,
        %parallel_loop3A_402 = tpu.vector_load_idx %arg11[%parallel_loop3A_353] : memref<10000xf32, #tpu.memory_space<vmem>>[vector<16xi32>], vector<16xf32>,
        %parallel_loop3A_403 = arith.constant 1 : i32
        %parallel_loop3A_404 = arith.constant 6 : i32
        %parallel_loop3A_405 = arith.index_cast %parallel_loop3A_403 : i32 to index
        %parallel_loop3A_406 = arith.index_cast %parallel_loop3A_345 : i32 to index
        %parallel_loop3A_407 = arith.index_cast %parallel_loop3A_404 : i32 to index
        %parallel_loop3A_408 = arith.constant 0 : index
        %parallel_loop3A_409 = tpu.vector_load %arg14[%parallel_loop3A_405, %parallel_loop3A_406, %parallel_loop3A_407, %parallel_loop3A_408] {strides = array<i32>} : memref<2x16x8x128xf32, #tpu.memory_space<vmem>>, vector<16xf32>,
        tpu.vector_store %arg14[%parallel_loop3A_405, %parallel_loop3A_406, %parallel_loop3A_407, %parallel_loop3A_408], %parallel_loop3A_402 {strides = array<i32>} : memref<2x16x8x128xf32, #tpu.memory_space<vmem>>, vector<16xf32>,
        %parallel_loop3A_410 = tpu.vector_load_idx %arg12[%parallel_loop3A_353] : memref<10000xf32, #tpu.memory_space<vmem>>[vector<16xi32>], vector<16xf32>,
        %parallel_loop3A_411 = arith.constant 1 : i32
        %parallel_loop3A_412 = arith.constant 7 : i32
        %parallel_loop3A_413 = arith.index_cast %parallel_loop3A_411 : i32 to index
        %parallel_loop3A_414 = arith.index_cast %parallel_loop3A_345 : i32 to index
        %parallel_loop3A_415 = arith.index_cast %parallel_loop3A_412 : i32 to index
        %parallel_loop3A_416 = arith.constant 0 : index
        %parallel_loop3A_417 = tpu.vector_load %arg14[%parallel_loop3A_413, %parallel_loop3A_414, %parallel_loop3A_415, %parallel_loop3A_416] {strides = array<i32>} : memref<2x16x8x128xf32, #tpu.memory_space<vmem>>, vector<16xf32>,
        tpu.vector_store %arg14[%parallel_loop3A_413, %parallel_loop3A_414, %parallel_loop3A_415, %parallel_loop3A_416], %parallel_loop3A_410 {strides = array<i32>} : memref<2x16x8x128xf32, #tpu.memory_space<vmem>>, vector<16xf32>,
        %parallel_loop3A_418 = arith.constant 16 : i32
        %parallel_loop3A_419 = arith.addi %parallel_loop3A_347, %parallel_loop3A_418 : i32
        %parallel_loop3A_420 = arith.constant 1 : i32
        %parallel_loop3A_421 = arith.index_cast %parallel_loop3A_420 : i32 to index
        %parallel_loop3A_422 = arith.index_cast %parallel_loop3A_419 : i32 to index
        %parallel_loop3A_423 = tpu.vector_load %arg13[%parallel_loop3A_421, %parallel_loop3A_422] {strides = array<i32>} : memref<2x2048xi32, #tpu.memory_space<vmem>>, vector<16xi32>,
        %parallel_loop3A_424 = tpu.vector_load_idx %arg5[%parallel_loop3A_423] : memref<10000xf32, #tpu.memory_space<vmem>>[vector<16xi32>], vector<16xf32>,
        %parallel_loop3A_425 = arith.constant 1 : i32
        %parallel_loop3A_426 = arith.constant 0 : i32
        %parallel_loop3A_427 = arith.index_cast %parallel_loop3A_425 : i32 to index
        %parallel_loop3A_428 = arith.index_cast %parallel_loop3A_345 : i32 to index
        %parallel_loop3A_429 = arith.index_cast %parallel_loop3A_426 : i32 to index
        %parallel_loop3A_430 = arith.constant 16 : index
        %parallel_loop3A_431 = tpu.vector_load %arg14[%parallel_loop3A_427, %parallel_loop3A_428, %parallel_loop3A_429, %parallel_loop3A_430] {strides = array<i32>} : memref<2x16x8x128xf32, #tpu.memory_space<vmem>>, vector<16xf32>,
        tpu.vector_store %arg14[%parallel_loop3A_427, %parallel_loop3A_428, %parallel_loop3A_429, %parallel_loop3A_430], %parallel_loop3A_424 {strides = array<i32>} : memref<2x16x8x128xf32, #tpu.memory_space<vmem>>, vector<16xf32>,
        %parallel_loop3A_432 = tpu.vector_load_idx %arg6[%parallel_loop3A_423] : memref<10000xf32, #tpu.memory_space<vmem>>[vector<16xi32>], vector<16xf32>,
        %parallel_loop3A_433 = arith.constant 1 : i32
        %parallel_loop3A_434 = arith.constant 1 : i32
        %parallel_loop3A_435 = arith.index_cast %parallel_loop3A_433 : i32 to index
        %parallel_loop3A_436 = arith.index_cast %parallel_loop3A_345 : i32 to index
        %parallel_loop3A_437 = arith.index_cast %parallel_loop3A_434 : i32 to index
        %parallel_loop3A_438 = arith.constant 16 : index
        %parallel_loop3A_439 = tpu.vector_load %arg14[%parallel_loop3A_435, %parallel_loop3A_436, %parallel_loop3A_437, %parallel_loop3A_438] {strides = array<i32>} : memref<2x16x8x128xf32, #tpu.memory_space<vmem>>, vector<16xf32>,
        tpu.vector_store %arg14[%parallel_loop3A_435, %parallel_loop3A_436, %parallel_loop3A_437, %parallel_loop3A_438], %parallel_loop3A_432 {strides = array<i32>} : memref<2x16x8x128xf32, #tpu.memory_space<vmem>>, vector<16xf32>,
        %parallel_loop3A_440 = tpu.vector_load_idx %arg7[%parallel_loop3A_423] : memref<10000xf32, #tpu.memory_space<vmem>>[vector<16xi32>], vector<16xf32>,
        %parallel_loop3A_441 = arith.constant 1 : i32
        %parallel_loop3A_442 = arith.constant 2 : i32
        %parallel_loop3A_443 = arith.index_cast %parallel_loop3A_441 : i32 to index
        %parallel_loop3A_444 = arith.index_cast %parallel_loop3A_345 : i32 to index
        %parallel_loop3A_445 = arith.index_cast %parallel_loop3A_442 : i32 to index
        %parallel_loop3A_446 = arith.constant 16 : index
        %parallel_loop3A_447 = tpu.vector_load %arg14[%parallel_loop3A_443, %parallel_loop3A_444, %parallel_loop3A_445, %parallel_loop3A_446] {strides = array<i32>} : memref<2x16x8x128xf32, #tpu.memory_space<vmem>>, vector<16xf32>,
        tpu.vector_store %arg14[%parallel_loop3A_443, %parallel_loop3A_444, %parallel_loop3A_445, %parallel_loop3A_446], %parallel_loop3A_440 {strides = array<i32>} : memref<2x16x8x128xf32, #tpu.memory_space<vmem>>, vector<16xf32>,
        %parallel_loop3A_448 = tpu.vector_load_idx %arg8[%parallel_loop3A_423] : memref<10000xf32, #tpu.memory_space<vmem>>[vector<16xi32>], vector<16xf32>,
        %parallel_loop3A_449 = arith.constant 1 : i32
        %parallel_loop3A_450 = arith.constant 3 : i32
        %parallel_loop3A_451 = arith.index_cast %parallel_loop3A_449 : i32 to index
        %parallel_loop3A_452 = arith.index_cast %parallel_loop3A_345 : i32 to index
        %parallel_loop3A_453 = arith.index_cast %parallel_loop3A_450 : i32 to index
        %parallel_loop3A_454 = arith.constant 16 : index
        %parallel_loop3A_455 = tpu.vector_load %arg14[%parallel_loop3A_451, %parallel_loop3A_452, %parallel_loop3A_453, %parallel_loop3A_454] {strides = array<i32>} : memref<2x16x8x128xf32, #tpu.memory_space<vmem>>, vector<16xf32>,
        tpu.vector_store %arg14[%parallel_loop3A_451, %parallel_loop3A_452, %parallel_loop3A_453, %parallel_loop3A_454], %parallel_loop3A_448 {strides = array<i32>} : memref<2x16x8x128xf32, #tpu.memory_space<vmem>>, vector<16xf32>,
        %parallel_loop3A_456 = tpu.vector_load_idx %arg9[%parallel_loop3A_423] : memref<10000xf32, #tpu.memory_space<vmem>>[vector<16xi32>], vector<16xf32>,
        %parallel_loop3A_457 = arith.constant 1 : i32
        %parallel_loop3A_458 = arith.constant 4 : i32
        %parallel_loop3A_459 = arith.index_cast %parallel_loop3A_457 : i32 to index
        %parallel_loop3A_460 = arith.index_cast %parallel_loop3A_345 : i32 to index
        %parallel_loop3A_461 = arith.index_cast %parallel_loop3A_458 : i32 to index
        %parallel_loop3A_462 = arith.constant 16 : index
        %parallel_loop3A_463 = tpu.vector_load %arg14[%parallel_loop3A_459, %parallel_loop3A_460, %parallel_loop3A_461, %parallel_loop3A_462] {strides = array<i32>} : memref<2x16x8x128xf32, #tpu.memory_space<vmem>>, vector<16xf32>,
        tpu.vector_store %arg14[%parallel_loop3A_459, %parallel_loop3A_460, %parallel_loop3A_461, %parallel_loop3A_462], %parallel_loop3A_456 {strides = array<i32>} : memref<2x16x8x128xf32, #tpu.memory_space<vmem>>, vector<16xf32>,
        %parallel_loop3A_464 = tpu.vector_load_idx %arg10[%parallel_loop3A_423] : memref<10000xf32, #tpu.memory_space<vmem>>[vector<16xi32>], vector<16xf32>,
        %parallel_loop3A_465 = arith.constant 1 : i32
        %parallel_loop3A_466 = arith.constant 5 : i32
        %parallel_loop3A_467 = arith.index_cast %parallel_loop3A_465 : i32 to index
        %parallel_loop3A_468 = arith.index_cast %parallel_loop3A_345 : i32 to index
        %parallel_loop3A_469 = arith.index_cast %parallel_loop3A_466 : i32 to index
        %parallel_loop3A_470 = arith.constant 16 : index
        %parallel_loop3A_471 = tpu.vector_load %arg14[%parallel_loop3A_467, %parallel_loop3A_468, %parallel_loop3A_469, %parallel_loop3A_470] {strides = array<i32>} : memref<2x16x8x128xf32, #tpu.memory_space<vmem>>, vector<16xf32>,
        tpu.vector_store %arg14[%parallel_loop3A_467, %parallel_loop3A_468, %parallel_loop3A_469, %parallel_loop3A_470], %parallel_loop3A_464 {strides = array<i32>} : memref<2x16x8x128xf32, #tpu.memory_space<vmem>>, vector<16xf32>,
        %parallel_loop3A_472 = tpu.vector_load_idx %arg11[%parallel_loop3A_423] : memref<10000xf32, #tpu.memory_space<vmem>>[vector<16xi32>], vector<16xf32>,
        %parallel_loop3A_473 = arith.constant 1 : i32
        %parallel_loop3A_474 = arith.constant 6 : i32
        %parallel_loop3A_475 = arith.index_cast %parallel_loop3A_473 : i32 to index
        %parallel_loop3A_476 = arith.index_cast %parallel_loop3A_345 : i32 to index
        %parallel_loop3A_477 = arith.index_cast %parallel_loop3A_474 : i32 to index
        %parallel_loop3A_478 = arith.constant 16 : index
        %parallel_loop3A_479 = tpu.vector_load %arg14[%parallel_loop3A_475, %parallel_loop3A_476, %parallel_loop3A_477, %parallel_loop3A_478] {strides = array<i32>} : memref<2x16x8x128xf32, #tpu.memory_space<vmem>>, vector<16xf32>,
        tpu.vector_store %arg14[%parallel_loop3A_475, %parallel_loop3A_476, %parallel_loop3A_477, %parallel_loop3A_478], %parallel_loop3A_472 {strides = array<i32>} : memref<2x16x8x128xf32, #tpu.memory_space<vmem>>, vector<16xf32>,
        %parallel_loop3A_480 = tpu.vector_load_idx %arg12[%parallel_loop3A_423] : memref<10000xf32, #tpu.memory_space<vmem>>[vector<16xi32>], vector<16xf32>,
        %parallel_loop3A_481 = arith.constant 1 : i32
        %parallel_loop3A_482 = arith.constant 7 : i32
        %parallel_loop3A_483 = arith.index_cast %parallel_loop3A_481 : i32 to index
        %parallel_loop3A_484 = arith.index_cast %parallel_loop3A_345 : i32 to index
        %parallel_loop3A_485 = arith.index_cast %parallel_loop3A_482 : i32 to index
        %parallel_loop3A_486 = arith.constant 16 : index
        %parallel_loop3A_487 = tpu.vector_load %arg14[%parallel_loop3A_483, %parallel_loop3A_484, %parallel_loop3A_485, %parallel_loop3A_486] {strides = array<i32>} : memref<2x16x8x128xf32, #tpu.memory_space<vmem>>, vector<16xf32>,
        tpu.vector_store %arg14[%parallel_loop3A_483, %parallel_loop3A_484, %parallel_loop3A_485, %parallel_loop3A_486], %parallel_loop3A_480 {strides = array<i32>} : memref<2x16x8x128xf32, #tpu.memory_space<vmem>>, vector<16xf32>,
        %parallel_loop3A_488 = arith.constant 32 : i32
        %parallel_loop3A_489 = arith.addi %parallel_loop3A_347, %parallel_loop3A_488 : i32
        %parallel_loop3A_490 = arith.constant 1 : i32
        %parallel_loop3A_491 = arith.index_cast %parallel_loop3A_490 : i32 to index
        %parallel_loop3A_492 = arith.index_cast %parallel_loop3A_489 : i32 to index
        %parallel_loop3A_493 = tpu.vector_load %arg13[%parallel_loop3A_491, %parallel_loop3A_492] {strides = array<i32>} : memref<2x2048xi32, #tpu.memory_space<vmem>>, vector<16xi32>,
        %parallel_loop3A_494 = tpu.vector_load_idx %arg5[%parallel_loop3A_493] : memref<10000xf32, #tpu.memory_space<vmem>>[vector<16xi32>], vector<16xf32>,
        %parallel_loop3A_495 = arith.constant 1 : i32
        %parallel_loop3A_496 = arith.constant 0 : i32
        %parallel_loop3A_497 = arith.index_cast %parallel_loop3A_495 : i32 to index
        %parallel_loop3A_498 = arith.index_cast %parallel_loop3A_345 : i32 to index
        %parallel_loop3A_499 = arith.index_cast %parallel_loop3A_496 : i32 to index
        %parallel_loop3A_500 = arith.constant 32 : index
        %parallel_loop3A_501 = tpu.vector_load %arg14[%parallel_loop3A_497, %parallel_loop3A_498, %parallel_loop3A_499, %parallel_loop3A_500] {strides = array<i32>} : memref<2x16x8x128xf32, #tpu.memory_space<vmem>>, vector<16xf32>,
        tpu.vector_store %arg14[%parallel_loop3A_497, %parallel_loop3A_498, %parallel_loop3A_499, %parallel_loop3A_500], %parallel_loop3A_494 {strides = array<i32>} : memref<2x16x8x128xf32, #tpu.memory_space<vmem>>, vector<16xf32>,
        %parallel_loop3A_502 = tpu.vector_load_idx %arg6[%parallel_loop3A_493] : memref<10000xf32, #tpu.memory_space<vmem>>[vector<16xi32>], vector<16xf32>,
        %parallel_loop3A_503 = arith.constant 1 : i32
        %parallel_loop3A_504 = arith.constant 1 : i32
        %parallel_loop3A_505 = arith.index_cast %parallel_loop3A_503 : i32 to index
        %parallel_loop3A_506 = arith.index_cast %parallel_loop3A_345 : i32 to index
        %parallel_loop3A_507 = arith.index_cast %parallel_loop3A_504 : i32 to index
        %parallel_loop3A_508 = arith.constant 32 : index
        %parallel_loop3A_509 = tpu.vector_load %arg14[%parallel_loop3A_505, %parallel_loop3A_506, %parallel_loop3A_507, %parallel_loop3A_508] {strides = array<i32>} : memref<2x16x8x128xf32, #tpu.memory_space<vmem>>, vector<16xf32>,
        tpu.vector_store %arg14[%parallel_loop3A_505, %parallel_loop3A_506, %parallel_loop3A_507, %parallel_loop3A_508], %parallel_loop3A_502 {strides = array<i32>} : memref<2x16x8x128xf32, #tpu.memory_space<vmem>>, vector<16xf32>,
        %parallel_loop3A_510 = tpu.vector_load_idx %arg7[%parallel_loop3A_493] : memref<10000xf32, #tpu.memory_space<vmem>>[vector<16xi32>], vector<16xf32>,
        %parallel_loop3A_511 = arith.constant 1 : i32
        %parallel_loop3A_512 = arith.constant 2 : i32
        %parallel_loop3A_513 = arith.index_cast %parallel_loop3A_511 : i32 to index
        %parallel_loop3A_514 = arith.index_cast %parallel_loop3A_345 : i32 to index
        %parallel_loop3A_515 = arith.index_cast %parallel_loop3A_512 : i32 to index
        %parallel_loop3A_516 = arith.constant 32 : index
        %parallel_loop3A_517 = tpu.vector_load %arg14[%parallel_loop3A_513, %parallel_loop3A_514, %parallel_loop3A_515, %parallel_loop3A_516] {strides = array<i32>} : memref<2x16x8x128xf32, #tpu.memory_space<vmem>>, vector<16xf32>,
        tpu.vector_store %arg14[%parallel_loop3A_513, %parallel_loop3A_514, %parallel_loop3A_515, %parallel_loop3A_516], %parallel_loop3A_510 {strides = array<i32>} : memref<2x16x8x128xf32, #tpu.memory_space<vmem>>, vector<16xf32>,
        %parallel_loop3A_518 = tpu.vector_load_idx %arg8[%parallel_loop3A_493] : memref<10000xf32, #tpu.memory_space<vmem>>[vector<16xi32>], vector<16xf32>,
        %parallel_loop3A_519 = arith.constant 1 : i32
        %parallel_loop3A_520 = arith.constant 3 : i32
        %parallel_loop3A_521 = arith.index_cast %parallel_loop3A_519 : i32 to index
        %parallel_loop3A_522 = arith.index_cast %parallel_loop3A_345 : i32 to index
        %parallel_loop3A_523 = arith.index_cast %parallel_loop3A_520 : i32 to index
        %parallel_loop3A_524 = arith.constant 32 : index
        %parallel_loop3A_525 = tpu.vector_load %arg14[%parallel_loop3A_521, %parallel_loop3A_522, %parallel_loop3A_523, %parallel_loop3A_524] {strides = array<i32>} : memref<2x16x8x128xf32, #tpu.memory_space<vmem>>, vector<16xf32>,
        tpu.vector_store %arg14[%parallel_loop3A_521, %parallel_loop3A_522, %parallel_loop3A_523, %parallel_loop3A_524], %parallel_loop3A_518 {strides = array<i32>} : memref<2x16x8x128xf32, #tpu.memory_space<vmem>>, vector<16xf32>,
        %parallel_loop3A_526 = tpu.vector_load_idx %arg9[%parallel_loop3A_493] : memref<10000xf32, #tpu.memory_space<vmem>>[vector<16xi32>], vector<16xf32>,
        %parallel_loop3A_527 = arith.constant 1 : i32
        %parallel_loop3A_528 = arith.constant 4 : i32
        %parallel_loop3A_529 = arith.index_cast %parallel_loop3A_527 : i32 to index
        %parallel_loop3A_530 = arith.index_cast %parallel_loop3A_345 : i32 to index
        %parallel_loop3A_531 = arith.index_cast %parallel_loop3A_528 : i32 to index
        %parallel_loop3A_532 = arith.constant 32 : index
        %parallel_loop3A_533 = tpu.vector_load %arg14[%parallel_loop3A_529, %parallel_loop3A_530, %parallel_loop3A_531, %parallel_loop3A_532] {strides = array<i32>} : memref<2x16x8x128xf32, #tpu.memory_space<vmem>>, vector<16xf32>,
        tpu.vector_store %arg14[%parallel_loop3A_529, %parallel_loop3A_530, %parallel_loop3A_531, %parallel_loop3A_532], %parallel_loop3A_526 {strides = array<i32>} : memref<2x16x8x128xf32, #tpu.memory_space<vmem>>, vector<16xf32>,
        %parallel_loop3A_534 = tpu.vector_load_idx %arg10[%parallel_loop3A_493] : memref<10000xf32, #tpu.memory_space<vmem>>[vector<16xi32>], vector<16xf32>,
        %parallel_loop3A_535 = arith.constant 1 : i32
        %parallel_loop3A_536 = arith.constant 5 : i32
        %parallel_loop3A_537 = arith.index_cast %parallel_loop3A_535 : i32 to index
        %parallel_loop3A_538 = arith.index_cast %parallel_loop3A_345 : i32 to index
        %parallel_loop3A_539 = arith.index_cast %parallel_loop3A_536 : i32 to index
        %parallel_loop3A_540 = arith.constant 32 : index
        %parallel_loop3A_541 = tpu.vector_load %arg14[%parallel_loop3A_537, %parallel_loop3A_538, %parallel_loop3A_539, %parallel_loop3A_540] {strides = array<i32>} : memref<2x16x8x128xf32, #tpu.memory_space<vmem>>, vector<16xf32>,
        tpu.vector_store %arg14[%parallel_loop3A_537, %parallel_loop3A_538, %parallel_loop3A_539, %parallel_loop3A_540], %parallel_loop3A_534 {strides = array<i32>} : memref<2x16x8x128xf32, #tpu.memory_space<vmem>>, vector<16xf32>,
        %parallel_loop3A_542 = tpu.vector_load_idx %arg11[%parallel_loop3A_493] : memref<10000xf32, #tpu.memory_space<vmem>>[vector<16xi32>], vector<16xf32>,
        %parallel_loop3A_543 = arith.constant 1 : i32
        %parallel_loop3A_544 = arith.constant 6 : i32
        %parallel_loop3A_545 = arith.index_cast %parallel_loop3A_543 : i32 to index
        %parallel_loop3A_546 = arith.index_cast %parallel_loop3A_345 : i32 to index
        %parallel_loop3A_547 = arith.index_cast %parallel_loop3A_544 : i32 to index
        %parallel_loop3A_548 = arith.constant 32 : index
        %parallel_loop3A_549 = tpu.vector_load %arg14[%parallel_loop3A_545, %parallel_loop3A_546, %parallel_loop3A_547, %parallel_loop3A_548] {strides = array<i32>} : memref<2x16x8x128xf32, #tpu.memory_space<vmem>>, vector<16xf32>,
        tpu.vector_store %arg14[%parallel_loop3A_545, %parallel_loop3A_546, %parallel_loop3A_547, %parallel_loop3A_548], %parallel_loop3A_542 {strides = array<i32>} : memref<2x16x8x128xf32, #tpu.memory_space<vmem>>, vector<16xf32>,
        %parallel_loop3A_550 = tpu.vector_load_idx %arg12[%parallel_loop3A_493] : memref<10000xf32, #tpu.memory_space<vmem>>[vector<16xi32>], vector<16xf32>,
        %parallel_loop3A_551 = arith.constant 1 : i32
        %parallel_loop3A_552 = arith.constant 7 : i32
        %parallel_loop3A_553 = arith.index_cast %parallel_loop3A_551 : i32 to index
        %parallel_loop3A_554 = arith.index_cast %parallel_loop3A_345 : i32 to index
        %parallel_loop3A_555 = arith.index_cast %parallel_loop3A_552 : i32 to index
        %parallel_loop3A_556 = arith.constant 32 : index
        %parallel_loop3A_557 = tpu.vector_load %arg14[%parallel_loop3A_553, %parallel_loop3A_554, %parallel_loop3A_555, %parallel_loop3A_556] {strides = array<i32>} : memref<2x16x8x128xf32, #tpu.memory_space<vmem>>, vector<16xf32>,
        tpu.vector_store %arg14[%parallel_loop3A_553, %parallel_loop3A_554, %parallel_loop3A_555, %parallel_loop3A_556], %parallel_loop3A_550 {strides = array<i32>} : memref<2x16x8x128xf32, #tpu.memory_space<vmem>>, vector<16xf32>,
        %parallel_loop3A_558 = arith.constant 48 : i32
        %parallel_loop3A_559 = arith.addi %parallel_loop3A_347, %parallel_loop3A_558 : i32
        %parallel_loop3A_560 = arith.constant 1 : i32
        %parallel_loop3A_561 = arith.index_cast %parallel_loop3A_560 : i32 to index
        %parallel_loop3A_562 = arith.index_cast %parallel_loop3A_559 : i32 to index
        %parallel_loop3A_563 = tpu.vector_load %arg13[%parallel_loop3A_561, %parallel_loop3A_562] {strides = array<i32>} : memref<2x2048xi32, #tpu.memory_space<vmem>>, vector<16xi32>,
        %parallel_loop3A_564 = tpu.vector_load_idx %arg5[%parallel_loop3A_563] : memref<10000xf32, #tpu.memory_space<vmem>>[vector<16xi32>], vector<16xf32>,
        %parallel_loop3A_565 = arith.constant 1 : i32
        %parallel_loop3A_566 = arith.constant 0 : i32
        %parallel_loop3A_567 = arith.index_cast %parallel_loop3A_565 : i32 to index
        %parallel_loop3A_568 = arith.index_cast %parallel_loop3A_345 : i32 to index
        %parallel_loop3A_569 = arith.index_cast %parallel_loop3A_566 : i32 to index
        %parallel_loop3A_570 = arith.constant 48 : index
        %parallel_loop3A_571 = tpu.vector_load %arg14[%parallel_loop3A_567, %parallel_loop3A_568, %parallel_loop3A_569, %parallel_loop3A_570] {strides = array<i32>} : memref<2x16x8x128xf32, #tpu.memory_space<vmem>>, vector<16xf32>,
        tpu.vector_store %arg14[%parallel_loop3A_567, %parallel_loop3A_568, %parallel_loop3A_569, %parallel_loop3A_570], %parallel_loop3A_564 {strides = array<i32>} : memref<2x16x8x128xf32, #tpu.memory_space<vmem>>, vector<16xf32>,
        %parallel_loop3A_572 = tpu.vector_load_idx %arg6[%parallel_loop3A_563] : memref<10000xf32, #tpu.memory_space<vmem>>[vector<16xi32>], vector<16xf32>,
        %parallel_loop3A_573 = arith.constant 1 : i32
        %parallel_loop3A_574 = arith.constant 1 : i32
        %parallel_loop3A_575 = arith.index_cast %parallel_loop3A_573 : i32 to index
        %parallel_loop3A_576 = arith.index_cast %parallel_loop3A_345 : i32 to index
        %parallel_loop3A_577 = arith.index_cast %parallel_loop3A_574 : i32 to index
        %parallel_loop3A_578 = arith.constant 48 : index
        %parallel_loop3A_579 = tpu.vector_load %arg14[%parallel_loop3A_575, %parallel_loop3A_576, %parallel_loop3A_577, %parallel_loop3A_578] {strides = array<i32>} : memref<2x16x8x128xf32, #tpu.memory_space<vmem>>, vector<16xf32>,
        tpu.vector_store %arg14[%parallel_loop3A_575, %parallel_loop3A_576, %parallel_loop3A_577, %parallel_loop3A_578], %parallel_loop3A_572 {strides = array<i32>} : memref<2x16x8x128xf32, #tpu.memory_space<vmem>>, vector<16xf32>,
        %parallel_loop3A_580 = tpu.vector_load_idx %arg7[%parallel_loop3A_563] : memref<10000xf32, #tpu.memory_space<vmem>>[vector<16xi32>], vector<16xf32>,
        %parallel_loop3A_581 = arith.constant 1 : i32
        %parallel_loop3A_582 = arith.constant 2 : i32
        %parallel_loop3A_583 = arith.index_cast %parallel_loop3A_581 : i32 to index
        %parallel_loop3A_584 = arith.index_cast %parallel_loop3A_345 : i32 to index
        %parallel_loop3A_585 = arith.index_cast %parallel_loop3A_582 : i32 to index
        %parallel_loop3A_586 = arith.constant 48 : index
        %parallel_loop3A_587 = tpu.vector_load %arg14[%parallel_loop3A_583, %parallel_loop3A_584, %parallel_loop3A_585, %parallel_loop3A_586] {strides = array<i32>} : memref<2x16x8x128xf32, #tpu.memory_space<vmem>>, vector<16xf32>,
        tpu.vector_store %arg14[%parallel_loop3A_583, %parallel_loop3A_584, %parallel_loop3A_585, %parallel_loop3A_586], %parallel_loop3A_580 {strides = array<i32>} : memref<2x16x8x128xf32, #tpu.memory_space<vmem>>, vector<16xf32>,
        %parallel_loop3A_588 = tpu.vector_load_idx %arg8[%parallel_loop3A_563] : memref<10000xf32, #tpu.memory_space<vmem>>[vector<16xi32>], vector<16xf32>,
        %parallel_loop3A_589 = arith.constant 1 : i32
        %parallel_loop3A_590 = arith.constant 3 : i32
        %parallel_loop3A_591 = arith.index_cast %parallel_loop3A_589 : i32 to index
        %parallel_loop3A_592 = arith.index_cast %parallel_loop3A_345 : i32 to index
        %parallel_loop3A_593 = arith.index_cast %parallel_loop3A_590 : i32 to index
        %parallel_loop3A_594 = arith.constant 48 : index
        %parallel_loop3A_595 = tpu.vector_load %arg14[%parallel_loop3A_591, %parallel_loop3A_592, %parallel_loop3A_593, %parallel_loop3A_594] {strides = array<i32>} : memref<2x16x8x128xf32, #tpu.memory_space<vmem>>, vector<16xf32>,
        tpu.vector_store %arg14[%parallel_loop3A_591, %parallel_loop3A_592, %parallel_loop3A_593, %parallel_loop3A_594], %parallel_loop3A_588 {strides = array<i32>} : memref<2x16x8x128xf32, #tpu.memory_space<vmem>>, vector<16xf32>,
        %parallel_loop3A_596 = tpu.vector_load_idx %arg9[%parallel_loop3A_563] : memref<10000xf32, #tpu.memory_space<vmem>>[vector<16xi32>], vector<16xf32>,
        %parallel_loop3A_597 = arith.constant 1 : i32
        %parallel_loop3A_598 = arith.constant 4 : i32
        %parallel_loop3A_599 = arith.index_cast %parallel_loop3A_597 : i32 to index
        %parallel_loop3A_600 = arith.index_cast %parallel_loop3A_345 : i32 to index
        %parallel_loop3A_601 = arith.index_cast %parallel_loop3A_598 : i32 to index
        %parallel_loop3A_602 = arith.constant 48 : index
        %parallel_loop3A_603 = tpu.vector_load %arg14[%parallel_loop3A_599, %parallel_loop3A_600, %parallel_loop3A_601, %parallel_loop3A_602] {strides = array<i32>} : memref<2x16x8x128xf32, #tpu.memory_space<vmem>>, vector<16xf32>,
        tpu.vector_store %arg14[%parallel_loop3A_599, %parallel_loop3A_600, %parallel_loop3A_601, %parallel_loop3A_602], %parallel_loop3A_596 {strides = array<i32>} : memref<2x16x8x128xf32, #tpu.memory_space<vmem>>, vector<16xf32>,
        %parallel_loop3A_604 = tpu.vector_load_idx %arg10[%parallel_loop3A_563] : memref<10000xf32, #tpu.memory_space<vmem>>[vector<16xi32>], vector<16xf32>,
        %parallel_loop3A_605 = arith.constant 1 : i32
        %parallel_loop3A_606 = arith.constant 5 : i32
        %parallel_loop3A_607 = arith.index_cast %parallel_loop3A_605 : i32 to index
        %parallel_loop3A_608 = arith.index_cast %parallel_loop3A_345 : i32 to index
        %parallel_loop3A_609 = arith.index_cast %parallel_loop3A_606 : i32 to index
        %parallel_loop3A_610 = arith.constant 48 : index
        %parallel_loop3A_611 = tpu.vector_load %arg14[%parallel_loop3A_607, %parallel_loop3A_608, %parallel_loop3A_609, %parallel_loop3A_610] {strides = array<i32>} : memref<2x16x8x128xf32, #tpu.memory_space<vmem>>, vector<16xf32>,
        tpu.vector_store %arg14[%parallel_loop3A_607, %parallel_loop3A_608, %parallel_loop3A_609, %parallel_loop3A_610], %parallel_loop3A_604 {strides = array<i32>} : memref<2x16x8x128xf32, #tpu.memory_space<vmem>>, vector<16xf32>,
        %parallel_loop3A_612 = tpu.vector_load_idx %arg11[%parallel_loop3A_563] : memref<10000xf32, #tpu.memory_space<vmem>>[vector<16xi32>], vector<16xf32>,
        %parallel_loop3A_613 = arith.constant 1 : i32
        %parallel_loop3A_614 = arith.constant 6 : i32
        %parallel_loop3A_615 = arith.index_cast %parallel_loop3A_613 : i32 to index
        %parallel_loop3A_616 = arith.index_cast %parallel_loop3A_345 : i32 to index
        %parallel_loop3A_617 = arith.index_cast %parallel_loop3A_614 : i32 to index
        %parallel_loop3A_618 = arith.constant 48 : index
        %parallel_loop3A_619 = tpu.vector_load %arg14[%parallel_loop3A_615, %parallel_loop3A_616, %parallel_loop3A_617, %parallel_loop3A_618] {strides = array<i32>} : memref<2x16x8x128xf32, #tpu.memory_space<vmem>>, vector<16xf32>,
        tpu.vector_store %arg14[%parallel_loop3A_615, %parallel_loop3A_616, %parallel_loop3A_617, %parallel_loop3A_618], %parallel_loop3A_612 {strides = array<i32>} : memref<2x16x8x128xf32, #tpu.memory_space<vmem>>, vector<16xf32>,
        %parallel_loop3A_620 = tpu.vector_load_idx %arg12[%parallel_loop3A_563] : memref<10000xf32, #tpu.memory_space<vmem>>[vector<16xi32>], vector<16xf32>,
        %parallel_loop3A_621 = arith.constant 1 : i32
        %parallel_loop3A_622 = arith.constant 7 : i32
        %parallel_loop3A_623 = arith.index_cast %parallel_loop3A_621 : i32 to index
        %parallel_loop3A_624 = arith.index_cast %parallel_loop3A_345 : i32 to index
        %parallel_loop3A_625 = arith.index_cast %parallel_loop3A_622 : i32 to index
        %parallel_loop3A_626 = arith.constant 48 : index
        %parallel_loop3A_627 = tpu.vector_load %arg14[%parallel_loop3A_623, %parallel_loop3A_624, %parallel_loop3A_625, %parallel_loop3A_626] {strides = array<i32>} : memref<2x16x8x128xf32, #tpu.memory_space<vmem>>, vector<16xf32>,
        tpu.vector_store %arg14[%parallel_loop3A_623, %parallel_loop3A_624, %parallel_loop3A_625, %parallel_loop3A_626], %parallel_loop3A_620 {strides = array<i32>} : memref<2x16x8x128xf32, #tpu.memory_space<vmem>>, vector<16xf32>,
        %parallel_loop3A_628 = arith.constant 64 : i32
        %parallel_loop3A_629 = arith.addi %parallel_loop3A_347, %parallel_loop3A_628 : i32
        %parallel_loop3A_630 = arith.constant 1 : i32
        %parallel_loop3A_631 = arith.index_cast %parallel_loop3A_630 : i32 to index
        %parallel_loop3A_632 = arith.index_cast %parallel_loop3A_629 : i32 to index
        %parallel_loop3A_633 = tpu.vector_load %arg13[%parallel_loop3A_631, %parallel_loop3A_632] {strides = array<i32>} : memref<2x2048xi32, #tpu.memory_space<vmem>>, vector<16xi32>,
        %parallel_loop3A_634 = tpu.vector_load_idx %arg5[%parallel_loop3A_633] : memref<10000xf32, #tpu.memory_space<vmem>>[vector<16xi32>], vector<16xf32>,
        %parallel_loop3A_635 = arith.constant 1 : i32
        %parallel_loop3A_636 = arith.constant 0 : i32
        %parallel_loop3A_637 = arith.index_cast %parallel_loop3A_635 : i32 to index
        %parallel_loop3A_638 = arith.index_cast %parallel_loop3A_345 : i32 to index
        %parallel_loop3A_639 = arith.index_cast %parallel_loop3A_636 : i32 to index
        %parallel_loop3A_640 = arith.constant 64 : index
        %parallel_loop3A_641 = tpu.vector_load %arg14[%parallel_loop3A_637, %parallel_loop3A_638, %parallel_loop3A_639, %parallel_loop3A_640] {strides = array<i32>} : memref<2x16x8x128xf32, #tpu.memory_space<vmem>>, vector<16xf32>,
        tpu.vector_store %arg14[%parallel_loop3A_637, %parallel_loop3A_638, %parallel_loop3A_639, %parallel_loop3A_640], %parallel_loop3A_634 {strides = array<i32>} : memref<2x16x8x128xf32, #tpu.memory_space<vmem>>, vector<16xf32>,
        %parallel_loop3A_642 = tpu.vector_load_idx %arg6[%parallel_loop3A_633] : memref<10000xf32, #tpu.memory_space<vmem>>[vector<16xi32>], vector<16xf32>,
        %parallel_loop3A_643 = arith.constant 1 : i32
        %parallel_loop3A_644 = arith.constant 1 : i32
        %parallel_loop3A_645 = arith.index_cast %parallel_loop3A_643 : i32 to index
        %parallel_loop3A_646 = arith.index_cast %parallel_loop3A_345 : i32 to index
        %parallel_loop3A_647 = arith.index_cast %parallel_loop3A_644 : i32 to index
        %parallel_loop3A_648 = arith.constant 64 : index
        %parallel_loop3A_649 = tpu.vector_load %arg14[%parallel_loop3A_645, %parallel_loop3A_646, %parallel_loop3A_647, %parallel_loop3A_648] {strides = array<i32>} : memref<2x16x8x128xf32, #tpu.memory_space<vmem>>, vector<16xf32>,
        tpu.vector_store %arg14[%parallel_loop3A_645, %parallel_loop3A_646, %parallel_loop3A_647, %parallel_loop3A_648], %parallel_loop3A_642 {strides = array<i32>} : memref<2x16x8x128xf32, #tpu.memory_space<vmem>>, vector<16xf32>,
        %parallel_loop3A_650 = tpu.vector_load_idx %arg7[%parallel_loop3A_633] : memref<10000xf32, #tpu.memory_space<vmem>>[vector<16xi32>], vector<16xf32>,
        %parallel_loop3A_651 = arith.constant 1 : i32
        %parallel_loop3A_652 = arith.constant 2 : i32
        %parallel_loop3A_653 = arith.index_cast %parallel_loop3A_651 : i32 to index
        %parallel_loop3A_654 = arith.index_cast %parallel_loop3A_345 : i32 to index
        %parallel_loop3A_655 = arith.index_cast %parallel_loop3A_652 : i32 to index
        %parallel_loop3A_656 = arith.constant 64 : index
        %parallel_loop3A_657 = tpu.vector_load %arg14[%parallel_loop3A_653, %parallel_loop3A_654, %parallel_loop3A_655, %parallel_loop3A_656] {strides = array<i32>} : memref<2x16x8x128xf32, #tpu.memory_space<vmem>>, vector<16xf32>,
        tpu.vector_store %arg14[%parallel_loop3A_653, %parallel_loop3A_654, %parallel_loop3A_655, %parallel_loop3A_656], %parallel_loop3A_650 {strides = array<i32>} : memref<2x16x8x128xf32, #tpu.memory_space<vmem>>, vector<16xf32>,
        %parallel_loop3A_658 = tpu.vector_load_idx %arg8[%parallel_loop3A_633] : memref<10000xf32, #tpu.memory_space<vmem>>[vector<16xi32>], vector<16xf32>,
        %parallel_loop3A_659 = arith.constant 1 : i32
        %parallel_loop3A_660 = arith.constant 3 : i32
        %parallel_loop3A_661 = arith.index_cast %parallel_loop3A_659 : i32 to index
        %parallel_loop3A_662 = arith.index_cast %parallel_loop3A_345 : i32 to index
        %parallel_loop3A_663 = arith.index_cast %parallel_loop3A_660 : i32 to index
        %parallel_loop3A_664 = arith.constant 64 : index
        %parallel_loop3A_665 = tpu.vector_load %arg14[%parallel_loop3A_661, %parallel_loop3A_662, %parallel_loop3A_663, %parallel_loop3A_664] {strides = array<i32>} : memref<2x16x8x128xf32, #tpu.memory_space<vmem>>, vector<16xf32>,
        tpu.vector_store %arg14[%parallel_loop3A_661, %parallel_loop3A_662, %parallel_loop3A_663, %parallel_loop3A_664], %parallel_loop3A_658 {strides = array<i32>} : memref<2x16x8x128xf32, #tpu.memory_space<vmem>>, vector<16xf32>,
        %parallel_loop3A_666 = tpu.vector_load_idx %arg9[%parallel_loop3A_633] : memref<10000xf32, #tpu.memory_space<vmem>>[vector<16xi32>], vector<16xf32>,
        %parallel_loop3A_667 = arith.constant 1 : i32
        %parallel_loop3A_668 = arith.constant 4 : i32
        %parallel_loop3A_669 = arith.index_cast %parallel_loop3A_667 : i32 to index
        %parallel_loop3A_670 = arith.index_cast %parallel_loop3A_345 : i32 to index
        %parallel_loop3A_671 = arith.index_cast %parallel_loop3A_668 : i32 to index
        %parallel_loop3A_672 = arith.constant 64 : index
        %parallel_loop3A_673 = tpu.vector_load %arg14[%parallel_loop3A_669, %parallel_loop3A_670, %parallel_loop3A_671, %parallel_loop3A_672] {strides = array<i32>} : memref<2x16x8x128xf32, #tpu.memory_space<vmem>>, vector<16xf32>,
        tpu.vector_store %arg14[%parallel_loop3A_669, %parallel_loop3A_670, %parallel_loop3A_671, %parallel_loop3A_672], %parallel_loop3A_666 {strides = array<i32>} : memref<2x16x8x128xf32, #tpu.memory_space<vmem>>, vector<16xf32>,
        %parallel_loop3A_674 = tpu.vector_load_idx %arg10[%parallel_loop3A_633] : memref<10000xf32, #tpu.memory_space<vmem>>[vector<16xi32>], vector<16xf32>,
        %parallel_loop3A_675 = arith.constant 1 : i32
        %parallel_loop3A_676 = arith.constant 5 : i32
        %parallel_loop3A_677 = arith.index_cast %parallel_loop3A_675 : i32 to index
        %parallel_loop3A_678 = arith.index_cast %parallel_loop3A_345 : i32 to index
        %parallel_loop3A_679 = arith.index_cast %parallel_loop3A_676 : i32 to index
        %parallel_loop3A_680 = arith.constant 64 : index
        %parallel_loop3A_681 = tpu.vector_load %arg14[%parallel_loop3A_677, %parallel_loop3A_678, %parallel_loop3A_679, %parallel_loop3A_680] {strides = array<i32>} : memref<2x16x8x128xf32, #tpu.memory_space<vmem>>, vector<16xf32>,
        tpu.vector_store %arg14[%parallel_loop3A_677, %parallel_loop3A_678, %parallel_loop3A_679, %parallel_loop3A_680], %parallel_loop3A_674 {strides = array<i32>} : memref<2x16x8x128xf32, #tpu.memory_space<vmem>>, vector<16xf32>,
        %parallel_loop3A_682 = tpu.vector_load_idx %arg11[%parallel_loop3A_633] : memref<10000xf32, #tpu.memory_space<vmem>>[vector<16xi32>], vector<16xf32>,
        %parallel_loop3A_683 = arith.constant 1 : i32
        %parallel_loop3A_684 = arith.constant 6 : i32
        %parallel_loop3A_685 = arith.index_cast %parallel_loop3A_683 : i32 to index
        %parallel_loop3A_686 = arith.index_cast %parallel_loop3A_345 : i32 to index
        %parallel_loop3A_687 = arith.index_cast %parallel_loop3A_684 : i32 to index
        %parallel_loop3A_688 = arith.constant 64 : index
        %parallel_loop3A_689 = tpu.vector_load %arg14[%parallel_loop3A_685, %parallel_loop3A_686, %parallel_loop3A_687, %parallel_loop3A_688] {strides = array<i32>} : memref<2x16x8x128xf32, #tpu.memory_space<vmem>>, vector<16xf32>,
        tpu.vector_store %arg14[%parallel_loop3A_685, %parallel_loop3A_686, %parallel_loop3A_687, %parallel_loop3A_688], %parallel_loop3A_682 {strides = array<i32>} : memref<2x16x8x128xf32, #tpu.memory_space<vmem>>, vector<16xf32>,
        %parallel_loop3A_690 = tpu.vector_load_idx %arg12[%parallel_loop3A_633] : memref<10000xf32, #tpu.memory_space<vmem>>[vector<16xi32>], vector<16xf32>,
        %parallel_loop3A_691 = arith.constant 1 : i32
        %parallel_loop3A_692 = arith.constant 7 : i32
        %parallel_loop3A_693 = arith.index_cast %parallel_loop3A_691 : i32 to index
        %parallel_loop3A_694 = arith.index_cast %parallel_loop3A_345 : i32 to index
        %parallel_loop3A_695 = arith.index_cast %parallel_loop3A_692 : i32 to index
        %parallel_loop3A_696 = arith.constant 64 : index
        %parallel_loop3A_697 = tpu.vector_load %arg14[%parallel_loop3A_693, %parallel_loop3A_694, %parallel_loop3A_695, %parallel_loop3A_696] {strides = array<i32>} : memref<2x16x8x128xf32, #tpu.memory_space<vmem>>, vector<16xf32>,
        tpu.vector_store %arg14[%parallel_loop3A_693, %parallel_loop3A_694, %parallel_loop3A_695, %parallel_loop3A_696], %parallel_loop3A_690 {strides = array<i32>} : memref<2x16x8x128xf32, #tpu.memory_space<vmem>>, vector<16xf32>,
        %parallel_loop3A_698 = arith.constant 80 : i32
        %parallel_loop3A_699 = arith.addi %parallel_loop3A_347, %parallel_loop3A_698 : i32
        %parallel_loop3A_700 = arith.constant 1 : i32
        %parallel_loop3A_701 = arith.index_cast %parallel_loop3A_700 : i32 to index
        %parallel_loop3A_702 = arith.index_cast %parallel_loop3A_699 : i32 to index
        %parallel_loop3A_703 = tpu.vector_load %arg13[%parallel_loop3A_701, %parallel_loop3A_702] {strides = array<i32>} : memref<2x2048xi32, #tpu.memory_space<vmem>>, vector<16xi32>,
        %parallel_loop3A_704 = tpu.vector_load_idx %arg5[%parallel_loop3A_703] : memref<10000xf32, #tpu.memory_space<vmem>>[vector<16xi32>], vector<16xf32>,
        %parallel_loop3A_705 = arith.constant 1 : i32
        %parallel_loop3A_706 = arith.constant 0 : i32
        %parallel_loop3A_707 = arith.index_cast %parallel_loop3A_705 : i32 to index
        %parallel_loop3A_708 = arith.index_cast %parallel_loop3A_345 : i32 to index
        %parallel_loop3A_709 = arith.index_cast %parallel_loop3A_706 : i32 to index
        %parallel_loop3A_710 = arith.constant 80 : index
        %parallel_loop3A_711 = tpu.vector_load %arg14[%parallel_loop3A_707, %parallel_loop3A_708, %parallel_loop3A_709, %parallel_loop3A_710] {strides = array<i32>} : memref<2x16x8x128xf32, #tpu.memory_space<vmem>>, vector<16xf32>,
        tpu.vector_store %arg14[%parallel_loop3A_707, %parallel_loop3A_708, %parallel_loop3A_709, %parallel_loop3A_710], %parallel_loop3A_704 {strides = array<i32>} : memref<2x16x8x128xf32, #tpu.memory_space<vmem>>, vector<16xf32>,
        %parallel_loop3A_712 = tpu.vector_load_idx %arg6[%parallel_loop3A_703] : memref<10000xf32, #tpu.memory_space<vmem>>[vector<16xi32>], vector<16xf32>,
        %parallel_loop3A_713 = arith.constant 1 : i32
        %parallel_loop3A_714 = arith.constant 1 : i32
        %parallel_loop3A_715 = arith.index_cast %parallel_loop3A_713 : i32 to index
        %parallel_loop3A_716 = arith.index_cast %parallel_loop3A_345 : i32 to index
        %parallel_loop3A_717 = arith.index_cast %parallel_loop3A_714 : i32 to index
        %parallel_loop3A_718 = arith.constant 80 : index
        %parallel_loop3A_719 = tpu.vector_load %arg14[%parallel_loop3A_715, %parallel_loop3A_716, %parallel_loop3A_717, %parallel_loop3A_718] {strides = array<i32>} : memref<2x16x8x128xf32, #tpu.memory_space<vmem>>, vector<16xf32>,
        tpu.vector_store %arg14[%parallel_loop3A_715, %parallel_loop3A_716, %parallel_loop3A_717, %parallel_loop3A_718], %parallel_loop3A_712 {strides = array<i32>} : memref<2x16x8x128xf32, #tpu.memory_space<vmem>>, vector<16xf32>,
        %parallel_loop3A_720 = tpu.vector_load_idx %arg7[%parallel_loop3A_703] : memref<10000xf32, #tpu.memory_space<vmem>>[vector<16xi32>], vector<16xf32>,
        %parallel_loop3A_721 = arith.constant 1 : i32
        %parallel_loop3A_722 = arith.constant 2 : i32
        %parallel_loop3A_723 = arith.index_cast %parallel_loop3A_721 : i32 to index
        %parallel_loop3A_724 = arith.index_cast %parallel_loop3A_345 : i32 to index
        %parallel_loop3A_725 = arith.index_cast %parallel_loop3A_722 : i32 to index
        %parallel_loop3A_726 = arith.constant 80 : index
        %parallel_loop3A_727 = tpu.vector_load %arg14[%parallel_loop3A_723, %parallel_loop3A_724, %parallel_loop3A_725, %parallel_loop3A_726] {strides = array<i32>} : memref<2x16x8x128xf32, #tpu.memory_space<vmem>>, vector<16xf32>,
        tpu.vector_store %arg14[%parallel_loop3A_723, %parallel_loop3A_724, %parallel_loop3A_725, %parallel_loop3A_726], %parallel_loop3A_720 {strides = array<i32>} : memref<2x16x8x128xf32, #tpu.memory_space<vmem>>, vector<16xf32>,
        %parallel_loop3A_728 = tpu.vector_load_idx %arg8[%parallel_loop3A_703] : memref<10000xf32, #tpu.memory_space<vmem>>[vector<16xi32>], vector<16xf32>,
        %parallel_loop3A_729 = arith.constant 1 : i32
        %parallel_loop3A_730 = arith.constant 3 : i32
        %parallel_loop3A_731 = arith.index_cast %parallel_loop3A_729 : i32 to index
        %parallel_loop3A_732 = arith.index_cast %parallel_loop3A_345 : i32 to index
        %parallel_loop3A_733 = arith.index_cast %parallel_loop3A_730 : i32 to index
        %parallel_loop3A_734 = arith.constant 80 : index
        %parallel_loop3A_735 = tpu.vector_load %arg14[%parallel_loop3A_731, %parallel_loop3A_732, %parallel_loop3A_733, %parallel_loop3A_734] {strides = array<i32>} : memref<2x16x8x128xf32, #tpu.memory_space<vmem>>, vector<16xf32>,
        tpu.vector_store %arg14[%parallel_loop3A_731, %parallel_loop3A_732, %parallel_loop3A_733, %parallel_loop3A_734], %parallel_loop3A_728 {strides = array<i32>} : memref<2x16x8x128xf32, #tpu.memory_space<vmem>>, vector<16xf32>,
        %parallel_loop3A_736 = tpu.vector_load_idx %arg9[%parallel_loop3A_703] : memref<10000xf32, #tpu.memory_space<vmem>>[vector<16xi32>], vector<16xf32>,
        %parallel_loop3A_737 = arith.constant 1 : i32
        %parallel_loop3A_738 = arith.constant 4 : i32
        %parallel_loop3A_739 = arith.index_cast %parallel_loop3A_737 : i32 to index
        %parallel_loop3A_740 = arith.index_cast %parallel_loop3A_345 : i32 to index
        %parallel_loop3A_741 = arith.index_cast %parallel_loop3A_738 : i32 to index
        %parallel_loop3A_742 = arith.constant 80 : index
        %parallel_loop3A_743 = tpu.vector_load %arg14[%parallel_loop3A_739, %parallel_loop3A_740, %parallel_loop3A_741, %parallel_loop3A_742] {strides = array<i32>} : memref<2x16x8x128xf32, #tpu.memory_space<vmem>>, vector<16xf32>,
        tpu.vector_store %arg14[%parallel_loop3A_739, %parallel_loop3A_740, %parallel_loop3A_741, %parallel_loop3A_742], %parallel_loop3A_736 {strides = array<i32>} : memref<2x16x8x128xf32, #tpu.memory_space<vmem>>, vector<16xf32>,
        %parallel_loop3A_744 = tpu.vector_load_idx %arg10[%parallel_loop3A_703] : memref<10000xf32, #tpu.memory_space<vmem>>[vector<16xi32>], vector<16xf32>,
        %parallel_loop3A_745 = arith.constant 1 : i32
        %parallel_loop3A_746 = arith.constant 5 : i32
        %parallel_loop3A_747 = arith.index_cast %parallel_loop3A_745 : i32 to index
        %parallel_loop3A_748 = arith.index_cast %parallel_loop3A_345 : i32 to index
        %parallel_loop3A_749 = arith.index_cast %parallel_loop3A_746 : i32 to index
        %parallel_loop3A_750 = arith.constant 80 : index
        %parallel_loop3A_751 = tpu.vector_load %arg14[%parallel_loop3A_747, %parallel_loop3A_748, %parallel_loop3A_749, %parallel_loop3A_750] {strides = array<i32>} : memref<2x16x8x128xf32, #tpu.memory_space<vmem>>, vector<16xf32>,
        tpu.vector_store %arg14[%parallel_loop3A_747, %parallel_loop3A_748, %parallel_loop3A_749, %parallel_loop3A_750], %parallel_loop3A_744 {strides = array<i32>} : memref<2x16x8x128xf32, #tpu.memory_space<vmem>>, vector<16xf32>,
        %parallel_loop3A_752 = tpu.vector_load_idx %arg11[%parallel_loop3A_703] : memref<10000xf32, #tpu.memory_space<vmem>>[vector<16xi32>], vector<16xf32>,
        %parallel_loop3A_753 = arith.constant 1 : i32
        %parallel_loop3A_754 = arith.constant 6 : i32
        %parallel_loop3A_755 = arith.index_cast %parallel_loop3A_753 : i32 to index
        %parallel_loop3A_756 = arith.index_cast %parallel_loop3A_345 : i32 to index
        %parallel_loop3A_757 = arith.index_cast %parallel_loop3A_754 : i32 to index
        %parallel_loop3A_758 = arith.constant 80 : index
        %parallel_loop3A_759 = tpu.vector_load %arg14[%parallel_loop3A_755, %parallel_loop3A_756, %parallel_loop3A_757, %parallel_loop3A_758] {strides = array<i32>} : memref<2x16x8x128xf32, #tpu.memory_space<vmem>>, vector<16xf32>,
        tpu.vector_store %arg14[%parallel_loop3A_755, %parallel_loop3A_756, %parallel_loop3A_757, %parallel_loop3A_758], %parallel_loop3A_752 {strides = array<i32>} : memref<2x16x8x128xf32, #tpu.memory_space<vmem>>, vector<16xf32>,
        %parallel_loop3A_760 = tpu.vector_load_idx %arg12[%parallel_loop3A_703] : memref<10000xf32, #tpu.memory_space<vmem>>[vector<16xi32>], vector<16xf32>,
        %parallel_loop3A_761 = arith.constant 1 : i32
        %parallel_loop3A_762 = arith.constant 7 : i32
        %parallel_loop3A_763 = arith.index_cast %parallel_loop3A_761 : i32 to index
        %parallel_loop3A_764 = arith.index_cast %parallel_loop3A_345 : i32 to index
        %parallel_loop3A_765 = arith.index_cast %parallel_loop3A_762 : i32 to index
        %parallel_loop3A_766 = arith.constant 80 : index
        %parallel_loop3A_767 = tpu.vector_load %arg14[%parallel_loop3A_763, %parallel_loop3A_764, %parallel_loop3A_765, %parallel_loop3A_766] {strides = array<i32>} : memref<2x16x8x128xf32, #tpu.memory_space<vmem>>, vector<16xf32>,
        tpu.vector_store %arg14[%parallel_loop3A_763, %parallel_loop3A_764, %parallel_loop3A_765, %parallel_loop3A_766], %parallel_loop3A_760 {strides = array<i32>} : memref<2x16x8x128xf32, #tpu.memory_space<vmem>>, vector<16xf32>,
        %parallel_loop3A_768 = arith.constant 96 : i32
        %parallel_loop3A_769 = arith.addi %parallel_loop3A_347, %parallel_loop3A_768 : i32
        %parallel_loop3A_770 = arith.constant 1 : i32
        %parallel_loop3A_771 = arith.index_cast %parallel_loop3A_770 : i32 to index
        %parallel_loop3A_772 = arith.index_cast %parallel_loop3A_769 : i32 to index
        %parallel_loop3A_773 = tpu.vector_load %arg13[%parallel_loop3A_771, %parallel_loop3A_772] {strides = array<i32>} : memref<2x2048xi32, #tpu.memory_space<vmem>>, vector<16xi32>,
        %parallel_loop3A_774 = tpu.vector_load_idx %arg5[%parallel_loop3A_773] : memref<10000xf32, #tpu.memory_space<vmem>>[vector<16xi32>], vector<16xf32>,
        %parallel_loop3A_775 = arith.constant 1 : i32
        %parallel_loop3A_776 = arith.constant 0 : i32
        %parallel_loop3A_777 = arith.index_cast %parallel_loop3A_775 : i32 to index
        %parallel_loop3A_778 = arith.index_cast %parallel_loop3A_345 : i32 to index
        %parallel_loop3A_779 = arith.index_cast %parallel_loop3A_776 : i32 to index
        %parallel_loop3A_780 = arith.constant 96 : index
        %parallel_loop3A_781 = tpu.vector_load %arg14[%parallel_loop3A_777, %parallel_loop3A_778, %parallel_loop3A_779, %parallel_loop3A_780] {strides = array<i32>} : memref<2x16x8x128xf32, #tpu.memory_space<vmem>>, vector<16xf32>,
        tpu.vector_store %arg14[%parallel_loop3A_777, %parallel_loop3A_778, %parallel_loop3A_779, %parallel_loop3A_780], %parallel_loop3A_774 {strides = array<i32>} : memref<2x16x8x128xf32, #tpu.memory_space<vmem>>, vector<16xf32>,
        %parallel_loop3A_782 = tpu.vector_load_idx %arg6[%parallel_loop3A_773] : memref<10000xf32, #tpu.memory_space<vmem>>[vector<16xi32>], vector<16xf32>,
        %parallel_loop3A_783 = arith.constant 1 : i32
        %parallel_loop3A_784 = arith.constant 1 : i32
        %parallel_loop3A_785 = arith.index_cast %parallel_loop3A_783 : i32 to index
        %parallel_loop3A_786 = arith.index_cast %parallel_loop3A_345 : i32 to index
        %parallel_loop3A_787 = arith.index_cast %parallel_loop3A_784 : i32 to index
        %parallel_loop3A_788 = arith.constant 96 : index
        %parallel_loop3A_789 = tpu.vector_load %arg14[%parallel_loop3A_785, %parallel_loop3A_786, %parallel_loop3A_787, %parallel_loop3A_788] {strides = array<i32>} : memref<2x16x8x128xf32, #tpu.memory_space<vmem>>, vector<16xf32>,
        tpu.vector_store %arg14[%parallel_loop3A_785, %parallel_loop3A_786, %parallel_loop3A_787, %parallel_loop3A_788], %parallel_loop3A_782 {strides = array<i32>} : memref<2x16x8x128xf32, #tpu.memory_space<vmem>>, vector<16xf32>,
        %parallel_loop3A_790 = tpu.vector_load_idx %arg7[%parallel_loop3A_773] : memref<10000xf32, #tpu.memory_space<vmem>>[vector<16xi32>], vector<16xf32>,
        %parallel_loop3A_791 = arith.constant 1 : i32
        %parallel_loop3A_792 = arith.constant 2 : i32
        %parallel_loop3A_793 = arith.index_cast %parallel_loop3A_791 : i32 to index
        %parallel_loop3A_794 = arith.index_cast %parallel_loop3A_345 : i32 to index
        %parallel_loop3A_795 = arith.index_cast %parallel_loop3A_792 : i32 to index
        %parallel_loop3A_796 = arith.constant 96 : index
        %parallel_loop3A_797 = tpu.vector_load %arg14[%parallel_loop3A_793, %parallel_loop3A_794, %parallel_loop3A_795, %parallel_loop3A_796] {strides = array<i32>} : memref<2x16x8x128xf32, #tpu.memory_space<vmem>>, vector<16xf32>,
        tpu.vector_store %arg14[%parallel_loop3A_793, %parallel_loop3A_794, %parallel_loop3A_795, %parallel_loop3A_796], %parallel_loop3A_790 {strides = array<i32>} : memref<2x16x8x128xf32, #tpu.memory_space<vmem>>, vector<16xf32>,
        %parallel_loop3A_798 = tpu.vector_load_idx %arg8[%parallel_loop3A_773] : memref<10000xf32, #tpu.memory_space<vmem>>[vector<16xi32>], vector<16xf32>,
        %parallel_loop3A_799 = arith.constant 1 : i32
        %parallel_loop3A_800 = arith.constant 3 : i32
        %parallel_loop3A_801 = arith.index_cast %parallel_loop3A_799 : i32 to index
        %parallel_loop3A_802 = arith.index_cast %parallel_loop3A_345 : i32 to index
        %parallel_loop3A_803 = arith.index_cast %parallel_loop3A_800 : i32 to index
        %parallel_loop3A_804 = arith.constant 96 : index
        %parallel_loop3A_805 = tpu.vector_load %arg14[%parallel_loop3A_801, %parallel_loop3A_802, %parallel_loop3A_803, %parallel_loop3A_804] {strides = array<i32>} : memref<2x16x8x128xf32, #tpu.memory_space<vmem>>, vector<16xf32>,
        tpu.vector_store %arg14[%parallel_loop3A_801, %parallel_loop3A_802, %parallel_loop3A_803, %parallel_loop3A_804], %parallel_loop3A_798 {strides = array<i32>} : memref<2x16x8x128xf32, #tpu.memory_space<vmem>>, vector<16xf32>,
        %parallel_loop3A_806 = tpu.vector_load_idx %arg9[%parallel_loop3A_773] : memref<10000xf32, #tpu.memory_space<vmem>>[vector<16xi32>], vector<16xf32>,
        %parallel_loop3A_807 = arith.constant 1 : i32
        %parallel_loop3A_808 = arith.constant 4 : i32
        %parallel_loop3A_809 = arith.index_cast %parallel_loop3A_807 : i32 to index
        %parallel_loop3A_810 = arith.index_cast %parallel_loop3A_345 : i32 to index
        %parallel_loop3A_811 = arith.index_cast %parallel_loop3A_808 : i32 to index
        %parallel_loop3A_812 = arith.constant 96 : index
        %parallel_loop3A_813 = tpu.vector_load %arg14[%parallel_loop3A_809, %parallel_loop3A_810, %parallel_loop3A_811, %parallel_loop3A_812] {strides = array<i32>} : memref<2x16x8x128xf32, #tpu.memory_space<vmem>>, vector<16xf32>,
        tpu.vector_store %arg14[%parallel_loop3A_809, %parallel_loop3A_810, %parallel_loop3A_811, %parallel_loop3A_812], %parallel_loop3A_806 {strides = array<i32>} : memref<2x16x8x128xf32, #tpu.memory_space<vmem>>, vector<16xf32>,
        %parallel_loop3A_814 = tpu.vector_load_idx %arg10[%parallel_loop3A_773] : memref<10000xf32, #tpu.memory_space<vmem>>[vector<16xi32>], vector<16xf32>,
        %parallel_loop3A_815 = arith.constant 1 : i32
        %parallel_loop3A_816 = arith.constant 5 : i32
        %parallel_loop3A_817 = arith.index_cast %parallel_loop3A_815 : i32 to index
        %parallel_loop3A_818 = arith.index_cast %parallel_loop3A_345 : i32 to index
        %parallel_loop3A_819 = arith.index_cast %parallel_loop3A_816 : i32 to index
        %parallel_loop3A_820 = arith.constant 96 : index
        %parallel_loop3A_821 = tpu.vector_load %arg14[%parallel_loop3A_817, %parallel_loop3A_818, %parallel_loop3A_819, %parallel_loop3A_820] {strides = array<i32>} : memref<2x16x8x128xf32, #tpu.memory_space<vmem>>, vector<16xf32>,
        tpu.vector_store %arg14[%parallel_loop3A_817, %parallel_loop3A_818, %parallel_loop3A_819, %parallel_loop3A_820], %parallel_loop3A_814 {strides = array<i32>} : memref<2x16x8x128xf32, #tpu.memory_space<vmem>>, vector<16xf32>,
        %parallel_loop3A_822 = tpu.vector_load_idx %arg11[%parallel_loop3A_773] : memref<10000xf32, #tpu.memory_space<vmem>>[vector<16xi32>], vector<16xf32>,
        %parallel_loop3A_823 = arith.constant 1 : i32
        %parallel_loop3A_824 = arith.constant 6 : i32
        %parallel_loop3A_825 = arith.index_cast %parallel_loop3A_823 : i32 to index
        %parallel_loop3A_826 = arith.index_cast %parallel_loop3A_345 : i32 to index
        %parallel_loop3A_827 = arith.index_cast %parallel_loop3A_824 : i32 to index
        %parallel_loop3A_828 = arith.constant 96 : index
        %parallel_loop3A_829 = tpu.vector_load %arg14[%parallel_loop3A_825, %parallel_loop3A_826, %parallel_loop3A_827, %parallel_loop3A_828] {strides = array<i32>} : memref<2x16x8x128xf32, #tpu.memory_space<vmem>>, vector<16xf32>,
        tpu.vector_store %arg14[%parallel_loop3A_825, %parallel_loop3A_826, %parallel_loop3A_827, %parallel_loop3A_828], %parallel_loop3A_822 {strides = array<i32>} : memref<2x16x8x128xf32, #tpu.memory_space<vmem>>, vector<16xf32>,
        %parallel_loop3A_830 = tpu.vector_load_idx %arg12[%parallel_loop3A_773] : memref<10000xf32, #tpu.memory_space<vmem>>[vector<16xi32>], vector<16xf32>,
        %parallel_loop3A_831 = arith.constant 1 : i32
        %parallel_loop3A_832 = arith.constant 7 : i32
        %parallel_loop3A_833 = arith.index_cast %parallel_loop3A_831 : i32 to index
        %parallel_loop3A_834 = arith.index_cast %parallel_loop3A_345 : i32 to index
        %parallel_loop3A_835 = arith.index_cast %parallel_loop3A_832 : i32 to index
        %parallel_loop3A_836 = arith.constant 96 : index
        %parallel_loop3A_837 = tpu.vector_load %arg14[%parallel_loop3A_833, %parallel_loop3A_834, %parallel_loop3A_835, %parallel_loop3A_836] {strides = array<i32>} : memref<2x16x8x128xf32, #tpu.memory_space<vmem>>, vector<16xf32>,
        tpu.vector_store %arg14[%parallel_loop3A_833, %parallel_loop3A_834, %parallel_loop3A_835, %parallel_loop3A_836], %parallel_loop3A_830 {strides = array<i32>} : memref<2x16x8x128xf32, #tpu.memory_space<vmem>>, vector<16xf32>,
        %parallel_loop3A_838 = arith.constant 112 : i32
        %parallel_loop3A_839 = arith.addi %parallel_loop3A_347, %parallel_loop3A_838 : i32
        %parallel_loop3A_840 = arith.constant 1 : i32
        %parallel_loop3A_841 = arith.index_cast %parallel_loop3A_840 : i32 to index
        %parallel_loop3A_842 = arith.index_cast %parallel_loop3A_839 : i32 to index
        %parallel_loop3A_843 = tpu.vector_load %arg13[%parallel_loop3A_841, %parallel_loop3A_842] {strides = array<i32>} : memref<2x2048xi32, #tpu.memory_space<vmem>>, vector<16xi32>,
        %parallel_loop3A_844 = tpu.vector_load_idx %arg5[%parallel_loop3A_843] : memref<10000xf32, #tpu.memory_space<vmem>>[vector<16xi32>], vector<16xf32>,
        %parallel_loop3A_845 = arith.constant 1 : i32
        %parallel_loop3A_846 = arith.constant 0 : i32
        %parallel_loop3A_847 = arith.index_cast %parallel_loop3A_845 : i32 to index
        %parallel_loop3A_848 = arith.index_cast %parallel_loop3A_345 : i32 to index
        %parallel_loop3A_849 = arith.index_cast %parallel_loop3A_846 : i32 to index
        %parallel_loop3A_850 = arith.constant 112 : index
        %parallel_loop3A_851 = tpu.vector_load %arg14[%parallel_loop3A_847, %parallel_loop3A_848, %parallel_loop3A_849, %parallel_loop3A_850] {strides = array<i32>} : memref<2x16x8x128xf32, #tpu.memory_space<vmem>>, vector<16xf32>,
        tpu.vector_store %arg14[%parallel_loop3A_847, %parallel_loop3A_848, %parallel_loop3A_849, %parallel_loop3A_850], %parallel_loop3A_844 {strides = array<i32>} : memref<2x16x8x128xf32, #tpu.memory_space<vmem>>, vector<16xf32>,
        %parallel_loop3A_852 = tpu.vector_load_idx %arg6[%parallel_loop3A_843] : memref<10000xf32, #tpu.memory_space<vmem>>[vector<16xi32>], vector<16xf32>,
        %parallel_loop3A_853 = arith.constant 1 : i32
        %parallel_loop3A_854 = arith.constant 1 : i32
        %parallel_loop3A_855 = arith.index_cast %parallel_loop3A_853 : i32 to index
        %parallel_loop3A_856 = arith.index_cast %parallel_loop3A_345 : i32 to index
        %parallel_loop3A_857 = arith.index_cast %parallel_loop3A_854 : i32 to index
        %parallel_loop3A_858 = arith.constant 112 : index
        %parallel_loop3A_859 = tpu.vector_load %arg14[%parallel_loop3A_855, %parallel_loop3A_856, %parallel_loop3A_857, %parallel_loop3A_858] {strides = array<i32>} : memref<2x16x8x128xf32, #tpu.memory_space<vmem>>, vector<16xf32>,
        tpu.vector_store %arg14[%parallel_loop3A_855, %parallel_loop3A_856, %parallel_loop3A_857, %parallel_loop3A_858], %parallel_loop3A_852 {strides = array<i32>} : memref<2x16x8x128xf32, #tpu.memory_space<vmem>>, vector<16xf32>,
        %parallel_loop3A_860 = tpu.vector_load_idx %arg7[%parallel_loop3A_843] : memref<10000xf32, #tpu.memory_space<vmem>>[vector<16xi32>], vector<16xf32>,
        %parallel_loop3A_861 = arith.constant 1 : i32
        %parallel_loop3A_862 = arith.constant 2 : i32
        %parallel_loop3A_863 = arith.index_cast %parallel_loop3A_861 : i32 to index
        %parallel_loop3A_864 = arith.index_cast %parallel_loop3A_345 : i32 to index
        %parallel_loop3A_865 = arith.index_cast %parallel_loop3A_862 : i32 to index
        %parallel_loop3A_866 = arith.constant 112 : index
        %parallel_loop3A_867 = tpu.vector_load %arg14[%parallel_loop3A_863, %parallel_loop3A_864, %parallel_loop3A_865, %parallel_loop3A_866] {strides = array<i32>} : memref<2x16x8x128xf32, #tpu.memory_space<vmem>>, vector<16xf32>,
        tpu.vector_store %arg14[%parallel_loop3A_863, %parallel_loop3A_864, %parallel_loop3A_865, %parallel_loop3A_866], %parallel_loop3A_860 {strides = array<i32>} : memref<2x16x8x128xf32, #tpu.memory_space<vmem>>, vector<16xf32>,
        %parallel_loop3A_868 = tpu.vector_load_idx %arg8[%parallel_loop3A_843] : memref<10000xf32, #tpu.memory_space<vmem>>[vector<16xi32>], vector<16xf32>,
        %parallel_loop3A_869 = arith.constant 1 : i32
        %parallel_loop3A_870 = arith.constant 3 : i32
        %parallel_loop3A_871 = arith.index_cast %parallel_loop3A_869 : i32 to index
        %parallel_loop3A_872 = arith.index_cast %parallel_loop3A_345 : i32 to index
        %parallel_loop3A_873 = arith.index_cast %parallel_loop3A_870 : i32 to index
        %parallel_loop3A_874 = arith.constant 112 : index
        %parallel_loop3A_875 = tpu.vector_load %arg14[%parallel_loop3A_871, %parallel_loop3A_872, %parallel_loop3A_873, %parallel_loop3A_874] {strides = array<i32>} : memref<2x16x8x128xf32, #tpu.memory_space<vmem>>, vector<16xf32>,
        tpu.vector_store %arg14[%parallel_loop3A_871, %parallel_loop3A_872, %parallel_loop3A_873, %parallel_loop3A_874], %parallel_loop3A_868 {strides = array<i32>} : memref<2x16x8x128xf32, #tpu.memory_space<vmem>>, vector<16xf32>,
        %parallel_loop3A_876 = tpu.vector_load_idx %arg9[%parallel_loop3A_843] : memref<10000xf32, #tpu.memory_space<vmem>>[vector<16xi32>], vector<16xf32>,
        %parallel_loop3A_877 = arith.constant 1 : i32
        %parallel_loop3A_878 = arith.constant 4 : i32
        %parallel_loop3A_879 = arith.index_cast %parallel_loop3A_877 : i32 to index
        %parallel_loop3A_880 = arith.index_cast %parallel_loop3A_345 : i32 to index
        %parallel_loop3A_881 = arith.index_cast %parallel_loop3A_878 : i32 to index
        %parallel_loop3A_882 = arith.constant 112 : index
        %parallel_loop3A_883 = tpu.vector_load %arg14[%parallel_loop3A_879, %parallel_loop3A_880, %parallel_loop3A_881, %parallel_loop3A_882] {strides = array<i32>} : memref<2x16x8x128xf32, #tpu.memory_space<vmem>>, vector<16xf32>,
        tpu.vector_store %arg14[%parallel_loop3A_879, %parallel_loop3A_880, %parallel_loop3A_881, %parallel_loop3A_882], %parallel_loop3A_876 {strides = array<i32>} : memref<2x16x8x128xf32, #tpu.memory_space<vmem>>, vector<16xf32>,
        %parallel_loop3A_884 = tpu.vector_load_idx %arg10[%parallel_loop3A_843] : memref<10000xf32, #tpu.memory_space<vmem>>[vector<16xi32>], vector<16xf32>,
        %parallel_loop3A_885 = arith.constant 1 : i32
        %parallel_loop3A_886 = arith.constant 5 : i32
        %parallel_loop3A_887 = arith.index_cast %parallel_loop3A_885 : i32 to index
        %parallel_loop3A_888 = arith.index_cast %parallel_loop3A_345 : i32 to index
        %parallel_loop3A_889 = arith.index_cast %parallel_loop3A_886 : i32 to index
        %parallel_loop3A_890 = arith.constant 112 : index
        %parallel_loop3A_891 = tpu.vector_load %arg14[%parallel_loop3A_887, %parallel_loop3A_888, %parallel_loop3A_889, %parallel_loop3A_890] {strides = array<i32>} : memref<2x16x8x128xf32, #tpu.memory_space<vmem>>, vector<16xf32>,
        tpu.vector_store %arg14[%parallel_loop3A_887, %parallel_loop3A_888, %parallel_loop3A_889, %parallel_loop3A_890], %parallel_loop3A_884 {strides = array<i32>} : memref<2x16x8x128xf32, #tpu.memory_space<vmem>>, vector<16xf32>,
        %parallel_loop3A_892 = tpu.vector_load_idx %arg11[%parallel_loop3A_843] : memref<10000xf32, #tpu.memory_space<vmem>>[vector<16xi32>], vector<16xf32>,
        %parallel_loop3A_893 = arith.constant 1 : i32
        %parallel_loop3A_894 = arith.constant 6 : i32
        %parallel_loop3A_895 = arith.index_cast %parallel_loop3A_893 : i32 to index
        %parallel_loop3A_896 = arith.index_cast %parallel_loop3A_345 : i32 to index
        %parallel_loop3A_897 = arith.index_cast %parallel_loop3A_894 : i32 to index
        %parallel_loop3A_898 = arith.constant 112 : index
        %parallel_loop3A_899 = tpu.vector_load %arg14[%parallel_loop3A_895, %parallel_loop3A_896, %parallel_loop3A_897, %parallel_loop3A_898] {strides = array<i32>} : memref<2x16x8x128xf32, #tpu.memory_space<vmem>>, vector<16xf32>,
        tpu.vector_store %arg14[%parallel_loop3A_895, %parallel_loop3A_896, %parallel_loop3A_897, %parallel_loop3A_898], %parallel_loop3A_892 {strides = array<i32>} : memref<2x16x8x128xf32, #tpu.memory_space<vmem>>, vector<16xf32>,
        %parallel_loop3A_900 = tpu.vector_load_idx %arg12[%parallel_loop3A_843] : memref<10000xf32, #tpu.memory_space<vmem>>[vector<16xi32>], vector<16xf32>,
        %parallel_loop3A_901 = arith.constant 1 : i32
        %parallel_loop3A_902 = arith.constant 7 : i32
        %parallel_loop3A_903 = arith.index_cast %parallel_loop3A_901 : i32 to index
        %parallel_loop3A_904 = arith.index_cast %parallel_loop3A_345 : i32 to index
        %parallel_loop3A_905 = arith.index_cast %parallel_loop3A_902 : i32 to index
        %parallel_loop3A_906 = arith.constant 112 : index
        %parallel_loop3A_907 = tpu.vector_load %arg14[%parallel_loop3A_903, %parallel_loop3A_904, %parallel_loop3A_905, %parallel_loop3A_906] {strides = array<i32>} : memref<2x16x8x128xf32, #tpu.memory_space<vmem>>, vector<16xf32>,
        tpu.vector_store %arg14[%parallel_loop3A_903, %parallel_loop3A_904, %parallel_loop3A_905, %parallel_loop3A_906], %parallel_loop3A_900 {strides = array<i32>} : memref<2x16x8x128xf32, #tpu.memory_space<vmem>>, vector<16xf32>,
      } {sc.loop_unroll_factor = 2 : i64, sc.parallel_access}
      %mul3A_317 = arith.constant 16 : i32
      %mul3A_318 = arith.muli %select_n3A_30, %mul3A_317 : i32
      %dma_start3A_319 = arith.constant 1 : i32
      %dma_start3A_320 = arith.constant 0 : i32
      %dma_start3A_321 = arith.constant 0 : i32
      %dma_start3A_322 = arith.constant 0 : i32
      %dma_start3A_323 = tpu.memref_slice %arg14[%dma_start3A_319, %dma_start3A_320, %dma_start3A_321, %dma_start3A_322] : memref<2x16x8x128xf32, #tpu.memory_space<vmem>> -> memref<1x16x8x128xf32, #tpu.memory_space<vmem>>
      %dma_start3A_324 = tpu.memref_squeeze %dma_start3A_323 : memref<1x16x8x128xf32, #tpu.memory_space<vmem>> -> memref<16x8x128xf32, #tpu.memory_space<vmem>>
      %dma_start3A_325 = arith.constant 0 : i32
      %dma_start3A_326 = arith.constant 0 : i32
      %dma_start3A_327 = tpu.memref_slice %arg4[%add3A_294, %select_n3A_9, %mul3A_318, %dma_start3A_325, %dma_start3A_326] : memref<200x4x128x8x128xf32, #tpu.memory_space<hbm>> -> memref<1x1x16x8x128xf32, #tpu.memory_space<hbm>>
      %dma_start3A_328 = tpu.memref_squeeze %dma_start3A_327 : memref<1x1x16x8x128xf32, #tpu.memory_space<hbm>> -> memref<16x8x128xf32, #tpu.memory_space<hbm>>
      %dma_start3A_329 = arith.constant 0 : i32
      %dma_start3A_330 = arith.constant 0 : i32
      %dma_start3A_331 = tpu.memref_slice %arg4[%add3A_294, %select_n3A_9, %mul3A_318, %dma_start3A_329, %dma_start3A_330] : memref<200x4x128x8x128xf32, #tpu.memory_space<hbm>> -> memref<1x1x16x8x128xf32, #tpu.memory_space<hbm>>
      %dma_start3A_332 = tpu.memref_squeeze %dma_start3A_331 : memref<1x1x16x8x128xf32, #tpu.memory_space<hbm>> -> memref<16x8x128xf32, #tpu.memory_space<hbm>>
      %dma_start3A_333 = arith.constant 0 : i32
      %dma_start3A_334 = arith.constant 0 : i32
      %dma_start3A_335 = arith.constant 0 : i32
      %dma_start3A_336 = tpu.memref_slice %arg14[%dma_start3A_319, %dma_start3A_333, %dma_start3A_334, %dma_start3A_335] : memref<2x16x8x128xf32, #tpu.memory_space<vmem>> -> memref<1x16x8x128xf32, #tpu.memory_space<vmem>>
      %dma_start3A_337 = tpu.memref_squeeze %dma_start3A_336 : memref<1x16x8x128xf32, #tpu.memory_space<vmem>> -> memref<16x8x128xf32, #tpu.memory_space<vmem>>
      tpu.enqueue_dma source(%dma_start3A_337 : memref<16x8x128xf32, #tpu.memory_space<vmem>>) target(%dma_start3A_332 : memref<16x8x128xf32, #tpu.memory_space<hbm>>) target_semaphore(%arg18 : memref<!tpu.dma_semaphore, #tpu.memory_space<semaphore_mem>>)
      %add3A_338 = arith.constant 2 : i32
      %add3A_339 = arith.addi %add3A_294, %add3A_338 : i32
      %lt3A_340 = arith.constant 200 : i32
      %lt3A_341 = arith.cmpi slt, %add3A_339, %lt3A_340 : i32
      %convert_element_type3A_342 = arith.extui %lt3A_341 : i1 to i32
      %cond3A_343 = arith.constant 0 : i32
      %cond3A_344 = arith.cmpi ne, %convert_element_type3A_342, %cond3A_343 : i32
      scf.if %cond3A_344 {
        %dma_start3A_345 = arith.constant 1 : i32
        %dma_start3A_346 = arith.constant 0 : i32
        %dma_start3A_347 = tpu.memref_slice %arg13[%dma_start3A_345, %dma_start3A_346] : memref<2x2048xi32, #tpu.memory_space<vmem>> -> memref<1x2048xi32, #tpu.memory_space<vmem>>
        %dma_start3A_348 = tpu.memref_squeeze %dma_start3A_347 : memref<1x2048xi32, #tpu.memory_space<vmem>> -> memref<2048xi32, #tpu.memory_space<vmem>>
        %dma_start3A_349 = tpu.memref_slice %arg3[%add3A_339, %mul3A_32] : memref<200x16384xi32, #tpu.memory_space<hbm>> -> memref<1x2048xi32, #tpu.memory_space<hbm>>
        %dma_start3A_350 = tpu.memref_squeeze %dma_start3A_349 : memref<1x2048xi32, #tpu.memory_space<hbm>> -> memref<2048xi32, #tpu.memory_space<hbm>>
        %dma_start3A_351 = arith.constant 0 : i32
        %dma_start3A_352 = tpu.memref_slice %arg13[%dma_start3A_345, %dma_start3A_351] : memref<2x2048xi32, #tpu.memory_space<vmem>> -> memref<1x2048xi32, #tpu.memory_space<vmem>>
        %dma_start3A_353 = tpu.memref_squeeze %dma_start3A_352 : memref<1x2048xi32, #tpu.memory_space<vmem>> -> memref<2048xi32, #tpu.memory_space<vmem>>
        %dma_start3A_354 = tpu.memref_slice %arg3[%add3A_339, %mul3A_32] : memref<200x16384xi32, #tpu.memory_space<hbm>> -> memref<1x2048xi32, #tpu.memory_space<hbm>>
        %dma_start3A_355 = tpu.memref_squeeze %dma_start3A_354 : memref<1x2048xi32, #tpu.memory_space<hbm>> -> memref<2048xi32, #tpu.memory_space<hbm>>
        tpu.enqueue_dma source(%dma_start3A_355 : memref<2048xi32, #tpu.memory_space<hbm>>) target(%dma_start3A_353 : memref<2048xi32, #tpu.memory_space<vmem>>) target_semaphore(%arg16 : memref<!tpu.dma_semaphore, #tpu.memory_space<semaphore_mem>>)
      } else {
      }
    }
    %scan3A_193 = arith.constant 100 : i32
    %dma_wait3A_194 = arith.constant 0 : i32
    %dma_wait3A_195 = arith.constant 0 : i32
    %dma_wait3A_196 = arith.constant 0 : i32
    %dma_wait3A_197 = arith.constant 0 : i32
    %dma_wait3A_198 = arith.constant 0 : i32
    %dma_wait3A_199 = arith.constant 0 : i32
    %dma_wait3A_200 = tpu.memref_slice %arg14[%dma_wait3A_194, %dma_wait3A_197, %dma_wait3A_198, %dma_wait3A_199] : memref<2x16x8x128xf32, #tpu.memory_space<vmem>> -> memref<1x16x8x128xf32, #tpu.memory_space<vmem>>
    %dma_wait3A_201 = tpu.memref_squeeze %dma_wait3A_200 : memref<1x16x8x128xf32, #tpu.memory_space<vmem>> -> memref<16x8x128xf32, #tpu.memory_space<vmem>>
    %dma_wait3A_202 = arith.constant 0 : i32
    %dma_wait3A_203 = arith.constant 0 : i32
    %dma_wait3A_204 = arith.constant 0 : i32
    %dma_wait3A_205 = tpu.memref_slice %arg4[%dma_wait3A_195, %dma_wait3A_196, %dma_wait3A_202, %dma_wait3A_203, %dma_wait3A_204] : memref<200x4x128x8x128xf32, #tpu.memory_space<hbm>> -> memref<1x1x16x8x128xf32, #tpu.memory_space<hbm>>
    %dma_wait3A_206 = tpu.memref_squeeze %dma_wait3A_205 : memref<1x1x16x8x128xf32, #tpu.memory_space<hbm>> -> memref<16x8x128xf32, #tpu.memory_space<hbm>>
    %dma_wait3A_207 = arith.constant 0 : i32
    %dma_wait3A_208 = arith.constant 0 : i32
    %dma_wait3A_209 = arith.constant 0 : i32
    %dma_wait3A_210 = tpu.memref_slice %arg4[%dma_wait3A_195, %dma_wait3A_196, %dma_wait3A_207, %dma_wait3A_208, %dma_wait3A_209] : memref<200x4x128x8x128xf32, #tpu.memory_space<hbm>> -> memref<1x1x16x8x128xf32, #tpu.memory_space<hbm>>
    %dma_wait3A_211 = tpu.memref_squeeze %dma_wait3A_210 : memref<1x1x16x8x128xf32, #tpu.memory_space<hbm>> -> memref<16x8x128xf32, #tpu.memory_space<hbm>>
    %dma_wait3A_212 = arith.constant 0 : i32
    %dma_wait3A_213 = arith.constant 0 : i32
    %dma_wait3A_214 = arith.constant 0 : i32
    %dma_wait3A_215 = tpu.memref_slice %arg14[%dma_wait3A_194, %dma_wait3A_212, %dma_wait3A_213, %dma_wait3A_214] : memref<2x16x8x128xf32, #tpu.memory_space<vmem>> -> memref<1x16x8x128xf32, #tpu.memory_space<vmem>>
    %dma_wait3A_216 = tpu.memref_squeeze %dma_wait3A_215 : memref<1x16x8x128xf32, #tpu.memory_space<vmem>> -> memref<16x8x128xf32, #tpu.memory_space<vmem>>
    tpu.wait_dma2 semaphore(%arg17 : memref<!tpu.dma_semaphore, #tpu.memory_space<semaphore_mem>>) src(%dma_wait3A_216 : memref<16x8x128xf32, #tpu.memory_space<vmem>>) dst(%dma_wait3A_211 : memref<16x8x128xf32, #tpu.memory_space<hbm>>)
    %dma_wait3A_217 = arith.constant 1 : i32
    %dma_wait3A_218 = arith.constant 0 : i32
    %dma_wait3A_219 = arith.constant 0 : i32
    %dma_wait3A_220 = arith.constant 0 : i32
    %dma_wait3A_221 = arith.constant 0 : i32
    %dma_wait3A_222 = arith.constant 0 : i32
    %dma_wait3A_223 = tpu.memref_slice %arg14[%dma_wait3A_217, %dma_wait3A_220, %dma_wait3A_221, %dma_wait3A_222] : memref<2x16x8x128xf32, #tpu.memory_space<vmem>> -> memref<1x16x8x128xf32, #tpu.memory_space<vmem>>
    %dma_wait3A_224 = tpu.memref_squeeze %dma_wait3A_223 : memref<1x16x8x128xf32, #tpu.memory_space<vmem>> -> memref<16x8x128xf32, #tpu.memory_space<vmem>>
    %dma_wait3A_225 = arith.constant 0 : i32
    %dma_wait3A_226 = arith.constant 0 : i32
    %dma_wait3A_227 = arith.constant 0 : i32
    %dma_wait3A_228 = tpu.memref_slice %arg4[%dma_wait3A_218, %dma_wait3A_219, %dma_wait3A_225, %dma_wait3A_226, %dma_wait3A_227] : memref<200x4x128x8x128xf32, #tpu.memory_space<hbm>> -> memref<1x1x16x8x128xf32, #tpu.memory_space<hbm>>
    %dma_wait3A_229 = tpu.memref_squeeze %dma_wait3A_228 : memref<1x1x16x8x128xf32, #tpu.memory_space<hbm>> -> memref<16x8x128xf32, #tpu.memory_space<hbm>>
    %dma_wait3A_230 = arith.constant 0 : i32
    %dma_wait3A_231 = arith.constant 0 : i32
    %dma_wait3A_232 = arith.constant 0 : i32
    %dma_wait3A_233 = tpu.memref_slice %arg4[%dma_wait3A_218, %dma_wait3A_219, %dma_wait3A_230, %dma_wait3A_231, %dma_wait3A_232] : memref<200x4x128x8x128xf32, #tpu.memory_space<hbm>> -> memref<1x1x16x8x128xf32, #tpu.memory_space<hbm>>
    %dma_wait3A_234 = tpu.memref_squeeze %dma_wait3A_233 : memref<1x1x16x8x128xf32, #tpu.memory_space<hbm>> -> memref<16x8x128xf32, #tpu.memory_space<hbm>>
    %dma_wait3A_235 = arith.constant 0 : i32
    %dma_wait3A_236 = arith.constant 0 : i32
    %dma_wait3A_237 = arith.constant 0 : i32
    %dma_wait3A_238 = tpu.memref_slice %arg14[%dma_wait3A_217, %dma_wait3A_235, %dma_wait3A_236, %dma_wait3A_237] : memref<2x16x8x128xf32, #tpu.memory_space<vmem>> -> memref<1x16x8x128xf32, #tpu.memory_space<vmem>>
    %dma_wait3A_239 = tpu.memref_squeeze %dma_wait3A_238 : memref<1x16x8x128xf32, #tpu.memory_space<vmem>> -> memref<16x8x128xf32, #tpu.memory_space<vmem>>
    tpu.wait_dma2 semaphore(%arg18 : memref<!tpu.dma_semaphore, #tpu.memory_space<semaphore_mem>>) src(%dma_wait3A_239 : memref<16x8x128xf32, #tpu.memory_space<vmem>>) dst(%dma_wait3A_234 : memref<16x8x128xf32, #tpu.memory_space<hbm>>)
    return
  }
}

</mosaic_0001>

<sc_bundles>
// kernel: kernel.4.cloned.1.call-start
scs
__scs_entry_jumppad:
0x0: {  	(pc) =	sbr.rel $0x88, $3  }
0x1: {  	(tag) =	ssettag $0x0;
	lr =	simm.s32 $0x1  }
0x2: {  	[smem:$0x3F9F] =	sst lr;
	_ =	strace $0xD0000000  }
0x3: {  	_ = 	snop  }
0x4: {  	_ = 	snop  }
0x5: {  	_ = 	snop  }
0x6: {  	_ = 	snop  }
0x7: {  	_ = 	snop  }
__scs_overlays_trampoline_lowered:
0x8: {  	[smem:$0x3FAE] =	sst s0  }
0x9: {  	[smem:$0x3FAF] =	sst s1  }
0xa: {  	[smem:$0x3FB0] =	sst s2  }
0xb: {  	[smem:$0x3FB1] =	sst s3  }
0xc: {  	[smem:$0x3FB2] =	sst s4  }
0xd: {  	[smem:$0x3FB3] =	sst s5  }
0xe: {  	[smem:$0x3FB4] =	sst s6  }
0xf: {  	[smem:$0x3FB5] =	sst s7  }
0x10: {  	[smem:$0x3FB6] =	sst s8  }
0x11: {  	[smem:$0x3FB7] =	sst s9;
	s0 =	simm.s32 @!p0 $0x0  }
0x12: {  	s1 =	sld [smem:$0x3F9D];
	s0 =	simm.s32 @p0 $0x1  }
0x13: {  	[smem:$0x3FB8] =	sst s0;
	s0 =	simm.s32 @!p1 $0x0  }
0x14: {  	s2 =	sld [smem:$0x3F9C];
	s0 =	simm.s32 @p1 $0x1  }
0x15: {  	[smem:$0x3FB9] =	sst s0;
	s0 =	simm.s32 @!p2 $0x0  }
0x16: {  	s3 =	sld [smem:$0x3FDB];
	s0 =	simm.s32 @p2 $0x1  }
0x17: {  	s4 =	simm.s32 $0x1BF5;
	[smem:$0x3FBB] =	sst s0  }
0x18: {  	s0 =	sld [smem:$0x3F9E];
	_ =	swait.ge [sflag:s4], $0x0  }
0x19: {  	s7 =	sld [smem:$0x3F9F]  }
0x1a: {  	s8 =	sadd.s32 $0xFFFFE003, lr  }
0x1b: {  	s9 =	sadd.s32 $0xFFFFFEF7, lr;
	s5 =	simm.s32 $0xFFFFFFFF;
	p2 =	slt.u32 s8, $0xFFFFF086  }
0x1c: {  	p1 =	slt.u32 s9, $0xF7A;
	s5 =	simm.s32 @!p2 $0x0  }
0x1d: {  	s5 =	simm.s32 @p1 $0x1;
	p0 =	seq.s32 s7, s2  }
0x1e: {  	s7 =	smul.u32 @!p0 $0xF7A, s2;
	p2 =	seq.s32 @!p0 s5, $0x0  }
0x1f: {  	s9 =	smul.u32 $0xF7A, s1;
	s8 =	simm.s32 @!p0 $0x1BF5;
	p2 =	por !p2, p0  }
0x20: {  	[sflag:s8] =	ssyncset.s32 @!p0 $0xFFFFF086;
	s6 =	sadd.s32 @!p0 s3, s7;
	s7 =	simm.s32 @!p0 $0x108  }
0x21: {  	s3 =	sadd.s32 s3, s9;
	s6 =	sadd.s32 @!p0 $0x88, s6;
	s7 =	simm.s32 @p2 $0x1082  }
0x22: {  	[simem:s7], [sflag:s8] =	dma.local @!p0 [hbm:s6], $0xF7A  }
0x23: {  	s9 =	sor.u32 $0xD0000000, s2;
	s6 =	simm.s32 $0x108;
	_ =	swait.ge @!p0 [sflag:s8], $0x0  }
0x24: {  	s3 =	sadd.s32 $0x88, s3;
	s6 =	simm.s32 @!p1 $0x1082;
	[sflag:s4] =	ssyncset.s32 $0xFFFFF086  }
0x25: {  	[simem:s6], [sflag:s4] =	dma.local [hbm:s3], $0xF7A  }
0x26: {  	[smem:$0x3F9F] =	sst s1;
	(tag) =	ssettag s2;
	_ =	strace s9  }
0x27: {  	s1 =	sld [smem:$0x3FAF]  }
0x28: {  	s2 =	sld [smem:$0x3FB0]  }
0x29: {  	s4 =	sld [smem:$0x3FB2]  }
0x2a: {  	p0 =	seq.s32 s5, $0x0;
	s5 =	sld [smem:$0x3FB3]  }
0x2b: {  	s6 =	sld [smem:$0x3FB4]  }
0x2c: {  	s7 =	sld [smem:$0x3FB5]  }
0x2d: {  	s3 =	simm.s32 $0x108;
	s8 =	sld [smem:$0x3FB6]  }
0x2e: {  	s3 =	simm.s32 @!p0 $0x1082;
	s9 =	sld [smem:$0x3FB7]  }
0x2f: {  	lr =	sadd.s32 s0, s3;
	s0 =	sld [smem:$0x3FAE]  }
0x30: {  	s3 =	sld [smem:$0x3FB1]  }
0x31: {  	[smem:$0x3FBA] =	sst s10  }
0x32: {  	s10 =	sld [smem:$0x3FB8];
	_ =	sdelay $0x3  }
0x33: {  	p0 =	seq.s32 s10, $0x1;
	s10 =	sld [smem:$0x3FBA];
	_ =	sdelay $0x3  }
0x34: {  	[smem:$0x3FBA] =	sst s10  }
0x35: {  	s10 =	sld [smem:$0x3FB9];
	_ =	sdelay $0x3  }
0x36: {  	p1 =	seq.s32 s10, $0x1;
	s10 =	sld [smem:$0x3FBA];
	_ =	sdelay $0x3  }
0x37: {  	[smem:$0x3FBA] =	sst s10  }
0x38: {  	s10 =	sld [smem:$0x3FBB]  }
0x39: {  	_ = 	snop;
	(pc) =	sbr.ind lr, $3  }
0x3a: {  	_ = 	snop  }
0x3b: {  	_ = 	snop  }
0x3c: {  	p2 =	seq.s32 s10, $0x1;
	s10 =	sld [smem:$0x3FBA]  }
0x3d: {  	_ =	shalt  }
0x3e: {  	_ =	shalt  }
0x3f: {  	_ =	shalt  }
0x40: {  	_ =	shalt  }
0x41: {  	_ =	shalt  }
0x42: {  	_ =	shalt  }
0x43: {  	_ =	shalt  }
0x44: {  	_ =	shalt  }
0x45: {  	_ =	shalt  }
0x46: {  	_ =	shalt  }
0x47: {  	_ =	shalt  }
0x48: {  	_ =	shalt  }
0x49: {  	_ =	shalt  }
0x4a: {  	_ =	shalt  }
0x4b: {  	_ =	shalt  }
0x4c: {  	_ =	shalt  }
0x4d: {  	_ =	shalt  }
0x4e: {  	_ =	shalt  }
0x4f: {  	_ =	shalt  }
0x50: {  	_ =	shalt  }
0x51: {  	_ =	shalt  }
0x52: {  	_ =	shalt  }
0x53: {  	_ =	shalt  }
0x54: {  	_ =	shalt  }
0x55: {  	_ =	shalt  }
0x56: {  	_ =	shalt  }
0x57: {  	_ =	shalt  }
0x58: {  	_ =	shalt  }
0x59: {  	_ =	shalt  }
0x5a: {  	_ =	shalt  }
0x5b: {  	_ =	shalt  }
0x5c: {  	_ =	shalt  }
0x5d: {  	_ =	shalt  }
0x5e: {  	_ =	shalt  }
0x5f: {  	_ =	shalt  }
0x60: {  	_ =	shalt  }
0x61: {  	_ =	shalt  }
0x62: {  	_ =	shalt  }
0x63: {  	_ =	shalt  }
0x64: {  	_ =	shalt  }
0x65: {  	_ =	shalt  }
0x66: {  	_ =	shalt  }
0x67: {  	_ =	shalt  }
0x68: {  	_ =	shalt  }
0x69: {  	_ =	shalt  }
0x6a: {  	_ =	shalt  }
0x6b: {  	_ =	shalt  }
0x6c: {  	_ =	shalt  }
0x6d: {  	_ =	shalt  }
0x6e: {  	_ =	shalt  }
0x6f: {  	_ =	shalt  }
0x70: {  	_ =	shalt  }
0x71: {  	_ =	shalt  }
0x72: {  	_ =	shalt  }
0x73: {  	_ =	shalt  }
0x74: {  	_ =	shalt  }
0x75: {  	_ =	shalt  }
0x76: {  	_ =	shalt  }
0x77: {  	_ =	shalt  }
0x78: {  	_ =	shalt  }
0x79: {  	_ =	shalt  }
0x7a: {  	_ =	shalt  }
0x7b: {  	_ =	shalt  }
0x7c: {  	_ =	shalt  }
0x7d: {  	_ =	shalt  }
0x7e: {  	_ =	shalt  }
0x7f: {  	_ =	shalt  }
0x80: {  	_ =	shalt  }
0x81: {  	_ =	shalt  }
0x82: {  	_ =	shalt  }
0x83: {  	_ =	shalt  }
0x84: {  	_ =	shalt  }
0x85: {  	_ =	shalt  }
0x86: {  	_ =	shalt  }
0x87: {  	_ =	shalt  }
.Lfunc_end0:
.L_simem_size_0:
called_computation_lowered:
.L_overlay_start_0:
0x88: {  	s2 =	sld [smem:$0x3FD9]  }
0x89: {  	s3 =	sld [smem:$0x3FFE];
	_ =	sdelay $0x1  }
0x8a: {  	s1 =	srdreg.scid  }
0x8b: {  	s0 =	sand.u32 $0x1, s1  }
0x8c: {  	s17 =	sshll.u32 s0, $0xA;
	s2 =	sadd.s32 s3, s2  }
0x8d: {  	s2 =	sadd.s32 s2, s17  }
0x8e: {  	[smem:$0x3FC6] =	sst s2  }
0x8f: {  	_ = 	snop  }
0x90: {  	s2 =	sld [smem:$0x3FD0];
	(tm) =	ssettm $0x1  }
0x91: {  	s18 =	sld [smem:$0x3FFB];
	_ =	sdelay $0x3  }
0x92: {  	_ =	strace s18  }
0x93: {  	s3 =	sld [smem:$0x3FFC];
	_ =	sdelay $0x3  }
0x94: {  	_ =	strace s3  }
0x95: {  	s3 =	sld [smem:$0x3FFD];
	_ =	sdelay $0x3  }
0x96: {  	_ =	strace s3  }
0x97: {  	_ =	strace $0x8FFFFFFF  }
0x98: {  	s19 =	sld [smem:$0x3FDB];
	_ =	sdelay $0x1  }
0x99: {  	s4 =	simm.s32 $_scs_section_size  }
0x9a: {  	s5 =	simm.s32 $_size__tile_overlayer_lowered;
	s6 =	simm.s32 $_tile_overlayer_lowered  }
0x9b: {  	s22 =	simm.s32 $0x1BFF;
	s21 =	sshll.u32 s6, $0x1;
	s3 =	sadd.s32 s4, s19  }
0x9c: {  	s7 =	simm.s32 $0x0;
	s20 =	sshll.u32 s5, $0x1;
	s5 =	sadd.s32 s21, s3  }
0x9d: {  	[timem:s7], [sflag:s22] =	dma.local [hbm:s5], s20  }
0x9e: {  	_ =	swait.ge [sflag:s22], s20  }
0x9f: {  	s4 =	ssub.s32 $0x0, s20;
	[sflag:s22] =	ssyncset.done $0x0  }
0xa0: {  	[sflag:s22] =	ssyncadd.s32 s4;
	_ =	sdelay $0x1  }
0xa1: {  	s23 =	simm.s32 $0x1B8B  }
0xa2: {  	_ =	swait.ge [sflag:s23], $0x1  }
0xa3: {  	[sflag:s23] =	ssyncset.done $0x0  }
0xa4: {  	s25 =	simm.s32 $0x1B8E;
	s24 =	sld [smem:$0x3FFE];
	[sflag:s23] =	ssyncadd.s32 $0xFFFFFFFF  }
0xa5: {  	s26 =	simm.s32 $execute0_lowered;
	[smem:$0x3FD2] =	sst s25  }
0xa6: {  	s5 =	sshll.u32 s26, $0x1;
	_ =	strace $0x80000046;
	[dreg:$0x1] =	wrdreg $0xFFFFFFFF  }
0xa7: {  	s28 =	simm.s32 $_size_execute0_lowered;
	s3 =	sadd.s32 s3, s5;
	[dreg:$0x0] =	wrdreg $0x0  }
0xa8: {  	s5 =	sshll.u32 s28, $0x1;
	[dreg:$0x2] =	wrdreg s3  }
0xa9: {  	[dreg:$0x3] =	wrdreg s5  }
0xaa: {  	[dreg:$0x4] =	wrdreg $0xC0  }
0xab: {  	_ =	task [dreg:s7], $0x5FFFF  }
0xac: {  	[dreg:$0x1] =	wrdreg $0xFFFFFFFF  }
0xad: {  	[dreg:$0x0] =	wrdreg $0x60  }
0xae: {  	[dreg:$0x2] =	wrdreg s24  }
0xaf: {  	[dreg:$0x3] =	wrdreg s2  }
0xb0: {  	[dreg:$0x4] =	wrdreg $0x9  }
0xb1: {  	_ =	task.clear_ibuf [dreg:s7], $0x5FFFF;
	_ =	strace $0x90000046  }
0xb2: {  	s29 =	simm.s32 $0x9;
	_ =	strace $0x80000048  }
0xb3: {  	_ =	swait.ge [sflag:s29], $0x1  }
0xb4: {  	[sflag:s29] =	ssyncadd.s32 $0xFFFFFFFF  }
0xb5: {  	_ =	strace $0x90000048  }
0xb6: {  	_ =	sfence  }
0xb7: {  	s30 =	sld [smem:$0x0];
	_ =	sdelay $0x2  }
0xb8: {  	s31 =	sshll.u32 s1, $0xD;
	s1 =	sshrl.u32 s1, $0x2  }
0xb9: {  	s3 =	sand.u32 $0x4000, s31;
	s1 =	sadd.s32 s1, s30  }
0xba: {  	s0 =	sor.u32 s3, s0;
	s1 =	sshll.u32 s1, $0x11  }
0xbb: {  	s0 =	sor.u32 s1, s0  }
0xbc: {  	s0 =	sadd.s32 $0x8F2B, s0  }
0xbd: {  	[sflag:s0] =	ssyncadd.remote.s32 $0x1  }
0xbe: {  	_ =	sfence.sel $0xFFFF  }
0xbf: {  	[dreg:$0x0] =	wrdreg $0xFFFFFFFF;
	(pc) =	sbr.abs _section_cstart, $3  }
0xc0: {  	[dreg:$0x1] =	wrdreg $0xFFFFFFFF  }
0xc1: {  	_ =	task.clear_ibuf [dreg:s7], $0x2FFFF;
	_ =	strace $0x9FFFFFFF  }
0xc2: {  	(tm) =	ssettm $0x7FFFFFFF  }
0xc3: {  	_ =	shalt  }
tec
execute0_lowered:
.L_overlay_start_1:
0x0: {  	(tag) =	ssettag $0x1  }
0x1: {  	s0 =	rddreg [dreg:$0x0]  }
0x2: {  	s9 =	rddreg [dreg:$0x1]  }
0x3: {  	s8 =	stileid.u32;
	s1 =	srdreg.scid;
	s3 =	simm.s32 $0x0  }
0x4: {  	s28 =	simm.s32 $0x11170;
	s2 =	sshll.u32 s8, $0x1;
	s1 =	sand.u32 $0x1, s1  }
0x5: {  	[smem:$0x7FF] =	sst s3;
	s6 =	sadd.s32 $0x400, s0;
	s4 =	sadd.s32 $0xA200, s0  }
0x6: {  	s20 =	sshrl.u32 s8, $0x1;
	s8 =	simm.s32 $0x0;
	s2 =	sand.u32 $0x2, s2  }
0x7: {  	_ =	strace $0x80000047;
	s19 =	ssub.s32 $0x2, s1;
	s2 =	sor.u32 s1, s2  }
0x8: {  	s14 =	sshll.u32 s20, $0xB;
	s1 =	sshrl.u32 s19, $0x1;
	s5 =	smul.u32 $0x13880, s2  }
0x9: {  	s31 =	sor.u32 $0x8000, s14;
	s7 =	smul.u32 $0x2710, s2;
	s0 =	ssub.s32 s19, s1  }
0xa: {  	[dreg:$0xd] =	wrdreg s31;
	s0 =	smax.u32 s0, $0x1;
	s5 =	sshrl.u32 s5, $0x3  }
0xb: {  	[dreg:$0xe] =	wrdreg s0;
	s5 =	sadd.s32 s6, s5;
	s6 =	sadd.s32 s6, s7  }
0xc: {  	s25 =	sshll.u32 s20, $0x8;
	[dreg:$0x3] =	wrdreg s6;
	s21 =	sadd.s32 $0x4E2, s5  }
0xd: {  	s17 =	sor.u32 $0xC000, s14;
	s22 =	sadd.s32 $0x9C4, s5;
	[dreg:$0x4] =	wrdreg s21  }
0xe: {  	s18 =	sshll.u32 s2, $0xE;
	s23 =	sadd.s32 $0xEA6, s5;
	[dreg:$0x5] =	wrdreg s22  }
0xf: {  	s1 =	smov.u32 s9;
	s24 =	sadd.s32 $0x1388, s5;
	[dreg:$0x6] =	wrdreg s23  }
0x10: {  	s19 =	sadd.s32 $0x10000, s9;
	s26 =	sadd.s32 $0x186A, s5;
	[dreg:$0x7] =	wrdreg s24  }
0x11: {  	s9 =	simm.s32 $0x3;
	s29 =	sadd.s32 $0x1D4C, s5;
	[dreg:$0x8] =	wrdreg s26  }
0x12: {  	s0 =	simm.s32 $0x1;
	s5 =	sadd.s32 $0x222E, s5;
	[dreg:$0x9] =	wrdreg s29  }
.Ltmp0:
0x13: {  	s6 =	sadd.s32 s4, s25;
	[dreg:$0xb] =	wrdreg s5;
	(pc) =	sbr.rel .LBB2_1-.Ltmp0, $4  }
0x14: {  	s7 =	simm.s32 $0x18880;
	s25 =	simm.s32 $0xC350;
	[dreg:$0xa] =	wrdreg s6  }
0x15: {  	s30 =	sadd.s32 $0x800, s6;
	s21 =	simm.s32 $0x2710;
	s22 =	simm.s32 $0x4E20  }
0x16: {  	s23 =	simm.s32 $0x7530;
	s24 =	simm.s32 $0x9C40;
	s26 =	simm.s32 $0xEA60  }
0x17: {  	s5 =	simm.s32 $0x2;
	s6 =	simm.s32 $0x4;
	[dreg:$0xc] =	wrdreg s30  }
.LBB2_14:
0x18: {  	s9 =	simm.s32 $0x3  }
0x19: {  	_ =	swait.ge [sflag:s9], $0x4000  }
0x1a: {  	[sflag:s9] =	ssyncset.done $0x0  }
0x1b: {  	[sflag:s9] =	ssyncadd.s32 $0xFFFFC000  }
0x1c: {  	_ =	swait.ge [sflag:s6], $0x4000  }
0x1d: {  	s8 =	rddreg [dreg:$0xf]  }
0x1e: {  	s2 =	rddreg [dreg:$0xe];
	s8 =	sadd.s32 $0x1, s8  }
0x1f: {  	p0 =	sne.s32 s8, s2  }
.Ltmp1:
0x20: {  	_ = 	snop;
	(pc) =	sbr.rel @!p0 .LBB2_15-.Ltmp1, $3  }
0x21: {  	_ =	sdelay $0x1  }
0x22: {  	[sflag:s6] =	ssyncset.done $0x0  }
0x23: {  	[sflag:s6] =	ssyncadd.s32 $0xFFFFC000  }
.LBB2_1:
0x24: {  	[dreg:$0xf] =	wrdreg s8  }
0x25: {  	s2 =	rddreg [dreg:$0x3]  }
0x26: {  	[tilespmem:s3], [sflag:$0x3] =	stream.linear.gather [hbm4b:s2+s3], $0x2710, $0x38;
	[tilespmem:$0x1C880] =	vst v63  }
0x27: {  	s8 =	rddreg [dreg:$0x4]  }
0x28: {  	[tilespmem:s21], [sflag:$0x3] =	stream.linear.gather [hbm4b:s8+s3], $0x2710, $0x38;
	[tilespmem:$0x1C880] =	vst v63  }
0x29: {  	s10 =	rddreg [dreg:$0x5]  }
0x2a: {  	[tilespmem:s22], [sflag:$0x3] =	stream.linear.gather [hbm4b:s10+s3], $0x2710, $0x38;
	[tilespmem:$0x1C880] =	vst v63  }
0x2b: {  	s11 =	rddreg [dreg:$0x6]  }
0x2c: {  	[tilespmem:s23], [sflag:$0x3] =	stream.linear.gather [hbm4b:s11+s3], $0x2710, $0x38;
	[tilespmem:$0x1C880] =	vst v63  }
0x2d: {  	s12 =	rddreg [dreg:$0x7]  }
0x2e: {  	[tilespmem:s24], [sflag:$0x3] =	stream.linear.gather [hbm4b:s12+s3], $0x2710, $0x38;
	[tilespmem:$0x1C880] =	vst v63  }
0x2f: {  	s13 =	rddreg [dreg:$0x8]  }
0x30: {  	[tilespmem:s25], [sflag:$0x3] =	stream.linear.gather [hbm4b:s13+s3], $0x2710, $0x38;
	[tilespmem:$0x1C880] =	vst v63  }
0x31: {  	s15 =	rddreg [dreg:$0x9]  }
0x32: {  	[tilespmem:s26], [sflag:$0x3] =	stream.linear.gather [hbm4b:s15+s3], $0x2710, $0x38;
	[tilespmem:$0x1C880] =	vst v63  }
0x33: {  	s16 =	rddreg [dreg:$0xb]  }
0x34: {  	[tilespmem:s28], [sflag:$0x3] =	stream.linear.gather [hbm4b:s16+s3], $0x2710, $0x38;
	[tilespmem:$0x1C880] =	vst v63  }
0x35: {  	s20 =	rddreg [dreg:$0xa];
	s29 =	simm.s32 $0x13880  }
0x36: {  	[tilespmem:s29], [sflag:$0x1] =	stream.linear.gather [hbm4b:s20+s3], $0x800, $0x38;
	[tilespmem:$0x1C880] =	vst v63  }
0x37: {  	s30 =	rddreg [dreg:$0xc];
	s31 =	simm.s32 $0x14080  }
0x38: {  	[tilespmem:s31], [sflag:$0x2] =	stream.linear.gather [hbm4b:s30+s3], $0x800, $0x38;
	[tilespmem:$0x1C880] =	vst v63  }
0x39: {  	_ =	swait.ge [sflag:s9], $0x2710  }
0x3a: {  	[sflag:s9] =	ssyncset.done $0x0  }
0x3b: {  	[sflag:s9] =	ssyncadd.s32 $0xFFFFD8F0  }
0x3c: {  	_ =	swait.ge [sflag:s9], $0x2710  }
0x3d: {  	[sflag:s9] =	ssyncset.done $0x0  }
0x3e: {  	[sflag:s9] =	ssyncadd.s32 $0xFFFFD8F0  }
0x3f: {  	_ =	swait.ge [sflag:s9], $0x2710  }
0x40: {  	[sflag:s9] =	ssyncset.done $0x0  }
0x41: {  	[sflag:s9] =	ssyncadd.s32 $0xFFFFD8F0  }
0x42: {  	_ =	swait.ge [sflag:s9], $0x2710  }
0x43: {  	[sflag:s9] =	ssyncset.done $0x0  }
0x44: {  	[sflag:s9] =	ssyncadd.s32 $0xFFFFD8F0  }
0x45: {  	_ =	swait.ge [sflag:s9], $0x2710  }
0x46: {  	[sflag:s9] =	ssyncset.done $0x0  }
0x47: {  	[sflag:s9] =	ssyncadd.s32 $0xFFFFD8F0  }
0x48: {  	_ =	swait.ge [sflag:s9], $0x2710  }
0x49: {  	[sflag:s9] =	ssyncset.done $0x0  }
0x4a: {  	[sflag:s9] =	ssyncadd.s32 $0xFFFFD8F0  }
0x4b: {  	_ =	swait.ge [sflag:s9], $0x2710  }
0x4c: {  	[sflag:s9] =	ssyncset.done $0x0  }
0x4d: {  	[sflag:s9] =	ssyncadd.s32 $0xFFFFD8F0  }
0x4e: {  	_ =	swait.ge [sflag:s9], $0x2710  }
0x4f: {  	[sflag:s9] =	ssyncset.done $0x0  }
0x50: {  	s2 =	simm.s32 $0x0;
	[sflag:s9] =	ssyncadd.s32 $0xFFFFD8F0  }
0x51: {  	v2 =	vld [tilespmem:s2+$0x0]  }
0x52: {  	v4 =	vld [tilespmem:s2+$0x2710]  }
0x53: {  	v3 =	vld [tilespmem:s2+$0x4E20]  }
0x54: {  	v1 =	vld [tilespmem:s2+$0x7530]  }
0x55: {  	v0 =	vld [tilespmem:s2+$0x9C40]  }
0x56: {  	v5 =	vmax.f32 v2, $0.0e+00;
	v2 =	vld [tilespmem:s2+$0xC350]  }
0x57: {  	s8 =	simm.s32 $0x40;
	[tilespmem:s2+$0x0] =	vst v5;
	v5 =	vmax.f32 v4, $0.0e+00;
	v4 =	vld [tilespmem:s2+$0xEA60]  }
.LBB2_2:
0x58: {  	s9 =	sshra.s32 s8, $0x2;
	p0 =	sne.s32 s8, $0x9C00;
	[tilespmem:s2+$0x2710] =	vst v5;
	v3 =	vmax.f32 v3, $0.0e+00;
	v5 =	vld [tilespmem:s2+$0x11170]  }
0x59: {  	v6 =	vld [tilespmem:s9+$0x0];
	[tilespmem:s2+$0x4E20] =	vst v3;
	v1 =	vmax.f32 v1, $0.0e+00  }
0x5a: {  	v7 =	vld [tilespmem:s9+$0x2710];
	[tilespmem:s2+$0x7530] =	vst v1;
	v0 =	vmax.f32 v0, $0.0e+00  }
.Ltmp2:
0x5b: {  	v3 =	vld [tilespmem:s9+$0x4E20];
	[tilespmem:s2+$0x9C40] =	vst v0;
	v0 =	vmax.f32 v2, $0.0e+00;
	(pc) =	sbr.rel @p0 .LBB2_2-.Ltmp2, $4  }
0x5c: {  	v1 =	vld [tilespmem:s9+$0x7530];
	[tilespmem:s2+$0xC350] =	vst v0;
	v2 =	vmax.f32 v4, $0.0e+00  }
0x5d: {  	v0 =	vld [tilespmem:s9+$0x9C40];
	[tilespmem:s2+$0xEA60] =	vst v2;
	v4 =	vmax.f32 v5, $0.0e+00  }
0x5e: {  	v5 =	vmax.f32 v6, $0.0e+00;
	v2 =	vld [tilespmem:s9+$0xC350];
	[tilespmem:s2+$0x11170] =	vst v4;
	s2 =	smov.u32 s9  }
0x5f: {  	s8 =	sadd.s32 $0x40, s8;
	[tilespmem:s2+$0x0] =	vst v5;
	v5 =	vmax.f32 v7, $0.0e+00;
	v4 =	vld [tilespmem:s2+$0xEA60]  }
0x60: {  	[tilespmem:s2+$0x2710] =	vst v5;
	v3 =	vmax.f32 v3, $0.0e+00;
	v60 =	vld [tilespmem:s2+$0x11170]  }
0x61: {  	[tilespmem:s2+$0x4E20] =	vst v3;
	v1 =	vmax.f32 v1, $0.0e+00  }
0x62: {  	[tilespmem:s2+$0x7530] =	vst v1;
	v0 =	vmax.f32 v0, $0.0e+00  }
0x63: {  	[tilespmem:s2+$0x9C40] =	vst v0;
	v61 =	vmax.f32 v2, $0.0e+00  }
0x64: {  	[tilespmem:s2+$0xC350] =	vst v61;
	v62 =	vmax.f32 v4, $0.0e+00  }
0x65: {  	[tilespmem:s2+$0xEA60] =	vst v62;
	v63 =	vmax.f32 v60, $0.0e+00  }
0x66: {  	s9 =	simm.s32 $0x0;
	[tilespmem:s2+$0x11170] =	vst v63  }
.LBB2_4:
0x67: {  	_ =	swait.ge [sflag:s0], $0x800  }
0x68: {  	p0 =	seq.s32 s9, $0x0;
	[sflag:s0] =	ssyncset.done $0x0  }
0x69: {  	s2 =	simm.s32 @!p0 $0x3;
	[sflag:s0] =	ssyncadd.s32 $0xFFFFF800  }
0x6a: {  	_ =	swait.ge @!p0 [sflag:s2], $0x4000  }
0x6b: {  	[sflag:s2] =	ssyncset.done @!p0 $0x0  }
0x6c: {  	s30 =	simm.s32 $0x13900;
	[sflag:s2] =	ssyncadd.s32 @!p0 $0xFFFFC000  }
0x6d: {  	v0 =	vld [tilespmem:s30+$0x0];
	_ =	sdelay $0x7  }
0x6e: {  	v1 =	vld.idx.msk [tilespmem:v0+s3+$0x0], $0xffff;
	_ =	sdelay $0x3  }
0x6f: {  	s11 =	simm.s32 $0x14C80  }
0x70: {  	[tilespmem:s11+$0x0] =	vst v1  }
0x71: {  	v1 =	vld.idx.msk [tilespmem:v0+s21+$0x0], $0xffff;
	_ =	sdelay $0x4  }
0x72: {  	[tilespmem:s11+$0x80] =	vst v1  }
0x73: {  	v1 =	vld.idx.msk [tilespmem:v0+s22+$0x0], $0xffff;
	_ =	sdelay $0x4  }
0x74: {  	v2 =	vld [tilespmem:s30+$0xFFFFFF80];
	[tilespmem:s11+$0x100] =	vst v1  }
0x75: {  	v1 =	vld.idx.msk [tilespmem:v0+s23+$0x0], $0xffff;
	_ =	sdelay $0x4  }
0x76: {  	[tilespmem:s11+$0x180] =	vst v1  }
0x77: {  	v1 =	vld.idx.msk [tilespmem:v0+s24+$0x0], $0xffff  }
0x78: {  	v3 =	vld.idx.msk [tilespmem:v2+s3+$0x0], $0xffff;
	_ =	sdelay $0x3  }
0x79: {  	[tilespmem:s11+$0x200] =	vst v1  }
0x7a: {  	[tilespmem:s11+$0xFFFFFC00] =	vst v3;
	v1 =	vld.idx.msk [tilespmem:v0+s25+$0x0], $0xffff  }
0x7b: {  	v3 =	vld.idx.msk [tilespmem:v2+s21+$0x0], $0xffff;
	_ =	sdelay $0x3  }
0x7c: {  	[tilespmem:s11+$0x280] =	vst v1  }
0x7d: {  	[tilespmem:s11+$0xFFFFFC80] =	vst v3;
	v1 =	vld.idx.msk [tilespmem:v0+s26+$0x0], $0xffff  }
0x7e: {  	v3 =	vld.idx.msk [tilespmem:v2+s22+$0x0], $0xffff;
	_ =	sdelay $0x3  }
0x7f: {  	[tilespmem:s11+$0x300] =	vst v1  }
0x80: {  	[tilespmem:s11+$0xFFFFFD00] =	vst v3;
	v0 =	vld.idx.msk [tilespmem:v0+s28+$0x0], $0xffff  }
0x81: {  	v1 =	vld.idx.msk [tilespmem:v2+s23+$0x0], $0xffff;
	_ =	sdelay $0x3  }
0x82: {  	[tilespmem:s11+$0x380] =	vst v0  }
0x83: {  	[tilespmem:s11+$0xFFFFFD80] =	vst v1;
	v0 =	vld [tilespmem:s30+$0x10]  }
0x84: {  	v1 =	vld.idx.msk [tilespmem:v2+s24+$0x0], $0xffff;
	_ =	sdelay $0x4  }
0x85: {  	[tilespmem:s11+$0xFFFFFE00] =	vst v1  }
0x86: {  	v1 =	vld.idx.msk [tilespmem:v2+s25+$0x0], $0xffff  }
0x87: {  	v3 =	vld.idx.msk [tilespmem:v0+s3+$0x0], $0xffff;
	_ =	sdelay $0x3  }
0x88: {  	[tilespmem:s11+$0xFFFFFE80] =	vst v1  }
0x89: {  	v1 =	vld.idx.msk [tilespmem:v2+s26+$0x0], $0xffff;
	[tilespmem:s11+$0x10] =	vst v3  }
0x8a: {  	v3 =	vld.idx.msk [tilespmem:v0+s21+$0x0], $0xffff;
	_ =	sdelay $0x3  }
0x8b: {  	[tilespmem:s11+$0xFFFFFF00] =	vst v1  }
0x8c: {  	v1 =	vld.idx.msk [tilespmem:v2+s28+$0x0], $0xffff;
	[tilespmem:s11+$0x90] =	vst v3  }
0x8d: {  	v3 =	vld.idx.msk [tilespmem:v0+s22+$0x0], $0xffff;
	_ =	sdelay $0x3  }
0x8e: {  	[tilespmem:s11+$0xFFFFFF80] =	vst v1  }
0x8f: {  	v1 =	vld [tilespmem:s30+$0xFFFFFF90];
	[tilespmem:s11+$0x110] =	vst v3  }
0x90: {  	v2 =	vld.idx.msk [tilespmem:v0+s23+$0x0], $0xffff;
	_ =	sdelay $0x4  }
0x91: {  	[tilespmem:s11+$0x190] =	vst v2  }
0x92: {  	v2 =	vld.idx.msk [tilespmem:v0+s24+$0x0], $0xffff  }
0x93: {  	v3 =	vld.idx.msk [tilespmem:v1+s3+$0x0], $0xffff;
	_ =	sdelay $0x3  }
0x94: {  	[tilespmem:s11+$0x210] =	vst v2  }
0x95: {  	[tilespmem:s11+$0xFFFFFC10] =	vst v3;
	v2 =	vld.idx.msk [tilespmem:v0+s25+$0x0], $0xffff  }
0x96: {  	v3 =	vld.idx.msk [tilespmem:v1+s21+$0x0], $0xffff;
	_ =	sdelay $0x3  }
0x97: {  	[tilespmem:s11+$0x290] =	vst v2  }
0x98: {  	[tilespmem:s11+$0xFFFFFC90] =	vst v3;
	v2 =	vld.idx.msk [tilespmem:v0+s26+$0x0], $0xffff  }
0x99: {  	v3 =	vld.idx.msk [tilespmem:v1+s22+$0x0], $0xffff;
	_ =	sdelay $0x3  }
0x9a: {  	[tilespmem:s11+$0x310] =	vst v2  }
0x9b: {  	[tilespmem:s11+$0xFFFFFD10] =	vst v3;
	v0 =	vld.idx.msk [tilespmem:v0+s28+$0x0], $0xffff  }
0x9c: {  	v2 =	vld.idx.msk [tilespmem:v1+s23+$0x0], $0xffff;
	_ =	sdelay $0x3  }
0x9d: {  	[tilespmem:s11+$0x390] =	vst v0  }
0x9e: {  	[tilespmem:s11+$0xFFFFFD90] =	vst v2;
	v0 =	vld [tilespmem:s30+$0x20]  }
0x9f: {  	v2 =	vld.idx.msk [tilespmem:v1+s24+$0x0], $0xffff;
	_ =	sdelay $0x4  }
0xa0: {  	[tilespmem:s11+$0xFFFFFE10] =	vst v2  }
0xa1: {  	v2 =	vld.idx.msk [tilespmem:v1+s25+$0x0], $0xffff  }
0xa2: {  	v3 =	vld.idx.msk [tilespmem:v0+s3+$0x0], $0xffff;
	_ =	sdelay $0x3  }
0xa3: {  	s15 =	simm.s32 $0x13A00;
	[tilespmem:s11+$0xFFFFFE90] =	vst v2  }
0xa4: {  	v2 =	vld [tilespmem:s15+$0x0];
	[tilespmem:s11+$0x20] =	vst v3  }
0xa5: {  	v3 =	vld.idx.msk [tilespmem:v0+s21+$0x0], $0xffff;
	_ =	sdelay $0x1  }
0xa6: {  	v4 =	vld.idx.msk [tilespmem:v1+s26+$0x0], $0xffff;
	_ =	sdelay $0x2  }
0xa7: {  	[tilespmem:s11+$0xA0] =	vst v3  }
0xa8: {  	v3 =	vld.idx.msk [tilespmem:v0+s22+$0x0], $0xffff  }
0xa9: {  	[tilespmem:s11+$0xFFFFFF10] =	vst v4;
	v4 =	vld.idx.msk [tilespmem:v2+s3+$0x0], $0xffff  }
0xaa: {  	v1 =	vld.idx.msk [tilespmem:v1+s28+$0x0], $0xffff  }
0xab: {  	v5 =	vld [tilespmem:s15+$0xFFFFFF80];
	_ =	sdelay $0x1  }
0xac: {  	s13 =	simm.s32 $0x15480;
	[tilespmem:s11+$0x120] =	vst v3  }
0xad: {  	[tilespmem:s13+$0x0] =	vst v4;
	v3 =	vld.idx.msk [tilespmem:v0+s23+$0x0], $0xffff  }
0xae: {  	[tilespmem:s11+$0xFFFFFF90] =	vst v1;
	v4 =	vld.idx.msk [tilespmem:v2+s21+$0x0], $0xffff  }
0xaf: {  	v1 =	vld [tilespmem:s30+$0xFFFFFFA0];
	_ =	sdelay $0x2  }
0xb0: {  	v6 =	vld.idx.msk [tilespmem:v5+s3+$0x0], $0xffff;
	[tilespmem:s11+$0x1A0] =	vst v3  }
0xb1: {  	[tilespmem:s13+$0x80] =	vst v4;
	v3 =	vld.idx.msk [tilespmem:v0+s24+$0x0], $0xffff  }
0xb2: {  	v4 =	vld.idx.msk [tilespmem:v2+s22+$0x0], $0xffff;
	_ =	sdelay $0x2  }
0xb3: {  	[tilespmem:s13+$0xFFFFFC00] =	vst v6;
	v7 =	vld.idx.msk [tilespmem:v1+s3+$0x0], $0xffff  }
0xb4: {  	v6 =	vld.idx.msk [tilespmem:v5+s21+$0x0], $0xffff;
	[tilespmem:s11+$0x220] =	vst v3  }
0xb5: {  	[tilespmem:s13+$0x100] =	vst v4;
	v3 =	vld.idx.msk [tilespmem:v0+s25+$0x0], $0xffff  }
0xb6: {  	v4 =	vld.idx.msk [tilespmem:v2+s23+$0x0], $0xffff;
	_ =	sdelay $0x1  }
0xb7: {  	[tilespmem:s11+$0xFFFFFC20] =	vst v7  }
0xb8: {  	[tilespmem:s13+$0xFFFFFC80] =	vst v6;
	v7 =	vld.idx.msk [tilespmem:v1+s21+$0x0], $0xffff  }
0xb9: {  	v6 =	vld.idx.msk [tilespmem:v5+s22+$0x0], $0xffff;
	[tilespmem:s11+$0x2A0] =	vst v3  }
0xba: {  	[tilespmem:s13+$0x180] =	vst v4;
	v3 =	vld.idx.msk [tilespmem:v0+s26+$0x0], $0xffff  }
0xbb: {  	v4 =	vld.idx.msk [tilespmem:v2+s24+$0x0], $0xffff;
	_ =	sdelay $0x1  }
0xbc: {  	[tilespmem:s11+$0xFFFFFCA0] =	vst v7  }
0xbd: {  	[tilespmem:s13+$0xFFFFFD00] =	vst v6;
	v7 =	vld.idx.msk [tilespmem:v1+s22+$0x0], $0xffff  }
0xbe: {  	[tilespmem:s11+$0x320] =	vst v3;
	v3 =	vld.idx.msk [tilespmem:v5+s23+$0x0], $0xffff  }
0xbf: {  	[tilespmem:s13+$0x200] =	vst v4;
	v0 =	vld.idx.msk [tilespmem:v0+s28+$0x0], $0xffff  }
0xc0: {  	v4 =	vld.idx.msk [tilespmem:v2+s25+$0x0], $0xffff;
	_ =	sdelay $0x1  }
0xc1: {  	[tilespmem:s11+$0xFFFFFD20] =	vst v7  }
0xc2: {  	v6 =	vld.idx.msk [tilespmem:v1+s23+$0x0], $0xffff;
	[tilespmem:s13+$0xFFFFFD80] =	vst v3  }
0xc3: {  	[tilespmem:s11+$0x3A0] =	vst v0;
	v3 =	vld.idx.msk [tilespmem:v5+s24+$0x0], $0xffff  }
0xc4: {  	[tilespmem:s13+$0x280] =	vst v4;
	v0 =	vld [tilespmem:s30+$0x30]  }
0xc5: {  	v4 =	vld.idx.msk [tilespmem:v2+s26+$0x0], $0xffff;
	_ =	sdelay $0x1  }
0xc6: {  	[tilespmem:s11+$0xFFFFFDA0] =	vst v6  }
0xc7: {  	v6 =	vld.idx.msk [tilespmem:v1+s24+$0x0], $0xffff  }
0xc8: {  	[tilespmem:s13+$0xFFFFFE00] =	vst v3  }
0xc9: {  	[tilespmem:s13+$0x300] =	vst v4;
	v3 =	vld.idx.msk [tilespmem:v5+s25+$0x0], $0xffff  }
0xca: {  	v2 =	vld.idx.msk [tilespmem:v2+s28+$0x0], $0xffff  }
0xcb: {  	v4 =	vld.idx.msk [tilespmem:v0+s3+$0x0], $0xffff  }
0xcc: {  	[tilespmem:s11+$0xFFFFFE20] =	vst v6  }
0xcd: {  	v6 =	vld.idx.msk [tilespmem:v1+s25+$0x0], $0xffff  }
0xce: {  	[tilespmem:s13+$0xFFFFFE80] =	vst v3  }
0xcf: {  	[tilespmem:s13+$0x380] =	vst v2;
	v3 =	vld.idx.msk [tilespmem:v5+s26+$0x0], $0xffff  }
0xd0: {  	[tilespmem:s11+$0x30] =	vst v4;
	v4 =	vld [tilespmem:s15+$0x10]  }
0xd1: {  	v2 =	vld.idx.msk [tilespmem:v0+s21+$0x0], $0xffff  }
0xd2: {  	[tilespmem:s11+$0xFFFFFEA0] =	vst v6  }
0xd3: {  	v6 =	vld.idx.msk [tilespmem:v1+s26+$0x0], $0xffff;
	_ =	sdelay $0x1  }
0xd4: {  	[tilespmem:s13+$0xFFFFFF00] =	vst v3  }
0xd5: {  	v3 =	vld.idx.msk [tilespmem:v5+s28+$0x0], $0xffff;
	[tilespmem:s11+$0xB0] =	vst v2  }
0xd6: {  	v2 =	vld.idx.msk [tilespmem:v0+s22+$0x0], $0xffff  }
0xd7: {  	[tilespmem:s11+$0xFFFFFF20] =	vst v6;
	v5 =	vld.idx.msk [tilespmem:v4+s3+$0x0], $0xffff  }
0xd8: {  	v1 =	vld.idx.msk [tilespmem:v1+s28+$0x0], $0xffff;
	_ =	sdelay $0x2  }
0xd9: {  	[tilespmem:s11+$0x130] =	vst v2  }
0xda: {  	v2 =	vld.idx.msk [tilespmem:v0+s23+$0x0], $0xffff;
	[tilespmem:s13+$0x10] =	vst v5  }
0xdb: {  	[tilespmem:s11+$0xFFFFFFA0] =	vst v1;
	v5 =	vld.idx.msk [tilespmem:v4+s21+$0x0], $0xffff  }
0xdc: {  	[tilespmem:s13+$0xFFFFFF80] =	vst v3;
	v3 =	vld [tilespmem:s30+$0xFFFFFFB0]  }
0xdd: {  	v1 =	vld [tilespmem:s15+$0xFFFFFF90];
	_ =	sdelay $0x1  }
0xde: {  	[tilespmem:s11+$0x1B0] =	vst v2  }
0xdf: {  	v2 =	vld.idx.msk [tilespmem:v0+s24+$0x0], $0xffff;
	[tilespmem:s13+$0x90] =	vst v5  }
0xe0: {  	v5 =	vld.idx.msk [tilespmem:v4+s22+$0x0], $0xffff;
	_ =	sdelay $0x2  }
0xe1: {  	v7 =	vld.idx.msk [tilespmem:v3+s3+$0x0], $0xffff  }
0xe2: {  	v6 =	vld.idx.msk [tilespmem:v1+s3+$0x0], $0xffff;
	[tilespmem:s11+$0x230] =	vst v2  }
0xe3: {  	v2 =	vld.idx.msk [tilespmem:v0+s25+$0x0], $0xffff;
	[tilespmem:s13+$0x110] =	vst v5  }
0xe4: {  	v5 =	vld.idx.msk [tilespmem:v4+s23+$0x0], $0xffff;
	_ =	sdelay $0x1  }
0xe5: {  	[tilespmem:s11+$0xFFFFFC30] =	vst v7  }
0xe6: {  	[tilespmem:s13+$0xFFFFFC10] =	vst v6;
	v7 =	vld.idx.msk [tilespmem:v3+s21+$0x0], $0xffff  }
0xe7: {  	v6 =	vld.idx.msk [tilespmem:v1+s21+$0x0], $0xffff;
	[tilespmem:s11+$0x2B0] =	vst v2  }
0xe8: {  	v2 =	vld.idx.msk [tilespmem:v0+s26+$0x0], $0xffff;
	[tilespmem:s13+$0x190] =	vst v5  }
0xe9: {  	v5 =	vld.idx.msk [tilespmem:v4+s24+$0x0], $0xffff;
	_ =	sdelay $0x1  }
0xea: {  	[tilespmem:s11+$0xFFFFFCB0] =	vst v7  }
0xeb: {  	[tilespmem:s13+$0xFFFFFC90] =	vst v6;
	v7 =	vld.idx.msk [tilespmem:v3+s22+$0x0], $0xffff  }
0xec: {  	v6 =	vld.idx.msk [tilespmem:v1+s22+$0x0], $0xffff;
	[tilespmem:s11+$0x330] =	vst v2  }
0xed: {  	v0 =	vld.idx.msk [tilespmem:v0+s28+$0x0], $0xffff;
	[tilespmem:s13+$0x210] =	vst v5  }
0xee: {  	v2 =	vld.idx.msk [tilespmem:v4+s25+$0x0], $0xffff;
	_ =	sdelay $0x1  }
0xef: {  	[tilespmem:s11+$0xFFFFFD30] =	vst v7  }
0xf0: {  	[tilespmem:s13+$0xFFFFFD10] =	vst v6;
	v6 =	vld.idx.msk [tilespmem:v3+s23+$0x0], $0xffff  }
0xf1: {  	v5 =	vld.idx.msk [tilespmem:v1+s23+$0x0], $0xffff;
	[tilespmem:s11+$0x3B0] =	vst v0  }
0xf2: {  	v0 =	vld [tilespmem:s30+$0x40];
	[tilespmem:s13+$0x290] =	vst v2  }
0xf3: {  	v2 =	vld.idx.msk [tilespmem:v4+s26+$0x0], $0xffff;
	_ =	sdelay $0x1  }
0xf4: {  	[tilespmem:s11+$0xFFFFFDB0] =	vst v6  }
0xf5: {  	[tilespmem:s13+$0xFFFFFD90] =	vst v5;
	v6 =	vld.idx.msk [tilespmem:v3+s24+$0x0], $0xffff  }
0xf6: {  	v5 =	vld.idx.msk [tilespmem:v1+s24+$0x0], $0xffff  }
0xf7: {  	[tilespmem:s13+$0x310] =	vst v2  }
0xf8: {  	v4 =	vld.idx.msk [tilespmem:v4+s28+$0x0], $0xffff  }
0xf9: {  	v2 =	vld.idx.msk [tilespmem:v0+s3+$0x0], $0xffff  }
0xfa: {  	[tilespmem:s11+$0xFFFFFE30] =	vst v6  }
0xfb: {  	[tilespmem:s13+$0xFFFFFE10] =	vst v5  }
0xfc: {  	v5 =	vld.idx.msk [tilespmem:v1+s25+$0x0], $0xffff  }
0xfd: {  	v6 =	vld.idx.msk [tilespmem:v3+s25+$0x0], $0xffff;
	[tilespmem:s13+$0x390] =	vst v4  }
0xfe: {  	[tilespmem:s11+$0x40] =	vst v2;
	v4 =	vld [tilespmem:s15+$0x20]  }
0xff: {  	v2 =	vld.idx.msk [tilespmem:v0+s21+$0x0], $0xffff;
	_ =	sdelay $0x1  }
0x100: {  	[tilespmem:s13+$0xFFFFFE90] =	vst v5  }
0x101: {  	v5 =	vld.idx.msk [tilespmem:v1+s26+$0x0], $0xffff  }
0x102: {  	[tilespmem:s11+$0xFFFFFEB0] =	vst v6  }
0x103: {  	v7 =	vld.idx.msk [tilespmem:v3+s26+$0x0], $0xffff;
	[tilespmem:s11+$0xC0] =	vst v2  }
0x104: {  	v2 =	vld.idx.msk [tilespmem:v0+s22+$0x0], $0xffff  }
0x105: {  	s12 =	simm.s32 $0x13B00;
	v6 =	vld.idx.msk [tilespmem:v4+s3+$0x0], $0xffff  }
0x106: {  	[tilespmem:s13+$0xFFFFFF10] =	vst v5;
	v5 =	vld [tilespmem:s12+$0x0];
	_ =	sdelay $0x1  }
0x107: {  	[tilespmem:s11+$0xFFFFFF30] =	vst v7;
	v1 =	vld.idx.msk [tilespmem:v1+s28+$0x0], $0xffff  }
0x108: {  	v3 =	vld.idx.msk [tilespmem:v3+s28+$0x0], $0xffff;
	[tilespmem:s11+$0x140] =	vst v2  }
0x109: {  	v2 =	vld.idx.msk [tilespmem:v0+s23+$0x0], $0xffff;
	[tilespmem:s13+$0x20] =	vst v6  }
0x10a: {  	v6 =	vld.idx.msk [tilespmem:v4+s21+$0x0], $0xffff;
	_ =	sdelay $0x1  }
0x10b: {  	v7 =	vld [tilespmem:s12+$0xFFFFFF80];
	[tilespmem:s13+$0xFFFFFF90] =	vst v1  }
0x10c: {  	[tilespmem:s11+$0xFFFFFFB0] =	vst v3;
	v3 =	vld.idx.msk [tilespmem:v5+s3+$0x0], $0xffff  }
0x10d: {  	v1 =	vld [tilespmem:s15+$0xFFFFFFA0];
	[tilespmem:s11+$0x1C0] =	vst v2  }
0x10e: {  	v2 =	vld.idx.msk [tilespmem:v0+s24+$0x0], $0xffff;
	[tilespmem:s13+$0xA0] =	vst v6  }
0x10f: {  	v6 =	vld.idx.msk [tilespmem:v4+s22+$0x0], $0xffff  }
0x110: {  	s20 =	simm.s32 $0x15C80  }
0x111: {  	v8 =	vld [tilespmem:s30+$0xFFFFFFC0];
	[tilespmem:s20+$0x0] =	vst v3  }
0x112: {  	v3 =	vld.idx.msk [tilespmem:v5+s21+$0x0], $0xffff  }
0x113: {  	[tilespmem:s11+$0x240] =	vst v2  }
0x114: {  	v2 =	vld.idx.msk [tilespmem:v0+s25+$0x0], $0xffff;
	[tilespmem:s13+$0x120] =	vst v6  }
0x115: {  	v6 =	vld.idx.msk [tilespmem:v4+s23+$0x0], $0xffff  }
0x116: {  	v9 =	vld.idx.msk [tilespmem:v7+s3+$0x0], $0xffff  }
0x117: {  	v10 =	vld.idx.msk [tilespmem:v1+s3+$0x0], $0xffff;
	[tilespmem:s20+$0x80] =	vst v3  }
0x118: {  	v3 =	vld.idx.msk [tilespmem:v5+s22+$0x0], $0xffff  }
0x119: {  	v11 =	vld.idx.msk [tilespmem:v8+s3+$0x0], $0xffff;
	[tilespmem:s11+$0x2C0] =	vst v2  }
0x11a: {  	v2 =	vld.idx.msk [tilespmem:v0+s26+$0x0], $0xffff;
	[tilespmem:s13+$0x1A0] =	vst v6  }
0x11b: {  	[tilespmem:s20+$0xFFFFFC00] =	vst v9;
	v6 =	vld.idx.msk [tilespmem:v4+s24+$0x0], $0xffff  }
0x11c: {  	v9 =	vld.idx.msk [tilespmem:v7+s21+$0x0], $0xffff;
	[tilespmem:s13+$0xFFFFFC20] =	vst v10  }
0x11d: {  	v10 =	vld.idx.msk [tilespmem:v1+s21+$0x0], $0xffff;
	[tilespmem:s20+$0x100] =	vst v3  }
0x11e: {  	[tilespmem:s11+$0xFFFFFC40] =	vst v11;
	v3 =	vld.idx.msk [tilespmem:v5+s23+$0x0], $0xffff  }
0x11f: {  	[tilespmem:s11+$0x340] =	vst v2;
	v2 =	vld.idx.msk [tilespmem:v8+s21+$0x0], $0xffff  }
0x120: {  	v0 =	vld.idx.msk [tilespmem:v0+s28+$0x0], $0xffff;
	[tilespmem:s13+$0x220] =	vst v6  }
0x121: {  	[tilespmem:s20+$0xFFFFFC80] =	vst v9;
	v6 =	vld.idx.msk [tilespmem:v4+s25+$0x0], $0xffff  }
0x122: {  	v9 =	vld.idx.msk [tilespmem:v7+s22+$0x0], $0xffff;
	[tilespmem:s13+$0xFFFFFCA0] =	vst v10  }
0x123: {  	v10 =	vld.idx.msk [tilespmem:v1+s22+$0x0], $0xffff;
	[tilespmem:s20+$0x180] =	vst v3  }
0x124: {  	v3 =	vld.idx.msk [tilespmem:v5+s24+$0x0], $0xffff;
	[tilespmem:s11+$0xFFFFFCC0] =	vst v2  }
0x125: {  	[tilespmem:s11+$0x3C0] =	vst v0;
	v2 =	vld.idx.msk [tilespmem:v8+s22+$0x0], $0xffff  }
0x126: {  	v0 =	vld [tilespmem:s30+$0x50];
	[tilespmem:s13+$0x2A0] =	vst v6  }
0x127: {  	v6 =	vld.idx.msk [tilespmem:v4+s26+$0x0], $0xffff  }
0x128: {  	[tilespmem:s20+$0xFFFFFD00] =	vst v9  }
0x129: {  	v9 =	vld.idx.msk [tilespmem:v7+s23+$0x0], $0xffff;
	[tilespmem:s13+$0xFFFFFD20] =	vst v10  }
0x12a: {  	v10 =	vld.idx.msk [tilespmem:v1+s23+$0x0], $0xffff;
	[tilespmem:s20+$0x200] =	vst v3  }
0x12b: {  	v3 =	vld.idx.msk [tilespmem:v5+s25+$0x0], $0xffff;
	[tilespmem:s11+$0xFFFFFD40] =	vst v2  }
0x12c: {  	v2 =	vld.idx.msk [tilespmem:v8+s23+$0x0], $0xffff;
	[tilespmem:s13+$0x320] =	vst v6  }
0x12d: {  	v4 =	vld.idx.msk [tilespmem:v4+s28+$0x0], $0xffff  }
0x12e: {  	[tilespmem:s20+$0xFFFFFD80] =	vst v9;
	v6 =	vld.idx.msk [tilespmem:v0+s3+$0x0], $0xffff  }
0x12f: {  	v9 =	vld.idx.msk [tilespmem:v7+s24+$0x0], $0xffff;
	[tilespmem:s13+$0xFFFFFDA0] =	vst v10  }
0x130: {  	[tilespmem:s20+$0x280] =	vst v3  }
0x131: {  	[tilespmem:s11+$0xFFFFFDC0] =	vst v2;
	v2 =	vld.idx.msk [tilespmem:v1+s24+$0x0], $0xffff  }
0x132: {  	v3 =	vld.idx.msk [tilespmem:v5+s26+$0x0], $0xffff;
	[tilespmem:s13+$0x3A0] =	vst v4  }
0x133: {  	[tilespmem:s11+$0x50] =	vst v6;
	v6 =	vld [tilespmem:s15+$0x30]  }
0x134: {  	[tilespmem:s20+$0xFFFFFE00] =	vst v9;
	v4 =	vld.idx.msk [tilespmem:v0+s21+$0x0], $0xffff  }
0x135: {  	v9 =	vld.idx.msk [tilespmem:v7+s25+$0x0], $0xffff  }
0x136: {  	v10 =	vld.idx.msk [tilespmem:v8+s24+$0x0], $0xffff;
	[tilespmem:s13+$0xFFFFFE20] =	vst v2  }
0x137: {  	[tilespmem:s20+$0x300] =	vst v3;
	v2 =	vld.idx.msk [tilespmem:v1+s25+$0x0], $0xffff  }
0x138: {  	v3 =	vld.idx.msk [tilespmem:v5+s28+$0x0], $0xffff  }
0x139: {  	[tilespmem:s11+$0xD0] =	vst v4  }
0x13a: {  	[tilespmem:s20+$0xFFFFFE80] =	vst v9;
	v4 =	vld.idx.msk [tilespmem:v0+s22+$0x0], $0xffff  }
0x13b: {  	[tilespmem:s11+$0xFFFFFE40] =	vst v10;
	v5 =	vld.idx.msk [tilespmem:v6+s3+$0x0], $0xffff  }
0x13c: {  	[tilespmem:s13+$0xFFFFFEA0] =	vst v2;
	v2 =	vld.idx.msk [tilespmem:v7+s26+$0x0], $0xffff  }
0x13d: {  	v10 =	vld.idx.msk [tilespmem:v8+s25+$0x0], $0xffff;
	[tilespmem:s20+$0x380] =	vst v3  }
0x13e: {  	v3 =	vld [tilespmem:s12+$0x10]  }
0x13f: {  	v9 =	vld.idx.msk [tilespmem:v1+s26+$0x0], $0xffff;
	[tilespmem:s11+$0x150] =	vst v4  }
0x140: {  	v4 =	vld.idx.msk [tilespmem:v0+s23+$0x0], $0xffff;
	[tilespmem:s13+$0x30] =	vst v5  }
0x141: {  	[tilespmem:s20+$0xFFFFFF00] =	vst v2;
	v5 =	vld.idx.msk [tilespmem:v6+s21+$0x0], $0xffff  }
0x142: {  	[tilespmem:s11+$0xFFFFFEC0] =	vst v10;
	v2 =	vld.idx.msk [tilespmem:v7+s28+$0x0], $0xffff  }
0x143: {  	v10 =	vld.idx.msk [tilespmem:v8+s26+$0x0], $0xffff  }
0x144: {  	[tilespmem:s13+$0xFFFFFF20] =	vst v9  }
0x145: {  	v1 =	vld.idx.msk [tilespmem:v1+s28+$0x0], $0xffff;
	[tilespmem:s11+$0x1D0] =	vst v4  }
0x146: {  	v4 =	vld.idx.msk [tilespmem:v0+s24+$0x0], $0xffff;
	[tilespmem:s13+$0xB0] =	vst v5  }
0x147: {  	[tilespmem:s20+$0xFFFFFF80] =	vst v2;
	v2 =	vld.idx.msk [tilespmem:v3+s3+$0x0], $0xffff  }
0x148: {  	[tilespmem:s11+$0xFFFFFF40] =	vst v10;
	v7 =	vld.idx.msk [tilespmem:v6+s22+$0x0], $0xffff  }
0x149: {  	v5 =	vld.idx.msk [tilespmem:v8+s28+$0x0], $0xffff  }
0x14a: {  	v8 =	vld [tilespmem:s12+$0xFFFFFF90];
	[tilespmem:s13+$0xFFFFFFA0] =	vst v1  }
0x14b: {  	v1 =	vld [tilespmem:s15+$0xFFFFFFB0];
	[tilespmem:s11+$0x250] =	vst v4  }
0x14c: {  	[tilespmem:s20+$0x10] =	vst v2;
	v4 =	vld.idx.msk [tilespmem:v0+s25+$0x0], $0xffff  }
0x14d: {  	[tilespmem:s13+$0x130] =	vst v7;
	v2 =	vld.idx.msk [tilespmem:v3+s21+$0x0], $0xffff  }
0x14e: {  	[tilespmem:s11+$0xFFFFFFC0] =	vst v5;
	v7 =	vld.idx.msk [tilespmem:v6+s23+$0x0], $0xffff  }
0x14f: {  	v5 =	vld [tilespmem:s30+$0xFFFFFFD0];
	_ =	sdelay $0x1  }
0x150: {  	[tilespmem:s11+$0x2D0] =	vst v4  }
0x151: {  	[tilespmem:s20+$0x90] =	vst v2;
	v4 =	vld.idx.msk [tilespmem:v0+s26+$0x0], $0xffff  }
0x152: {  	[tilespmem:s13+$0x1B0] =	vst v7;
	v2 =	vld.idx.msk [tilespmem:v3+s22+$0x0], $0xffff  }
0x153: {  	v7 =	vld.idx.msk [tilespmem:v6+s24+$0x0], $0xffff  }
0x154: {  	v9 =	vld.idx.msk [tilespmem:v8+s3+$0x0], $0xffff  }
0x155: {  	v10 =	vld.idx.msk [tilespmem:v1+s3+$0x0], $0xffff  }
0x156: {  	[tilespmem:s11+$0x350] =	vst v4;
	v4 =	vld.idx.msk [tilespmem:v5+s3+$0x0], $0xffff  }
0x157: {  	[tilespmem:s20+$0x110] =	vst v2;
	v0 =	vld.idx.msk [tilespmem:v0+s28+$0x0], $0xffff  }
0x158: {  	[tilespmem:s13+$0x230] =	vst v7;
	v2 =	vld.idx.msk [tilespmem:v3+s23+$0x0], $0xffff  }
0x159: {  	[tilespmem:s20+$0xFFFFFC10] =	vst v9;
	v7 =	vld.idx.msk [tilespmem:v6+s25+$0x0], $0xffff  }
0x15a: {  	v9 =	vld.idx.msk [tilespmem:v8+s21+$0x0], $0xffff;
	[tilespmem:s13+$0xFFFFFC30] =	vst v10  }
0x15b: {  	v10 =	vld.idx.msk [tilespmem:v1+s21+$0x0], $0xffff;
	[tilespmem:s11+$0xFFFFFC50] =	vst v4  }
0x15c: {  	[tilespmem:s11+$0x3D0] =	vst v0;
	v0 =	vld.idx.msk [tilespmem:v5+s21+$0x0], $0xffff  }
0x15d: {  	[tilespmem:s20+$0x190] =	vst v2;
	v4 =	vld [tilespmem:s30+$0x60]  }
0x15e: {  	[tilespmem:s13+$0x2B0] =	vst v7;
	v2 =	vld.idx.msk [tilespmem:v3+s24+$0x0], $0xffff  }
0x15f: {  	v7 =	vld.idx.msk [tilespmem:v6+s26+$0x0], $0xffff  }
0x160: {  	[tilespmem:s20+$0xFFFFFC90] =	vst v9  }
0x161: {  	v9 =	vld.idx.msk [tilespmem:v8+s22+$0x0], $0xffff;
	[tilespmem:s13+$0xFFFFFCB0] =	vst v10  }
0x162: {  	v10 =	vld.idx.msk [tilespmem:v1+s22+$0x0], $0xffff;
	[tilespmem:s11+$0xFFFFFCD0] =	vst v0  }
0x163: {  	v0 =	vld.idx.msk [tilespmem:v5+s22+$0x0], $0xffff;
	[tilespmem:s20+$0x210] =	vst v2  }
0x164: {  	[tilespmem:s13+$0x330] =	vst v7;
	v2 =	vld.idx.msk [tilespmem:v3+s25+$0x0], $0xffff  }
0x165: {  	v6 =	vld.idx.msk [tilespmem:v6+s28+$0x0], $0xffff  }
0x166: {  	[tilespmem:s20+$0xFFFFFD10] =	vst v9;
	v7 =	vld.idx.msk [tilespmem:v4+s3+$0x0], $0xffff  }
0x167: {  	[tilespmem:s13+$0xFFFFFD30] =	vst v10;
	v9 =	vld.idx.msk [tilespmem:v8+s23+$0x0], $0xffff  }
0x168: {  	[tilespmem:s11+$0xFFFFFD50] =	vst v0;
	v0 =	vld.idx.msk [tilespmem:v1+s23+$0x0], $0xffff  }
0x169: {  	v10 =	vld.idx.msk [tilespmem:v5+s23+$0x0], $0xffff;
	[tilespmem:s20+$0x290] =	vst v2  }
0x16a: {  	[tilespmem:s13+$0x3B0] =	vst v6;
	v2 =	vld.idx.msk [tilespmem:v3+s26+$0x0], $0xffff  }
0x16b: {  	[tilespmem:s11+$0x60] =	vst v7;
	v7 =	vld [tilespmem:s15+$0x40]  }
0x16c: {  	v6 =	vld.idx.msk [tilespmem:v4+s21+$0x0], $0xffff  }
0x16d: {  	[tilespmem:s20+$0xFFFFFD90] =	vst v9  }
0x16e: {  	v9 =	vld.idx.msk [tilespmem:v8+s24+$0x0], $0xffff;
	[tilespmem:s13+$0xFFFFFDB0] =	vst v0  }
0x16f: {  	v0 =	vld.idx.msk [tilespmem:v1+s24+$0x0], $0xffff;
	[tilespmem:s11+$0xFFFFFDD0] =	vst v10  }
0x170: {  	v10 =	vld.idx.msk [tilespmem:v5+s24+$0x0], $0xffff;
	[tilespmem:s20+$0x310] =	vst v2  }
0x171: {  	v2 =	vld.idx.msk [tilespmem:v3+s28+$0x0], $0xffff;
	[tilespmem:s11+$0xE0] =	vst v6  }
0x172: {  	v6 =	vld.idx.msk [tilespmem:v4+s22+$0x0], $0xffff  }
0x173: {  	[tilespmem:s20+$0xFFFFFE10] =	vst v9;
	v3 =	vld.idx.msk [tilespmem:v7+s3+$0x0], $0xffff  }
0x174: {  	[tilespmem:s13+$0xFFFFFE30] =	vst v0;
	v0 =	vld.idx.msk [tilespmem:v8+s25+$0x0], $0xffff  }
0x175: {  	[tilespmem:s11+$0xFFFFFE50] =	vst v10;
	v9 =	vld.idx.msk [tilespmem:v1+s25+$0x0], $0xffff  }
0x176: {  	v10 =	vld.idx.msk [tilespmem:v5+s25+$0x0], $0xffff;
	[tilespmem:s20+$0x390] =	vst v2  }
0x177: {  	v2 =	vld [tilespmem:s12+$0x20];
	[tilespmem:s11+$0x160] =	vst v6  }
0x178: {  	v6 =	vld.idx.msk [tilespmem:v4+s23+$0x0], $0xffff;
	[tilespmem:s13+$0x40] =	vst v3  }
0x179: {  	[tilespmem:s20+$0xFFFFFE90] =	vst v0;
	v3 =	vld.idx.msk [tilespmem:v7+s21+$0x0], $0xffff  }
0x17a: {  	v0 =	vld.idx.msk [tilespmem:v8+s26+$0x0], $0xffff  }
0x17b: {  	[tilespmem:s13+$0xFFFFFEB0] =	vst v9  }
0x17c: {  	v9 =	vld.idx.msk [tilespmem:v1+s26+$0x0], $0xffff;
	[tilespmem:s11+$0xFFFFFED0] =	vst v10  }
0x17d: {  	v10 =	vld.idx.msk [tilespmem:v5+s26+$0x0], $0xffff;
	[tilespmem:s11+$0x1E0] =	vst v6  }
0x17e: {  	v6 =	vld.idx.msk [tilespmem:v4+s24+$0x0], $0xffff;
	[tilespmem:s13+$0xC0] =	vst v3  }
0x17f: {  	[tilespmem:s20+$0xFFFFFF10] =	vst v0;
	v0 =	vld.idx.msk [tilespmem:v2+s3+$0x0], $0xffff  }
0x180: {  	v3 =	vld.idx.msk [tilespmem:v7+s22+$0x0], $0xffff  }
0x181: {  	s8 =	simm.s32 $0x13C00;
	[tilespmem:s13+$0xFFFFFF30] =	vst v9;
	v8 =	vld.idx.msk [tilespmem:v8+s28+$0x0], $0xffff  }
0x182: {  	v9 =	vld [tilespmem:s8+$0x0];
	[tilespmem:s11+$0xFFFFFF50] =	vst v10  }
0x183: {  	v1 =	vld.idx.msk [tilespmem:v1+s28+$0x0], $0xffff;
	[tilespmem:s11+$0x260] =	vst v6  }
0x184: {  	[tilespmem:s20+$0x20] =	vst v0;
	v6 =	vld.idx.msk [tilespmem:v4+s25+$0x0], $0xffff  }
0x185: {  	[tilespmem:s13+$0x140] =	vst v3;
	v3 =	vld.idx.msk [tilespmem:v5+s28+$0x0], $0xffff  }
0x186: {  	v0 =	vld.idx.msk [tilespmem:v2+s21+$0x0], $0xffff  }
0x187: {  	[tilespmem:s20+$0xFFFFFF90] =	vst v8;
	v5 =	vld.idx.msk [tilespmem:v7+s23+$0x0], $0xffff  }
0x188: {  	v8 =	vld [tilespmem:s12+$0xFFFFFFA0]  }
0x189: {  	v10 =	vld [tilespmem:s8+$0xFFFFFF80];
	[tilespmem:s13+$0xFFFFFFB0] =	vst v1  }
0x18a: {  	v11 =	vld.idx.msk [tilespmem:v9+s3+$0x0], $0xffff;
	[tilespmem:s11+$0x2E0] =	vst v6  }
0x18b: {  	[tilespmem:s20+$0xA0] =	vst v0;
	v6 =	vld.idx.msk [tilespmem:v4+s26+$0x0], $0xffff  }
0x18c: {  	[tilespmem:s13+$0x1C0] =	vst v5;
	v5 =	vld [tilespmem:s15+$0xFFFFFFC0]  }
0x18d: {  	[tilespmem:s11+$0xFFFFFFD0] =	vst v3;
	v3 =	vld.idx.msk [tilespmem:v2+s22+$0x0], $0xffff  }
0x18e: {  	v1 =	vld.idx.msk [tilespmem:v7+s24+$0x0], $0xffff  }
0x18f: {  	s31 =	simm.s32 $0x16480;
	v0 =	vld [tilespmem:s30+$0xFFFFFFE0]  }
0x190: {  	[tilespmem:s31+$0x0] =	vst v11;
	v12 =	vld.idx.msk [tilespmem:v8+s3+$0x0], $0xffff  }
0x191: {  	v14 =	vld.idx.msk [tilespmem:v9+s21+$0x0], $0xffff  }
0x192: {  	[tilespmem:s11+$0x360] =	vst v6;
	v6 =	vld.idx.msk [tilespmem:v10+s3+$0x0], $0xffff  }
0x193: {  	v4 =	vld.idx.msk [tilespmem:v4+s28+$0x0], $0xffff;
	[tilespmem:s13+$0x240] =	vst v1  }
0x194: {  	[tilespmem:s20+$0x120] =	vst v3;
	v1 =	vld.idx.msk [tilespmem:v7+s25+$0x0], $0xffff  }
0x195: {  	v13 =	vld.idx.msk [tilespmem:v2+s23+$0x0], $0xffff;
	[tilespmem:s20+$0xFFFFFC20] =	vst v12  }
0x196: {  	v11 =	vld.idx.msk [tilespmem:v5+s3+$0x0], $0xffff;
	[tilespmem:s31+$0x80] =	vst v14  }
0x197: {  	v52 =	vld.idx.msk [tilespmem:v9+s22+$0x0], $0xffff;
	[tilespmem:s31+$0xFFFFFC00] =	vst v6  }
0x198: {  	v6 =	vld.idx.msk [tilespmem:v8+s21+$0x0], $0xffff;
	[tilespmem:s11+$0x3E0] =	vst v4  }
0x199: {  	v4 =	vld.idx.msk [tilespmem:v10+s21+$0x0], $0xffff;
	[tilespmem:s13+$0x2C0] =	vst v1  }
0x19a: {  	v1 =	vld.idx.msk [tilespmem:v7+s26+$0x0], $0xffff  }
0x19b: {  	v3 =	vld [tilespmem:s30+$0x70];
	[tilespmem:s13+$0xFFFFFC40] =	vst v11  }
0x19c: {  	[tilespmem:s20+$0x1A0] =	vst v13;
	v11 =	vld.idx.msk [tilespmem:v5+s21+$0x0], $0xffff  }
0x19d: {  	v51 =	vld.idx.msk [tilespmem:v2+s24+$0x0], $0xffff;
	[tilespmem:s31+$0x100] =	vst v52  }
0x19e: {  	v53 =	vld.idx.msk [tilespmem:v0+s3+$0x0], $0xffff;
	[tilespmem:s20+$0xFFFFFCA0] =	vst v6  }
0x19f: {  	v54 =	vld.idx.msk [tilespmem:v8+s22+$0x0], $0xffff;
	[tilespmem:s13+$0x340] =	vst v1  }
0x1a0: {  	[tilespmem:s31+$0xFFFFFC80] =	vst v4;
	v4 =	vld.idx.msk [tilespmem:v7+s28+$0x0], $0xffff  }
0x1a1: {  	[tilespmem:s13+$0xFFFFFCC0] =	vst v11;
	v11 =	vld.idx.msk [tilespmem:v9+s23+$0x0], $0xffff  }
0x1a2: {  	[tilespmem:s20+$0x220] =	vst v51;
	v7 =	vld.idx.msk [tilespmem:v10+s22+$0x0], $0xffff  }
0x1a3: {  	v6 =	vld.idx.msk [tilespmem:v2+s25+$0x0], $0xffff  }
0x1a4: {  	v1 =	vld.idx.msk [tilespmem:v3+s3+$0x0], $0xffff;
	[tilespmem:s20+$0xFFFFFD20] =	vst v54  }
0x1a5: {  	v55 =	vld.idx.msk [tilespmem:v5+s22+$0x0], $0xffff;
	[tilespmem:s13+$0x3C0] =	vst v4  }
0x1a6: {  	[tilespmem:s31+$0x180] =	vst v11;
	v11 =	vld.idx.msk [tilespmem:v8+s23+$0x0], $0xffff  }
0x1a7: {  	[tilespmem:s31+$0xFFFFFD00] =	vst v7;
	v4 =	vld [tilespmem:s15+$0x50]  }
0x1a8: {  	[tilespmem:s11+$0xFFFFFC60] =	vst v53;
	v7 =	vld.idx.msk [tilespmem:v10+s23+$0x0], $0xffff  }
0x1a9: {  	[tilespmem:s11+$0x70] =	vst v1;
	v56 =	vld.idx.msk [tilespmem:v9+s24+$0x0], $0xffff  }
0x1aa: {  	[tilespmem:s20+$0x2A0] =	vst v6;
	v1 =	vld.idx.msk [tilespmem:v3+s21+$0x0], $0xffff  }
0x1ab: {  	v6 =	vld.idx.msk [tilespmem:v2+s26+$0x0], $0xffff;
	[tilespmem:s13+$0xFFFFFD40] =	vst v55  }
0x1ac: {  	v14 =	vld.idx.msk [tilespmem:v0+s21+$0x0], $0xffff;
	[tilespmem:s20+$0xFFFFFDA0] =	vst v11  }
0x1ad: {  	v13 =	vld.idx.msk [tilespmem:v5+s23+$0x0], $0xffff;
	[tilespmem:s31+$0xFFFFFD80] =	vst v7  }
0x1ae: {  	[tilespmem:s31+$0x200] =	vst v56;
	v7 =	vld.idx.msk [tilespmem:v10+s24+$0x0], $0xffff  }
0x1af: {  	[tilespmem:s11+$0xF0] =	vst v1;
	v11 =	vld.idx.msk [tilespmem:v9+s25+$0x0], $0xffff  }
0x1b0: {  	[tilespmem:s20+$0x320] =	vst v6;
	v1 =	vld.idx.msk [tilespmem:v3+s22+$0x0], $0xffff  }
0x1b1: {  	v2 =	vld.idx.msk [tilespmem:v2+s28+$0x0], $0xffff  }
0x1b2: {  	v6 =	vld.idx.msk [tilespmem:v4+s3+$0x0], $0xffff  }
0x1b3: {  	v57 =	vld.idx.msk [tilespmem:v8+s24+$0x0], $0xffff;
	[tilespmem:s31+$0xFFFFFE00] =	vst v7  }
0x1b4: {  	[tilespmem:s31+$0x280] =	vst v11;
	v7 =	vld.idx.msk [tilespmem:v10+s25+$0x0], $0xffff  }
0x1b5: {  	[tilespmem:s11+$0x170] =	vst v1;
	v11 =	vld.idx.msk [tilespmem:v9+s26+$0x0], $0xffff  }
0x1b6: {  	[tilespmem:s20+$0x3A0] =	vst v2;
	v1 =	vld.idx.msk [tilespmem:v3+s23+$0x0], $0xffff  }
0x1b7: {  	[tilespmem:s13+$0x50] =	vst v6;
	v6 =	vld [tilespmem:s12+$0x30]  }
0x1b8: {  	[tilespmem:s13+$0xFFFFFDC0] =	vst v13;
	v2 =	vld.idx.msk [tilespmem:v4+s21+$0x0], $0xffff  }
0x1b9: {  	v13 =	vld.idx.msk [tilespmem:v5+s24+$0x0], $0xffff;
	[tilespmem:s20+$0xFFFFFE20] =	vst v57  }
0x1ba: {  	v12 =	vld.idx.msk [tilespmem:v8+s25+$0x0], $0xffff;
	[tilespmem:s31+$0x300] =	vst v11  }
0x1bb: {  	[tilespmem:s31+$0xFFFFFE80] =	vst v7;
	v7 =	vld.idx.msk [tilespmem:v9+s28+$0x0], $0xffff  }
0x1bc: {  	[tilespmem:s11+$0x1F0] =	vst v1;
	v9 =	vld.idx.msk [tilespmem:v10+s26+$0x0], $0xffff  }
0x1bd: {  	v1 =	vld.idx.msk [tilespmem:v3+s24+$0x0], $0xffff;
	[tilespmem:s13+$0xD0] =	vst v2  }
0x1be: {  	[tilespmem:s13+$0xFFFFFE40] =	vst v13;
	v2 =	vld.idx.msk [tilespmem:v4+s22+$0x0], $0xffff  }
0x1bf: {  	v13 =	vld.idx.msk [tilespmem:v5+s25+$0x0], $0xffff;
	[tilespmem:s20+$0xFFFFFEA0] =	vst v12  }
0x1c0: {  	v11 =	vld.idx.msk [tilespmem:v6+s3+$0x0], $0xffff;
	[tilespmem:s31+$0x380] =	vst v7  }
0x1c1: {  	v12 =	vld.idx.msk [tilespmem:v8+s26+$0x0], $0xffff;
	[tilespmem:s31+$0xFFFFFF00] =	vst v9  }
0x1c2: {  	[tilespmem:s11+$0x270] =	vst v1;
	v9 =	vld [tilespmem:s8+$0x10]  }
0x1c3: {  	v1 =	vld.idx.msk [tilespmem:v3+s25+$0x0], $0xffff;
	[tilespmem:s13+$0x150] =	vst v2  }
0x1c4: {  	[tilespmem:s13+$0xFFFFFEC0] =	vst v13;
	v2 =	vld.idx.msk [tilespmem:v4+s23+$0x0], $0xffff  }
0x1c5: {  	[tilespmem:s20+$0x30] =	vst v11;
	v11 =	vld.idx.msk [tilespmem:v5+s26+$0x0], $0xffff  }
0x1c6: {  	[tilespmem:s11+$0xFFFFFCE0] =	vst v14;
	v10 =	vld.idx.msk [tilespmem:v10+s28+$0x0], $0xffff  }
0x1c7: {  	[tilespmem:s20+$0xFFFFFF20] =	vst v12;
	v7 =	vld.idx.msk [tilespmem:v6+s21+$0x0], $0xffff  }
0x1c8: {  	v14 =	vld.idx.msk [tilespmem:v0+s22+$0x0], $0xffff;
	[tilespmem:s11+$0x2F0] =	vst v1  }
0x1c9: {  	v1 =	vld.idx.msk [tilespmem:v8+s28+$0x0], $0xffff;
	[tilespmem:s13+$0x1D0] =	vst v2  }
0x1ca: {  	[tilespmem:s13+$0xFFFFFF40] =	vst v11;
	v2 =	vld.idx.msk [tilespmem:v4+s24+$0x0], $0xffff  }
0x1cb: {  	[tilespmem:s31+$0xFFFFFF80] =	vst v10;
	v5 =	vld.idx.msk [tilespmem:v5+s28+$0x0], $0xffff  }
0x1cc: {  	[tilespmem:s20+$0xB0] =	vst v7;
	v10 =	vld.idx.msk [tilespmem:v9+s3+$0x0], $0xffff  }
0x1cd: {  	[tilespmem:s11+$0xFFFFFD60] =	vst v14;
	v7 =	vld.idx.msk [tilespmem:v6+s22+$0x0], $0xffff  }
0x1ce: {  	v8 =	vld.idx.msk [tilespmem:v0+s23+$0x0], $0xffff;
	[tilespmem:s20+$0xFFFFFFA0] =	vst v1  }
0x1cf: {  	v11 =	vld [tilespmem:s8+$0xFFFFFF90];
	[tilespmem:s13+$0x250] =	vst v2  }
0x1d0: {  	v59 =	vld [tilespmem:s12+$0xFFFFFFB0];
	[tilespmem:s13+$0xFFFFFFC0] =	vst v5  }
0x1d1: {  	[tilespmem:s31+$0x10] =	vst v10;
	v1 =	vld.idx.msk [tilespmem:v4+s25+$0x0], $0xffff  }
0x1d2: {  	[tilespmem:s20+$0x130] =	vst v7;
	v7 =	vld [tilespmem:s15+$0xFFFFFFD0]  }
0x1d3: {  	v5 =	vld.idx.msk [tilespmem:v9+s21+$0x0], $0xffff  }
0x1d4: {  	v2 =	vld.idx.msk [tilespmem:v6+s23+$0x0], $0xffff  }
0x1d5: {  	[tilespmem:s11+$0xFFFFFDE0] =	vst v8  }
0x1d6: {  	v8 =	vld.idx.msk [tilespmem:v0+s24+$0x0], $0xffff  }
0x1d7: {  	v10 =	vld.idx.msk [tilespmem:v11+s3+$0x0], $0xffff;
	[tilespmem:s13+$0x2D0] =	vst v1  }
0x1d8: {  	[tilespmem:s31+$0x90] =	vst v5;
	v1 =	vld.idx.msk [tilespmem:v4+s26+$0x0], $0xffff  }
0x1d9: {  	[tilespmem:s20+$0x1B0] =	vst v2;
	v5 =	vld.idx.msk [tilespmem:v59+s3+$0x0], $0xffff  }
0x1da: {  	v2 =	vld.idx.msk [tilespmem:v6+s24+$0x0], $0xffff  }
0x1db: {  	[tilespmem:s11+$0xFFFFFE60] =	vst v8;
	v60 =	vld.idx.msk [tilespmem:v9+s22+$0x0], $0xffff  }
0x1dc: {  	[tilespmem:s31+$0xFFFFFC10] =	vst v10;
	v8 =	vld.idx.msk [tilespmem:v7+s3+$0x0], $0xffff  }
0x1dd: {  	[tilespmem:s13+$0x350] =	vst v1;
	v1 =	vld.idx.msk [tilespmem:v0+s25+$0x0], $0xffff  }
0x1de: {  	[tilespmem:s20+$0xFFFFFC30] =	vst v5;
	v4 =	vld.idx.msk [tilespmem:v4+s28+$0x0], $0xffff  }
0x1df: {  	[tilespmem:s20+$0x230] =	vst v2;
	v2 =	vld.idx.msk [tilespmem:v11+s21+$0x0], $0xffff  }
0x1e0: {  	[tilespmem:s31+$0x110] =	vst v60;
	v10 =	vld.idx.msk [tilespmem:v59+s21+$0x0], $0xffff  }
0x1e1: {  	v5 =	vld.idx.msk [tilespmem:v6+s25+$0x0], $0xffff;
	[tilespmem:s13+$0xFFFFFC50] =	vst v8  }
0x1e2: {  	v8 =	vld.idx.msk [tilespmem:v9+s23+$0x0], $0xffff;
	[tilespmem:s11+$0xFFFFFEE0] =	vst v1  }
0x1e3: {  	v58 =	vld.idx.msk [tilespmem:v3+s26+$0x0], $0xffff;
	[tilespmem:s13+$0x3D0] =	vst v4  }
0x1e4: {  	v4 =	vld.idx.msk [tilespmem:v7+s21+$0x0], $0xffff;
	[tilespmem:s31+$0xFFFFFC90] =	vst v2  }
0x1e5: {  	v2 =	vld.idx.msk [tilespmem:v0+s26+$0x0], $0xffff;
	[tilespmem:s20+$0xFFFFFCB0] =	vst v10  }
0x1e6: {  	v1 =	vld [tilespmem:s15+$0x60];
	[tilespmem:s20+$0x2B0] =	vst v5  }
0x1e7: {  	[tilespmem:s31+$0x190] =	vst v8;
	v8 =	vld.idx.msk [tilespmem:v59+s22+$0x0], $0xffff  }
0x1e8: {  	v10 =	vld.idx.msk [tilespmem:v6+s26+$0x0], $0xffff  }
0x1e9: {  	v5 =	vld.idx.msk [tilespmem:v11+s22+$0x0], $0xffff  }
0x1ea: {  	[tilespmem:s13+$0xFFFFFCD0] =	vst v4;
	v4 =	vld.idx.msk [tilespmem:v9+s24+$0x0], $0xffff  }
0x1eb: {  	[tilespmem:s11+$0xFFFFFF60] =	vst v2;
	v2 =	vld.idx.msk [tilespmem:v7+s22+$0x0], $0xffff  }
0x1ec: {  	v0 =	vld.idx.msk [tilespmem:v0+s28+$0x0], $0xffff;
	[tilespmem:s20+$0xFFFFFD30] =	vst v8  }
0x1ed: {  	[tilespmem:s20+$0x330] =	vst v10;
	v8 =	vld.idx.msk [tilespmem:v59+s23+$0x0], $0xffff  }
0x1ee: {  	[tilespmem:s31+$0xFFFFFD10] =	vst v5;
	v5 =	vld.idx.msk [tilespmem:v6+s28+$0x0], $0xffff  }
0x1ef: {  	v6 =	vld.idx.msk [tilespmem:v11+s23+$0x0], $0xffff  }
0x1f0: {  	v10 =	vld.idx.msk [tilespmem:v1+s3+$0x0], $0xffff;
	[tilespmem:s31+$0x210] =	vst v4  }
0x1f1: {  	v4 =	vld.idx.msk [tilespmem:v9+s25+$0x0], $0xffff;
	[tilespmem:s13+$0xFFFFFD50] =	vst v2  }
0x1f2: {  	[tilespmem:s11+$0xFFFFFFE0] =	vst v0;
	v61 =	vld.idx.msk [tilespmem:v7+s23+$0x0], $0xffff  }
0x1f3: {  	v0 =	vld [tilespmem:s30+$0xFFFFFFF0];
	[tilespmem:s20+$0xFFFFFDB0] =	vst v8  }
0x1f4: {  	[tilespmem:s20+$0x3B0] =	vst v5;
	v8 =	vld.idx.msk [tilespmem:v59+s24+$0x0], $0xffff  }
0x1f5: {  	[tilespmem:s31+$0xFFFFFD90] =	vst v6;
	v2 =	vld [tilespmem:s12+$0x40]  }
0x1f6: {  	[tilespmem:s13+$0x60] =	vst v10;
	v6 =	vld.idx.msk [tilespmem:v11+s24+$0x0], $0xffff  }
0x1f7: {  	[tilespmem:s11+$0x370] =	vst v58;
	v5 =	vld.idx.msk [tilespmem:v1+s21+$0x0], $0xffff  }
0x1f8: {  	v3 =	vld.idx.msk [tilespmem:v3+s28+$0x0], $0xffff;
	[tilespmem:s31+$0x290] =	vst v4  }
0x1f9: {  	v4 =	vld.idx.msk [tilespmem:v9+s26+$0x0], $0xffff;
	[tilespmem:s13+$0xFFFFFDD0] =	vst v61  }
0x1fa: {  	v10 =	vld.idx.msk [tilespmem:v7+s24+$0x0], $0xffff;
	[tilespmem:s20+$0xFFFFFE30] =	vst v8  }
0x1fb: {  	[tilespmem:s31+$0xFFFFFE10] =	vst v6;
	v62 =	vld.idx.msk [tilespmem:v0+s3+$0x0], $0xffff  }
0x1fc: {  	[tilespmem:s13+$0xE0] =	vst v5;
	v8 =	vld.idx.msk [tilespmem:v11+s25+$0x0], $0xffff  }
0x1fd: {  	v5 =	vld.idx.msk [tilespmem:v1+s22+$0x0], $0xffff  }
0x1fe: {  	[tilespmem:s31+$0x310] =	vst v4;
	v4 =	vld.idx.msk [tilespmem:v2+s3+$0x0], $0xffff  }
0x1ff: {  	[tilespmem:s11+$0x3F0] =	vst v3;
	v6 =	vld.idx.msk [tilespmem:v9+s28+$0x0], $0xffff  }
0x200: {  	[tilespmem:s13+$0xFFFFFE50] =	vst v10;
	v9 =	vld.idx.msk [tilespmem:v59+s25+$0x0], $0xffff  }
0x201: {  	v10 =	vld.idx.msk [tilespmem:v7+s25+$0x0], $0xffff;
	[tilespmem:s11+$0xFFFFFC70] =	vst v62  }
0x202: {  	[tilespmem:s13+$0x160] =	vst v5;
	v12 =	vld.idx.msk [tilespmem:v0+s21+$0x0], $0xffff  }
0x203: {  	v63 =	vld.idx.msk [tilespmem:v1+s23+$0x0], $0xffff;
	[tilespmem:s20+$0x40] =	vst v4  }
0x204: {  	[tilespmem:s31+$0x390] =	vst v6;
	v4 =	vld.idx.msk [tilespmem:v2+s21+$0x0], $0xffff  }
0x205: {  	[tilespmem:s31+$0xFFFFFE90] =	vst v8;
	v5 =	vld [tilespmem:s8+$0x20]  }
0x206: {  	v6 =	vld.idx.msk [tilespmem:v11+s26+$0x0], $0xffff;
	[tilespmem:s20+$0xFFFFFEB0] =	vst v9  }
0x207: {  	v8 =	vld.idx.msk [tilespmem:v59+s26+$0x0], $0xffff;
	[tilespmem:s13+$0xFFFFFED0] =	vst v10  }
0x208: {  	v9 =	vld.idx.msk [tilespmem:v7+s26+$0x0], $0xffff;
	[tilespmem:s11+$0xFFFFFCF0] =	vst v12  }
0x209: {  	[tilespmem:s13+$0x1E0] =	vst v63;
	v12 =	vld.idx.msk [tilespmem:v0+s22+$0x0], $0xffff  }
0x20a: {  	v14 =	vld.idx.msk [tilespmem:v1+s24+$0x0], $0xffff;
	[tilespmem:s20+$0xC0] =	vst v4  }
0x20b: {  	[tilespmem:s31+$0xFFFFFF10] =	vst v6;
	v3 =	vld.idx.msk [tilespmem:v2+s22+$0x0], $0xffff  }
0x20c: {  	[tilespmem:s20+$0xFFFFFF30] =	vst v8;
	v8 =	vld.idx.msk [tilespmem:v11+s28+$0x0], $0xffff  }
0x20d: {  	v15 =	vld.idx.msk [tilespmem:v5+s3+$0x0], $0xffff  }
0x20e: {  	v10 =	vld.idx.msk [tilespmem:v59+s28+$0x0], $0xffff;
	[tilespmem:s13+$0xFFFFFF50] =	vst v9  }
0x20f: {  	v6 =	vld.idx.msk [tilespmem:v7+s28+$0x0], $0xffff;
	[tilespmem:s13+$0x260] =	vst v14  }
0x210: {  	[tilespmem:s11+$0xFFFFFD70] =	vst v12;
	v4 =	vld.idx.msk [tilespmem:v1+s25+$0x0], $0xffff  }
0x211: {  	[tilespmem:s20+$0x140] =	vst v3;
	v3 =	vld.idx.msk [tilespmem:v0+s23+$0x0], $0xffff  }
0x212: {  	s10 =	sshll.u32 s9, $0xF;
	v9 =	vld.idx.msk [tilespmem:v2+s23+$0x0], $0xffff;
	[tilespmem:s31+$0x20] =	vst v15  }
0x213: {  	s16 =	simm.s32 $0x13D00;
	s29 =	simm.s32 $0x16480;
	s2 =	simm.s32 $0x6;
	[tilespmem:s31+$0xFFFFFF90] =	vst v8;
	v11 =	vld.idx.msk [tilespmem:v5+s21+$0x0], $0xffff  }
.LBB2_5:
0x214: {  	v8 =	vld [tilespmem:s16+$0x0];
	s2 =	sadd.s32 $0x2, s2;
	[tilespmem:s20+$0xFFFFFFB0] =	vst v10  }
0x215: {  	v7 =	vld [tilespmem:s16+$0xFFFFFF80];
	p1 =	slt.u32 s2, $0xE;
	[tilespmem:s13+$0x2E0] =	vst v4  }
0x216: {  	[tilespmem:s13+$0xFFFFFFD0] =	vst v6;
	v10 =	vld.idx.msk [tilespmem:v1+s26+$0x0], $0xffff  }
0x217: {  	v4 =	vld [tilespmem:s8+$0xFFFFFFA0];
	[tilespmem:s20+$0x1C0] =	vst v9  }
0x218: {  	v9 =	vld.idx.msk [tilespmem:v2+s24+$0x0], $0xffff;
	[tilespmem:s11+$0xFFFFFDF0] =	vst v3  }
0x219: {  	[tilespmem:s31+$0xA0] =	vst v11;
	v6 =	vld [tilespmem:s12+$0xFFFFFFC0]  }
0x21a: {  	v11 =	vld.idx.msk [tilespmem:v5+s22+$0x0], $0xffff  }
0x21b: {  	v3 =	vld [tilespmem:s15+$0xFFFFFFE0]  }
0x21c: {  	v12 =	vld.idx.msk [tilespmem:v8+s3+$0x0], $0xffff;
	[tilespmem:s13+$0x360] =	vst v10  }
0x21d: {  	v1 =	vld.idx.msk [tilespmem:v1+s28+$0x0], $0xffff  }
0x21e: {  	v10 =	vld.idx.msk [tilespmem:v7+s3+$0x0], $0xffff;
	[tilespmem:s20+$0x240] =	vst v9  }
0x21f: {  	v9 =	vld.idx.msk [tilespmem:v2+s25+$0x0], $0xffff  }
0x220: {  	v13 =	vld.idx.msk [tilespmem:v4+s3+$0x0], $0xffff;
	[tilespmem:s31+$0x120] =	vst v11  }
0x221: {  	s31 =	sadd.s32 $0x800, s31;
	v11 =	vld.idx.msk [tilespmem:v5+s23+$0x0], $0xffff  }
0x222: {  	[tilespmem:s31+$0x0] =	vst v12;
	v12 =	vld.idx.msk [tilespmem:v6+s3+$0x0], $0xffff  }
0x223: {  	v14 =	vld.idx.msk [tilespmem:v8+s21+$0x0], $0xffff;
	[tilespmem:s13+$0x3E0] =	vst v1  }
0x224: {  	[tilespmem:s31+$0xFFFFFC00] =	vst v10;
	v1 =	vld [tilespmem:s15+$0x70]  }
0x225: {  	v10 =	vld.idx.msk [tilespmem:v7+s21+$0x0], $0xffff;
	[tilespmem:s20+$0x2C0] =	vst v9  }
0x226: {  	[tilespmem:s29+$0xFFFFFC20] =	vst v13;
	v9 =	vld.idx.msk [tilespmem:v2+s26+$0x0], $0xffff  }
0x227: {  	v13 =	vld.idx.msk [tilespmem:v4+s21+$0x0], $0xffff;
	[tilespmem:s29+$0x1A0] =	vst v11  }
0x228: {  	v11 =	vld.idx.msk [tilespmem:v5+s24+$0x0], $0xffff;
	[tilespmem:s20+$0xFFFFFC40] =	vst v12  }
0x229: {  	[tilespmem:s31+$0x80] =	vst v14;
	v12 =	vld.idx.msk [tilespmem:v6+s21+$0x0], $0xffff  }
0x22a: {  	v14 =	vld.idx.msk [tilespmem:v8+s22+$0x0], $0xffff  }
0x22b: {  	[tilespmem:s31+$0xFFFFFC80] =	vst v10;
	v10 =	vld.idx.msk [tilespmem:v3+s3+$0x0], $0xffff  }
0x22c: {  	[tilespmem:s20+$0x340] =	vst v9;
	v9 =	vld.idx.msk [tilespmem:v1+s3+$0x0], $0xffff  }
0x22d: {  	[tilespmem:s29+$0xFFFFFCA0] =	vst v13;
	v2 =	vld.idx.msk [tilespmem:v2+s28+$0x0], $0xffff  }
0x22e: {  	v13 =	vld.idx.msk [tilespmem:v7+s22+$0x0], $0xffff;
	[tilespmem:s29+$0x220] =	vst v11  }
0x22f: {  	v11 =	vld.idx.msk [tilespmem:v5+s25+$0x0], $0xffff;
	[tilespmem:s20+$0xFFFFFCC0] =	vst v12  }
0x230: {  	[tilespmem:s31+$0x100] =	vst v14;
	v12 =	vld.idx.msk [tilespmem:v4+s22+$0x0], $0xffff  }
0x231: {  	v14 =	vld.idx.msk [tilespmem:v8+s23+$0x0], $0xffff;
	[tilespmem:s13+$0xFFFFFC60] =	vst v10  }
0x232: {  	v10 =	vld.idx.msk [tilespmem:v6+s22+$0x0], $0xffff;
	[tilespmem:s13+$0x70] =	vst v9  }
0x233: {  	[tilespmem:s20+$0x3C0] =	vst v2;
	v2 =	vld.idx.msk [tilespmem:v1+s21+$0x0], $0xffff  }
0x234: {  	[tilespmem:s31+$0xFFFFFD00] =	vst v13;
	v9 =	vld [tilespmem:s12+$0x50]  }
0x235: {  	v13 =	vld.idx.msk [tilespmem:v7+s23+$0x0], $0xffff;
	[tilespmem:s29+$0x2A0] =	vst v11  }
0x236: {  	[tilespmem:s29+$0xFFFFFD20] =	vst v12;
	v11 =	vld.idx.msk [tilespmem:v5+s26+$0x0], $0xffff  }
0x237: {  	[tilespmem:s31+$0x180] =	vst v14;
	v12 =	vld.idx.msk [tilespmem:v4+s23+$0x0], $0xffff  }
0x238: {  	v14 =	vld.idx.msk [tilespmem:v8+s24+$0x0], $0xffff;
	[tilespmem:s20+$0xFFFFFD40] =	vst v10  }
0x239: {  	v10 =	vld.idx.msk [tilespmem:v6+s23+$0x0], $0xffff;
	[tilespmem:s13+$0xF0] =	vst v2  }
0x23a: {  	v2 =	vld.idx.msk [tilespmem:v1+s22+$0x0], $0xffff  }
0x23b: {  	[tilespmem:s31+$0xFFFFFD80] =	vst v13;
	v13 =	vld.idx.msk [tilespmem:v3+s21+$0x0], $0xffff  }
0x23c: {  	[tilespmem:s29+$0x320] =	vst v11;
	v11 =	vld.idx.msk [tilespmem:v9+s3+$0x0], $0xffff  }
0x23d: {  	[tilespmem:s29+$0xFFFFFDA0] =	vst v12;
	v5 =	vld.idx.msk [tilespmem:v5+s28+$0x0], $0xffff  }
0x23e: {  	v12 =	vld.idx.msk [tilespmem:v7+s24+$0x0], $0xffff;
	[tilespmem:s31+$0x200] =	vst v14  }
0x23f: {  	v14 =	vld.idx.msk [tilespmem:v8+s25+$0x0], $0xffff;
	[tilespmem:s20+$0xFFFFFDC0] =	vst v10  }
0x240: {  	v10 =	vld.idx.msk [tilespmem:v4+s24+$0x0], $0xffff;
	[tilespmem:s13+$0x170] =	vst v2  }
0x241: {  	[tilespmem:s13+$0xFFFFFCE0] =	vst v13;
	v13 =	vld.idx.msk [tilespmem:v1+s23+$0x0], $0xffff  }
0x242: {  	v15 =	vld.idx.msk [tilespmem:v6+s24+$0x0], $0xffff;
	[tilespmem:s20+$0x50] =	vst v11  }
0x243: {  	[tilespmem:s29+$0x3A0] =	vst v5;
	v5 =	vld.idx.msk [tilespmem:v9+s21+$0x0], $0xffff  }
0x244: {  	[tilespmem:s31+$0xFFFFFE00] =	vst v12;
	v2 =	vld [tilespmem:s8+$0x30]  }
0x245: {  	v11 =	vld.idx.msk [tilespmem:v7+s25+$0x0], $0xffff;
	[tilespmem:s31+$0x280] =	vst v14  }
0x246: {  	v12 =	vld.idx.msk [tilespmem:v8+s26+$0x0], $0xffff;
	[tilespmem:s29+$0xFFFFFE20] =	vst v10  }
0x247: {  	v10 =	vld.idx.msk [tilespmem:v4+s25+$0x0], $0xffff;
	[tilespmem:s13+$0x1F0] =	vst v13  }
0x248: {  	[tilespmem:s20+$0xFFFFFE40] =	vst v15;
	v13 =	vld.idx.msk [tilespmem:v1+s24+$0x0], $0xffff  }
0x249: {  	v14 =	vld.idx.msk [tilespmem:v6+s25+$0x0], $0xffff;
	[tilespmem:s20+$0xD0] =	vst v5  }
0x24a: {  	v5 =	vld.idx.msk [tilespmem:v9+s22+$0x0], $0xffff  }
0x24b: {  	[tilespmem:s31+$0xFFFFFE80] =	vst v11;
	v11 =	vld.idx.msk [tilespmem:v3+s22+$0x0], $0xffff  }
0x24c: {  	[tilespmem:s31+$0x300] =	vst v12;
	v12 =	vld.idx.msk [tilespmem:v2+s3+$0x0], $0xffff  }
0x24d: {  	v8 =	vld.idx.msk [tilespmem:v8+s28+$0x0], $0xffff;
	[tilespmem:s29+$0xFFFFFEA0] =	vst v10  }
0x24e: {  	v10 =	vld.idx.msk [tilespmem:v7+s26+$0x0], $0xffff;
	[tilespmem:s13+$0x270] =	vst v13  }
0x24f: {  	[tilespmem:s20+$0xFFFFFEC0] =	vst v14;
	v13 =	vld.idx.msk [tilespmem:v1+s25+$0x0], $0xffff  }
0x250: {  	v14 =	vld.idx.msk [tilespmem:v4+s26+$0x0], $0xffff;
	[tilespmem:s20+$0x150] =	vst v5  }
0x251: {  	v15 =	vld.idx.msk [tilespmem:v9+s23+$0x0], $0xffff;
	[tilespmem:s13+$0xFFFFFD60] =	vst v11  }
0x252: {  	[tilespmem:s29+$0x30] =	vst v12;
	v11 =	vld.idx.msk [tilespmem:v6+s26+$0x0], $0xffff  }
0x253: {  	[tilespmem:s31+$0x380] =	vst v8;
	v8 =	vld.idx.msk [tilespmem:v2+s21+$0x0], $0xffff  }
0x254: {  	[tilespmem:s31+$0xFFFFFF00] =	vst v10;
	v5 =	vld [tilespmem:s16+$0x10]  }
0x255: {  	v7 =	vld.idx.msk [tilespmem:v7+s28+$0x0], $0xffff;
	[tilespmem:s13+$0x2F0] =	vst v13  }
0x256: {  	[tilespmem:s29+$0xFFFFFF20] =	vst v14;
	v10 =	vld.idx.msk [tilespmem:v1+s26+$0x0], $0xffff  }
0x257: {  	v4 =	vld.idx.msk [tilespmem:v4+s28+$0x0], $0xffff;
	[tilespmem:s20+$0x1D0] =	vst v15  }
0x258: {  	[tilespmem:s20+$0xFFFFFF40] =	vst v11;
	v11 =	vld.idx.msk [tilespmem:v9+s24+$0x0], $0xffff  }
0x259: {  	[tilespmem:s29+$0xB0] =	vst v8;
	v6 =	vld.idx.msk [tilespmem:v6+s28+$0x0], $0xffff  }
0x25a: {  	v8 =	vld.idx.msk [tilespmem:v2+s22+$0x0], $0xffff  }
0x25b: {  	[tilespmem:s31+$0xFFFFFF80] =	vst v7;
	v7 =	vld.idx.msk [tilespmem:v3+s23+$0x0], $0xffff  }
0x25c: {  	v12 =	vld.idx.msk [tilespmem:v5+s3+$0x0], $0xffff;
	[tilespmem:s13+$0x370] =	vst v10  }
0x25d: {  	[tilespmem:s29+$0xFFFFFFA0] =	vst v4;
	v1 =	vld.idx.msk [tilespmem:v1+s28+$0x0], $0xffff  }
0x25e: {  	v4 =	vld [tilespmem:s16+$0xFFFFFF90];
	[tilespmem:s20+$0x250] =	vst v11  }
0x25f: {  	[tilespmem:s20+$0xFFFFFFC0] =	vst v6;
	v10 =	vld.idx.msk [tilespmem:v9+s25+$0x0], $0xffff  }
0x260: {  	v6 =	vld [tilespmem:s8+$0xFFFFFFB0];
	[tilespmem:s29+$0x130] =	vst v8  }
0x261: {  	v8 =	vld.idx.msk [tilespmem:v2+s23+$0x0], $0xffff;
	[tilespmem:s13+$0xFFFFFDE0] =	vst v7  }
0x262: {  	[tilespmem:s31+$0x10] =	vst v12;
	v7 =	vld [tilespmem:s12+$0xFFFFFFD0]  }
0x263: {  	v11 =	vld.idx.msk [tilespmem:v5+s21+$0x0], $0xffff;
	[tilespmem:s13+$0x3F0] =	vst v1  }
0x264: {  	v1 =	vld.idx.msk [tilespmem:v3+s24+$0x0], $0xffff  }
0x265: {  	[tilespmem:s20+$0x2D0] =	vst v10;
	v10 =	vld.idx.msk [tilespmem:v0+s24+$0x0], $0xffff  }
0x266: {  	v12 =	vld.idx.msk [tilespmem:v9+s26+$0x0], $0xffff  }
0x267: {  	v13 =	vld.idx.msk [tilespmem:v4+s3+$0x0], $0xffff;
	[tilespmem:s29+$0x1B0] =	vst v8  }
0x268: {  	v8 =	vld.idx.msk [tilespmem:v2+s24+$0x0], $0xffff  }
0x269: {  	[tilespmem:s31+$0x90] =	vst v11;
	v11 =	vld.idx.msk [tilespmem:v6+s3+$0x0], $0xffff  }
0x26a: {  	v14 =	vld.idx.msk [tilespmem:v5+s22+$0x0], $0xffff;
	[tilespmem:s13+$0xFFFFFE60] =	vst v1  }
0x26b: {  	v1 =	vld.idx.msk [tilespmem:v7+s3+$0x0], $0xffff;
	[tilespmem:s11+$0xFFFFFE70] =	vst v10  }
0x26c: {  	[tilespmem:s20+$0x350] =	vst v12;
	v10 =	vld.idx.msk [tilespmem:v3+s25+$0x0], $0xffff  }
0x26d: {  	[tilespmem:s31+$0xFFFFFC10] =	vst v13;
	v9 =	vld.idx.msk [tilespmem:v9+s28+$0x0], $0xffff  }
0x26e: {  	v12 =	vld.idx.msk [tilespmem:v4+s21+$0x0], $0xffff;
	[tilespmem:s29+$0x230] =	vst v8  }
0x26f: {  	[tilespmem:s29+$0xFFFFFC30] =	vst v11;
	v8 =	vld.idx.msk [tilespmem:v2+s25+$0x0], $0xffff  }
0x270: {  	[tilespmem:s31+$0x110] =	vst v14;
	v11 =	vld.idx.msk [tilespmem:v6+s21+$0x0], $0xffff  }
0x271: {  	v13 =	vld.idx.msk [tilespmem:v5+s23+$0x0], $0xffff;
	[tilespmem:s20+$0xFFFFFC50] =	vst v1  }
0x272: {  	v14 =	vld.idx.msk [tilespmem:v7+s21+$0x0], $0xffff;
	[tilespmem:s13+$0xFFFFFEE0] =	vst v10  }
0x273: {  	[tilespmem:s20+$0x3D0] =	vst v9;
	v9 =	vld.idx.msk [tilespmem:v3+s26+$0x0], $0xffff  }
0x274: {  	[tilespmem:s31+$0xFFFFFC90] =	vst v12;
	v1 =	vld [tilespmem:s12+$0x60]  }
0x275: {  	v10 =	vld.idx.msk [tilespmem:v4+s22+$0x0], $0xffff;
	[tilespmem:s29+$0x2B0] =	vst v8  }
0x276: {  	[tilespmem:s29+$0xFFFFFCB0] =	vst v11;
	v8 =	vld.idx.msk [tilespmem:v2+s26+$0x0], $0xffff  }
0x277: {  	[tilespmem:s31+$0x190] =	vst v13;
	v11 =	vld.idx.msk [tilespmem:v6+s22+$0x0], $0xffff  }
0x278: {  	v12 =	vld.idx.msk [tilespmem:v5+s24+$0x0], $0xffff;
	[tilespmem:s20+$0xFFFFFCD0] =	vst v14  }
0x279: {  	v13 =	vld.idx.msk [tilespmem:v7+s22+$0x0], $0xffff;
	[tilespmem:s13+$0xFFFFFF60] =	vst v9  }
0x27a: {  	v3 =	vld.idx.msk [tilespmem:v3+s28+$0x0], $0xffff  }
0x27b: {  	[tilespmem:s31+$0xFFFFFD10] =	vst v10;
	v9 =	vld.idx.msk [tilespmem:v0+s25+$0x0], $0xffff  }
0x27c: {  	[tilespmem:s29+$0x330] =	vst v8;
	v8 =	vld.idx.msk [tilespmem:v1+s3+$0x0], $0xffff  }
0x27d: {  	[tilespmem:s29+$0xFFFFFD30] =	vst v11;
	v2 =	vld.idx.msk [tilespmem:v2+s28+$0x0], $0xffff  }
0x27e: {  	v10 =	vld.idx.msk [tilespmem:v4+s23+$0x0], $0xffff;
	[tilespmem:s31+$0x210] =	vst v12  }
0x27f: {  	v11 =	vld.idx.msk [tilespmem:v5+s25+$0x0], $0xffff;
	[tilespmem:s20+$0xFFFFFD50] =	vst v13  }
0x280: {  	v12 =	vld.idx.msk [tilespmem:v6+s23+$0x0], $0xffff;
	[tilespmem:s13+$0xFFFFFFE0] =	vst v3  }
0x281: {  	v3 =	vld.idx.msk [tilespmem:v7+s23+$0x0], $0xffff;
	[tilespmem:s11+$0xFFFFFEF0] =	vst v9  }
0x282: {  	[tilespmem:s20+$0x60] =	vst v8;
	v8 =	vld [tilespmem:s15+$0xFFFFFFF0];
	s15 =	smov.u32 s12;
	s12 =	smov.u32 s8;
	s8 =	smov.u32 s16  }
0x283: {  	[tilespmem:s29+$0x3B0] =	vst v2;
	v9 =	vld.idx.msk [tilespmem:v1+s21+$0x0], $0xffff  }
0x284: {  	[tilespmem:s31+$0xFFFFFD90] =	vst v10;
	v2 =	vld [tilespmem:s12+$0x40]  }
0x285: {  	v10 =	vld.idx.msk [tilespmem:v4+s24+$0x0], $0xffff;
	[tilespmem:s31+$0x290] =	vst v11  }
0x286: {  	v11 =	vld.idx.msk [tilespmem:v5+s26+$0x0], $0xffff;
	[tilespmem:s29+$0xFFFFFDB0] =	vst v12  }
0x287: {  	v12 =	vld.idx.msk [tilespmem:v6+s24+$0x0], $0xffff;
	[tilespmem:s20+$0xFFFFFDD0] =	vst v3  }
0x288: {  	v3 =	vld.idx.msk [tilespmem:v7+s24+$0x0], $0xffff  }
0x289: {  	[tilespmem:s20+$0xE0] =	vst v9;
	v9 =	vld.idx.msk [tilespmem:v0+s26+$0x0], $0xffff  }
0x28a: {  	v13 =	vld.idx.msk [tilespmem:v1+s22+$0x0], $0xffff  }
0x28b: {  	[tilespmem:s31+$0xFFFFFE10] =	vst v10;
	v10 =	vld.idx.msk [tilespmem:v8+s3+$0x0], $0xffff  }
0x28c: {  	[tilespmem:s31+$0x310] =	vst v11;
	v11 =	vld.idx.msk [tilespmem:v2+s3+$0x0], $0xffff  }
0x28d: {  	v5 =	vld.idx.msk [tilespmem:v5+s28+$0x0], $0xffff;
	[tilespmem:s29+$0xFFFFFE30] =	vst v12  }
0x28e: {  	v12 =	vld.idx.msk [tilespmem:v4+s25+$0x0], $0xffff;
	[tilespmem:s20+$0xFFFFFE50] =	vst v3  }
0x28f: {  	v3 =	vld.idx.msk [tilespmem:v6+s25+$0x0], $0xffff;
	[tilespmem:s11+$0xFFFFFF70] =	vst v9  }
0x290: {  	v9 =	vld.idx.msk [tilespmem:v7+s25+$0x0], $0xffff;
	[tilespmem:s20+$0x160] =	vst v13  }
0x291: {  	v13 =	vld.idx.msk [tilespmem:v1+s23+$0x0], $0xffff;
	[tilespmem:s13+$0xFFFFFC70] =	vst v10  }
0x292: {  	[tilespmem:s29+$0x40] =	vst v11;
	v10 =	vld.idx.msk [tilespmem:v8+s21+$0x0], $0xffff  }
0x293: {  	[tilespmem:s31+$0x390] =	vst v5;
	v11 =	vld.idx.msk [tilespmem:v2+s21+$0x0], $0xffff  }
0x294: {  	[tilespmem:s31+$0xFFFFFE90] =	vst v12;
	v5 =	vld [tilespmem:s16+$0x20]  }
0x295: {  	v12 =	vld.idx.msk [tilespmem:v4+s26+$0x0], $0xffff;
	[tilespmem:s29+$0xFFFFFEB0] =	vst v3  }
0x296: {  	v3 =	vld.idx.msk [tilespmem:v6+s26+$0x0], $0xffff;
	[tilespmem:s20+$0xFFFFFED0] =	vst v9  }
0x297: {  	v9 =	vld.idx.msk [tilespmem:v7+s26+$0x0], $0xffff;
	[tilespmem:s20+$0x1E0] =	vst v13  }
0x298: {  	v13 =	vld.idx.msk [tilespmem:v1+s24+$0x0], $0xffff;
	[tilespmem:s13+$0xFFFFFCF0] =	vst v10  }
0x299: {  	[tilespmem:s29+$0xC0] =	vst v11;
	v11 =	vld.idx.msk [tilespmem:v8+s22+$0x0], $0xffff  }
0x29a: {  	v14 =	vld.idx.msk [tilespmem:v2+s22+$0x0], $0xffff  }
0x29b: {  	[tilespmem:s31+$0xFFFFFF10] =	vst v12;
	v12 =	vld.idx.msk [tilespmem:v0+s28+$0x0], $0xffff;
	v0 =	vmov v8  }
0x29c: {  	v8 =	vld.idx.msk [tilespmem:v5+s3+$0x0], $0xffff;
	[tilespmem:s29+$0xFFFFFF30] =	vst v3  }
0x29d: {  	v15 =	vld.idx.msk [tilespmem:v4+s28+$0x0], $0xffff;
	[tilespmem:s20+$0xFFFFFF50] =	vst v9  }
0x29e: {  	v10 =	vld.idx.msk [tilespmem:v6+s28+$0x0], $0xffff;
	[tilespmem:s20+$0x260] =	vst v13  }
.Ltmp3:
0x29f: {  	v4 =	vld.idx.msk [tilespmem:v1+s25+$0x0], $0xffff;
	[tilespmem:s13+$0xFFFFFD70] =	vst v11;
	(pc) =	sbr.rel @p1 .LBB2_5-.Ltmp3, $4  }
0x2a0: {  	[tilespmem:s29+$0x140] =	vst v14;
	v6 =	vld.idx.msk [tilespmem:v7+s28+$0x0], $0xffff  }
0x2a1: {  	v9 =	vld.idx.msk [tilespmem:v2+s23+$0x0], $0xffff;
	[tilespmem:s11+$0xFFFFFFF0] =	vst v12;
	s11 =	smov.u32 s13;
	s13 =	smov.u32 s20;
	s20 =	smov.u32 s29  }
0x2a2: {  	s29 =	smov.u32 s31;
	[tilespmem:s31+$0x20] =	vst v8;
	v3 =	vld.idx.msk [tilespmem:v0+s23+$0x0], $0xffff  }
0x2a3: {  	s16 =	sadd.s32 $0x100, s16;
	[tilespmem:s31+$0xFFFFFF90] =	vst v15;
	v11 =	vld.idx.msk [tilespmem:v5+s21+$0x0], $0xffff  }
0x2a4: {  	v7 =	vld [tilespmem:s8+$0xFFFFFFA0];
	_ =	sdelay $0x7  }
0x2a5: {  	v8 =	vld.idx.msk [tilespmem:v7+s3+$0x0], $0xffff;
	_ =	sdelay $0x4  }
0x2a6: {  	[tilespmem:s29+$0xFFFFFC20] =	vst v8  }
0x2a7: {  	v8 =	vld.idx.msk [tilespmem:v7+s21+$0x0], $0xffff;
	_ =	sdelay $0x3  }
0x2a8: {  	[tilespmem:s31+$0xA0] =	vst v11  }
0x2a9: {  	v11 =	vld.idx.msk [tilespmem:v5+s22+$0x0], $0xffff;
	[tilespmem:s29+$0xFFFFFCA0] =	vst v8  }
0x2aa: {  	v8 =	vld.idx.msk [tilespmem:v7+s22+$0x0], $0xffff;
	_ =	sdelay $0x3  }
0x2ab: {  	[tilespmem:s31+$0x120] =	vst v11  }
0x2ac: {  	v11 =	vld.idx.msk [tilespmem:v5+s23+$0x0], $0xffff;
	[tilespmem:s29+$0xFFFFFD20] =	vst v8  }
0x2ad: {  	v8 =	vld.idx.msk [tilespmem:v7+s23+$0x0], $0xffff;
	_ =	sdelay $0x3  }
0x2ae: {  	[tilespmem:s29+$0x1A0] =	vst v11  }
0x2af: {  	v11 =	vld.idx.msk [tilespmem:v5+s24+$0x0], $0xffff;
	[tilespmem:s29+$0xFFFFFDA0] =	vst v8  }
0x2b0: {  	v8 =	vld.idx.msk [tilespmem:v7+s24+$0x0], $0xffff;
	_ =	sdelay $0x3  }
0x2b1: {  	[tilespmem:s29+$0x220] =	vst v11  }
0x2b2: {  	v11 =	vld.idx.msk [tilespmem:v5+s25+$0x0], $0xffff;
	[tilespmem:s29+$0xFFFFFE20] =	vst v8  }
0x2b3: {  	v8 =	vld.idx.msk [tilespmem:v7+s25+$0x0], $0xffff;
	_ =	sdelay $0x3  }
0x2b4: {  	[tilespmem:s29+$0x2A0] =	vst v11  }
0x2b5: {  	v11 =	vld.idx.msk [tilespmem:v5+s26+$0x0], $0xffff;
	[tilespmem:s29+$0xFFFFFEA0] =	vst v8  }
0x2b6: {  	v8 =	vld.idx.msk [tilespmem:v7+s26+$0x0], $0xffff;
	_ =	sdelay $0x3  }
0x2b7: {  	[tilespmem:s29+$0x320] =	vst v11  }
0x2b8: {  	v14 =	vld.idx.msk [tilespmem:v5+s28+$0x0], $0xffff;
	[tilespmem:s29+$0xFFFFFF20] =	vst v8  }
0x2b9: {  	v7 =	vld.idx.msk [tilespmem:v7+s28+$0x0], $0xffff;
	_ =	sdelay $0x3  }
0x2ba: {  	[tilespmem:s29+$0x3A0] =	vst v14  }
0x2bb: {  	v5 =	vld [tilespmem:s8+$0x30];
	[tilespmem:s29+$0xFFFFFFA0] =	vst v7  }
0x2bc: {  	v7 =	vld [tilespmem:s8+$0xFFFFFFB0];
	_ =	sdelay $0x6  }
0x2bd: {  	v15 =	vld.idx.msk [tilespmem:v5+s3+$0x0], $0xffff  }
0x2be: {  	v16 =	vld.idx.msk [tilespmem:v7+s3+$0x0], $0xffff;
	_ =	sdelay $0x3  }
0x2bf: {  	[tilespmem:s29+$0x30] =	vst v15  }
0x2c0: {  	v8 =	vld.idx.msk [tilespmem:v5+s21+$0x0], $0xffff;
	[tilespmem:s29+$0xFFFFFC30] =	vst v16  }
0x2c1: {  	v11 =	vld.idx.msk [tilespmem:v7+s21+$0x0], $0xffff;
	_ =	sdelay $0x3  }
0x2c2: {  	[tilespmem:s29+$0xB0] =	vst v8  }
0x2c3: {  	v8 =	vld.idx.msk [tilespmem:v5+s22+$0x0], $0xffff;
	[tilespmem:s29+$0xFFFFFCB0] =	vst v11  }
0x2c4: {  	v11 =	vld.idx.msk [tilespmem:v7+s22+$0x0], $0xffff;
	_ =	sdelay $0x3  }
0x2c5: {  	[tilespmem:s29+$0x130] =	vst v8  }
0x2c6: {  	v8 =	vld.idx.msk [tilespmem:v5+s23+$0x0], $0xffff;
	[tilespmem:s29+$0xFFFFFD30] =	vst v11  }
0x2c7: {  	v11 =	vld.idx.msk [tilespmem:v7+s23+$0x0], $0xffff;
	_ =	sdelay $0x3  }
0x2c8: {  	[tilespmem:s29+$0x1B0] =	vst v8  }
0x2c9: {  	v8 =	vld.idx.msk [tilespmem:v5+s24+$0x0], $0xffff;
	[tilespmem:s29+$0xFFFFFDB0] =	vst v11  }
0x2ca: {  	v11 =	vld.idx.msk [tilespmem:v7+s24+$0x0], $0xffff;
	_ =	sdelay $0x3  }
0x2cb: {  	[tilespmem:s29+$0x230] =	vst v8  }
0x2cc: {  	v8 =	vld.idx.msk [tilespmem:v5+s25+$0x0], $0xffff;
	[tilespmem:s29+$0xFFFFFE30] =	vst v11  }
0x2cd: {  	v11 =	vld.idx.msk [tilespmem:v7+s25+$0x0], $0xffff;
	_ =	sdelay $0x3  }
0x2ce: {  	[tilespmem:s29+$0x2B0] =	vst v8  }
0x2cf: {  	v8 =	vld.idx.msk [tilespmem:v5+s26+$0x0], $0xffff;
	[tilespmem:s29+$0xFFFFFEB0] =	vst v11  }
0x2d0: {  	v11 =	vld.idx.msk [tilespmem:v7+s26+$0x0], $0xffff;
	_ =	sdelay $0x3  }
0x2d1: {  	[tilespmem:s29+$0x330] =	vst v8  }
0x2d2: {  	v5 =	vld.idx.msk [tilespmem:v5+s28+$0x0], $0xffff;
	[tilespmem:s29+$0xFFFFFF30] =	vst v11  }
0x2d3: {  	v7 =	vld.idx.msk [tilespmem:v7+s28+$0x0], $0xffff;
	_ =	sdelay $0x2  }
0x2d4: {  	[tilespmem:s20+$0xFFFFFFB0] =	vst v10  }
0x2d5: {  	v17 =	vld [tilespmem:s12+$0xFFFFFFC0];
	[tilespmem:s29+$0x3B0] =	vst v5  }
0x2d6: {  	v5 =	vld [tilespmem:s8+$0x40];
	[tilespmem:s29+$0xFFFFFFB0] =	vst v7  }
0x2d7: {  	v7 =	vld [tilespmem:s8+$0xFFFFFFC0];
	_ =	sdelay $0x5  }
0x2d8: {  	v19 =	vld.idx.msk [tilespmem:v17+s3+$0x0], $0xffff  }
0x2d9: {  	v18 =	vld.idx.msk [tilespmem:v5+s3+$0x0], $0xffff  }
0x2da: {  	v12 =	vld.idx.msk [tilespmem:v7+s3+$0x0], $0xffff;
	_ =	sdelay $0x2  }
0x2db: {  	[tilespmem:s20+$0xFFFFFC40] =	vst v19  }
0x2dc: {  	v11 =	vld.idx.msk [tilespmem:v17+s21+$0x0], $0xffff;
	[tilespmem:s29+$0x40] =	vst v18  }
0x2dd: {  	v10 =	vld.idx.msk [tilespmem:v5+s21+$0x0], $0xffff;
	[tilespmem:s29+$0xFFFFFC40] =	vst v12  }
0x2de: {  	v12 =	vld.idx.msk [tilespmem:v7+s21+$0x0], $0xffff;
	_ =	sdelay $0x2  }
0x2df: {  	[tilespmem:s20+$0xFFFFFCC0] =	vst v11  }
0x2e0: {  	v11 =	vld.idx.msk [tilespmem:v17+s22+$0x0], $0xffff;
	[tilespmem:s29+$0xC0] =	vst v10  }
0x2e1: {  	v10 =	vld.idx.msk [tilespmem:v5+s22+$0x0], $0xffff;
	[tilespmem:s29+$0xFFFFFCC0] =	vst v12  }
0x2e2: {  	v12 =	vld.idx.msk [tilespmem:v7+s22+$0x0], $0xffff;
	_ =	sdelay $0x2  }
0x2e3: {  	[tilespmem:s20+$0xFFFFFD40] =	vst v11  }
0x2e4: {  	v11 =	vld.idx.msk [tilespmem:v17+s23+$0x0], $0xffff;
	[tilespmem:s29+$0x140] =	vst v10  }
0x2e5: {  	v10 =	vld.idx.msk [tilespmem:v5+s23+$0x0], $0xffff;
	[tilespmem:s29+$0xFFFFFD40] =	vst v12  }
0x2e6: {  	v12 =	vld.idx.msk [tilespmem:v7+s23+$0x0], $0xffff  }
0x2e7: {  	[tilespmem:s20+$0x1C0] =	vst v9  }
0x2e8: {  	v9 =	vld.idx.msk [tilespmem:v2+s24+$0x0], $0xffff  }
0x2e9: {  	[tilespmem:s20+$0xFFFFFDC0] =	vst v11  }
0x2ea: {  	v11 =	vld.idx.msk [tilespmem:v17+s24+$0x0], $0xffff;
	[tilespmem:s29+$0x1C0] =	vst v10  }
0x2eb: {  	v10 =	vld.idx.msk [tilespmem:v5+s24+$0x0], $0xffff;
	[tilespmem:s29+$0xFFFFFDC0] =	vst v12  }
0x2ec: {  	v12 =	vld.idx.msk [tilespmem:v7+s24+$0x0], $0xffff  }
0x2ed: {  	[tilespmem:s20+$0x240] =	vst v9  }
0x2ee: {  	v9 =	vld.idx.msk [tilespmem:v2+s25+$0x0], $0xffff  }
0x2ef: {  	[tilespmem:s20+$0xFFFFFE40] =	vst v11  }
0x2f0: {  	v11 =	vld.idx.msk [tilespmem:v17+s25+$0x0], $0xffff;
	[tilespmem:s29+$0x240] =	vst v10  }
0x2f1: {  	v10 =	vld.idx.msk [tilespmem:v5+s25+$0x0], $0xffff;
	[tilespmem:s29+$0xFFFFFE40] =	vst v12  }
0x2f2: {  	v12 =	vld.idx.msk [tilespmem:v7+s25+$0x0], $0xffff  }
0x2f3: {  	[tilespmem:s20+$0x2C0] =	vst v9  }
0x2f4: {  	v9 =	vld.idx.msk [tilespmem:v2+s26+$0x0], $0xffff  }
0x2f5: {  	[tilespmem:s20+$0xFFFFFEC0] =	vst v11  }
0x2f6: {  	v11 =	vld.idx.msk [tilespmem:v17+s26+$0x0], $0xffff;
	[tilespmem:s29+$0x2C0] =	vst v10  }
0x2f7: {  	v10 =	vld.idx.msk [tilespmem:v5+s26+$0x0], $0xffff;
	[tilespmem:s29+$0xFFFFFEC0] =	vst v12  }
0x2f8: {  	v12 =	vld.idx.msk [tilespmem:v7+s26+$0x0], $0xffff  }
0x2f9: {  	[tilespmem:s20+$0x340] =	vst v9  }
0x2fa: {  	v20 =	vld.idx.msk [tilespmem:v2+s28+$0x0], $0xffff  }
0x2fb: {  	[tilespmem:s20+$0xFFFFFF40] =	vst v11  }
0x2fc: {  	v8 =	vld.idx.msk [tilespmem:v17+s28+$0x0], $0xffff;
	[tilespmem:s29+$0x340] =	vst v10  }
0x2fd: {  	v5 =	vld.idx.msk [tilespmem:v5+s28+$0x0], $0xffff;
	[tilespmem:s29+$0xFFFFFF40] =	vst v12  }
0x2fe: {  	v7 =	vld.idx.msk [tilespmem:v7+s28+$0x0], $0xffff  }
0x2ff: {  	[tilespmem:s20+$0x3C0] =	vst v20  }
0x300: {  	v2 =	vld [tilespmem:s12+$0x50]  }
0x301: {  	[tilespmem:s20+$0xFFFFFFC0] =	vst v8  }
0x302: {  	v8 =	vld [tilespmem:s12+$0xFFFFFFD0];
	[tilespmem:s29+$0x3C0] =	vst v5  }
0x303: {  	v5 =	vld [tilespmem:s8+$0x50];
	[tilespmem:s29+$0xFFFFFFC0] =	vst v7  }
0x304: {  	v7 =	vld [tilespmem:s8+$0xFFFFFFD0];
	_ =	sdelay $0x3  }
0x305: {  	v9 =	vld.idx.msk [tilespmem:v2+s3+$0x0], $0xffff;
	_ =	sdelay $0x1  }
0x306: {  	v11 =	vld.idx.msk [tilespmem:v8+s3+$0x0], $0xffff  }
0x307: {  	v10 =	vld.idx.msk [tilespmem:v5+s3+$0x0], $0xffff  }
0x308: {  	v12 =	vld.idx.msk [tilespmem:v7+s3+$0x0], $0xffff  }
0x309: {  	[tilespmem:s20+$0x50] =	vst v9  }
0x30a: {  	v9 =	vld.idx.msk [tilespmem:v2+s21+$0x0], $0xffff  }
0x30b: {  	[tilespmem:s20+$0xFFFFFC50] =	vst v11  }
0x30c: {  	v11 =	vld.idx.msk [tilespmem:v8+s21+$0x0], $0xffff;
	[tilespmem:s29+$0x50] =	vst v10  }
0x30d: {  	v10 =	vld.idx.msk [tilespmem:v5+s21+$0x0], $0xffff;
	[tilespmem:s29+$0xFFFFFC50] =	vst v12  }
0x30e: {  	v12 =	vld.idx.msk [tilespmem:v7+s21+$0x0], $0xffff  }
0x30f: {  	[tilespmem:s20+$0xD0] =	vst v9  }
0x310: {  	v9 =	vld.idx.msk [tilespmem:v2+s22+$0x0], $0xffff  }
0x311: {  	[tilespmem:s20+$0xFFFFFCD0] =	vst v11  }
0x312: {  	v11 =	vld.idx.msk [tilespmem:v8+s22+$0x0], $0xffff;
	[tilespmem:s29+$0xD0] =	vst v10  }
0x313: {  	v10 =	vld.idx.msk [tilespmem:v5+s22+$0x0], $0xffff;
	[tilespmem:s29+$0xFFFFFCD0] =	vst v12  }
0x314: {  	v12 =	vld.idx.msk [tilespmem:v7+s22+$0x0], $0xffff  }
0x315: {  	[tilespmem:s20+$0x150] =	vst v9  }
0x316: {  	v9 =	vld.idx.msk [tilespmem:v2+s23+$0x0], $0xffff  }
0x317: {  	[tilespmem:s20+$0xFFFFFD50] =	vst v11  }
0x318: {  	v11 =	vld.idx.msk [tilespmem:v8+s23+$0x0], $0xffff;
	[tilespmem:s29+$0x150] =	vst v10  }
0x319: {  	v10 =	vld.idx.msk [tilespmem:v5+s23+$0x0], $0xffff;
	[tilespmem:s29+$0xFFFFFD50] =	vst v12  }
0x31a: {  	v12 =	vld.idx.msk [tilespmem:v7+s23+$0x0], $0xffff  }
0x31b: {  	[tilespmem:s20+$0x1D0] =	vst v9  }
0x31c: {  	v9 =	vld.idx.msk [tilespmem:v2+s24+$0x0], $0xffff  }
0x31d: {  	[tilespmem:s20+$0xFFFFFDD0] =	vst v11  }
0x31e: {  	v11 =	vld.idx.msk [tilespmem:v8+s24+$0x0], $0xffff;
	[tilespmem:s29+$0x1D0] =	vst v10  }
0x31f: {  	v10 =	vld.idx.msk [tilespmem:v5+s24+$0x0], $0xffff;
	[tilespmem:s29+$0xFFFFFDD0] =	vst v12  }
0x320: {  	v12 =	vld.idx.msk [tilespmem:v7+s24+$0x0], $0xffff  }
0x321: {  	[tilespmem:s20+$0x250] =	vst v9  }
0x322: {  	v9 =	vld.idx.msk [tilespmem:v2+s25+$0x0], $0xffff  }
0x323: {  	[tilespmem:s20+$0xFFFFFE50] =	vst v11  }
0x324: {  	v11 =	vld.idx.msk [tilespmem:v8+s25+$0x0], $0xffff;
	[tilespmem:s29+$0x250] =	vst v10  }
0x325: {  	v10 =	vld.idx.msk [tilespmem:v5+s25+$0x0], $0xffff;
	[tilespmem:s29+$0xFFFFFE50] =	vst v12  }
0x326: {  	v12 =	vld.idx.msk [tilespmem:v7+s25+$0x0], $0xffff  }
0x327: {  	[tilespmem:s20+$0x2D0] =	vst v9  }
0x328: {  	v9 =	vld.idx.msk [tilespmem:v2+s26+$0x0], $0xffff  }
0x329: {  	[tilespmem:s20+$0xFFFFFED0] =	vst v11  }
0x32a: {  	v11 =	vld.idx.msk [tilespmem:v8+s26+$0x0], $0xffff;
	[tilespmem:s29+$0x2D0] =	vst v10  }
0x32b: {  	v10 =	vld.idx.msk [tilespmem:v5+s26+$0x0], $0xffff;
	[tilespmem:s29+$0xFFFFFED0] =	vst v12  }
0x32c: {  	[tilespmem:s13+$0xFFFFFFD0] =	vst v6;
	v12 =	vld.idx.msk [tilespmem:v7+s26+$0x0], $0xffff  }
0x32d: {  	v6 =	vld [tilespmem:s15+$0xFFFFFFE0];
	[tilespmem:s20+$0x350] =	vst v9  }
0x32e: {  	v2 =	vld.idx.msk [tilespmem:v2+s28+$0x0], $0xffff  }
0x32f: {  	[tilespmem:s20+$0xFFFFFF50] =	vst v11  }
0x330: {  	v8 =	vld.idx.msk [tilespmem:v8+s28+$0x0], $0xffff;
	[tilespmem:s29+$0x350] =	vst v10  }
0x331: {  	v5 =	vld.idx.msk [tilespmem:v5+s28+$0x0], $0xffff;
	[tilespmem:s29+$0xFFFFFF50] =	vst v12  }
0x332: {  	v7 =	vld.idx.msk [tilespmem:v7+s28+$0x0], $0xffff  }
0x333: {  	[tilespmem:s20+$0x3D0] =	vst v2  }
0x334: {  	v2 =	vld [tilespmem:s12+$0x60]  }
0x335: {  	v21 =	vld.idx.msk [tilespmem:v6+s3+$0x0], $0xffff;
	[tilespmem:s20+$0xFFFFFFD0] =	vst v8  }
0x336: {  	v8 =	vld [tilespmem:s12+$0xFFFFFFE0];
	[tilespmem:s29+$0x3D0] =	vst v5  }
0x337: {  	v5 =	vld [tilespmem:s8+$0x60];
	[tilespmem:s29+$0xFFFFFFD0] =	vst v7  }
0x338: {  	v7 =	vld [tilespmem:s8+$0xFFFFFFE0];
	_ =	sdelay $0x1  }
0x339: {  	[tilespmem:s13+$0xFFFFFC60] =	vst v21  }
0x33a: {  	v27 =	vld.idx.msk [tilespmem:v6+s21+$0x0], $0xffff  }
0x33b: {  	v9 =	vld.idx.msk [tilespmem:v2+s3+$0x0], $0xffff;
	_ =	sdelay $0x1  }
0x33c: {  	v23 =	vld.idx.msk [tilespmem:v8+s3+$0x0], $0xffff  }
0x33d: {  	v22 =	vld.idx.msk [tilespmem:v5+s3+$0x0], $0xffff  }
0x33e: {  	[tilespmem:s13+$0xFFFFFCE0] =	vst v27;
	v24 =	vld.idx.msk [tilespmem:v7+s3+$0x0], $0xffff  }
0x33f: {  	[tilespmem:s20+$0x60] =	vst v9;
	v11 =	vld.idx.msk [tilespmem:v6+s22+$0x0], $0xffff  }
0x340: {  	[tilespmem:s13+$0x2E0] =	vst v4;
	v26 =	vld.idx.msk [tilespmem:v2+s21+$0x0], $0xffff  }
0x341: {  	v25 =	vld.idx.msk [tilespmem:v1+s26+$0x0], $0xffff;
	[tilespmem:s20+$0xFFFFFC60] =	vst v23  }
0x342: {  	v29 =	vld.idx.msk [tilespmem:v8+s21+$0x0], $0xffff;
	[tilespmem:s29+$0x60] =	vst v22  }
0x343: {  	v28 =	vld.idx.msk [tilespmem:v5+s21+$0x0], $0xffff;
	[tilespmem:s29+$0xFFFFFC60] =	vst v24  }
0x344: {  	[tilespmem:s13+$0xFFFFFD60] =	vst v11;
	v30 =	vld.idx.msk [tilespmem:v7+s21+$0x0], $0xffff  }
0x345: {  	[tilespmem:s20+$0xE0] =	vst v26;
	v11 =	vld.idx.msk [tilespmem:v6+s23+$0x0], $0xffff  }
0x346: {  	[tilespmem:s13+$0x360] =	vst v25;
	v10 =	vld.idx.msk [tilespmem:v2+s22+$0x0], $0xffff  }
0x347: {  	v31 =	vld.idx.msk [tilespmem:v1+s28+$0x0], $0xffff;
	[tilespmem:s20+$0xFFFFFCE0] =	vst v29  }
0x348: {  	v33 =	vld.idx.msk [tilespmem:v8+s22+$0x0], $0xffff;
	[tilespmem:s29+$0xE0] =	vst v28  }
0x349: {  	v32 =	vld.idx.msk [tilespmem:v5+s22+$0x0], $0xffff;
	[tilespmem:s29+$0xFFFFFCE0] =	vst v30  }
0x34a: {  	[tilespmem:s13+$0xFFFFFDE0] =	vst v11;
	v34 =	vld.idx.msk [tilespmem:v7+s22+$0x0], $0xffff  }
0x34b: {  	[tilespmem:s20+$0x160] =	vst v10;
	v11 =	vld.idx.msk [tilespmem:v6+s24+$0x0], $0xffff  }
0x34c: {  	[tilespmem:s13+$0x3E0] =	vst v31;
	v10 =	vld.idx.msk [tilespmem:v2+s23+$0x0], $0xffff  }
0x34d: {  	v35 =	vld [tilespmem:s15+$0x70];
	[tilespmem:s20+$0xFFFFFD60] =	vst v33  }
0x34e: {  	v12 =	vld.idx.msk [tilespmem:v8+s23+$0x0], $0xffff;
	[tilespmem:s29+$0x160] =	vst v32  }
0x34f: {  	v4 =	vld.idx.msk [tilespmem:v5+s23+$0x0], $0xffff;
	[tilespmem:s29+$0xFFFFFD60] =	vst v34  }
0x350: {  	[tilespmem:s13+$0xFFFFFE60] =	vst v11;
	v1 =	vld.idx.msk [tilespmem:v7+s23+$0x0], $0xffff  }
0x351: {  	[tilespmem:s20+$0x1E0] =	vst v10;
	v38 =	vld.idx.msk [tilespmem:v6+s25+$0x0], $0xffff  }
0x352: {  	v10 =	vld.idx.msk [tilespmem:v2+s24+$0x0], $0xffff  }
0x353: {  	[tilespmem:s20+$0xFFFFFDE0] =	vst v12  }
0x354: {  	v12 =	vld.idx.msk [tilespmem:v8+s24+$0x0], $0xffff;
	[tilespmem:s29+$0x1E0] =	vst v4  }
0x355: {  	v4 =	vld.idx.msk [tilespmem:v5+s24+$0x0], $0xffff;
	[tilespmem:s29+$0xFFFFFDE0] =	vst v1  }
0x356: {  	[tilespmem:s13+$0xFFFFFEE0] =	vst v38;
	v1 =	vld.idx.msk [tilespmem:v7+s24+$0x0], $0xffff  }
0x357: {  	[tilespmem:s20+$0x260] =	vst v10;
	v44 =	vld.idx.msk [tilespmem:v6+s26+$0x0], $0xffff  }
0x358: {  	v37 =	vld.idx.msk [tilespmem:v2+s25+$0x0], $0xffff  }
0x359: {  	v36 =	vld.idx.msk [tilespmem:v35+s3+$0x0], $0xffff;
	[tilespmem:s20+$0xFFFFFE60] =	vst v12  }
0x35a: {  	v40 =	vld.idx.msk [tilespmem:v8+s25+$0x0], $0xffff;
	[tilespmem:s29+$0x260] =	vst v4  }
0x35b: {  	v39 =	vld.idx.msk [tilespmem:v5+s25+$0x0], $0xffff;
	[tilespmem:s29+$0xFFFFFE60] =	vst v1  }
0x35c: {  	[tilespmem:s13+$0xFFFFFF60] =	vst v44;
	v41 =	vld.idx.msk [tilespmem:v7+s25+$0x0], $0xffff  }
0x35d: {  	[tilespmem:s20+$0x2E0] =	vst v37;
	v6 =	vld.idx.msk [tilespmem:v6+s28+$0x0], $0xffff  }
0x35e: {  	[tilespmem:s13+$0x70] =	vst v36;
	v43 =	vld.idx.msk [tilespmem:v2+s26+$0x0], $0xffff  }
0x35f: {  	v42 =	vld.idx.msk [tilespmem:v35+s21+$0x0], $0xffff;
	[tilespmem:s20+$0xFFFFFEE0] =	vst v40  }
0x360: {  	v46 =	vld.idx.msk [tilespmem:v8+s26+$0x0], $0xffff;
	[tilespmem:s29+$0x2E0] =	vst v39  }
0x361: {  	v45 =	vld.idx.msk [tilespmem:v5+s26+$0x0], $0xffff;
	[tilespmem:s29+$0xFFFFFEE0] =	vst v41  }
0x362: {  	[tilespmem:s13+$0xFFFFFFE0] =	vst v6;
	v47 =	vld.idx.msk [tilespmem:v7+s26+$0x0], $0xffff  }
0x363: {  	[tilespmem:s20+$0x360] =	vst v43;
	v6 =	vld [tilespmem:s15+$0xFFFFFFF0]  }
0x364: {  	v2 =	vld.idx.msk [tilespmem:v2+s28+$0x0], $0xffff  }
0x365: {  	[tilespmem:s20+$0xFFFFFF60] =	vst v46  }
0x366: {  	v49 =	vld.idx.msk [tilespmem:v8+s28+$0x0], $0xffff;
	[tilespmem:s29+$0x360] =	vst v45  }
0x367: {  	v1 =	vld.idx.msk [tilespmem:v5+s28+$0x0], $0xffff;
	[tilespmem:s29+$0xFFFFFF60] =	vst v47  }
0x368: {  	[tilespmem:s13+$0xF0] =	vst v42;
	v50 =	vld.idx.msk [tilespmem:v7+s28+$0x0], $0xffff  }
0x369: {  	v48 =	vld.idx.msk [tilespmem:v35+s22+$0x0], $0xffff;
	[tilespmem:s20+$0x3E0] =	vst v2  }
0x36a: {  	v2 =	vld [tilespmem:s12+$0x70]  }
0x36b: {  	v53 =	vld.idx.msk [tilespmem:v6+s3+$0x0], $0xffff;
	[tilespmem:s20+$0xFFFFFFE0] =	vst v49  }
0x36c: {  	v5 =	vld [tilespmem:s12+$0xFFFFFFF0];
	[tilespmem:s29+$0x3E0] =	vst v1  }
0x36d: {  	v1 =	vld [tilespmem:s8+$0x70];
	[tilespmem:s29+$0xFFFFFFE0] =	vst v50  }
0x36e: {  	v4 =	vld [tilespmem:s8+$0xFFFFFFF0];
	_ =	sdelay $0x1  }
0x36f: {  	[tilespmem:s13+$0x170] =	vst v48  }
0x370: {  	v51 =	vld.idx.msk [tilespmem:v35+s23+$0x0], $0xffff  }
0x371: {  	[tilespmem:s13+$0xFFFFFC70] =	vst v53;
	v52 =	vld.idx.msk [tilespmem:v2+s3+$0x0], $0xffff  }
0x372: {  	v10 =	vld.idx.msk [tilespmem:v6+s21+$0x0], $0xffff  }
0x373: {  	v55 =	vld.idx.msk [tilespmem:v5+s3+$0x0], $0xffff  }
0x374: {  	[tilespmem:s11+$0xFFFFFDF0] =	vst v3;
	v54 =	vld.idx.msk [tilespmem:v1+s3+$0x0], $0xffff  }
0x375: {  	[tilespmem:s13+$0x1F0] =	vst v51;
	v56 =	vld.idx.msk [tilespmem:v4+s3+$0x0], $0xffff  }
0x376: {  	[tilespmem:s20+$0x70] =	vst v52;
	v7 =	vld.idx.msk [tilespmem:v35+s24+$0x0], $0xffff  }
0x377: {  	[tilespmem:s13+$0xFFFFFCF0] =	vst v10;
	v8 =	vld.idx.msk [tilespmem:v2+s21+$0x0], $0xffff  }
0x378: {  	v60 =	vld.idx.msk [tilespmem:v0+s24+$0x0], $0xffff;
	[tilespmem:s20+$0xFFFFFC70] =	vst v55  }
0x379: {  	v59 =	vld.idx.msk [tilespmem:v5+s21+$0x0], $0xffff;
	[tilespmem:s29+$0x70] =	vst v54  }
0x37a: {  	v58 =	vld.idx.msk [tilespmem:v1+s21+$0x0], $0xffff;
	[tilespmem:s29+$0xFFFFFC70] =	vst v56  }
0x37b: {  	[tilespmem:s13+$0x270] =	vst v7;
	v7 =	vld.idx.msk [tilespmem:v4+s21+$0x0], $0xffff  }
0x37c: {  	v10 =	vld.idx.msk [tilespmem:v6+s22+$0x0], $0xffff;
	[tilespmem:s20+$0xF0] =	vst v8  }
0x37d: {  	[tilespmem:s11+$0xFFFFFE70] =	vst v60;
	v8 =	vld.idx.msk [tilespmem:v2+s22+$0x0], $0xffff  }
0x37e: {  	v57 =	vld.idx.msk [tilespmem:v35+s25+$0x0], $0xffff;
	[tilespmem:s20+$0xFFFFFCF0] =	vst v59  }
0x37f: {  	v11 =	vld.idx.msk [tilespmem:v5+s22+$0x0], $0xffff;
	[tilespmem:s29+$0xF0] =	vst v58  }
0x380: {  	v3 =	vld.idx.msk [tilespmem:v1+s22+$0x0], $0xffff;
	[tilespmem:s29+$0xFFFFFCF0] =	vst v7  }
0x381: {  	[tilespmem:s13+$0xFFFFFD70] =	vst v10;
	v7 =	vld.idx.msk [tilespmem:v4+s22+$0x0], $0xffff  }
0x382: {  	v10 =	vld.idx.msk [tilespmem:v6+s23+$0x0], $0xffff;
	[tilespmem:s20+$0x170] =	vst v8  }
0x383: {  	v8 =	vld.idx.msk [tilespmem:v2+s23+$0x0], $0xffff;
	[tilespmem:s13+$0x2F0] =	vst v57  }
0x384: {  	v12 =	vld.idx.msk [tilespmem:v35+s26+$0x0], $0xffff;
	[tilespmem:s20+$0xFFFFFD70] =	vst v11  }
0x385: {  	v11 =	vld.idx.msk [tilespmem:v5+s23+$0x0], $0xffff;
	[tilespmem:s29+$0x170] =	vst v3  }
0x386: {  	v3 =	vld.idx.msk [tilespmem:v1+s23+$0x0], $0xffff;
	[tilespmem:s29+$0xFFFFFD70] =	vst v7  }
0x387: {  	[tilespmem:s13+$0xFFFFFDF0] =	vst v10;
	v7 =	vld.idx.msk [tilespmem:v4+s23+$0x0], $0xffff  }
0x388: {  	v10 =	vld.idx.msk [tilespmem:v6+s24+$0x0], $0xffff;
	[tilespmem:s20+$0x1F0] =	vst v8  }
0x389: {  	v8 =	vld.idx.msk [tilespmem:v2+s24+$0x0], $0xffff;
	[tilespmem:s13+$0x370] =	vst v12  }
0x38a: {  	v9 =	vld.idx.msk [tilespmem:v35+s28+$0x0], $0xffff;
	[tilespmem:s20+$0xFFFFFDF0] =	vst v11  }
0x38b: {  	v11 =	vld.idx.msk [tilespmem:v5+s24+$0x0], $0xffff;
	[tilespmem:s29+$0x1F0] =	vst v3  }
0x38c: {  	v3 =	vld.idx.msk [tilespmem:v1+s24+$0x0], $0xffff;
	[tilespmem:s29+$0xFFFFFDF0] =	vst v7  }
0x38d: {  	[tilespmem:s13+$0xFFFFFE70] =	vst v10;
	v7 =	vld.idx.msk [tilespmem:v4+s24+$0x0], $0xffff  }
0x38e: {  	v10 =	vld.idx.msk [tilespmem:v6+s25+$0x0], $0xffff;
	[tilespmem:s20+$0x270] =	vst v8  }
0x38f: {  	v8 =	vld.idx.msk [tilespmem:v2+s25+$0x0], $0xffff;
	[tilespmem:s13+$0x3F0] =	vst v9  }
0x390: {  	v9 =	vld.idx.msk [tilespmem:v0+s25+$0x0], $0xffff;
	[tilespmem:s20+$0xFFFFFE70] =	vst v11  }
0x391: {  	v11 =	vld.idx.msk [tilespmem:v5+s25+$0x0], $0xffff;
	[tilespmem:s29+$0x270] =	vst v3  }
0x392: {  	v3 =	vld.idx.msk [tilespmem:v1+s25+$0x0], $0xffff;
	[tilespmem:s29+$0xFFFFFE70] =	vst v7  }
0x393: {  	[tilespmem:s13+$0xFFFFFEF0] =	vst v10;
	v7 =	vld.idx.msk [tilespmem:v4+s25+$0x0], $0xffff  }
0x394: {  	v10 =	vld.idx.msk [tilespmem:v6+s26+$0x0], $0xffff;
	[tilespmem:s20+$0x2F0] =	vst v8  }
0x395: {  	v8 =	vld.idx.msk [tilespmem:v2+s26+$0x0], $0xffff;
	[tilespmem:s11+$0xFFFFFEF0] =	vst v9  }
0x396: {  	v9 =	vld.idx.msk [tilespmem:v0+s26+$0x0], $0xffff;
	[tilespmem:s20+$0xFFFFFEF0] =	vst v11  }
0x397: {  	v11 =	vld.idx.msk [tilespmem:v5+s26+$0x0], $0xffff;
	[tilespmem:s29+$0x2F0] =	vst v3  }
0x398: {  	v3 =	vld.idx.msk [tilespmem:v1+s26+$0x0], $0xffff;
	[tilespmem:s29+$0xFFFFFEF0] =	vst v7  }
0x399: {  	[tilespmem:s13+$0xFFFFFF70] =	vst v10;
	v7 =	vld.idx.msk [tilespmem:v4+s26+$0x0], $0xffff  }
0x39a: {  	v6 =	vld.idx.msk [tilespmem:v6+s28+$0x0], $0xffff;
	[tilespmem:s20+$0x370] =	vst v8  }
0x39b: {  	v2 =	vld.idx.msk [tilespmem:v2+s28+$0x0], $0xffff;
	[tilespmem:s11+$0xFFFFFF70] =	vst v9  }
0x39c: {  	v61 =	vld.idx.msk [tilespmem:v0+s28+$0x0], $0xffff;
	[tilespmem:s20+$0xFFFFFF70] =	vst v11  }
0x39d: {  	v62 =	vld.idx.msk [tilespmem:v5+s28+$0x0], $0xffff;
	[tilespmem:s29+$0x370] =	vst v3  }
0x39e: {  	v1 =	vld.idx.msk [tilespmem:v1+s28+$0x0], $0xffff;
	[tilespmem:s29+$0xFFFFFF70] =	vst v7  }
0x39f: {  	[tilespmem:s13+$0xFFFFFFF0] =	vst v6;
	v63 =	vld.idx.msk [tilespmem:v4+s28+$0x0], $0xffff  }
0x3a0: {  	p1 =	sne.s32 s9, $0x63;
	[tilespmem:s20+$0x3F0] =	vst v2  }
.Ltmp4:
0x3a1: {  	s2 =	sshll.u32 s9, $0x11;
	[tilespmem:s11+$0xFFFFFFF0] =	vst v61;
	(pc) =	sbr.rel @p1 .LBB2_8-.Ltmp4, $4  }
0x3a2: {  	s2 =	sor.u32 s2, s18;
	[tilespmem:s20+$0xFFFFFFF0] =	vst v62  }
0x3a3: {  	s11 =	sor.u32 s14, s2;
	[tilespmem:s29+$0x3F0] =	vst v1  }
0x3a4: {  	s31 =	simm.s32 $0x14880;
	s2 =	sadd.s32 s1, s11;
	[tilespmem:s29+$0xFFFFFFF0] =	vst v63  }
0x3a5: {  	[hbm4b:s2+s3] =	stream.linear.scatter [tilespmem:s31], [sflag:$0x3], $0x4000, $0x38;
	[tilespmem:$0x1C880] =	vst v63  }
.Ltmp5:
0x3a6: {  	(pc) =	sbr.rel .LBB2_9-.Ltmp5, $4  }
0x3a7: {  	_ = 	snop  }
0x3a8: {  	_ =	swait.ge [sflag:s5], $0x800  }
0x3a9: {  	[sflag:s5] =	ssyncset.done $0x0  }
0x3aa: {  	[sflag:s5] =	ssyncadd.s32 $0xFFFFF800  }
.LBB2_8:
0x3ab: {  	s2 =	rddreg [dreg:$0xd]  }
0x3ac: {  	s2 =	sadd.s32 s2, s10  }
0x3ad: {  	s2 =	sshrl.u32 s2, $0x3  }
.Ltmp6:
0x3ae: {  	s8 =	simm.s32 $0x13880;
	s2 =	sadd.s32 s4, s2;
	(pc) =	sbr.rel @p0 .LBB2_10-.Ltmp6, $4  }
0x3af: {  	[tilespmem:s8], [sflag:$0x1] =	stream.linear.gather [hbm4b:s2+s3], $0x800, $0x38;
	[tilespmem:$0x1C880] =	vst v63  }
0x3b0: {  	_ =	swait.ge [sflag:s5], $0x800  }
0x3b1: {  	[sflag:s5] =	ssyncset.done $0x0  }
0x3b2: {  	[sflag:s5] =	ssyncadd.s32 $0xFFFFF800  }
.LBB2_9:
0x3b3: {  	_ =	swait.ge [sflag:s6], $0x4000  }
0x3b4: {  	[sflag:s6] =	ssyncset.done $0x0  }
0x3b5: {  	[sflag:s6] =	ssyncadd.s32 $0xFFFFC000  }
.LBB2_10:
0x3b6: {  	s31 =	simm.s32 $0x14170  }
0x3b7: {  	v0 =	vld [tilespmem:s31+$0xFFFFFF90];
	_ =	sdelay $0x7  }
0x3b8: {  	v1 =	vld.idx.msk [tilespmem:v0+s3+$0x0], $0xffff;
	_ =	sdelay $0x3  }
0x3b9: {  	s13 =	simm.s32 $0x19070  }
0x3ba: {  	[tilespmem:s13+$0xFFFFFC10] =	vst v1  }
0x3bb: {  	v1 =	vld.idx.msk [tilespmem:v0+s21+$0x0], $0xffff;
	_ =	sdelay $0x4  }
0x3bc: {  	[tilespmem:s13+$0xFFFFFC90] =	vst v1  }
0x3bd: {  	v1 =	vld.idx.msk [tilespmem:v0+s22+$0x0], $0xffff;
	_ =	sdelay $0x4  }
0x3be: {  	v2 =	vld [tilespmem:s31+$0xFFFFFF10];
	[tilespmem:s13+$0xFFFFFD10] =	vst v1  }
0x3bf: {  	v1 =	vld.idx.msk [tilespmem:v0+s23+$0x0], $0xffff;
	_ =	sdelay $0x4  }
0x3c0: {  	[tilespmem:s13+$0xFFFFFD90] =	vst v1  }
0x3c1: {  	v1 =	vld.idx.msk [tilespmem:v0+s24+$0x0], $0xffff  }
0x3c2: {  	v3 =	vld.idx.msk [tilespmem:v2+s3+$0x0], $0xffff;
	_ =	sdelay $0x3  }
0x3c3: {  	[tilespmem:s13+$0xFFFFFE10] =	vst v1  }
0x3c4: {  	[tilespmem:s13+$0xFFFFF810] =	vst v3;
	v1 =	vld.idx.msk [tilespmem:v0+s25+$0x0], $0xffff  }
0x3c5: {  	v3 =	vld.idx.msk [tilespmem:v2+s21+$0x0], $0xffff;
	_ =	sdelay $0x3  }
0x3c6: {  	[tilespmem:s13+$0xFFFFFE90] =	vst v1  }
0x3c7: {  	[tilespmem:s13+$0xFFFFF890] =	vst v3;
	v1 =	vld.idx.msk [tilespmem:v0+s26+$0x0], $0xffff  }
0x3c8: {  	v3 =	vld.idx.msk [tilespmem:v2+s22+$0x0], $0xffff;
	_ =	sdelay $0x3  }
0x3c9: {  	[tilespmem:s13+$0xFFFFFF10] =	vst v1  }
0x3ca: {  	[tilespmem:s13+$0xFFFFF910] =	vst v3;
	v0 =	vld.idx.msk [tilespmem:v0+s28+$0x0], $0xffff  }
0x3cb: {  	v1 =	vld.idx.msk [tilespmem:v2+s23+$0x0], $0xffff;
	_ =	sdelay $0x3  }
0x3cc: {  	[tilespmem:s13+$0xFFFFFF90] =	vst v0  }
0x3cd: {  	[tilespmem:s13+$0xFFFFF990] =	vst v1;
	v0 =	vld [tilespmem:s31+$0xFFFFFFA0]  }
0x3ce: {  	v1 =	vld.idx.msk [tilespmem:v2+s24+$0x0], $0xffff;
	_ =	sdelay $0x4  }
0x3cf: {  	[tilespmem:s13+$0xFFFFFA10] =	vst v1  }
0x3d0: {  	v1 =	vld.idx.msk [tilespmem:v2+s25+$0x0], $0xffff  }
0x3d1: {  	v3 =	vld.idx.msk [tilespmem:v0+s3+$0x0], $0xffff;
	_ =	sdelay $0x3  }
0x3d2: {  	[tilespmem:s13+$0xFFFFFA90] =	vst v1  }
0x3d3: {  	v1 =	vld.idx.msk [tilespmem:v2+s26+$0x0], $0xffff;
	[tilespmem:s13+$0xFFFFFC20] =	vst v3  }
0x3d4: {  	v3 =	vld.idx.msk [tilespmem:v0+s21+$0x0], $0xffff;
	_ =	sdelay $0x3  }
0x3d5: {  	[tilespmem:s13+$0xFFFFFB10] =	vst v1  }
0x3d6: {  	v1 =	vld.idx.msk [tilespmem:v2+s28+$0x0], $0xffff;
	[tilespmem:s13+$0xFFFFFCA0] =	vst v3  }
0x3d7: {  	v3 =	vld.idx.msk [tilespmem:v0+s22+$0x0], $0xffff;
	_ =	sdelay $0x3  }
0x3d8: {  	[tilespmem:s13+$0xFFFFFB90] =	vst v1  }
0x3d9: {  	v1 =	vld [tilespmem:s31+$0xFFFFFF20];
	[tilespmem:s13+$0xFFFFFD20] =	vst v3  }
0x3da: {  	v2 =	vld.idx.msk [tilespmem:v0+s23+$0x0], $0xffff;
	_ =	sdelay $0x4  }
0x3db: {  	[tilespmem:s13+$0xFFFFFDA0] =	vst v2  }
0x3dc: {  	v2 =	vld.idx.msk [tilespmem:v0+s24+$0x0], $0xffff  }
0x3dd: {  	v3 =	vld.idx.msk [tilespmem:v1+s3+$0x0], $0xffff;
	_ =	sdelay $0x3  }
0x3de: {  	[tilespmem:s13+$0xFFFFFE20] =	vst v2  }
0x3df: {  	[tilespmem:s13+$0xFFFFF820] =	vst v3;
	v2 =	vld.idx.msk [tilespmem:v0+s25+$0x0], $0xffff  }
0x3e0: {  	v3 =	vld.idx.msk [tilespmem:v1+s21+$0x0], $0xffff;
	_ =	sdelay $0x3  }
0x3e1: {  	[tilespmem:s13+$0xFFFFFEA0] =	vst v2  }
0x3e2: {  	[tilespmem:s13+$0xFFFFF8A0] =	vst v3;
	v2 =	vld.idx.msk [tilespmem:v0+s26+$0x0], $0xffff  }
0x3e3: {  	v3 =	vld.idx.msk [tilespmem:v1+s22+$0x0], $0xffff;
	_ =	sdelay $0x3  }
0x3e4: {  	[tilespmem:s13+$0xFFFFFF20] =	vst v2  }
0x3e5: {  	[tilespmem:s13+$0xFFFFF920] =	vst v3;
	v0 =	vld.idx.msk [tilespmem:v0+s28+$0x0], $0xffff  }
0x3e6: {  	v2 =	vld.idx.msk [tilespmem:v1+s23+$0x0], $0xffff;
	_ =	sdelay $0x3  }
0x3e7: {  	[tilespmem:s13+$0xFFFFFFA0] =	vst v0  }
0x3e8: {  	[tilespmem:s13+$0xFFFFF9A0] =	vst v2;
	v0 =	vld [tilespmem:s31+$0xFFFFFFB0]  }
0x3e9: {  	v2 =	vld.idx.msk [tilespmem:v1+s24+$0x0], $0xffff;
	_ =	sdelay $0x4  }
0x3ea: {  	[tilespmem:s13+$0xFFFFFA20] =	vst v2  }
0x3eb: {  	v2 =	vld.idx.msk [tilespmem:v1+s25+$0x0], $0xffff  }
0x3ec: {  	v3 =	vld.idx.msk [tilespmem:v0+s3+$0x0], $0xffff;
	_ =	sdelay $0x3  }
0x3ed: {  	s20 =	simm.s32 $0x14270;
	[tilespmem:s13+$0xFFFFFAA0] =	vst v2  }
0x3ee: {  	v2 =	vld [tilespmem:s20+$0xFFFFFF90];
	[tilespmem:s13+$0xFFFFFC30] =	vst v3  }
0x3ef: {  	v3 =	vld.idx.msk [tilespmem:v0+s21+$0x0], $0xffff;
	_ =	sdelay $0x1  }
0x3f0: {  	v4 =	vld.idx.msk [tilespmem:v1+s26+$0x0], $0xffff;
	_ =	sdelay $0x2  }
0x3f1: {  	[tilespmem:s13+$0xFFFFFCB0] =	vst v3  }
0x3f2: {  	v3 =	vld.idx.msk [tilespmem:v0+s22+$0x0], $0xffff  }
0x3f3: {  	[tilespmem:s13+$0xFFFFFB20] =	vst v4;
	v4 =	vld.idx.msk [tilespmem:v2+s3+$0x0], $0xffff  }
0x3f4: {  	v1 =	vld.idx.msk [tilespmem:v1+s28+$0x0], $0xffff  }
0x3f5: {  	v5 =	vld [tilespmem:s20+$0xFFFFFF10];
	_ =	sdelay $0x1  }
0x3f6: {  	s15 =	simm.s32 $0x19870;
	[tilespmem:s13+$0xFFFFFD30] =	vst v3  }
0x3f7: {  	[tilespmem:s15+$0xFFFFFC10] =	vst v4;
	v3 =	vld.idx.msk [tilespmem:v0+s23+$0x0], $0xffff  }
0x3f8: {  	[tilespmem:s13+$0xFFFFFBA0] =	vst v1;
	v4 =	vld.idx.msk [tilespmem:v2+s21+$0x0], $0xffff  }
0x3f9: {  	v1 =	vld [tilespmem:s31+$0xFFFFFF30];
	_ =	sdelay $0x2  }
0x3fa: {  	v6 =	vld.idx.msk [tilespmem:v5+s3+$0x0], $0xffff;
	[tilespmem:s13+$0xFFFFFDB0] =	vst v3  }
0x3fb: {  	[tilespmem:s15+$0xFFFFFC90] =	vst v4;
	v3 =	vld.idx.msk [tilespmem:v0+s24+$0x0], $0xffff  }
0x3fc: {  	v4 =	vld.idx.msk [tilespmem:v2+s22+$0x0], $0xffff;
	_ =	sdelay $0x2  }
0x3fd: {  	[tilespmem:s15+$0xFFFFF810] =	vst v6;
	v7 =	vld.idx.msk [tilespmem:v1+s3+$0x0], $0xffff  }
0x3fe: {  	v6 =	vld.idx.msk [tilespmem:v5+s21+$0x0], $0xffff;
	[tilespmem:s13+$0xFFFFFE30] =	vst v3  }
0x3ff: {  	[tilespmem:s15+$0xFFFFFD10] =	vst v4;
	v3 =	vld.idx.msk [tilespmem:v0+s25+$0x0], $0xffff  }
0x400: {  	v4 =	vld.idx.msk [tilespmem:v2+s23+$0x0], $0xffff;
	_ =	sdelay $0x1  }
0x401: {  	[tilespmem:s13+$0xFFFFF830] =	vst v7  }
0x402: {  	[tilespmem:s15+$0xFFFFF890] =	vst v6;
	v7 =	vld.idx.msk [tilespmem:v1+s21+$0x0], $0xffff  }
0x403: {  	v6 =	vld.idx.msk [tilespmem:v5+s22+$0x0], $0xffff;
	[tilespmem:s13+$0xFFFFFEB0] =	vst v3  }
0x404: {  	[tilespmem:s15+$0xFFFFFD90] =	vst v4;
	v3 =	vld.idx.msk [tilespmem:v0+s26+$0x0], $0xffff  }
0x405: {  	v4 =	vld.idx.msk [tilespmem:v2+s24+$0x0], $0xffff;
	_ =	sdelay $0x1  }
0x406: {  	[tilespmem:s13+$0xFFFFF8B0] =	vst v7  }
0x407: {  	[tilespmem:s15+$0xFFFFF910] =	vst v6;
	v7 =	vld.idx.msk [tilespmem:v1+s22+$0x0], $0xffff  }
0x408: {  	[tilespmem:s13+$0xFFFFFF30] =	vst v3;
	v3 =	vld.idx.msk [tilespmem:v5+s23+$0x0], $0xffff  }
0x409: {  	[tilespmem:s15+$0xFFFFFE10] =	vst v4;
	v0 =	vld.idx.msk [tilespmem:v0+s28+$0x0], $0xffff  }
0x40a: {  	v4 =	vld.idx.msk [tilespmem:v2+s25+$0x0], $0xffff;
	_ =	sdelay $0x1  }
0x40b: {  	[tilespmem:s13+$0xFFFFF930] =	vst v7  }
0x40c: {  	v6 =	vld.idx.msk [tilespmem:v1+s23+$0x0], $0xffff;
	[tilespmem:s15+$0xFFFFF990] =	vst v3  }
0x40d: {  	[tilespmem:s13+$0xFFFFFFB0] =	vst v0;
	v3 =	vld.idx.msk [tilespmem:v5+s24+$0x0], $0xffff  }
0x40e: {  	[tilespmem:s15+$0xFFFFFE90] =	vst v4;
	v0 =	vld [tilespmem:s31+$0xFFFFFFC0]  }
0x40f: {  	v4 =	vld.idx.msk [tilespmem:v2+s26+$0x0], $0xffff;
	_ =	sdelay $0x1  }
0x410: {  	[tilespmem:s13+$0xFFFFF9B0] =	vst v6  }
0x411: {  	v6 =	vld.idx.msk [tilespmem:v1+s24+$0x0], $0xffff  }
0x412: {  	[tilespmem:s15+$0xFFFFFA10] =	vst v3  }
0x413: {  	[tilespmem:s15+$0xFFFFFF10] =	vst v4;
	v3 =	vld.idx.msk [tilespmem:v5+s25+$0x0], $0xffff  }
0x414: {  	v2 =	vld.idx.msk [tilespmem:v2+s28+$0x0], $0xffff  }
0x415: {  	v4 =	vld.idx.msk [tilespmem:v0+s3+$0x0], $0xffff  }
0x416: {  	[tilespmem:s13+$0xFFFFFA30] =	vst v6  }
0x417: {  	v6 =	vld.idx.msk [tilespmem:v1+s25+$0x0], $0xffff  }
0x418: {  	[tilespmem:s15+$0xFFFFFA90] =	vst v3  }
0x419: {  	[tilespmem:s15+$0xFFFFFF90] =	vst v2;
	v3 =	vld.idx.msk [tilespmem:v5+s26+$0x0], $0xffff  }
0x41a: {  	[tilespmem:s13+$0xFFFFFC40] =	vst v4;
	v4 =	vld [tilespmem:s20+$0xFFFFFFA0]  }
0x41b: {  	v2 =	vld.idx.msk [tilespmem:v0+s21+$0x0], $0xffff  }
0x41c: {  	[tilespmem:s13+$0xFFFFFAB0] =	vst v6  }
0x41d: {  	v6 =	vld.idx.msk [tilespmem:v1+s26+$0x0], $0xffff;
	_ =	sdelay $0x1  }
0x41e: {  	[tilespmem:s15+$0xFFFFFB10] =	vst v3  }
0x41f: {  	v3 =	vld.idx.msk [tilespmem:v5+s28+$0x0], $0xffff;
	[tilespmem:s13+$0xFFFFFCC0] =	vst v2  }
0x420: {  	v2 =	vld.idx.msk [tilespmem:v0+s22+$0x0], $0xffff  }
0x421: {  	[tilespmem:s13+$0xFFFFFB30] =	vst v6;
	v5 =	vld.idx.msk [tilespmem:v4+s3+$0x0], $0xffff  }
0x422: {  	v1 =	vld.idx.msk [tilespmem:v1+s28+$0x0], $0xffff;
	_ =	sdelay $0x2  }
0x423: {  	[tilespmem:s13+$0xFFFFFD40] =	vst v2  }
0x424: {  	v2 =	vld.idx.msk [tilespmem:v0+s23+$0x0], $0xffff;
	[tilespmem:s15+$0xFFFFFC20] =	vst v5  }
0x425: {  	[tilespmem:s13+$0xFFFFFBB0] =	vst v1;
	v5 =	vld.idx.msk [tilespmem:v4+s21+$0x0], $0xffff  }
0x426: {  	[tilespmem:s15+$0xFFFFFB90] =	vst v3;
	v3 =	vld [tilespmem:s31+$0xFFFFFF40]  }
0x427: {  	v1 =	vld [tilespmem:s20+$0xFFFFFF20];
	_ =	sdelay $0x1  }
0x428: {  	[tilespmem:s13+$0xFFFFFDC0] =	vst v2  }
0x429: {  	v2 =	vld.idx.msk [tilespmem:v0+s24+$0x0], $0xffff;
	[tilespmem:s15+$0xFFFFFCA0] =	vst v5  }
0x42a: {  	v5 =	vld.idx.msk [tilespmem:v4+s22+$0x0], $0xffff;
	_ =	sdelay $0x2  }
0x42b: {  	v7 =	vld.idx.msk [tilespmem:v3+s3+$0x0], $0xffff  }
0x42c: {  	v6 =	vld.idx.msk [tilespmem:v1+s3+$0x0], $0xffff;
	[tilespmem:s13+$0xFFFFFE40] =	vst v2  }
0x42d: {  	v2 =	vld.idx.msk [tilespmem:v0+s25+$0x0], $0xffff;
	[tilespmem:s15+$0xFFFFFD20] =	vst v5  }
0x42e: {  	v5 =	vld.idx.msk [tilespmem:v4+s23+$0x0], $0xffff;
	_ =	sdelay $0x1  }
0x42f: {  	[tilespmem:s13+$0xFFFFF840] =	vst v7  }
0x430: {  	[tilespmem:s15+$0xFFFFF820] =	vst v6;
	v7 =	vld.idx.msk [tilespmem:v3+s21+$0x0], $0xffff  }
0x431: {  	v6 =	vld.idx.msk [tilespmem:v1+s21+$0x0], $0xffff;
	[tilespmem:s13+$0xFFFFFEC0] =	vst v2  }
0x432: {  	v2 =	vld.idx.msk [tilespmem:v0+s26+$0x0], $0xffff;
	[tilespmem:s15+$0xFFFFFDA0] =	vst v5  }
0x433: {  	v5 =	vld.idx.msk [tilespmem:v4+s24+$0x0], $0xffff;
	_ =	sdelay $0x1  }
0x434: {  	[tilespmem:s13+$0xFFFFF8C0] =	vst v7  }
0x435: {  	[tilespmem:s15+$0xFFFFF8A0] =	vst v6;
	v7 =	vld.idx.msk [tilespmem:v3+s22+$0x0], $0xffff  }
0x436: {  	v6 =	vld.idx.msk [tilespmem:v1+s22+$0x0], $0xffff;
	[tilespmem:s13+$0xFFFFFF40] =	vst v2  }
0x437: {  	v0 =	vld.idx.msk [tilespmem:v0+s28+$0x0], $0xffff;
	[tilespmem:s15+$0xFFFFFE20] =	vst v5  }
0x438: {  	v2 =	vld.idx.msk [tilespmem:v4+s25+$0x0], $0xffff;
	_ =	sdelay $0x1  }
0x439: {  	[tilespmem:s13+$0xFFFFF940] =	vst v7  }
0x43a: {  	[tilespmem:s15+$0xFFFFF920] =	vst v6;
	v6 =	vld.idx.msk [tilespmem:v3+s23+$0x0], $0xffff  }
0x43b: {  	v5 =	vld.idx.msk [tilespmem:v1+s23+$0x0], $0xffff;
	[tilespmem:s13+$0xFFFFFFC0] =	vst v0  }
0x43c: {  	v0 =	vld [tilespmem:s31+$0xFFFFFFD0];
	[tilespmem:s15+$0xFFFFFEA0] =	vst v2  }
0x43d: {  	v2 =	vld.idx.msk [tilespmem:v4+s26+$0x0], $0xffff;
	_ =	sdelay $0x1  }
0x43e: {  	[tilespmem:s13+$0xFFFFF9C0] =	vst v6  }
0x43f: {  	[tilespmem:s15+$0xFFFFF9A0] =	vst v5;
	v6 =	vld.idx.msk [tilespmem:v3+s24+$0x0], $0xffff  }
0x440: {  	v5 =	vld.idx.msk [tilespmem:v1+s24+$0x0], $0xffff  }
0x441: {  	[tilespmem:s15+$0xFFFFFF20] =	vst v2  }
0x442: {  	v4 =	vld.idx.msk [tilespmem:v4+s28+$0x0], $0xffff  }
0x443: {  	v2 =	vld.idx.msk [tilespmem:v0+s3+$0x0], $0xffff  }
0x444: {  	[tilespmem:s13+$0xFFFFFA40] =	vst v6  }
0x445: {  	[tilespmem:s15+$0xFFFFFA20] =	vst v5  }
0x446: {  	v5 =	vld.idx.msk [tilespmem:v1+s25+$0x0], $0xffff  }
0x447: {  	v6 =	vld.idx.msk [tilespmem:v3+s25+$0x0], $0xffff;
	[tilespmem:s15+$0xFFFFFFA0] =	vst v4  }
0x448: {  	[tilespmem:s13+$0xFFFFFC50] =	vst v2;
	v4 =	vld [tilespmem:s20+$0xFFFFFFB0]  }
0x449: {  	v2 =	vld.idx.msk [tilespmem:v0+s21+$0x0], $0xffff;
	_ =	sdelay $0x1  }
0x44a: {  	[tilespmem:s15+$0xFFFFFAA0] =	vst v5  }
0x44b: {  	v5 =	vld.idx.msk [tilespmem:v1+s26+$0x0], $0xffff  }
0x44c: {  	[tilespmem:s13+$0xFFFFFAC0] =	vst v6  }
0x44d: {  	v7 =	vld.idx.msk [tilespmem:v3+s26+$0x0], $0xffff;
	[tilespmem:s13+$0xFFFFFCD0] =	vst v2  }
0x44e: {  	v2 =	vld.idx.msk [tilespmem:v0+s22+$0x0], $0xffff  }
0x44f: {  	s8 =	simm.s32 $0x14370;
	v6 =	vld.idx.msk [tilespmem:v4+s3+$0x0], $0xffff  }
0x450: {  	[tilespmem:s15+$0xFFFFFB20] =	vst v5;
	v5 =	vld [tilespmem:s8+$0xFFFFFF90];
	_ =	sdelay $0x1  }
0x451: {  	[tilespmem:s13+$0xFFFFFB40] =	vst v7;
	v1 =	vld.idx.msk [tilespmem:v1+s28+$0x0], $0xffff  }
0x452: {  	v3 =	vld.idx.msk [tilespmem:v3+s28+$0x0], $0xffff;
	[tilespmem:s13+$0xFFFFFD50] =	vst v2  }
0x453: {  	v2 =	vld.idx.msk [tilespmem:v0+s23+$0x0], $0xffff;
	[tilespmem:s15+$0xFFFFFC30] =	vst v6  }
0x454: {  	v6 =	vld.idx.msk [tilespmem:v4+s21+$0x0], $0xffff;
	_ =	sdelay $0x1  }
0x455: {  	v7 =	vld [tilespmem:s8+$0xFFFFFF10];
	[tilespmem:s15+$0xFFFFFBA0] =	vst v1  }
0x456: {  	[tilespmem:s13+$0xFFFFFBC0] =	vst v3;
	v3 =	vld.idx.msk [tilespmem:v5+s3+$0x0], $0xffff  }
0x457: {  	v1 =	vld [tilespmem:s20+$0xFFFFFF30];
	[tilespmem:s13+$0xFFFFFDD0] =	vst v2  }
0x458: {  	v2 =	vld.idx.msk [tilespmem:v0+s24+$0x0], $0xffff;
	[tilespmem:s15+$0xFFFFFCB0] =	vst v6  }
0x459: {  	v6 =	vld.idx.msk [tilespmem:v4+s22+$0x0], $0xffff  }
0x45a: {  	s12 =	simm.s32 $0x1A070  }
0x45b: {  	v8 =	vld [tilespmem:s31+$0xFFFFFF50];
	[tilespmem:s12+$0xFFFFFC10] =	vst v3  }
0x45c: {  	v3 =	vld.idx.msk [tilespmem:v5+s21+$0x0], $0xffff  }
0x45d: {  	[tilespmem:s13+$0xFFFFFE50] =	vst v2  }
0x45e: {  	v2 =	vld.idx.msk [tilespmem:v0+s25+$0x0], $0xffff;
	[tilespmem:s15+$0xFFFFFD30] =	vst v6  }
0x45f: {  	v6 =	vld.idx.msk [tilespmem:v4+s23+$0x0], $0xffff  }
0x460: {  	v9 =	vld.idx.msk [tilespmem:v7+s3+$0x0], $0xffff  }
0x461: {  	v10 =	vld.idx.msk [tilespmem:v1+s3+$0x0], $0xffff;
	[tilespmem:s12+$0xFFFFFC90] =	vst v3  }
0x462: {  	v3 =	vld.idx.msk [tilespmem:v5+s22+$0x0], $0xffff  }
0x463: {  	v11 =	vld.idx.msk [tilespmem:v8+s3+$0x0], $0xffff;
	[tilespmem:s13+$0xFFFFFED0] =	vst v2  }
0x464: {  	v2 =	vld.idx.msk [tilespmem:v0+s26+$0x0], $0xffff;
	[tilespmem:s15+$0xFFFFFDB0] =	vst v6  }
0x465: {  	[tilespmem:s12+$0xFFFFF810] =	vst v9;
	v6 =	vld.idx.msk [tilespmem:v4+s24+$0x0], $0xffff  }
0x466: {  	v9 =	vld.idx.msk [tilespmem:v7+s21+$0x0], $0xffff;
	[tilespmem:s15+$0xFFFFF830] =	vst v10  }
0x467: {  	v10 =	vld.idx.msk [tilespmem:v1+s21+$0x0], $0xffff;
	[tilespmem:s12+$0xFFFFFD10] =	vst v3  }
0x468: {  	[tilespmem:s13+$0xFFFFF850] =	vst v11;
	v3 =	vld.idx.msk [tilespmem:v5+s23+$0x0], $0xffff  }
0x469: {  	[tilespmem:s13+$0xFFFFFF50] =	vst v2;
	v2 =	vld.idx.msk [tilespmem:v8+s21+$0x0], $0xffff  }
0x46a: {  	v0 =	vld.idx.msk [tilespmem:v0+s28+$0x0], $0xffff;
	[tilespmem:s15+$0xFFFFFE30] =	vst v6  }
0x46b: {  	[tilespmem:s12+$0xFFFFF890] =	vst v9;
	v6 =	vld.idx.msk [tilespmem:v4+s25+$0x0], $0xffff  }
0x46c: {  	v9 =	vld.idx.msk [tilespmem:v7+s22+$0x0], $0xffff;
	[tilespmem:s15+$0xFFFFF8B0] =	vst v10  }
0x46d: {  	v10 =	vld.idx.msk [tilespmem:v1+s22+$0x0], $0xffff;
	[tilespmem:s12+$0xFFFFFD90] =	vst v3  }
0x46e: {  	v3 =	vld.idx.msk [tilespmem:v5+s24+$0x0], $0xffff;
	[tilespmem:s13+$0xFFFFF8D0] =	vst v2  }
0x46f: {  	[tilespmem:s13+$0xFFFFFFD0] =	vst v0;
	v2 =	vld.idx.msk [tilespmem:v8+s22+$0x0], $0xffff  }
0x470: {  	v0 =	vld [tilespmem:s31+$0xFFFFFFE0];
	[tilespmem:s15+$0xFFFFFEB0] =	vst v6  }
0x471: {  	v6 =	vld.idx.msk [tilespmem:v4+s26+$0x0], $0xffff  }
0x472: {  	[tilespmem:s12+$0xFFFFF910] =	vst v9  }
0x473: {  	v9 =	vld.idx.msk [tilespmem:v7+s23+$0x0], $0xffff;
	[tilespmem:s15+$0xFFFFF930] =	vst v10  }
0x474: {  	v10 =	vld.idx.msk [tilespmem:v1+s23+$0x0], $0xffff;
	[tilespmem:s12+$0xFFFFFE10] =	vst v3  }
0x475: {  	v3 =	vld.idx.msk [tilespmem:v5+s25+$0x0], $0xffff;
	[tilespmem:s13+$0xFFFFF950] =	vst v2  }
0x476: {  	v2 =	vld.idx.msk [tilespmem:v8+s23+$0x0], $0xffff;
	[tilespmem:s15+$0xFFFFFF30] =	vst v6  }
0x477: {  	v4 =	vld.idx.msk [tilespmem:v4+s28+$0x0], $0xffff  }
0x478: {  	[tilespmem:s12+$0xFFFFF990] =	vst v9;
	v6 =	vld.idx.msk [tilespmem:v0+s3+$0x0], $0xffff  }
0x479: {  	v9 =	vld.idx.msk [tilespmem:v7+s24+$0x0], $0xffff;
	[tilespmem:s15+$0xFFFFF9B0] =	vst v10  }
0x47a: {  	[tilespmem:s12+$0xFFFFFE90] =	vst v3  }
0x47b: {  	[tilespmem:s13+$0xFFFFF9D0] =	vst v2;
	v2 =	vld.idx.msk [tilespmem:v1+s24+$0x0], $0xffff  }
0x47c: {  	v3 =	vld.idx.msk [tilespmem:v5+s26+$0x0], $0xffff;
	[tilespmem:s15+$0xFFFFFFB0] =	vst v4  }
0x47d: {  	[tilespmem:s13+$0xFFFFFC60] =	vst v6;
	v6 =	vld [tilespmem:s20+$0xFFFFFFC0]  }
0x47e: {  	[tilespmem:s12+$0xFFFFFA10] =	vst v9;
	v4 =	vld.idx.msk [tilespmem:v0+s21+$0x0], $0xffff  }
0x47f: {  	v9 =	vld.idx.msk [tilespmem:v7+s25+$0x0], $0xffff  }
0x480: {  	v10 =	vld.idx.msk [tilespmem:v8+s24+$0x0], $0xffff;
	[tilespmem:s15+$0xFFFFFA30] =	vst v2  }
0x481: {  	[tilespmem:s12+$0xFFFFFF10] =	vst v3;
	v2 =	vld.idx.msk [tilespmem:v1+s25+$0x0], $0xffff  }
0x482: {  	v3 =	vld.idx.msk [tilespmem:v5+s28+$0x0], $0xffff  }
0x483: {  	[tilespmem:s13+$0xFFFFFCE0] =	vst v4  }
0x484: {  	[tilespmem:s12+$0xFFFFFA90] =	vst v9;
	v4 =	vld.idx.msk [tilespmem:v0+s22+$0x0], $0xffff  }
0x485: {  	[tilespmem:s13+$0xFFFFFA50] =	vst v10;
	v5 =	vld.idx.msk [tilespmem:v6+s3+$0x0], $0xffff  }
0x486: {  	[tilespmem:s15+$0xFFFFFAB0] =	vst v2;
	v2 =	vld.idx.msk [tilespmem:v7+s26+$0x0], $0xffff  }
0x487: {  	v10 =	vld.idx.msk [tilespmem:v8+s25+$0x0], $0xffff;
	[tilespmem:s12+$0xFFFFFF90] =	vst v3  }
0x488: {  	v3 =	vld [tilespmem:s8+$0xFFFFFFA0]  }
0x489: {  	v9 =	vld.idx.msk [tilespmem:v1+s26+$0x0], $0xffff;
	[tilespmem:s13+$0xFFFFFD60] =	vst v4  }
0x48a: {  	v4 =	vld.idx.msk [tilespmem:v0+s23+$0x0], $0xffff;
	[tilespmem:s15+$0xFFFFFC40] =	vst v5  }
0x48b: {  	[tilespmem:s12+$0xFFFFFB10] =	vst v2;
	v5 =	vld.idx.msk [tilespmem:v6+s21+$0x0], $0xffff  }
0x48c: {  	[tilespmem:s13+$0xFFFFFAD0] =	vst v10;
	v2 =	vld.idx.msk [tilespmem:v7+s28+$0x0], $0xffff  }
0x48d: {  	v10 =	vld.idx.msk [tilespmem:v8+s26+$0x0], $0xffff  }
0x48e: {  	[tilespmem:s15+$0xFFFFFB30] =	vst v9  }
0x48f: {  	v1 =	vld.idx.msk [tilespmem:v1+s28+$0x0], $0xffff;
	[tilespmem:s13+$0xFFFFFDE0] =	vst v4  }
0x490: {  	v4 =	vld.idx.msk [tilespmem:v0+s24+$0x0], $0xffff;
	[tilespmem:s15+$0xFFFFFCC0] =	vst v5  }
0x491: {  	[tilespmem:s12+$0xFFFFFB90] =	vst v2;
	v2 =	vld.idx.msk [tilespmem:v3+s3+$0x0], $0xffff  }
0x492: {  	[tilespmem:s13+$0xFFFFFB50] =	vst v10;
	v7 =	vld.idx.msk [tilespmem:v6+s22+$0x0], $0xffff  }
0x493: {  	v5 =	vld.idx.msk [tilespmem:v8+s28+$0x0], $0xffff  }
0x494: {  	v8 =	vld [tilespmem:s8+$0xFFFFFF20];
	[tilespmem:s15+$0xFFFFFBB0] =	vst v1  }
0x495: {  	v1 =	vld [tilespmem:s20+$0xFFFFFF40];
	[tilespmem:s13+$0xFFFFFE60] =	vst v4  }
0x496: {  	[tilespmem:s12+$0xFFFFFC20] =	vst v2;
	v4 =	vld.idx.msk [tilespmem:v0+s25+$0x0], $0xffff  }
0x497: {  	[tilespmem:s15+$0xFFFFFD40] =	vst v7;
	v2 =	vld.idx.msk [tilespmem:v3+s21+$0x0], $0xffff  }
0x498: {  	[tilespmem:s13+$0xFFFFFBD0] =	vst v5;
	v7 =	vld.idx.msk [tilespmem:v6+s23+$0x0], $0xffff  }
0x499: {  	v5 =	vld [tilespmem:s31+$0xFFFFFF60];
	_ =	sdelay $0x1  }
0x49a: {  	[tilespmem:s13+$0xFFFFFEE0] =	vst v4  }
0x49b: {  	[tilespmem:s12+$0xFFFFFCA0] =	vst v2;
	v4 =	vld.idx.msk [tilespmem:v0+s26+$0x0], $0xffff  }
0x49c: {  	[tilespmem:s15+$0xFFFFFDC0] =	vst v7;
	v2 =	vld.idx.msk [tilespmem:v3+s22+$0x0], $0xffff  }
0x49d: {  	v7 =	vld.idx.msk [tilespmem:v6+s24+$0x0], $0xffff  }
0x49e: {  	v9 =	vld.idx.msk [tilespmem:v8+s3+$0x0], $0xffff  }
0x49f: {  	v10 =	vld.idx.msk [tilespmem:v1+s3+$0x0], $0xffff  }
0x4a0: {  	[tilespmem:s13+$0xFFFFFF60] =	vst v4;
	v4 =	vld.idx.msk [tilespmem:v5+s3+$0x0], $0xffff  }
0x4a1: {  	[tilespmem:s12+$0xFFFFFD20] =	vst v2;
	v0 =	vld.idx.msk [tilespmem:v0+s28+$0x0], $0xffff  }
0x4a2: {  	[tilespmem:s15+$0xFFFFFE40] =	vst v7;
	v2 =	vld.idx.msk [tilespmem:v3+s23+$0x0], $0xffff  }
0x4a3: {  	[tilespmem:s12+$0xFFFFF820] =	vst v9;
	v7 =	vld.idx.msk [tilespmem:v6+s25+$0x0], $0xffff  }
0x4a4: {  	v9 =	vld.idx.msk [tilespmem:v8+s21+$0x0], $0xffff;
	[tilespmem:s15+$0xFFFFF840] =	vst v10  }
0x4a5: {  	v10 =	vld.idx.msk [tilespmem:v1+s21+$0x0], $0xffff;
	[tilespmem:s13+$0xFFFFF860] =	vst v4  }
0x4a6: {  	[tilespmem:s13+$0xFFFFFFE0] =	vst v0;
	v0 =	vld.idx.msk [tilespmem:v5+s21+$0x0], $0xffff  }
0x4a7: {  	[tilespmem:s12+$0xFFFFFDA0] =	vst v2;
	v4 =	vld [tilespmem:s31+$0xFFFFFFF0]  }
0x4a8: {  	[tilespmem:s15+$0xFFFFFEC0] =	vst v7;
	v2 =	vld.idx.msk [tilespmem:v3+s24+$0x0], $0xffff  }
0x4a9: {  	v7 =	vld.idx.msk [tilespmem:v6+s26+$0x0], $0xffff  }
0x4aa: {  	[tilespmem:s12+$0xFFFFF8A0] =	vst v9  }
0x4ab: {  	v9 =	vld.idx.msk [tilespmem:v8+s22+$0x0], $0xffff;
	[tilespmem:s15+$0xFFFFF8C0] =	vst v10  }
0x4ac: {  	v10 =	vld.idx.msk [tilespmem:v1+s22+$0x0], $0xffff;
	[tilespmem:s13+$0xFFFFF8E0] =	vst v0  }
0x4ad: {  	v0 =	vld.idx.msk [tilespmem:v5+s22+$0x0], $0xffff;
	[tilespmem:s12+$0xFFFFFE20] =	vst v2  }
0x4ae: {  	[tilespmem:s15+$0xFFFFFF40] =	vst v7;
	v2 =	vld.idx.msk [tilespmem:v3+s25+$0x0], $0xffff  }
0x4af: {  	v6 =	vld.idx.msk [tilespmem:v6+s28+$0x0], $0xffff  }
0x4b0: {  	[tilespmem:s12+$0xFFFFF920] =	vst v9;
	v7 =	vld.idx.msk [tilespmem:v4+s3+$0x0], $0xffff  }
0x4b1: {  	[tilespmem:s15+$0xFFFFF940] =	vst v10;
	v9 =	vld.idx.msk [tilespmem:v8+s23+$0x0], $0xffff  }
0x4b2: {  	[tilespmem:s13+$0xFFFFF960] =	vst v0;
	v0 =	vld.idx.msk [tilespmem:v1+s23+$0x0], $0xffff  }
0x4b3: {  	v10 =	vld.idx.msk [tilespmem:v5+s23+$0x0], $0xffff;
	[tilespmem:s12+$0xFFFFFEA0] =	vst v2  }
0x4b4: {  	[tilespmem:s15+$0xFFFFFFC0] =	vst v6;
	v2 =	vld.idx.msk [tilespmem:v3+s26+$0x0], $0xffff  }
0x4b5: {  	[tilespmem:s13+$0xFFFFFC70] =	vst v7;
	v7 =	vld [tilespmem:s20+$0xFFFFFFD0]  }
0x4b6: {  	v6 =	vld.idx.msk [tilespmem:v4+s21+$0x0], $0xffff  }
0x4b7: {  	[tilespmem:s12+$0xFFFFF9A0] =	vst v9  }
0x4b8: {  	v9 =	vld.idx.msk [tilespmem:v8+s24+$0x0], $0xffff;
	[tilespmem:s15+$0xFFFFF9C0] =	vst v0  }
0x4b9: {  	v0 =	vld.idx.msk [tilespmem:v1+s24+$0x0], $0xffff;
	[tilespmem:s13+$0xFFFFF9E0] =	vst v10  }
0x4ba: {  	v10 =	vld.idx.msk [tilespmem:v5+s24+$0x0], $0xffff;
	[tilespmem:s12+$0xFFFFFF20] =	vst v2  }
0x4bb: {  	v2 =	vld.idx.msk [tilespmem:v3+s28+$0x0], $0xffff;
	[tilespmem:s13+$0xFFFFFCF0] =	vst v6  }
0x4bc: {  	v6 =	vld.idx.msk [tilespmem:v4+s22+$0x0], $0xffff  }
0x4bd: {  	[tilespmem:s12+$0xFFFFFA20] =	vst v9;
	v3 =	vld.idx.msk [tilespmem:v7+s3+$0x0], $0xffff  }
0x4be: {  	[tilespmem:s15+$0xFFFFFA40] =	vst v0;
	v0 =	vld.idx.msk [tilespmem:v8+s25+$0x0], $0xffff  }
0x4bf: {  	[tilespmem:s13+$0xFFFFFA60] =	vst v10;
	v9 =	vld.idx.msk [tilespmem:v1+s25+$0x0], $0xffff  }
0x4c0: {  	v10 =	vld.idx.msk [tilespmem:v5+s25+$0x0], $0xffff;
	[tilespmem:s12+$0xFFFFFFA0] =	vst v2  }
0x4c1: {  	v2 =	vld [tilespmem:s8+$0xFFFFFFB0];
	[tilespmem:s13+$0xFFFFFD70] =	vst v6  }
0x4c2: {  	v6 =	vld.idx.msk [tilespmem:v4+s23+$0x0], $0xffff;
	[tilespmem:s15+$0xFFFFFC50] =	vst v3  }
0x4c3: {  	[tilespmem:s12+$0xFFFFFAA0] =	vst v0;
	v3 =	vld.idx.msk [tilespmem:v7+s21+$0x0], $0xffff  }
0x4c4: {  	v0 =	vld.idx.msk [tilespmem:v8+s26+$0x0], $0xffff  }
0x4c5: {  	[tilespmem:s15+$0xFFFFFAC0] =	vst v9  }
0x4c6: {  	v9 =	vld.idx.msk [tilespmem:v1+s26+$0x0], $0xffff;
	[tilespmem:s13+$0xFFFFFAE0] =	vst v10  }
0x4c7: {  	v10 =	vld.idx.msk [tilespmem:v5+s26+$0x0], $0xffff;
	[tilespmem:s13+$0xFFFFFDF0] =	vst v6  }
0x4c8: {  	v6 =	vld.idx.msk [tilespmem:v4+s24+$0x0], $0xffff;
	[tilespmem:s15+$0xFFFFFCD0] =	vst v3  }
0x4c9: {  	[tilespmem:s12+$0xFFFFFB20] =	vst v0;
	v0 =	vld.idx.msk [tilespmem:v2+s3+$0x0], $0xffff  }
0x4ca: {  	v3 =	vld.idx.msk [tilespmem:v7+s22+$0x0], $0xffff  }
0x4cb: {  	s29 =	simm.s32 $0x14470;
	[tilespmem:s15+$0xFFFFFB40] =	vst v9;
	v8 =	vld.idx.msk [tilespmem:v8+s28+$0x0], $0xffff  }
0x4cc: {  	v9 =	vld [tilespmem:s29+$0xFFFFFF90];
	[tilespmem:s13+$0xFFFFFB60] =	vst v10  }
0x4cd: {  	v1 =	vld.idx.msk [tilespmem:v1+s28+$0x0], $0xffff;
	[tilespmem:s13+$0xFFFFFE70] =	vst v6  }
0x4ce: {  	[tilespmem:s12+$0xFFFFFC30] =	vst v0;
	v6 =	vld.idx.msk [tilespmem:v4+s25+$0x0], $0xffff  }
0x4cf: {  	[tilespmem:s15+$0xFFFFFD50] =	vst v3;
	v3 =	vld.idx.msk [tilespmem:v5+s28+$0x0], $0xffff  }
0x4d0: {  	v0 =	vld.idx.msk [tilespmem:v2+s21+$0x0], $0xffff  }
0x4d1: {  	[tilespmem:s12+$0xFFFFFBA0] =	vst v8;
	v5 =	vld.idx.msk [tilespmem:v7+s23+$0x0], $0xffff  }
0x4d2: {  	v8 =	vld [tilespmem:s8+$0xFFFFFF30]  }
0x4d3: {  	v10 =	vld [tilespmem:s29+$0xFFFFFF10];
	[tilespmem:s15+$0xFFFFFBC0] =	vst v1  }
0x4d4: {  	v11 =	vld.idx.msk [tilespmem:v9+s3+$0x0], $0xffff;
	[tilespmem:s13+$0xFFFFFEF0] =	vst v6  }
0x4d5: {  	[tilespmem:s12+$0xFFFFFCB0] =	vst v0;
	v6 =	vld.idx.msk [tilespmem:v4+s26+$0x0], $0xffff  }
0x4d6: {  	[tilespmem:s15+$0xFFFFFDD0] =	vst v5;
	v5 =	vld [tilespmem:s20+$0xFFFFFF50]  }
0x4d7: {  	[tilespmem:s13+$0xFFFFFBE0] =	vst v3;
	v3 =	vld.idx.msk [tilespmem:v2+s22+$0x0], $0xffff  }
0x4d8: {  	v1 =	vld.idx.msk [tilespmem:v7+s24+$0x0], $0xffff  }
0x4d9: {  	s2 =	simm.s32 $0x1A870;
	v0 =	vld [tilespmem:s31+$0xFFFFFF70]  }
0x4da: {  	[tilespmem:s2+$0xFFFFFC10] =	vst v11;
	v12 =	vld.idx.msk [tilespmem:v8+s3+$0x0], $0xffff  }
0x4db: {  	v14 =	vld.idx.msk [tilespmem:v9+s21+$0x0], $0xffff  }
0x4dc: {  	[tilespmem:s13+$0xFFFFFF70] =	vst v6;
	v6 =	vld.idx.msk [tilespmem:v10+s3+$0x0], $0xffff  }
0x4dd: {  	v4 =	vld.idx.msk [tilespmem:v4+s28+$0x0], $0xffff;
	[tilespmem:s15+$0xFFFFFE50] =	vst v1  }
0x4de: {  	[tilespmem:s12+$0xFFFFFD30] =	vst v3;
	v1 =	vld.idx.msk [tilespmem:v7+s25+$0x0], $0xffff  }
0x4df: {  	v13 =	vld.idx.msk [tilespmem:v2+s23+$0x0], $0xffff;
	[tilespmem:s12+$0xFFFFF830] =	vst v12  }
0x4e0: {  	v11 =	vld.idx.msk [tilespmem:v5+s3+$0x0], $0xffff;
	[tilespmem:s2+$0xFFFFFC90] =	vst v14  }
0x4e1: {  	v52 =	vld.idx.msk [tilespmem:v9+s22+$0x0], $0xffff;
	[tilespmem:s2+$0xFFFFF810] =	vst v6  }
0x4e2: {  	v6 =	vld.idx.msk [tilespmem:v8+s21+$0x0], $0xffff;
	[tilespmem:s13+$0xFFFFFFF0] =	vst v4  }
0x4e3: {  	v4 =	vld.idx.msk [tilespmem:v10+s21+$0x0], $0xffff;
	[tilespmem:s15+$0xFFFFFED0] =	vst v1  }
0x4e4: {  	v1 =	vld.idx.msk [tilespmem:v7+s26+$0x0], $0xffff  }
0x4e5: {  	v3 =	vld [tilespmem:s31+$0x0];
	[tilespmem:s15+$0xFFFFF850] =	vst v11  }
0x4e6: {  	[tilespmem:s12+$0xFFFFFDB0] =	vst v13;
	v11 =	vld.idx.msk [tilespmem:v5+s21+$0x0], $0xffff  }
0x4e7: {  	v51 =	vld.idx.msk [tilespmem:v2+s24+$0x0], $0xffff;
	[tilespmem:s2+$0xFFFFFD10] =	vst v52  }
0x4e8: {  	v53 =	vld.idx.msk [tilespmem:v0+s3+$0x0], $0xffff;
	[tilespmem:s12+$0xFFFFF8B0] =	vst v6  }
0x4e9: {  	v54 =	vld.idx.msk [tilespmem:v8+s22+$0x0], $0xffff;
	[tilespmem:s15+$0xFFFFFF50] =	vst v1  }
0x4ea: {  	[tilespmem:s2+$0xFFFFF890] =	vst v4;
	v4 =	vld.idx.msk [tilespmem:v7+s28+$0x0], $0xffff  }
0x4eb: {  	[tilespmem:s15+$0xFFFFF8D0] =	vst v11;
	v11 =	vld.idx.msk [tilespmem:v9+s23+$0x0], $0xffff  }
0x4ec: {  	[tilespmem:s12+$0xFFFFFE30] =	vst v51;
	v7 =	vld.idx.msk [tilespmem:v10+s22+$0x0], $0xffff  }
0x4ed: {  	v6 =	vld.idx.msk [tilespmem:v2+s25+$0x0], $0xffff  }
0x4ee: {  	v1 =	vld.idx.msk [tilespmem:v3+s3+$0x0], $0xffff;
	[tilespmem:s12+$0xFFFFF930] =	vst v54  }
0x4ef: {  	v55 =	vld.idx.msk [tilespmem:v5+s22+$0x0], $0xffff;
	[tilespmem:s15+$0xFFFFFFD0] =	vst v4  }
0x4f0: {  	[tilespmem:s2+$0xFFFFFD90] =	vst v11;
	v11 =	vld.idx.msk [tilespmem:v8+s23+$0x0], $0xffff  }
0x4f1: {  	[tilespmem:s2+$0xFFFFF910] =	vst v7;
	v4 =	vld [tilespmem:s20+$0xFFFFFFE0]  }
0x4f2: {  	[tilespmem:s13+$0xFFFFF870] =	vst v53;
	v7 =	vld.idx.msk [tilespmem:v10+s23+$0x0], $0xffff  }
0x4f3: {  	[tilespmem:s13+$0xFFFFFC80] =	vst v1;
	v56 =	vld.idx.msk [tilespmem:v9+s24+$0x0], $0xffff  }
0x4f4: {  	[tilespmem:s12+$0xFFFFFEB0] =	vst v6;
	v1 =	vld.idx.msk [tilespmem:v3+s21+$0x0], $0xffff  }
0x4f5: {  	v6 =	vld.idx.msk [tilespmem:v2+s26+$0x0], $0xffff;
	[tilespmem:s15+$0xFFFFF950] =	vst v55  }
0x4f6: {  	v14 =	vld.idx.msk [tilespmem:v0+s21+$0x0], $0xffff;
	[tilespmem:s12+$0xFFFFF9B0] =	vst v11  }
0x4f7: {  	v13 =	vld.idx.msk [tilespmem:v5+s23+$0x0], $0xffff;
	[tilespmem:s2+$0xFFFFF990] =	vst v7  }
0x4f8: {  	[tilespmem:s2+$0xFFFFFE10] =	vst v56;
	v7 =	vld.idx.msk [tilespmem:v10+s24+$0x0], $0xffff  }
0x4f9: {  	[tilespmem:s13+$0xFFFFFD00] =	vst v1;
	v11 =	vld.idx.msk [tilespmem:v9+s25+$0x0], $0xffff  }
0x4fa: {  	[tilespmem:s12+$0xFFFFFF30] =	vst v6;
	v1 =	vld.idx.msk [tilespmem:v3+s22+$0x0], $0xffff  }
0x4fb: {  	v2 =	vld.idx.msk [tilespmem:v2+s28+$0x0], $0xffff  }
0x4fc: {  	v6 =	vld.idx.msk [tilespmem:v4+s3+$0x0], $0xffff  }
0x4fd: {  	v57 =	vld.idx.msk [tilespmem:v8+s24+$0x0], $0xffff;
	[tilespmem:s2+$0xFFFFFA10] =	vst v7  }
0x4fe: {  	[tilespmem:s2+$0xFFFFFE90] =	vst v11;
	v7 =	vld.idx.msk [tilespmem:v10+s25+$0x0], $0xffff  }
0x4ff: {  	[tilespmem:s13+$0xFFFFFD80] =	vst v1;
	v11 =	vld.idx.msk [tilespmem:v9+s26+$0x0], $0xffff  }
0x500: {  	[tilespmem:s12+$0xFFFFFFB0] =	vst v2;
	v1 =	vld.idx.msk [tilespmem:v3+s23+$0x0], $0xffff  }
0x501: {  	[tilespmem:s15+$0xFFFFFC60] =	vst v6;
	v6 =	vld [tilespmem:s8+$0xFFFFFFC0]  }
0x502: {  	[tilespmem:s15+$0xFFFFF9D0] =	vst v13;
	v2 =	vld.idx.msk [tilespmem:v4+s21+$0x0], $0xffff  }
0x503: {  	v13 =	vld.idx.msk [tilespmem:v5+s24+$0x0], $0xffff;
	[tilespmem:s12+$0xFFFFFA30] =	vst v57  }
0x504: {  	v12 =	vld.idx.msk [tilespmem:v8+s25+$0x0], $0xffff;
	[tilespmem:s2+$0xFFFFFF10] =	vst v11  }
0x505: {  	[tilespmem:s2+$0xFFFFFA90] =	vst v7;
	v7 =	vld.idx.msk [tilespmem:v9+s28+$0x0], $0xffff  }
0x506: {  	[tilespmem:s13+$0xFFFFFE00] =	vst v1;
	v9 =	vld.idx.msk [tilespmem:v10+s26+$0x0], $0xffff  }
0x507: {  	v1 =	vld.idx.msk [tilespmem:v3+s24+$0x0], $0xffff;
	[tilespmem:s15+$0xFFFFFCE0] =	vst v2  }
0x508: {  	[tilespmem:s15+$0xFFFFFA50] =	vst v13;
	v2 =	vld.idx.msk [tilespmem:v4+s22+$0x0], $0xffff  }
0x509: {  	v13 =	vld.idx.msk [tilespmem:v5+s25+$0x0], $0xffff;
	[tilespmem:s12+$0xFFFFFAB0] =	vst v12  }
0x50a: {  	v11 =	vld.idx.msk [tilespmem:v6+s3+$0x0], $0xffff;
	[tilespmem:s2+$0xFFFFFF90] =	vst v7  }
0x50b: {  	v12 =	vld.idx.msk [tilespmem:v8+s26+$0x0], $0xffff;
	[tilespmem:s2+$0xFFFFFB10] =	vst v9  }
0x50c: {  	[tilespmem:s13+$0xFFFFFE80] =	vst v1;
	v9 =	vld [tilespmem:s29+$0xFFFFFFA0]  }
0x50d: {  	v1 =	vld.idx.msk [tilespmem:v3+s25+$0x0], $0xffff;
	[tilespmem:s15+$0xFFFFFD60] =	vst v2  }
0x50e: {  	[tilespmem:s15+$0xFFFFFAD0] =	vst v13;
	v2 =	vld.idx.msk [tilespmem:v4+s23+$0x0], $0xffff  }
0x50f: {  	[tilespmem:s12+$0xFFFFFC40] =	vst v11;
	v11 =	vld.idx.msk [tilespmem:v5+s26+$0x0], $0xffff  }
0x510: {  	[tilespmem:s13+$0xFFFFF8F0] =	vst v14;
	v10 =	vld.idx.msk [tilespmem:v10+s28+$0x0], $0xffff  }
0x511: {  	[tilespmem:s12+$0xFFFFFB30] =	vst v12;
	v7 =	vld.idx.msk [tilespmem:v6+s21+$0x0], $0xffff  }
0x512: {  	v14 =	vld.idx.msk [tilespmem:v0+s22+$0x0], $0xffff;
	[tilespmem:s13+$0xFFFFFF00] =	vst v1  }
0x513: {  	v1 =	vld.idx.msk [tilespmem:v8+s28+$0x0], $0xffff;
	[tilespmem:s15+$0xFFFFFDE0] =	vst v2  }
0x514: {  	[tilespmem:s15+$0xFFFFFB50] =	vst v11;
	v2 =	vld.idx.msk [tilespmem:v4+s24+$0x0], $0xffff  }
0x515: {  	[tilespmem:s2+$0xFFFFFB90] =	vst v10;
	v5 =	vld.idx.msk [tilespmem:v5+s28+$0x0], $0xffff  }
0x516: {  	[tilespmem:s12+$0xFFFFFCC0] =	vst v7;
	v10 =	vld.idx.msk [tilespmem:v9+s3+$0x0], $0xffff  }
0x517: {  	[tilespmem:s13+$0xFFFFF970] =	vst v14;
	v7 =	vld.idx.msk [tilespmem:v6+s22+$0x0], $0xffff  }
0x518: {  	v8 =	vld.idx.msk [tilespmem:v0+s23+$0x0], $0xffff;
	[tilespmem:s12+$0xFFFFFBB0] =	vst v1  }
0x519: {  	v11 =	vld [tilespmem:s29+$0xFFFFFF20];
	[tilespmem:s15+$0xFFFFFE60] =	vst v2  }
0x51a: {  	v59 =	vld [tilespmem:s8+$0xFFFFFF40];
	[tilespmem:s15+$0xFFFFFBD0] =	vst v5  }
0x51b: {  	[tilespmem:s2+$0xFFFFFC20] =	vst v10;
	v1 =	vld.idx.msk [tilespmem:v4+s25+$0x0], $0xffff  }
0x51c: {  	[tilespmem:s12+$0xFFFFFD40] =	vst v7;
	v7 =	vld [tilespmem:s20+$0xFFFFFF60]  }
0x51d: {  	v5 =	vld.idx.msk [tilespmem:v9+s21+$0x0], $0xffff  }
0x51e: {  	v2 =	vld.idx.msk [tilespmem:v6+s23+$0x0], $0xffff  }
0x51f: {  	[tilespmem:s13+$0xFFFFF9F0] =	vst v8  }
0x520: {  	v8 =	vld.idx.msk [tilespmem:v0+s24+$0x0], $0xffff  }
0x521: {  	v10 =	vld.idx.msk [tilespmem:v11+s3+$0x0], $0xffff;
	[tilespmem:s15+$0xFFFFFEE0] =	vst v1  }
0x522: {  	[tilespmem:s2+$0xFFFFFCA0] =	vst v5;
	v1 =	vld.idx.msk [tilespmem:v4+s26+$0x0], $0xffff  }
0x523: {  	[tilespmem:s12+$0xFFFFFDC0] =	vst v2;
	v5 =	vld.idx.msk [tilespmem:v59+s3+$0x0], $0xffff  }
0x524: {  	v2 =	vld.idx.msk [tilespmem:v6+s24+$0x0], $0xffff  }
0x525: {  	[tilespmem:s13+$0xFFFFFA70] =	vst v8;
	v60 =	vld.idx.msk [tilespmem:v9+s22+$0x0], $0xffff  }
0x526: {  	[tilespmem:s2+$0xFFFFF820] =	vst v10;
	v8 =	vld.idx.msk [tilespmem:v7+s3+$0x0], $0xffff  }
0x527: {  	[tilespmem:s15+$0xFFFFFF60] =	vst v1;
	v1 =	vld.idx.msk [tilespmem:v0+s25+$0x0], $0xffff  }
0x528: {  	[tilespmem:s12+$0xFFFFF840] =	vst v5;
	v4 =	vld.idx.msk [tilespmem:v4+s28+$0x0], $0xffff  }
0x529: {  	[tilespmem:s12+$0xFFFFFE40] =	vst v2;
	v2 =	vld.idx.msk [tilespmem:v11+s21+$0x0], $0xffff  }
0x52a: {  	[tilespmem:s2+$0xFFFFFD20] =	vst v60;
	v10 =	vld.idx.msk [tilespmem:v59+s21+$0x0], $0xffff  }
0x52b: {  	v5 =	vld.idx.msk [tilespmem:v6+s25+$0x0], $0xffff;
	[tilespmem:s15+$0xFFFFF860] =	vst v8  }
0x52c: {  	v8 =	vld.idx.msk [tilespmem:v9+s23+$0x0], $0xffff;
	[tilespmem:s13+$0xFFFFFAF0] =	vst v1  }
0x52d: {  	v58 =	vld.idx.msk [tilespmem:v3+s26+$0x0], $0xffff;
	[tilespmem:s15+$0xFFFFFFE0] =	vst v4  }
0x52e: {  	v4 =	vld.idx.msk [tilespmem:v7+s21+$0x0], $0xffff;
	[tilespmem:s2+$0xFFFFF8A0] =	vst v2  }
0x52f: {  	v2 =	vld.idx.msk [tilespmem:v0+s26+$0x0], $0xffff;
	[tilespmem:s12+$0xFFFFF8C0] =	vst v10  }
0x530: {  	v1 =	vld [tilespmem:s20+$0xFFFFFFF0];
	[tilespmem:s12+$0xFFFFFEC0] =	vst v5  }
0x531: {  	[tilespmem:s2+$0xFFFFFDA0] =	vst v8;
	v8 =	vld.idx.msk [tilespmem:v59+s22+$0x0], $0xffff  }
0x532: {  	v10 =	vld.idx.msk [tilespmem:v6+s26+$0x0], $0xffff  }
0x533: {  	v5 =	vld.idx.msk [tilespmem:v11+s22+$0x0], $0xffff  }
0x534: {  	[tilespmem:s15+$0xFFFFF8E0] =	vst v4;
	v4 =	vld.idx.msk [tilespmem:v9+s24+$0x0], $0xffff  }
0x535: {  	[tilespmem:s13+$0xFFFFFB70] =	vst v2;
	v2 =	vld.idx.msk [tilespmem:v7+s22+$0x0], $0xffff  }
0x536: {  	v0 =	vld.idx.msk [tilespmem:v0+s28+$0x0], $0xffff;
	[tilespmem:s12+$0xFFFFF940] =	vst v8  }
0x537: {  	[tilespmem:s12+$0xFFFFFF40] =	vst v10;
	v8 =	vld.idx.msk [tilespmem:v59+s23+$0x0], $0xffff  }
0x538: {  	[tilespmem:s2+$0xFFFFF920] =	vst v5;
	v5 =	vld.idx.msk [tilespmem:v6+s28+$0x0], $0xffff  }
0x539: {  	v6 =	vld.idx.msk [tilespmem:v11+s23+$0x0], $0xffff  }
0x53a: {  	v10 =	vld.idx.msk [tilespmem:v1+s3+$0x0], $0xffff;
	[tilespmem:s2+$0xFFFFFE20] =	vst v4  }
0x53b: {  	v4 =	vld.idx.msk [tilespmem:v9+s25+$0x0], $0xffff;
	[tilespmem:s15+$0xFFFFF960] =	vst v2  }
0x53c: {  	[tilespmem:s13+$0xFFFFFBF0] =	vst v0;
	v61 =	vld.idx.msk [tilespmem:v7+s23+$0x0], $0xffff  }
0x53d: {  	v0 =	vld [tilespmem:s31+$0xFFFFFF80];
	[tilespmem:s12+$0xFFFFF9C0] =	vst v8  }
0x53e: {  	[tilespmem:s12+$0xFFFFFFC0] =	vst v5;
	v8 =	vld.idx.msk [tilespmem:v59+s24+$0x0], $0xffff  }
0x53f: {  	[tilespmem:s2+$0xFFFFF9A0] =	vst v6;
	v2 =	vld [tilespmem:s8+$0xFFFFFFD0]  }
0x540: {  	[tilespmem:s15+$0xFFFFFC70] =	vst v10;
	v6 =	vld.idx.msk [tilespmem:v11+s24+$0x0], $0xffff  }
0x541: {  	[tilespmem:s13+$0xFFFFFF80] =	vst v58;
	v5 =	vld.idx.msk [tilespmem:v1+s21+$0x0], $0xffff  }
0x542: {  	v3 =	vld.idx.msk [tilespmem:v3+s28+$0x0], $0xffff;
	[tilespmem:s2+$0xFFFFFEA0] =	vst v4  }
0x543: {  	v4 =	vld.idx.msk [tilespmem:v9+s26+$0x0], $0xffff;
	[tilespmem:s15+$0xFFFFF9E0] =	vst v61  }
0x544: {  	v10 =	vld.idx.msk [tilespmem:v7+s24+$0x0], $0xffff;
	[tilespmem:s12+$0xFFFFFA40] =	vst v8  }
0x545: {  	[tilespmem:s2+$0xFFFFFA20] =	vst v6;
	v62 =	vld.idx.msk [tilespmem:v0+s3+$0x0], $0xffff  }
0x546: {  	[tilespmem:s15+$0xFFFFFCF0] =	vst v5;
	v8 =	vld.idx.msk [tilespmem:v11+s25+$0x0], $0xffff  }
0x547: {  	v5 =	vld.idx.msk [tilespmem:v1+s22+$0x0], $0xffff  }
0x548: {  	[tilespmem:s2+$0xFFFFFF20] =	vst v4;
	v4 =	vld.idx.msk [tilespmem:v2+s3+$0x0], $0xffff  }
0x549: {  	[tilespmem:s13+$0x0] =	vst v3;
	v6 =	vld.idx.msk [tilespmem:v9+s28+$0x0], $0xffff  }
0x54a: {  	[tilespmem:s15+$0xFFFFFA60] =	vst v10;
	v9 =	vld.idx.msk [tilespmem:v59+s25+$0x0], $0xffff  }
0x54b: {  	v10 =	vld.idx.msk [tilespmem:v7+s25+$0x0], $0xffff;
	[tilespmem:s13+$0xFFFFF880] =	vst v62  }
0x54c: {  	[tilespmem:s15+$0xFFFFFD70] =	vst v5;
	v12 =	vld.idx.msk [tilespmem:v0+s21+$0x0], $0xffff  }
0x54d: {  	v63 =	vld.idx.msk [tilespmem:v1+s23+$0x0], $0xffff;
	[tilespmem:s12+$0xFFFFFC50] =	vst v4  }
0x54e: {  	[tilespmem:s2+$0xFFFFFFA0] =	vst v6;
	v4 =	vld.idx.msk [tilespmem:v2+s21+$0x0], $0xffff  }
0x54f: {  	[tilespmem:s2+$0xFFFFFAA0] =	vst v8;
	v5 =	vld [tilespmem:s29+$0xFFFFFFB0]  }
0x550: {  	v6 =	vld.idx.msk [tilespmem:v11+s26+$0x0], $0xffff;
	[tilespmem:s12+$0xFFFFFAC0] =	vst v9  }
0x551: {  	v8 =	vld.idx.msk [tilespmem:v59+s26+$0x0], $0xffff;
	[tilespmem:s15+$0xFFFFFAE0] =	vst v10  }
0x552: {  	v9 =	vld.idx.msk [tilespmem:v7+s26+$0x0], $0xffff;
	[tilespmem:s13+$0xFFFFF900] =	vst v12  }
0x553: {  	[tilespmem:s15+$0xFFFFFDF0] =	vst v63;
	v12 =	vld.idx.msk [tilespmem:v0+s22+$0x0], $0xffff  }
0x554: {  	v14 =	vld.idx.msk [tilespmem:v1+s24+$0x0], $0xffff;
	[tilespmem:s12+$0xFFFFFCD0] =	vst v4  }
0x555: {  	[tilespmem:s2+$0xFFFFFB20] =	vst v6;
	v3 =	vld.idx.msk [tilespmem:v2+s22+$0x0], $0xffff  }
0x556: {  	[tilespmem:s12+$0xFFFFFB40] =	vst v8;
	v8 =	vld.idx.msk [tilespmem:v11+s28+$0x0], $0xffff  }
0x557: {  	v15 =	vld.idx.msk [tilespmem:v5+s3+$0x0], $0xffff  }
0x558: {  	v10 =	vld.idx.msk [tilespmem:v59+s28+$0x0], $0xffff;
	[tilespmem:s15+$0xFFFFFB60] =	vst v9  }
0x559: {  	v6 =	vld.idx.msk [tilespmem:v7+s28+$0x0], $0xffff;
	[tilespmem:s15+$0xFFFFFE70] =	vst v14  }
0x55a: {  	[tilespmem:s13+$0xFFFFF980] =	vst v12;
	v4 =	vld.idx.msk [tilespmem:v1+s25+$0x0], $0xffff  }
0x55b: {  	[tilespmem:s12+$0xFFFFFD50] =	vst v3;
	v3 =	vld.idx.msk [tilespmem:v0+s23+$0x0], $0xffff  }
0x55c: {  	v9 =	vld.idx.msk [tilespmem:v2+s23+$0x0], $0xffff;
	[tilespmem:s2+$0xFFFFFC30] =	vst v15  }
0x55d: {  	s16 =	simm.s32 $0x6;
	s30 =	simm.s32 $0x14570;
	s31 =	simm.s32 $0x1A870;
	[tilespmem:s2+$0xFFFFFBA0] =	vst v8;
	v11 =	vld.idx.msk [tilespmem:v5+s21+$0x0], $0xffff  }
.LBB2_11:
0x55e: {  	v8 =	vld [tilespmem:s30+$0xFFFFFF90];
	s16 =	sadd.s32 $0x2, s16;
	[tilespmem:s12+$0xFFFFFBC0] =	vst v10  }
0x55f: {  	v7 =	vld [tilespmem:s30+$0xFFFFFF10];
	p0 =	slt.u32 s16, $0xE;
	[tilespmem:s15+$0xFFFFFEF0] =	vst v4  }
0x560: {  	[tilespmem:s15+$0xFFFFFBE0] =	vst v6;
	v10 =	vld.idx.msk [tilespmem:v1+s26+$0x0], $0xffff  }
0x561: {  	v4 =	vld [tilespmem:s29+$0xFFFFFF30];
	[tilespmem:s12+$0xFFFFFDD0] =	vst v9  }
0x562: {  	v9 =	vld.idx.msk [tilespmem:v2+s24+$0x0], $0xffff;
	[tilespmem:s13+$0xFFFFFA00] =	vst v3  }
0x563: {  	[tilespmem:s2+$0xFFFFFCB0] =	vst v11;
	v6 =	vld [tilespmem:s8+$0xFFFFFF50]  }
0x564: {  	v11 =	vld.idx.msk [tilespmem:v5+s22+$0x0], $0xffff  }
0x565: {  	v3 =	vld [tilespmem:s20+$0xFFFFFF70]  }
0x566: {  	v12 =	vld.idx.msk [tilespmem:v8+s3+$0x0], $0xffff;
	[tilespmem:s15+$0xFFFFFF70] =	vst v10  }
0x567: {  	v1 =	vld.idx.msk [tilespmem:v1+s28+$0x0], $0xffff  }
0x568: {  	v10 =	vld.idx.msk [tilespmem:v7+s3+$0x0], $0xffff;
	[tilespmem:s12+$0xFFFFFE50] =	vst v9  }
0x569: {  	v9 =	vld.idx.msk [tilespmem:v2+s25+$0x0], $0xffff  }
0x56a: {  	v13 =	vld.idx.msk [tilespmem:v4+s3+$0x0], $0xffff;
	[tilespmem:s2+$0xFFFFFD30] =	vst v11  }
0x56b: {  	s2 =	sadd.s32 $0x800, s2;
	v11 =	vld.idx.msk [tilespmem:v5+s23+$0x0], $0xffff  }
0x56c: {  	[tilespmem:s2+$0xFFFFFC10] =	vst v12;
	v12 =	vld.idx.msk [tilespmem:v6+s3+$0x0], $0xffff  }
0x56d: {  	v14 =	vld.idx.msk [tilespmem:v8+s21+$0x0], $0xffff;
	[tilespmem:s15+$0xFFFFFFF0] =	vst v1  }
0x56e: {  	[tilespmem:s2+$0xFFFFF810] =	vst v10;
	v1 =	vld [tilespmem:s20+$0x0]  }
0x56f: {  	v10 =	vld.idx.msk [tilespmem:v7+s21+$0x0], $0xffff;
	[tilespmem:s12+$0xFFFFFED0] =	vst v9  }
0x570: {  	[tilespmem:s31+$0xFFFFF830] =	vst v13;
	v9 =	vld.idx.msk [tilespmem:v2+s26+$0x0], $0xffff  }
0x571: {  	v13 =	vld.idx.msk [tilespmem:v4+s21+$0x0], $0xffff;
	[tilespmem:s31+$0xFFFFFDB0] =	vst v11  }
0x572: {  	v11 =	vld.idx.msk [tilespmem:v5+s24+$0x0], $0xffff;
	[tilespmem:s12+$0xFFFFF850] =	vst v12  }
0x573: {  	[tilespmem:s2+$0xFFFFFC90] =	vst v14;
	v12 =	vld.idx.msk [tilespmem:v6+s21+$0x0], $0xffff  }
0x574: {  	v14 =	vld.idx.msk [tilespmem:v8+s22+$0x0], $0xffff  }
0x575: {  	[tilespmem:s2+$0xFFFFF890] =	vst v10;
	v10 =	vld.idx.msk [tilespmem:v3+s3+$0x0], $0xffff  }
0x576: {  	[tilespmem:s12+$0xFFFFFF50] =	vst v9;
	v9 =	vld.idx.msk [tilespmem:v1+s3+$0x0], $0xffff  }
0x577: {  	[tilespmem:s31+$0xFFFFF8B0] =	vst v13;
	v2 =	vld.idx.msk [tilespmem:v2+s28+$0x0], $0xffff  }
0x578: {  	v13 =	vld.idx.msk [tilespmem:v7+s22+$0x0], $0xffff;
	[tilespmem:s31+$0xFFFFFE30] =	vst v11  }
0x579: {  	v11 =	vld.idx.msk [tilespmem:v5+s25+$0x0], $0xffff;
	[tilespmem:s12+$0xFFFFF8D0] =	vst v12  }
0x57a: {  	[tilespmem:s2+$0xFFFFFD10] =	vst v14;
	v12 =	vld.idx.msk [tilespmem:v4+s22+$0x0], $0xffff  }
0x57b: {  	v14 =	vld.idx.msk [tilespmem:v8+s23+$0x0], $0xffff;
	[tilespmem:s15+$0xFFFFF870] =	vst v10  }
0x57c: {  	v10 =	vld.idx.msk [tilespmem:v6+s22+$0x0], $0xffff;
	[tilespmem:s15+$0xFFFFFC80] =	vst v9  }
0x57d: {  	[tilespmem:s12+$0xFFFFFFD0] =	vst v2;
	v2 =	vld.idx.msk [tilespmem:v1+s21+$0x0], $0xffff  }
0x57e: {  	[tilespmem:s2+$0xFFFFF910] =	vst v13;
	v9 =	vld [tilespmem:s8+$0xFFFFFFE0]  }
0x57f: {  	v13 =	vld.idx.msk [tilespmem:v7+s23+$0x0], $0xffff;
	[tilespmem:s31+$0xFFFFFEB0] =	vst v11  }
0x580: {  	[tilespmem:s31+$0xFFFFF930] =	vst v12;
	v11 =	vld.idx.msk [tilespmem:v5+s26+$0x0], $0xffff  }
0x581: {  	[tilespmem:s2+$0xFFFFFD90] =	vst v14;
	v12 =	vld.idx.msk [tilespmem:v4+s23+$0x0], $0xffff  }
0x582: {  	v14 =	vld.idx.msk [tilespmem:v8+s24+$0x0], $0xffff;
	[tilespmem:s12+$0xFFFFF950] =	vst v10  }
0x583: {  	v10 =	vld.idx.msk [tilespmem:v6+s23+$0x0], $0xffff;
	[tilespmem:s15+$0xFFFFFD00] =	vst v2  }
0x584: {  	v2 =	vld.idx.msk [tilespmem:v1+s22+$0x0], $0xffff  }
0x585: {  	[tilespmem:s2+$0xFFFFF990] =	vst v13;
	v13 =	vld.idx.msk [tilespmem:v3+s21+$0x0], $0xffff  }
0x586: {  	[tilespmem:s31+$0xFFFFFF30] =	vst v11;
	v11 =	vld.idx.msk [tilespmem:v9+s3+$0x0], $0xffff  }
0x587: {  	[tilespmem:s31+$0xFFFFF9B0] =	vst v12;
	v5 =	vld.idx.msk [tilespmem:v5+s28+$0x0], $0xffff  }
0x588: {  	v12 =	vld.idx.msk [tilespmem:v7+s24+$0x0], $0xffff;
	[tilespmem:s2+$0xFFFFFE10] =	vst v14  }
0x589: {  	v14 =	vld.idx.msk [tilespmem:v8+s25+$0x0], $0xffff;
	[tilespmem:s12+$0xFFFFF9D0] =	vst v10  }
0x58a: {  	v10 =	vld.idx.msk [tilespmem:v4+s24+$0x0], $0xffff;
	[tilespmem:s15+$0xFFFFFD80] =	vst v2  }
0x58b: {  	[tilespmem:s15+$0xFFFFF8F0] =	vst v13;
	v13 =	vld.idx.msk [tilespmem:v1+s23+$0x0], $0xffff  }
0x58c: {  	v15 =	vld.idx.msk [tilespmem:v6+s24+$0x0], $0xffff;
	[tilespmem:s12+$0xFFFFFC60] =	vst v11  }
0x58d: {  	[tilespmem:s31+$0xFFFFFFB0] =	vst v5;
	v5 =	vld.idx.msk [tilespmem:v9+s21+$0x0], $0xffff  }
0x58e: {  	[tilespmem:s2+$0xFFFFFA10] =	vst v12;
	v2 =	vld [tilespmem:s29+$0xFFFFFFC0]  }
0x58f: {  	v11 =	vld.idx.msk [tilespmem:v7+s25+$0x0], $0xffff;
	[tilespmem:s2+$0xFFFFFE90] =	vst v14  }
0x590: {  	v12 =	vld.idx.msk [tilespmem:v8+s26+$0x0], $0xffff;
	[tilespmem:s31+$0xFFFFFA30] =	vst v10  }
0x591: {  	v10 =	vld.idx.msk [tilespmem:v4+s25+$0x0], $0xffff;
	[tilespmem:s15+$0xFFFFFE00] =	vst v13  }
0x592: {  	[tilespmem:s12+$0xFFFFFA50] =	vst v15;
	v13 =	vld.idx.msk [tilespmem:v1+s24+$0x0], $0xffff  }
0x593: {  	v14 =	vld.idx.msk [tilespmem:v6+s25+$0x0], $0xffff;
	[tilespmem:s12+$0xFFFFFCE0] =	vst v5  }
0x594: {  	v5 =	vld.idx.msk [tilespmem:v9+s22+$0x0], $0xffff  }
0x595: {  	[tilespmem:s2+$0xFFFFFA90] =	vst v11;
	v11 =	vld.idx.msk [tilespmem:v3+s22+$0x0], $0xffff  }
0x596: {  	[tilespmem:s2+$0xFFFFFF10] =	vst v12;
	v12 =	vld.idx.msk [tilespmem:v2+s3+$0x0], $0xffff  }
0x597: {  	v8 =	vld.idx.msk [tilespmem:v8+s28+$0x0], $0xffff;
	[tilespmem:s31+$0xFFFFFAB0] =	vst v10  }
0x598: {  	v10 =	vld.idx.msk [tilespmem:v7+s26+$0x0], $0xffff;
	[tilespmem:s15+$0xFFFFFE80] =	vst v13  }
0x599: {  	[tilespmem:s12+$0xFFFFFAD0] =	vst v14;
	v13 =	vld.idx.msk [tilespmem:v1+s25+$0x0], $0xffff  }
0x59a: {  	v14 =	vld.idx.msk [tilespmem:v4+s26+$0x0], $0xffff;
	[tilespmem:s12+$0xFFFFFD60] =	vst v5  }
0x59b: {  	v15 =	vld.idx.msk [tilespmem:v9+s23+$0x0], $0xffff;
	[tilespmem:s15+$0xFFFFF970] =	vst v11  }
0x59c: {  	[tilespmem:s31+$0xFFFFFC40] =	vst v12;
	v11 =	vld.idx.msk [tilespmem:v6+s26+$0x0], $0xffff  }
0x59d: {  	[tilespmem:s2+$0xFFFFFF90] =	vst v8;
	v8 =	vld.idx.msk [tilespmem:v2+s21+$0x0], $0xffff  }
0x59e: {  	[tilespmem:s2+$0xFFFFFB10] =	vst v10;
	v5 =	vld [tilespmem:s30+$0xFFFFFFA0]  }
0x59f: {  	v7 =	vld.idx.msk [tilespmem:v7+s28+$0x0], $0xffff;
	[tilespmem:s15+$0xFFFFFF00] =	vst v13  }
0x5a0: {  	[tilespmem:s31+$0xFFFFFB30] =	vst v14;
	v10 =	vld.idx.msk [tilespmem:v1+s26+$0x0], $0xffff  }
0x5a1: {  	v4 =	vld.idx.msk [tilespmem:v4+s28+$0x0], $0xffff;
	[tilespmem:s12+$0xFFFFFDE0] =	vst v15  }
0x5a2: {  	[tilespmem:s12+$0xFFFFFB50] =	vst v11;
	v11 =	vld.idx.msk [tilespmem:v9+s24+$0x0], $0xffff  }
0x5a3: {  	[tilespmem:s31+$0xFFFFFCC0] =	vst v8;
	v6 =	vld.idx.msk [tilespmem:v6+s28+$0x0], $0xffff  }
0x5a4: {  	v8 =	vld.idx.msk [tilespmem:v2+s22+$0x0], $0xffff  }
0x5a5: {  	[tilespmem:s2+$0xFFFFFB90] =	vst v7;
	v7 =	vld.idx.msk [tilespmem:v3+s23+$0x0], $0xffff  }
0x5a6: {  	v12 =	vld.idx.msk [tilespmem:v5+s3+$0x0], $0xffff;
	[tilespmem:s15+$0xFFFFFF80] =	vst v10  }
0x5a7: {  	[tilespmem:s31+$0xFFFFFBB0] =	vst v4;
	v1 =	vld.idx.msk [tilespmem:v1+s28+$0x0], $0xffff  }
0x5a8: {  	v4 =	vld [tilespmem:s30+$0xFFFFFF20];
	[tilespmem:s12+$0xFFFFFE60] =	vst v11  }
0x5a9: {  	[tilespmem:s12+$0xFFFFFBD0] =	vst v6;
	v10 =	vld.idx.msk [tilespmem:v9+s25+$0x0], $0xffff  }
0x5aa: {  	v6 =	vld [tilespmem:s29+$0xFFFFFF40];
	[tilespmem:s31+$0xFFFFFD40] =	vst v8  }
0x5ab: {  	v8 =	vld.idx.msk [tilespmem:v2+s23+$0x0], $0xffff;
	[tilespmem:s15+$0xFFFFF9F0] =	vst v7  }
0x5ac: {  	[tilespmem:s2+$0xFFFFFC20] =	vst v12;
	v7 =	vld [tilespmem:s8+$0xFFFFFF60]  }
0x5ad: {  	v11 =	vld.idx.msk [tilespmem:v5+s21+$0x0], $0xffff;
	[tilespmem:s15+$0x0] =	vst v1  }
0x5ae: {  	v1 =	vld.idx.msk [tilespmem:v3+s24+$0x0], $0xffff  }
0x5af: {  	[tilespmem:s12+$0xFFFFFEE0] =	vst v10;
	v10 =	vld.idx.msk [tilespmem:v0+s24+$0x0], $0xffff  }
0x5b0: {  	v12 =	vld.idx.msk [tilespmem:v9+s26+$0x0], $0xffff  }
0x5b1: {  	v13 =	vld.idx.msk [tilespmem:v4+s3+$0x0], $0xffff;
	[tilespmem:s31+$0xFFFFFDC0] =	vst v8  }
0x5b2: {  	v8 =	vld.idx.msk [tilespmem:v2+s24+$0x0], $0xffff  }
0x5b3: {  	[tilespmem:s2+$0xFFFFFCA0] =	vst v11;
	v11 =	vld.idx.msk [tilespmem:v6+s3+$0x0], $0xffff  }
0x5b4: {  	v14 =	vld.idx.msk [tilespmem:v5+s22+$0x0], $0xffff;
	[tilespmem:s15+$0xFFFFFA70] =	vst v1  }
0x5b5: {  	v1 =	vld.idx.msk [tilespmem:v7+s3+$0x0], $0xffff;
	[tilespmem:s13+$0xFFFFFA80] =	vst v10  }
0x5b6: {  	[tilespmem:s12+$0xFFFFFF60] =	vst v12;
	v10 =	vld.idx.msk [tilespmem:v3+s25+$0x0], $0xffff  }
0x5b7: {  	[tilespmem:s2+$0xFFFFF820] =	vst v13;
	v9 =	vld.idx.msk [tilespmem:v9+s28+$0x0], $0xffff  }
0x5b8: {  	v12 =	vld.idx.msk [tilespmem:v4+s21+$0x0], $0xffff;
	[tilespmem:s31+$0xFFFFFE40] =	vst v8  }
0x5b9: {  	[tilespmem:s31+$0xFFFFF840] =	vst v11;
	v8 =	vld.idx.msk [tilespmem:v2+s25+$0x0], $0xffff  }
0x5ba: {  	[tilespmem:s2+$0xFFFFFD20] =	vst v14;
	v11 =	vld.idx.msk [tilespmem:v6+s21+$0x0], $0xffff  }
0x5bb: {  	v13 =	vld.idx.msk [tilespmem:v5+s23+$0x0], $0xffff;
	[tilespmem:s12+$0xFFFFF860] =	vst v1  }
0x5bc: {  	v14 =	vld.idx.msk [tilespmem:v7+s21+$0x0], $0xffff;
	[tilespmem:s15+$0xFFFFFAF0] =	vst v10  }
0x5bd: {  	[tilespmem:s12+$0xFFFFFFE0] =	vst v9;
	v9 =	vld.idx.msk [tilespmem:v3+s26+$0x0], $0xffff  }
0x5be: {  	[tilespmem:s2+$0xFFFFF8A0] =	vst v12;
	v1 =	vld [tilespmem:s8+$0xFFFFFFF0]  }
0x5bf: {  	v10 =	vld.idx.msk [tilespmem:v4+s22+$0x0], $0xffff;
	[tilespmem:s31+$0xFFFFFEC0] =	vst v8  }
0x5c0: {  	[tilespmem:s31+$0xFFFFF8C0] =	vst v11;
	v8 =	vld.idx.msk [tilespmem:v2+s26+$0x0], $0xffff  }
0x5c1: {  	[tilespmem:s2+$0xFFFFFDA0] =	vst v13;
	v11 =	vld.idx.msk [tilespmem:v6+s22+$0x0], $0xffff  }
0x5c2: {  	v12 =	vld.idx.msk [tilespmem:v5+s24+$0x0], $0xffff;
	[tilespmem:s12+$0xFFFFF8E0] =	vst v14  }
0x5c3: {  	v13 =	vld.idx.msk [tilespmem:v7+s22+$0x0], $0xffff;
	[tilespmem:s15+$0xFFFFFB70] =	vst v9  }
0x5c4: {  	v3 =	vld.idx.msk [tilespmem:v3+s28+$0x0], $0xffff  }
0x5c5: {  	[tilespmem:s2+$0xFFFFF920] =	vst v10;
	v9 =	vld.idx.msk [tilespmem:v0+s25+$0x0], $0xffff  }
0x5c6: {  	[tilespmem:s31+$0xFFFFFF40] =	vst v8;
	v8 =	vld.idx.msk [tilespmem:v1+s3+$0x0], $0xffff  }
0x5c7: {  	[tilespmem:s31+$0xFFFFF940] =	vst v11;
	v2 =	vld.idx.msk [tilespmem:v2+s28+$0x0], $0xffff  }
0x5c8: {  	v10 =	vld.idx.msk [tilespmem:v4+s23+$0x0], $0xffff;
	[tilespmem:s2+$0xFFFFFE20] =	vst v12  }
0x5c9: {  	v11 =	vld.idx.msk [tilespmem:v5+s25+$0x0], $0xffff;
	[tilespmem:s12+$0xFFFFF960] =	vst v13  }
0x5ca: {  	v12 =	vld.idx.msk [tilespmem:v6+s23+$0x0], $0xffff;
	[tilespmem:s15+$0xFFFFFBF0] =	vst v3  }
0x5cb: {  	v3 =	vld.idx.msk [tilespmem:v7+s23+$0x0], $0xffff;
	[tilespmem:s13+$0xFFFFFB00] =	vst v9  }
0x5cc: {  	[tilespmem:s12+$0xFFFFFC70] =	vst v8;
	v8 =	vld [tilespmem:s20+$0xFFFFFF80];
	s20 =	smov.u32 s8;
	s8 =	smov.u32 s29;
	s29 =	smov.u32 s30  }
0x5cd: {  	[tilespmem:s31+$0xFFFFFFC0] =	vst v2;
	v9 =	vld.idx.msk [tilespmem:v1+s21+$0x0], $0xffff  }
0x5ce: {  	[tilespmem:s2+$0xFFFFF9A0] =	vst v10;
	v2 =	vld [tilespmem:s8+$0xFFFFFFD0]  }
0x5cf: {  	v10 =	vld.idx.msk [tilespmem:v4+s24+$0x0], $0xffff;
	[tilespmem:s2+$0xFFFFFEA0] =	vst v11  }
0x5d0: {  	v11 =	vld.idx.msk [tilespmem:v5+s26+$0x0], $0xffff;
	[tilespmem:s31+$0xFFFFF9C0] =	vst v12  }
0x5d1: {  	v12 =	vld.idx.msk [tilespmem:v6+s24+$0x0], $0xffff;
	[tilespmem:s12+$0xFFFFF9E0] =	vst v3  }
0x5d2: {  	v3 =	vld.idx.msk [tilespmem:v7+s24+$0x0], $0xffff  }
0x5d3: {  	[tilespmem:s12+$0xFFFFFCF0] =	vst v9;
	v9 =	vld.idx.msk [tilespmem:v0+s26+$0x0], $0xffff  }
0x5d4: {  	v13 =	vld.idx.msk [tilespmem:v1+s22+$0x0], $0xffff  }
0x5d5: {  	[tilespmem:s2+$0xFFFFFA20] =	vst v10;
	v10 =	vld.idx.msk [tilespmem:v8+s3+$0x0], $0xffff  }
0x5d6: {  	[tilespmem:s2+$0xFFFFFF20] =	vst v11;
	v11 =	vld.idx.msk [tilespmem:v2+s3+$0x0], $0xffff  }
0x5d7: {  	v5 =	vld.idx.msk [tilespmem:v5+s28+$0x0], $0xffff;
	[tilespmem:s31+$0xFFFFFA40] =	vst v12  }
0x5d8: {  	v12 =	vld.idx.msk [tilespmem:v4+s25+$0x0], $0xffff;
	[tilespmem:s12+$0xFFFFFA60] =	vst v3  }
0x5d9: {  	v3 =	vld.idx.msk [tilespmem:v6+s25+$0x0], $0xffff;
	[tilespmem:s13+$0xFFFFFB80] =	vst v9  }
0x5da: {  	v9 =	vld.idx.msk [tilespmem:v7+s25+$0x0], $0xffff;
	[tilespmem:s12+$0xFFFFFD70] =	vst v13  }
0x5db: {  	v13 =	vld.idx.msk [tilespmem:v1+s23+$0x0], $0xffff;
	[tilespmem:s15+$0xFFFFF880] =	vst v10  }
0x5dc: {  	[tilespmem:s31+$0xFFFFFC50] =	vst v11;
	v10 =	vld.idx.msk [tilespmem:v8+s21+$0x0], $0xffff  }
0x5dd: {  	[tilespmem:s2+$0xFFFFFFA0] =	vst v5;
	v11 =	vld.idx.msk [tilespmem:v2+s21+$0x0], $0xffff  }
0x5de: {  	[tilespmem:s2+$0xFFFFFAA0] =	vst v12;
	v5 =	vld [tilespmem:s30+$0xFFFFFFB0]  }
0x5df: {  	v12 =	vld.idx.msk [tilespmem:v4+s26+$0x0], $0xffff;
	[tilespmem:s31+$0xFFFFFAC0] =	vst v3  }
0x5e0: {  	v3 =	vld.idx.msk [tilespmem:v6+s26+$0x0], $0xffff;
	[tilespmem:s12+$0xFFFFFAE0] =	vst v9  }
0x5e1: {  	v9 =	vld.idx.msk [tilespmem:v7+s26+$0x0], $0xffff;
	[tilespmem:s12+$0xFFFFFDF0] =	vst v13  }
0x5e2: {  	v13 =	vld.idx.msk [tilespmem:v1+s24+$0x0], $0xffff;
	[tilespmem:s15+$0xFFFFF900] =	vst v10  }
0x5e3: {  	[tilespmem:s31+$0xFFFFFCD0] =	vst v11;
	v11 =	vld.idx.msk [tilespmem:v8+s22+$0x0], $0xffff  }
0x5e4: {  	v14 =	vld.idx.msk [tilespmem:v2+s22+$0x0], $0xffff  }
0x5e5: {  	[tilespmem:s2+$0xFFFFFB20] =	vst v12;
	v12 =	vld.idx.msk [tilespmem:v0+s28+$0x0], $0xffff;
	v0 =	vmov v8  }
0x5e6: {  	v8 =	vld.idx.msk [tilespmem:v5+s3+$0x0], $0xffff;
	[tilespmem:s31+$0xFFFFFB40] =	vst v3  }
0x5e7: {  	v15 =	vld.idx.msk [tilespmem:v4+s28+$0x0], $0xffff;
	[tilespmem:s12+$0xFFFFFB60] =	vst v9  }
0x5e8: {  	v10 =	vld.idx.msk [tilespmem:v6+s28+$0x0], $0xffff;
	[tilespmem:s12+$0xFFFFFE70] =	vst v13  }
.Ltmp7:
0x5e9: {  	v4 =	vld.idx.msk [tilespmem:v1+s25+$0x0], $0xffff;
	[tilespmem:s15+$0xFFFFF980] =	vst v11;
	(pc) =	sbr.rel @p0 .LBB2_11-.Ltmp7, $4  }
0x5ea: {  	[tilespmem:s31+$0xFFFFFD50] =	vst v14;
	v6 =	vld.idx.msk [tilespmem:v7+s28+$0x0], $0xffff  }
0x5eb: {  	v9 =	vld.idx.msk [tilespmem:v2+s23+$0x0], $0xffff;
	[tilespmem:s13+$0xFFFFFC00] =	vst v12;
	s13 =	smov.u32 s15;
	s15 =	smov.u32 s12;
	s12 =	smov.u32 s31  }
0x5ec: {  	s31 =	smov.u32 s2;
	[tilespmem:s2+$0xFFFFFC30] =	vst v8;
	v3 =	vld.idx.msk [tilespmem:v0+s23+$0x0], $0xffff  }
0x5ed: {  	s30 =	sadd.s32 $0x100, s30;
	[tilespmem:s2+$0xFFFFFBA0] =	vst v15;
	v11 =	vld.idx.msk [tilespmem:v5+s21+$0x0], $0xffff  }
0x5ee: {  	v7 =	vld [tilespmem:s29+$0xFFFFFF30];
	_ =	sdelay $0x7  }
0x5ef: {  	v8 =	vld.idx.msk [tilespmem:v7+s3+$0x0], $0xffff;
	_ =	sdelay $0x4  }
0x5f0: {  	[tilespmem:s31+$0xFFFFF830] =	vst v8  }
0x5f1: {  	v8 =	vld.idx.msk [tilespmem:v7+s21+$0x0], $0xffff;
	_ =	sdelay $0x3  }
0x5f2: {  	[tilespmem:s2+$0xFFFFFCB0] =	vst v11  }
0x5f3: {  	v11 =	vld.idx.msk [tilespmem:v5+s22+$0x0], $0xffff;
	[tilespmem:s31+$0xFFFFF8B0] =	vst v8  }
0x5f4: {  	v8 =	vld.idx.msk [tilespmem:v7+s22+$0x0], $0xffff;
	_ =	sdelay $0x3  }
0x5f5: {  	[tilespmem:s2+$0xFFFFFD30] =	vst v11  }
0x5f6: {  	v11 =	vld.idx.msk [tilespmem:v5+s23+$0x0], $0xffff;
	[tilespmem:s31+$0xFFFFF930] =	vst v8  }
0x5f7: {  	v8 =	vld.idx.msk [tilespmem:v7+s23+$0x0], $0xffff;
	_ =	sdelay $0x3  }
0x5f8: {  	[tilespmem:s31+$0xFFFFFDB0] =	vst v11  }
0x5f9: {  	v11 =	vld.idx.msk [tilespmem:v5+s24+$0x0], $0xffff;
	[tilespmem:s31+$0xFFFFF9B0] =	vst v8  }
0x5fa: {  	v8 =	vld.idx.msk [tilespmem:v7+s24+$0x0], $0xffff;
	_ =	sdelay $0x3  }
0x5fb: {  	[tilespmem:s31+$0xFFFFFE30] =	vst v11  }
0x5fc: {  	v11 =	vld.idx.msk [tilespmem:v5+s25+$0x0], $0xffff;
	[tilespmem:s31+$0xFFFFFA30] =	vst v8  }
0x5fd: {  	v8 =	vld.idx.msk [tilespmem:v7+s25+$0x0], $0xffff;
	_ =	sdelay $0x3  }
0x5fe: {  	[tilespmem:s31+$0xFFFFFEB0] =	vst v11  }
0x5ff: {  	v11 =	vld.idx.msk [tilespmem:v5+s26+$0x0], $0xffff;
	[tilespmem:s31+$0xFFFFFAB0] =	vst v8  }
0x600: {  	v8 =	vld.idx.msk [tilespmem:v7+s26+$0x0], $0xffff;
	_ =	sdelay $0x3  }
0x601: {  	[tilespmem:s31+$0xFFFFFF30] =	vst v11  }
0x602: {  	v14 =	vld.idx.msk [tilespmem:v5+s28+$0x0], $0xffff;
	[tilespmem:s31+$0xFFFFFB30] =	vst v8  }
0x603: {  	v7 =	vld.idx.msk [tilespmem:v7+s28+$0x0], $0xffff;
	_ =	sdelay $0x3  }
0x604: {  	[tilespmem:s31+$0xFFFFFFB0] =	vst v14  }
0x605: {  	v5 =	vld [tilespmem:s29+$0xFFFFFFC0];
	[tilespmem:s31+$0xFFFFFBB0] =	vst v7  }
0x606: {  	v7 =	vld [tilespmem:s29+$0xFFFFFF40];
	_ =	sdelay $0x6  }
0x607: {  	v15 =	vld.idx.msk [tilespmem:v5+s3+$0x0], $0xffff  }
0x608: {  	v16 =	vld.idx.msk [tilespmem:v7+s3+$0x0], $0xffff;
	_ =	sdelay $0x3  }
0x609: {  	[tilespmem:s31+$0xFFFFFC40] =	vst v15  }
0x60a: {  	v8 =	vld.idx.msk [tilespmem:v5+s21+$0x0], $0xffff;
	[tilespmem:s31+$0xFFFFF840] =	vst v16  }
0x60b: {  	v11 =	vld.idx.msk [tilespmem:v7+s21+$0x0], $0xffff;
	_ =	sdelay $0x3  }
0x60c: {  	[tilespmem:s31+$0xFFFFFCC0] =	vst v8  }
0x60d: {  	v8 =	vld.idx.msk [tilespmem:v5+s22+$0x0], $0xffff;
	[tilespmem:s31+$0xFFFFF8C0] =	vst v11  }
0x60e: {  	v11 =	vld.idx.msk [tilespmem:v7+s22+$0x0], $0xffff;
	_ =	sdelay $0x3  }
0x60f: {  	[tilespmem:s31+$0xFFFFFD40] =	vst v8  }
0x610: {  	v8 =	vld.idx.msk [tilespmem:v5+s23+$0x0], $0xffff;
	[tilespmem:s31+$0xFFFFF940] =	vst v11  }
0x611: {  	v11 =	vld.idx.msk [tilespmem:v7+s23+$0x0], $0xffff;
	_ =	sdelay $0x3  }
0x612: {  	[tilespmem:s31+$0xFFFFFDC0] =	vst v8  }
0x613: {  	v8 =	vld.idx.msk [tilespmem:v5+s24+$0x0], $0xffff;
	[tilespmem:s31+$0xFFFFF9C0] =	vst v11  }
0x614: {  	v11 =	vld.idx.msk [tilespmem:v7+s24+$0x0], $0xffff;
	_ =	sdelay $0x3  }
0x615: {  	[tilespmem:s31+$0xFFFFFE40] =	vst v8  }
0x616: {  	v8 =	vld.idx.msk [tilespmem:v5+s25+$0x0], $0xffff;
	[tilespmem:s31+$0xFFFFFA40] =	vst v11  }
0x617: {  	v11 =	vld.idx.msk [tilespmem:v7+s25+$0x0], $0xffff;
	_ =	sdelay $0x3  }
0x618: {  	[tilespmem:s31+$0xFFFFFEC0] =	vst v8  }
0x619: {  	v8 =	vld.idx.msk [tilespmem:v5+s26+$0x0], $0xffff;
	[tilespmem:s31+$0xFFFFFAC0] =	vst v11  }
0x61a: {  	v11 =	vld.idx.msk [tilespmem:v7+s26+$0x0], $0xffff;
	_ =	sdelay $0x3  }
0x61b: {  	[tilespmem:s31+$0xFFFFFF40] =	vst v8  }
0x61c: {  	v5 =	vld.idx.msk [tilespmem:v5+s28+$0x0], $0xffff;
	[tilespmem:s31+$0xFFFFFB40] =	vst v11  }
0x61d: {  	v7 =	vld.idx.msk [tilespmem:v7+s28+$0x0], $0xffff;
	_ =	sdelay $0x2  }
0x61e: {  	[tilespmem:s12+$0xFFFFFBC0] =	vst v10  }
0x61f: {  	v17 =	vld [tilespmem:s8+$0xFFFFFF50];
	[tilespmem:s31+$0xFFFFFFC0] =	vst v5  }
0x620: {  	v5 =	vld [tilespmem:s29+$0xFFFFFFD0];
	[tilespmem:s31+$0xFFFFFBC0] =	vst v7  }
0x621: {  	v7 =	vld [tilespmem:s29+$0xFFFFFF50];
	_ =	sdelay $0x5  }
0x622: {  	v19 =	vld.idx.msk [tilespmem:v17+s3+$0x0], $0xffff  }
0x623: {  	v18 =	vld.idx.msk [tilespmem:v5+s3+$0x0], $0xffff  }
0x624: {  	v12 =	vld.idx.msk [tilespmem:v7+s3+$0x0], $0xffff;
	_ =	sdelay $0x2  }
0x625: {  	[tilespmem:s12+$0xFFFFF850] =	vst v19  }
0x626: {  	v11 =	vld.idx.msk [tilespmem:v17+s21+$0x0], $0xffff;
	[tilespmem:s31+$0xFFFFFC50] =	vst v18  }
0x627: {  	v10 =	vld.idx.msk [tilespmem:v5+s21+$0x0], $0xffff;
	[tilespmem:s31+$0xFFFFF850] =	vst v12  }
0x628: {  	v12 =	vld.idx.msk [tilespmem:v7+s21+$0x0], $0xffff;
	_ =	sdelay $0x2  }
0x629: {  	[tilespmem:s12+$0xFFFFF8D0] =	vst v11  }
0x62a: {  	v11 =	vld.idx.msk [tilespmem:v17+s22+$0x0], $0xffff;
	[tilespmem:s31+$0xFFFFFCD0] =	vst v10  }
0x62b: {  	v10 =	vld.idx.msk [tilespmem:v5+s22+$0x0], $0xffff;
	[tilespmem:s31+$0xFFFFF8D0] =	vst v12  }
0x62c: {  	v12 =	vld.idx.msk [tilespmem:v7+s22+$0x0], $0xffff;
	_ =	sdelay $0x2  }
0x62d: {  	[tilespmem:s12+$0xFFFFF950] =	vst v11  }
0x62e: {  	v11 =	vld.idx.msk [tilespmem:v17+s23+$0x0], $0xffff;
	[tilespmem:s31+$0xFFFFFD50] =	vst v10  }
0x62f: {  	v10 =	vld.idx.msk [tilespmem:v5+s23+$0x0], $0xffff;
	[tilespmem:s31+$0xFFFFF950] =	vst v12  }
0x630: {  	v12 =	vld.idx.msk [tilespmem:v7+s23+$0x0], $0xffff  }
0x631: {  	[tilespmem:s12+$0xFFFFFDD0] =	vst v9  }
0x632: {  	v9 =	vld.idx.msk [tilespmem:v2+s24+$0x0], $0xffff  }
0x633: {  	[tilespmem:s12+$0xFFFFF9D0] =	vst v11  }
0x634: {  	v11 =	vld.idx.msk [tilespmem:v17+s24+$0x0], $0xffff;
	[tilespmem:s31+$0xFFFFFDD0] =	vst v10  }
0x635: {  	v10 =	vld.idx.msk [tilespmem:v5+s24+$0x0], $0xffff;
	[tilespmem:s31+$0xFFFFF9D0] =	vst v12  }
0x636: {  	v12 =	vld.idx.msk [tilespmem:v7+s24+$0x0], $0xffff  }
0x637: {  	[tilespmem:s12+$0xFFFFFE50] =	vst v9  }
0x638: {  	v9 =	vld.idx.msk [tilespmem:v2+s25+$0x0], $0xffff  }
0x639: {  	[tilespmem:s12+$0xFFFFFA50] =	vst v11  }
0x63a: {  	v11 =	vld.idx.msk [tilespmem:v17+s25+$0x0], $0xffff;
	[tilespmem:s31+$0xFFFFFE50] =	vst v10  }
0x63b: {  	v10 =	vld.idx.msk [tilespmem:v5+s25+$0x0], $0xffff;
	[tilespmem:s31+$0xFFFFFA50] =	vst v12  }
0x63c: {  	v12 =	vld.idx.msk [tilespmem:v7+s25+$0x0], $0xffff  }
0x63d: {  	[tilespmem:s12+$0xFFFFFED0] =	vst v9  }
0x63e: {  	v9 =	vld.idx.msk [tilespmem:v2+s26+$0x0], $0xffff  }
0x63f: {  	[tilespmem:s12+$0xFFFFFAD0] =	vst v11  }
0x640: {  	v11 =	vld.idx.msk [tilespmem:v17+s26+$0x0], $0xffff;
	[tilespmem:s31+$0xFFFFFED0] =	vst v10  }
0x641: {  	v10 =	vld.idx.msk [tilespmem:v5+s26+$0x0], $0xffff;
	[tilespmem:s31+$0xFFFFFAD0] =	vst v12  }
0x642: {  	v12 =	vld.idx.msk [tilespmem:v7+s26+$0x0], $0xffff  }
0x643: {  	[tilespmem:s12+$0xFFFFFF50] =	vst v9  }
0x644: {  	v20 =	vld.idx.msk [tilespmem:v2+s28+$0x0], $0xffff  }
0x645: {  	[tilespmem:s12+$0xFFFFFB50] =	vst v11  }
0x646: {  	v8 =	vld.idx.msk [tilespmem:v17+s28+$0x0], $0xffff;
	[tilespmem:s31+$0xFFFFFF50] =	vst v10  }
0x647: {  	v5 =	vld.idx.msk [tilespmem:v5+s28+$0x0], $0xffff;
	[tilespmem:s31+$0xFFFFFB50] =	vst v12  }
0x648: {  	v7 =	vld.idx.msk [tilespmem:v7+s28+$0x0], $0xffff  }
0x649: {  	[tilespmem:s12+$0xFFFFFFD0] =	vst v20  }
0x64a: {  	v2 =	vld [tilespmem:s8+$0xFFFFFFE0]  }
0x64b: {  	[tilespmem:s12+$0xFFFFFBD0] =	vst v8  }
0x64c: {  	v8 =	vld [tilespmem:s8+$0xFFFFFF60];
	[tilespmem:s31+$0xFFFFFFD0] =	vst v5  }
0x64d: {  	v5 =	vld [tilespmem:s29+$0xFFFFFFE0];
	[tilespmem:s31+$0xFFFFFBD0] =	vst v7  }
0x64e: {  	v7 =	vld [tilespmem:s29+$0xFFFFFF60];
	_ =	sdelay $0x3  }
0x64f: {  	v9 =	vld.idx.msk [tilespmem:v2+s3+$0x0], $0xffff;
	_ =	sdelay $0x1  }
0x650: {  	v11 =	vld.idx.msk [tilespmem:v8+s3+$0x0], $0xffff  }
0x651: {  	v10 =	vld.idx.msk [tilespmem:v5+s3+$0x0], $0xffff  }
0x652: {  	v12 =	vld.idx.msk [tilespmem:v7+s3+$0x0], $0xffff  }
0x653: {  	[tilespmem:s12+$0xFFFFFC60] =	vst v9  }
0x654: {  	v9 =	vld.idx.msk [tilespmem:v2+s21+$0x0], $0xffff  }
0x655: {  	[tilespmem:s12+$0xFFFFF860] =	vst v11  }
0x656: {  	v11 =	vld.idx.msk [tilespmem:v8+s21+$0x0], $0xffff;
	[tilespmem:s31+$0xFFFFFC60] =	vst v10  }
0x657: {  	v10 =	vld.idx.msk [tilespmem:v5+s21+$0x0], $0xffff;
	[tilespmem:s31+$0xFFFFF860] =	vst v12  }
0x658: {  	v12 =	vld.idx.msk [tilespmem:v7+s21+$0x0], $0xffff  }
0x659: {  	[tilespmem:s12+$0xFFFFFCE0] =	vst v9  }
0x65a: {  	v9 =	vld.idx.msk [tilespmem:v2+s22+$0x0], $0xffff  }
0x65b: {  	[tilespmem:s12+$0xFFFFF8E0] =	vst v11  }
0x65c: {  	v11 =	vld.idx.msk [tilespmem:v8+s22+$0x0], $0xffff;
	[tilespmem:s31+$0xFFFFFCE0] =	vst v10  }
0x65d: {  	v10 =	vld.idx.msk [tilespmem:v5+s22+$0x0], $0xffff;
	[tilespmem:s31+$0xFFFFF8E0] =	vst v12  }
0x65e: {  	v12 =	vld.idx.msk [tilespmem:v7+s22+$0x0], $0xffff  }
0x65f: {  	[tilespmem:s12+$0xFFFFFD60] =	vst v9  }
0x660: {  	v9 =	vld.idx.msk [tilespmem:v2+s23+$0x0], $0xffff  }
0x661: {  	[tilespmem:s12+$0xFFFFF960] =	vst v11  }
0x662: {  	v11 =	vld.idx.msk [tilespmem:v8+s23+$0x0], $0xffff;
	[tilespmem:s31+$0xFFFFFD60] =	vst v10  }
0x663: {  	v10 =	vld.idx.msk [tilespmem:v5+s23+$0x0], $0xffff;
	[tilespmem:s31+$0xFFFFF960] =	vst v12  }
0x664: {  	v12 =	vld.idx.msk [tilespmem:v7+s23+$0x0], $0xffff  }
0x665: {  	[tilespmem:s12+$0xFFFFFDE0] =	vst v9  }
0x666: {  	v9 =	vld.idx.msk [tilespmem:v2+s24+$0x0], $0xffff  }
0x667: {  	[tilespmem:s12+$0xFFFFF9E0] =	vst v11  }
0x668: {  	v11 =	vld.idx.msk [tilespmem:v8+s24+$0x0], $0xffff;
	[tilespmem:s31+$0xFFFFFDE0] =	vst v10  }
0x669: {  	v10 =	vld.idx.msk [tilespmem:v5+s24+$0x0], $0xffff;
	[tilespmem:s31+$0xFFFFF9E0] =	vst v12  }
0x66a: {  	v12 =	vld.idx.msk [tilespmem:v7+s24+$0x0], $0xffff  }
0x66b: {  	[tilespmem:s12+$0xFFFFFE60] =	vst v9  }
0x66c: {  	v9 =	vld.idx.msk [tilespmem:v2+s25+$0x0], $0xffff  }
0x66d: {  	[tilespmem:s12+$0xFFFFFA60] =	vst v11  }
0x66e: {  	v11 =	vld.idx.msk [tilespmem:v8+s25+$0x0], $0xffff;
	[tilespmem:s31+$0xFFFFFE60] =	vst v10  }
0x66f: {  	v10 =	vld.idx.msk [tilespmem:v5+s25+$0x0], $0xffff;
	[tilespmem:s31+$0xFFFFFA60] =	vst v12  }
0x670: {  	v12 =	vld.idx.msk [tilespmem:v7+s25+$0x0], $0xffff  }
0x671: {  	[tilespmem:s12+$0xFFFFFEE0] =	vst v9  }
0x672: {  	v9 =	vld.idx.msk [tilespmem:v2+s26+$0x0], $0xffff  }
0x673: {  	[tilespmem:s12+$0xFFFFFAE0] =	vst v11  }
0x674: {  	v11 =	vld.idx.msk [tilespmem:v8+s26+$0x0], $0xffff;
	[tilespmem:s31+$0xFFFFFEE0] =	vst v10  }
0x675: {  	v10 =	vld.idx.msk [tilespmem:v5+s26+$0x0], $0xffff;
	[tilespmem:s31+$0xFFFFFAE0] =	vst v12  }
0x676: {  	[tilespmem:s15+$0xFFFFFBE0] =	vst v6;
	v12 =	vld.idx.msk [tilespmem:v7+s26+$0x0], $0xffff  }
0x677: {  	v6 =	vld [tilespmem:s20+$0xFFFFFF70];
	[tilespmem:s12+$0xFFFFFF60] =	vst v9  }
0x678: {  	v2 =	vld.idx.msk [tilespmem:v2+s28+$0x0], $0xffff  }
0x679: {  	[tilespmem:s12+$0xFFFFFB60] =	vst v11  }
0x67a: {  	v8 =	vld.idx.msk [tilespmem:v8+s28+$0x0], $0xffff;
	[tilespmem:s31+$0xFFFFFF60] =	vst v10  }
0x67b: {  	v5 =	vld.idx.msk [tilespmem:v5+s28+$0x0], $0xffff;
	[tilespmem:s31+$0xFFFFFB60] =	vst v12  }
0x67c: {  	v7 =	vld.idx.msk [tilespmem:v7+s28+$0x0], $0xffff  }
0x67d: {  	[tilespmem:s12+$0xFFFFFFE0] =	vst v2  }
0x67e: {  	v2 =	vld [tilespmem:s8+$0xFFFFFFF0]  }
0x67f: {  	v21 =	vld.idx.msk [tilespmem:v6+s3+$0x0], $0xffff;
	[tilespmem:s12+$0xFFFFFBE0] =	vst v8  }
0x680: {  	v8 =	vld [tilespmem:s8+$0xFFFFFF70];
	[tilespmem:s31+$0xFFFFFFE0] =	vst v5  }
0x681: {  	v5 =	vld [tilespmem:s29+$0xFFFFFFF0];
	[tilespmem:s31+$0xFFFFFBE0] =	vst v7  }
0x682: {  	v7 =	vld [tilespmem:s29+$0xFFFFFF70];
	_ =	sdelay $0x1  }
0x683: {  	[tilespmem:s15+$0xFFFFF870] =	vst v21  }
0x684: {  	v27 =	vld.idx.msk [tilespmem:v6+s21+$0x0], $0xffff  }
0x685: {  	v9 =	vld.idx.msk [tilespmem:v2+s3+$0x0], $0xffff;
	_ =	sdelay $0x1  }
0x686: {  	v23 =	vld.idx.msk [tilespmem:v8+s3+$0x0], $0xffff  }
0x687: {  	v22 =	vld.idx.msk [tilespmem:v5+s3+$0x0], $0xffff  }
0x688: {  	[tilespmem:s15+$0xFFFFF8F0] =	vst v27;
	v24 =	vld.idx.msk [tilespmem:v7+s3+$0x0], $0xffff  }
0x689: {  	[tilespmem:s12+$0xFFFFFC70] =	vst v9;
	v11 =	vld.idx.msk [tilespmem:v6+s22+$0x0], $0xffff  }
0x68a: {  	[tilespmem:s15+$0xFFFFFEF0] =	vst v4;
	v26 =	vld.idx.msk [tilespmem:v2+s21+$0x0], $0xffff  }
0x68b: {  	v25 =	vld.idx.msk [tilespmem:v1+s26+$0x0], $0xffff;
	[tilespmem:s12+$0xFFFFF870] =	vst v23  }
0x68c: {  	v29 =	vld.idx.msk [tilespmem:v8+s21+$0x0], $0xffff;
	[tilespmem:s31+$0xFFFFFC70] =	vst v22  }
0x68d: {  	v28 =	vld.idx.msk [tilespmem:v5+s21+$0x0], $0xffff;
	[tilespmem:s31+$0xFFFFF870] =	vst v24  }
0x68e: {  	[tilespmem:s15+$0xFFFFF970] =	vst v11;
	v30 =	vld.idx.msk [tilespmem:v7+s21+$0x0], $0xffff  }
0x68f: {  	[tilespmem:s12+$0xFFFFFCF0] =	vst v26;
	v11 =	vld.idx.msk [tilespmem:v6+s23+$0x0], $0xffff  }
0x690: {  	[tilespmem:s15+$0xFFFFFF70] =	vst v25;
	v10 =	vld.idx.msk [tilespmem:v2+s22+$0x0], $0xffff  }
0x691: {  	v31 =	vld.idx.msk [tilespmem:v1+s28+$0x0], $0xffff;
	[tilespmem:s12+$0xFFFFF8F0] =	vst v29  }
0x692: {  	v33 =	vld.idx.msk [tilespmem:v8+s22+$0x0], $0xffff;
	[tilespmem:s31+$0xFFFFFCF0] =	vst v28  }
0x693: {  	v32 =	vld.idx.msk [tilespmem:v5+s22+$0x0], $0xffff;
	[tilespmem:s31+$0xFFFFF8F0] =	vst v30  }
0x694: {  	[tilespmem:s15+$0xFFFFF9F0] =	vst v11;
	v34 =	vld.idx.msk [tilespmem:v7+s22+$0x0], $0xffff  }
0x695: {  	[tilespmem:s12+$0xFFFFFD70] =	vst v10;
	v11 =	vld.idx.msk [tilespmem:v6+s24+$0x0], $0xffff  }
0x696: {  	[tilespmem:s15+$0xFFFFFFF0] =	vst v31;
	v10 =	vld.idx.msk [tilespmem:v2+s23+$0x0], $0xffff  }
0x697: {  	v35 =	vld [tilespmem:s20+$0x0];
	[tilespmem:s12+$0xFFFFF970] =	vst v33  }
0x698: {  	v12 =	vld.idx.msk [tilespmem:v8+s23+$0x0], $0xffff;
	[tilespmem:s31+$0xFFFFFD70] =	vst v32  }
0x699: {  	v4 =	vld.idx.msk [tilespmem:v5+s23+$0x0], $0xffff;
	[tilespmem:s31+$0xFFFFF970] =	vst v34  }
0x69a: {  	[tilespmem:s15+$0xFFFFFA70] =	vst v11;
	v1 =	vld.idx.msk [tilespmem:v7+s23+$0x0], $0xffff  }
0x69b: {  	[tilespmem:s12+$0xFFFFFDF0] =	vst v10;
	v38 =	vld.idx.msk [tilespmem:v6+s25+$0x0], $0xffff  }
0x69c: {  	v10 =	vld.idx.msk [tilespmem:v2+s24+$0x0], $0xffff  }
0x69d: {  	[tilespmem:s12+$0xFFFFF9F0] =	vst v12  }
0x69e: {  	v12 =	vld.idx.msk [tilespmem:v8+s24+$0x0], $0xffff;
	[tilespmem:s31+$0xFFFFFDF0] =	vst v4  }
0x69f: {  	v4 =	vld.idx.msk [tilespmem:v5+s24+$0x0], $0xffff;
	[tilespmem:s31+$0xFFFFF9F0] =	vst v1  }
0x6a0: {  	[tilespmem:s15+$0xFFFFFAF0] =	vst v38;
	v1 =	vld.idx.msk [tilespmem:v7+s24+$0x0], $0xffff  }
0x6a1: {  	[tilespmem:s12+$0xFFFFFE70] =	vst v10;
	v44 =	vld.idx.msk [tilespmem:v6+s26+$0x0], $0xffff  }
0x6a2: {  	v37 =	vld.idx.msk [tilespmem:v2+s25+$0x0], $0xffff  }
0x6a3: {  	v36 =	vld.idx.msk [tilespmem:v35+s3+$0x0], $0xffff;
	[tilespmem:s12+$0xFFFFFA70] =	vst v12  }
0x6a4: {  	v40 =	vld.idx.msk [tilespmem:v8+s25+$0x0], $0xffff;
	[tilespmem:s31+$0xFFFFFE70] =	vst v4  }
0x6a5: {  	v39 =	vld.idx.msk [tilespmem:v5+s25+$0x0], $0xffff;
	[tilespmem:s31+$0xFFFFFA70] =	vst v1  }
0x6a6: {  	[tilespmem:s15+$0xFFFFFB70] =	vst v44;
	v41 =	vld.idx.msk [tilespmem:v7+s25+$0x0], $0xffff  }
0x6a7: {  	[tilespmem:s12+$0xFFFFFEF0] =	vst v37;
	v6 =	vld.idx.msk [tilespmem:v6+s28+$0x0], $0xffff  }
0x6a8: {  	[tilespmem:s15+$0xFFFFFC80] =	vst v36;
	v43 =	vld.idx.msk [tilespmem:v2+s26+$0x0], $0xffff  }
0x6a9: {  	v42 =	vld.idx.msk [tilespmem:v35+s21+$0x0], $0xffff;
	[tilespmem:s12+$0xFFFFFAF0] =	vst v40  }
0x6aa: {  	v46 =	vld.idx.msk [tilespmem:v8+s26+$0x0], $0xffff;
	[tilespmem:s31+$0xFFFFFEF0] =	vst v39  }
0x6ab: {  	v45 =	vld.idx.msk [tilespmem:v5+s26+$0x0], $0xffff;
	[tilespmem:s31+$0xFFFFFAF0] =	vst v41  }
0x6ac: {  	[tilespmem:s15+$0xFFFFFBF0] =	vst v6;
	v47 =	vld.idx.msk [tilespmem:v7+s26+$0x0], $0xffff  }
0x6ad: {  	[tilespmem:s12+$0xFFFFFF70] =	vst v43;
	v6 =	vld [tilespmem:s20+$0xFFFFFF80]  }
0x6ae: {  	v2 =	vld.idx.msk [tilespmem:v2+s28+$0x0], $0xffff  }
0x6af: {  	[tilespmem:s12+$0xFFFFFB70] =	vst v46  }
0x6b0: {  	v49 =	vld.idx.msk [tilespmem:v8+s28+$0x0], $0xffff;
	[tilespmem:s31+$0xFFFFFF70] =	vst v45  }
0x6b1: {  	v1 =	vld.idx.msk [tilespmem:v5+s28+$0x0], $0xffff;
	[tilespmem:s31+$0xFFFFFB70] =	vst v47  }
0x6b2: {  	[tilespmem:s15+$0xFFFFFD00] =	vst v42;
	v50 =	vld.idx.msk [tilespmem:v7+s28+$0x0], $0xffff  }
0x6b3: {  	v48 =	vld.idx.msk [tilespmem:v35+s22+$0x0], $0xffff;
	[tilespmem:s12+$0xFFFFFFF0] =	vst v2  }
0x6b4: {  	v2 =	vld [tilespmem:s8+$0x0]  }
0x6b5: {  	v53 =	vld.idx.msk [tilespmem:v6+s3+$0x0], $0xffff;
	[tilespmem:s12+$0xFFFFFBF0] =	vst v49  }
0x6b6: {  	v5 =	vld [tilespmem:s8+$0xFFFFFF80];
	[tilespmem:s31+$0xFFFFFFF0] =	vst v1  }
0x6b7: {  	v1 =	vld [tilespmem:s29+$0x0];
	[tilespmem:s31+$0xFFFFFBF0] =	vst v50  }
0x6b8: {  	v4 =	vld [tilespmem:s29+$0xFFFFFF80];
	_ =	sdelay $0x1  }
0x6b9: {  	[tilespmem:s15+$0xFFFFFD80] =	vst v48  }
0x6ba: {  	v51 =	vld.idx.msk [tilespmem:v35+s23+$0x0], $0xffff  }
0x6bb: {  	[tilespmem:s15+$0xFFFFF880] =	vst v53;
	v52 =	vld.idx.msk [tilespmem:v2+s3+$0x0], $0xffff  }
0x6bc: {  	v10 =	vld.idx.msk [tilespmem:v6+s21+$0x0], $0xffff  }
0x6bd: {  	v55 =	vld.idx.msk [tilespmem:v5+s3+$0x0], $0xffff  }
0x6be: {  	[tilespmem:s13+$0xFFFFFA00] =	vst v3;
	v54 =	vld.idx.msk [tilespmem:v1+s3+$0x0], $0xffff  }
0x6bf: {  	[tilespmem:s15+$0xFFFFFE00] =	vst v51;
	v56 =	vld.idx.msk [tilespmem:v4+s3+$0x0], $0xffff  }
0x6c0: {  	[tilespmem:s12+$0xFFFFFC80] =	vst v52;
	v7 =	vld.idx.msk [tilespmem:v35+s24+$0x0], $0xffff  }
0x6c1: {  	[tilespmem:s15+$0xFFFFF900] =	vst v10;
	v8 =	vld.idx.msk [tilespmem:v2+s21+$0x0], $0xffff  }
0x6c2: {  	v60 =	vld.idx.msk [tilespmem:v0+s24+$0x0], $0xffff;
	[tilespmem:s12+$0xFFFFF880] =	vst v55  }
0x6c3: {  	v59 =	vld.idx.msk [tilespmem:v5+s21+$0x0], $0xffff;
	[tilespmem:s31+$0xFFFFFC80] =	vst v54  }
0x6c4: {  	v58 =	vld.idx.msk [tilespmem:v1+s21+$0x0], $0xffff;
	[tilespmem:s31+$0xFFFFF880] =	vst v56  }
0x6c5: {  	[tilespmem:s15+$0xFFFFFE80] =	vst v7;
	v7 =	vld.idx.msk [tilespmem:v4+s21+$0x0], $0xffff  }
0x6c6: {  	v10 =	vld.idx.msk [tilespmem:v6+s22+$0x0], $0xffff;
	[tilespmem:s12+$0xFFFFFD00] =	vst v8  }
0x6c7: {  	[tilespmem:s13+$0xFFFFFA80] =	vst v60;
	v8 =	vld.idx.msk [tilespmem:v2+s22+$0x0], $0xffff  }
0x6c8: {  	v57 =	vld.idx.msk [tilespmem:v35+s25+$0x0], $0xffff;
	[tilespmem:s12+$0xFFFFF900] =	vst v59  }
0x6c9: {  	v11 =	vld.idx.msk [tilespmem:v5+s22+$0x0], $0xffff;
	[tilespmem:s31+$0xFFFFFD00] =	vst v58  }
0x6ca: {  	v3 =	vld.idx.msk [tilespmem:v1+s22+$0x0], $0xffff;
	[tilespmem:s31+$0xFFFFF900] =	vst v7  }
0x6cb: {  	[tilespmem:s15+$0xFFFFF980] =	vst v10;
	v7 =	vld.idx.msk [tilespmem:v4+s22+$0x0], $0xffff  }
0x6cc: {  	v10 =	vld.idx.msk [tilespmem:v6+s23+$0x0], $0xffff;
	[tilespmem:s12+$0xFFFFFD80] =	vst v8  }
0x6cd: {  	v8 =	vld.idx.msk [tilespmem:v2+s23+$0x0], $0xffff;
	[tilespmem:s15+$0xFFFFFF00] =	vst v57  }
0x6ce: {  	v12 =	vld.idx.msk [tilespmem:v35+s26+$0x0], $0xffff;
	[tilespmem:s12+$0xFFFFF980] =	vst v11  }
0x6cf: {  	v11 =	vld.idx.msk [tilespmem:v5+s23+$0x0], $0xffff;
	[tilespmem:s31+$0xFFFFFD80] =	vst v3  }
0x6d0: {  	v3 =	vld.idx.msk [tilespmem:v1+s23+$0x0], $0xffff;
	[tilespmem:s31+$0xFFFFF980] =	vst v7  }
0x6d1: {  	[tilespmem:s15+$0xFFFFFA00] =	vst v10;
	v7 =	vld.idx.msk [tilespmem:v4+s23+$0x0], $0xffff  }
0x6d2: {  	v10 =	vld.idx.msk [tilespmem:v6+s24+$0x0], $0xffff;
	[tilespmem:s12+$0xFFFFFE00] =	vst v8  }
0x6d3: {  	v8 =	vld.idx.msk [tilespmem:v2+s24+$0x0], $0xffff;
	[tilespmem:s15+$0xFFFFFF80] =	vst v12  }
0x6d4: {  	v9 =	vld.idx.msk [tilespmem:v35+s28+$0x0], $0xffff;
	[tilespmem:s12+$0xFFFFFA00] =	vst v11  }
0x6d5: {  	v11 =	vld.idx.msk [tilespmem:v5+s24+$0x0], $0xffff;
	[tilespmem:s31+$0xFFFFFE00] =	vst v3  }
0x6d6: {  	v3 =	vld.idx.msk [tilespmem:v1+s24+$0x0], $0xffff;
	[tilespmem:s31+$0xFFFFFA00] =	vst v7  }
0x6d7: {  	[tilespmem:s15+$0xFFFFFA80] =	vst v10;
	v7 =	vld.idx.msk [tilespmem:v4+s24+$0x0], $0xffff  }
0x6d8: {  	v10 =	vld.idx.msk [tilespmem:v6+s25+$0x0], $0xffff;
	[tilespmem:s12+$0xFFFFFE80] =	vst v8  }
0x6d9: {  	v8 =	vld.idx.msk [tilespmem:v2+s25+$0x0], $0xffff;
	[tilespmem:s15+$0x0] =	vst v9  }
0x6da: {  	v9 =	vld.idx.msk [tilespmem:v0+s25+$0x0], $0xffff;
	[tilespmem:s12+$0xFFFFFA80] =	vst v11  }
0x6db: {  	v11 =	vld.idx.msk [tilespmem:v5+s25+$0x0], $0xffff;
	[tilespmem:s31+$0xFFFFFE80] =	vst v3  }
0x6dc: {  	v3 =	vld.idx.msk [tilespmem:v1+s25+$0x0], $0xffff;
	[tilespmem:s31+$0xFFFFFA80] =	vst v7  }
0x6dd: {  	[tilespmem:s15+$0xFFFFFB00] =	vst v10;
	v7 =	vld.idx.msk [tilespmem:v4+s25+$0x0], $0xffff  }
0x6de: {  	v10 =	vld.idx.msk [tilespmem:v6+s26+$0x0], $0xffff;
	[tilespmem:s12+$0xFFFFFF00] =	vst v8  }
0x6df: {  	v8 =	vld.idx.msk [tilespmem:v2+s26+$0x0], $0xffff;
	[tilespmem:s13+$0xFFFFFB00] =	vst v9  }
0x6e0: {  	v9 =	vld.idx.msk [tilespmem:v0+s26+$0x0], $0xffff;
	[tilespmem:s12+$0xFFFFFB00] =	vst v11  }
0x6e1: {  	v11 =	vld.idx.msk [tilespmem:v5+s26+$0x0], $0xffff;
	[tilespmem:s31+$0xFFFFFF00] =	vst v3  }
0x6e2: {  	v3 =	vld.idx.msk [tilespmem:v1+s26+$0x0], $0xffff;
	[tilespmem:s31+$0xFFFFFB00] =	vst v7  }
0x6e3: {  	[tilespmem:s15+$0xFFFFFB80] =	vst v10;
	v7 =	vld.idx.msk [tilespmem:v4+s26+$0x0], $0xffff  }
0x6e4: {  	v6 =	vld.idx.msk [tilespmem:v6+s28+$0x0], $0xffff;
	[tilespmem:s12+$0xFFFFFF80] =	vst v8  }
0x6e5: {  	v2 =	vld.idx.msk [tilespmem:v2+s28+$0x0], $0xffff;
	[tilespmem:s13+$0xFFFFFB80] =	vst v9  }
0x6e6: {  	v61 =	vld.idx.msk [tilespmem:v0+s28+$0x0], $0xffff;
	[tilespmem:s12+$0xFFFFFB80] =	vst v11  }
0x6e7: {  	v62 =	vld.idx.msk [tilespmem:v5+s28+$0x0], $0xffff;
	[tilespmem:s31+$0xFFFFFF80] =	vst v3  }
0x6e8: {  	v1 =	vld.idx.msk [tilespmem:v1+s28+$0x0], $0xffff;
	[tilespmem:s31+$0xFFFFFB80] =	vst v7  }
0x6e9: {  	[tilespmem:s15+$0xFFFFFC00] =	vst v6;
	v63 =	vld.idx.msk [tilespmem:v4+s28+$0x0], $0xffff  }
0x6ea: {  	p0 =	seq.s32 s9, $0x63;
	[tilespmem:s12+$0x0] =	vst v2  }
.Ltmp8:
0x6eb: {  	[tilespmem:s13+$0xFFFFFC00] =	vst v61;
	(pc) =	sbr.rel @p0 .LBB2_14-.Ltmp8, $4  }
0x6ec: {  	[tilespmem:s12+$0xFFFFFC00] =	vst v62  }
0x6ed: {  	[tilespmem:s31+$0x0] =	vst v1  }
0x6ee: {  	[tilespmem:s31+$0xFFFFFC00] =	vst v63;
	s31 =	sadd.s32 s11, s19  }
0x6ef: {  	[hbm4b:s31+s3] =	stream.linear.scatter [tilespmem:s7], [sflag:$0x4], $0x4000, $0x38;
	[tilespmem:$0x1C880] =	vst v63  }
.Ltmp9:
0x6f0: {  	(pc) =	sbr.rel .LBB2_4-.Ltmp9, $4  }
0x6f1: {  	s2 =	sadd.s32 s17, s10  }
0x6f2: {  	s2 =	sshrl.u32 s2, $0x3  }
0x6f3: {  	s8 =	simm.s32 $0x14080;
	s9 =	sadd.s32 $0x1, s9;
	s2 =	sadd.s32 s4, s2  }
0x6f4: {  	[tilespmem:s8], [sflag:$0x2] =	stream.linear.gather [hbm4b:s2+s3], $0x800, $0x38;
	[tilespmem:$0x1C880] =	vst v63  }
.LBB2_15:
0x6f5: {  	_ =	sfence.sel $0x180000  }
0x6f6: {  	[bflag:$0x0] =	sbarrier.arrive $0xFFFF  }
0x6f7: {  	_ =	strace $0x90000047  }
0x6f8: {  	s0 =	stileid.u32;
	[bflag:$0x2] =	sbarrier.arrive $0xFFFF  }
0x6f9: {  	p0 =	sne.s32 s0, $0x0;
	s0 =	rddreg [dreg:$0x2]  }
0x6fa: {  	s0 =	sadd.s32 @!p0 $0x100000, s0  }
0x6fb: {  	[sflag:s0] =	ssyncadd.tile.s32 @!p0 $0x1;
	_ =	shalt  }
.Lfunc_end2:
_tile_overlayer_lowered:
.L_overlay_start_2:
0x6fc: {  	(tag) =	ssettag $0x2  }
0x6fd: {  	s0 =	rddreg [dreg:$0x0];
	s2 =	stileid.u32  }
0x6fe: {  	s1 =	rddreg [dreg:$0x1];
	p0 =	sne.s32 s2, $0x0  }
0x6ff: {  	s3 =	rddreg [dreg:$0x2];
	[bflag:$0x3] =	sbarrier.arrive $0xFFFF;
	s2 =	simm.s32 @!p0 $0x1C05  }
0x700: {  	[timem:s3], [sflag:s2] =	dma.local @!p0 [hbm:s0], s1  }
0x701: {  	s0 =	simm.s32 @!p0 $0x5  }
0x702: {  	_ =	swait.ge @!p0 [sflag:s0], s1  }
0x703: {  	s1 =	ssub.s32 @!p0 $0x0, s1;
	[sflag:s0] =	ssyncset.done @!p0 $0x0  }
0x704: {  	[sflag:s0] =	ssyncadd.s32 @!p0 s1  }
0x705: {  	[bflag:$0x3] =	sbarrier.arrive $0xFFFF  }
0x706: {  	_ =	shalt  }

</sc_bundles>
